<compile_context>
chip_gen: v7x
topology: tpu7x:2x2x1
jax: 0.10.2.dev20260603
libtpu: 0.0.44.dev20260713+nightly
codegen_flags: <defaults>
</compile_context>

<pallas_src>
import functools

import jax
import jax.numpy as jnp
from jax import lax
from jax.experimental import pallas as pl
from jax.experimental.pallas import tpu as pltpu
from jax.experimental.pallas import tpu_sc as plsc

VOCAB = 1000000
DIM = 32
B = 4096
L = 50
K = 4

NC = 2
NS = 16
NW = NC * NS
NTOK = B * L
TPW = NTOK // NW
T = 320
NCHUNK = TPW // T
RPC = T * K
NBUF = 2

_mesh = plsc.VectorSubcoreMesh(core_axis_name="c", subcore_axis_name="s")


@functools.partial(
    pl.kernel,
    mesh=_mesh,
    out_type=jax.ShapeDtypeStruct((NTOK, DIM), jnp.float32),
    compiler_params=pltpu.CompilerParams(use_tc_tiling_on_sc=False),
    scratch_types=[
        pltpu.VMEM((NCHUNK, RPC), jnp.int32),
        pltpu.VMEM((NBUF, RPC, DIM), jnp.float32),
        pltpu.VMEM((NBUF, T, DIM), jnp.float32),
        pltpu.SemaphoreType.DMA,
        pltpu.SemaphoreType.DMA,
        pltpu.SemaphoreType.DMA,
        pltpu.SemaphoreType.DMA,
    ],
)
def _emb_lookup(table_hbm, idx_hbm, out_hbm, idx_v, rows_v, out_v,
                gsem0, gsem1, osem0, osem1):
    wid = lax.axis_index("s") * NC + lax.axis_index("c")
    gsems = (gsem0, gsem1)
    osems = (osem0, osem1)

    pltpu.sync_copy(idx_hbm.at[pl.ds(wid * NCHUNK, NCHUNK)], idx_v)

    def fire(c):
        buf = c % NBUF
        return pltpu.async_copy(
            table_hbm.at[idx_v.at[c]], rows_v.at[buf], gsems[buf]
        )

    def accumulate(buf):
        def tok_body(t, carry):
            r = t * K
            for h in range(DIM // 16):
                d = pl.ds(h * 16, 16)
                out_v[buf, t, d] = (
                    rows_v[buf, r, d]
                    + rows_v[buf, r + 1, d]
                    + rows_v[buf, r + 2, d]
                    + rows_v[buf, r + 3, d]
                )
            return carry

        lax.fori_loop(0, T, tok_body, 0)

    tok0 = wid * TPW
    out_copies = [None] * NBUF
    gather_copy = fire(0)
    for c in range(NCHUNK):
        buf = c % NBUF
        if c + 1 < NCHUNK:
            next_copy = fire(c + 1)
        gather_copy.wait()
        if c + 1 < NCHUNK:
            gather_copy = next_copy
        if out_copies[buf] is not None:
            out_copies[buf].wait()
        accumulate(buf)
        out_copies[buf] = pltpu.async_copy(
            out_v.at[buf],
            out_hbm.at[pl.ds(tok0 + c * T, T)],
            osems[buf],
        )
    for cp in out_copies:
        if cp is not None:
            cp.wait()


def kernel(x, table):
    idx = x.reshape(NTOK * K).astype(jnp.int32).reshape(NW * NCHUNK, RPC)
    out = _emb_lookup(table, idx)
    return out.reshape(B, L, DIM)

# --- scband reference (transcript-rebuilt; emitter-appended) ---
"""Pipeline reference for scband-multi-label-embedding-layer-4827543241412 (READ-ONLY COPY).

The authoritative reference and input builder live on the scoring server;
editing this copy changes nothing except your own understanding.
"""

import jax, jax.numpy as jnp
import numpy as np

VOCAB = 1000000
DIM = 32
B = 4096
L = 50
K = 4
DROPOUT_P = 0.0  # identity at p=0; module applies F.dropout with p=dropout


def setup_inputs(seed: int = 0) -> dict:
    key = jax.random.key(seed)
    k_idx, k_tab = jax.random.split(key)
    x = jax.random.randint(k_idx, (B, L, K), 0, VOCAB, dtype=jnp.int64)
    # embedding matrix initialized as torch.randn(vocab, dim)
    table = jax.random.normal(k_tab, (VOCAB, DIM), dtype=jnp.float32)
    return {"x": x, "table": table}


def reference(x, table):
    # For each (batch, seq) position, embed all K labels and sum over them.
    # torch: stack([matrix(x[i][j]).sum(0) ...]).view(B, L, -1)
    emb = jnp.take(table, x, axis=0)  # [B, L, K, DIM] gather
    out = emb.sum(axis=2)             # sum over multi-label axis -> [B, L, DIM]
    # dropout with p=0.0 is identity
    return out

if __name__ == "__main__":
    import jax
    _d = setup_inputs()
    print(jax.jit(kernel)(*tuple(_d.values())))

</pallas_src>

<mosaic_0001>
#map = affine_map<(d0, d1) -> (0, 0)>
module attributes {stable_mosaic.version = 14 : i64} {
  func.func @_emb_lookup(%arg0: i32, %arg1: i32, %arg2: memref<1000000x32xf32, #tpu.memory_space<hbm>>, %arg3: memref<640x1280xi32, #tpu.memory_space<hbm>>, %arg4: memref<204800x32xf32, #tpu.memory_space<hbm>>, %arg5: memref<20x1280xi32, #tpu.memory_space<vmem>>, %arg6: memref<2x1280x32xf32, #tpu.memory_space<vmem>>, %arg7: memref<2x320x32xf32, #tpu.memory_space<vmem>>, %arg8: memref<!tpu.dma_semaphore, #tpu.memory_space<semaphore_mem>>, %arg9: memref<!tpu.dma_semaphore, #tpu.memory_space<semaphore_mem>>, %arg10: memref<!tpu.dma_semaphore, #tpu.memory_space<semaphore_mem>>, %arg11: memref<!tpu.dma_semaphore, #tpu.memory_space<semaphore_mem>>) attributes {dimension_semantics = [#tpu.dimension_semantics<core_parallel>, #tpu.dimension_semantics<subcore_parallel>], iteration_bounds = array<i64: 2, 16>, scalar_prefetch = 0 : i64, scratch_operands = 7 : i64, tpu.core_type = #tpu.core_type<sc_vector_subcore>, window_params = [{transform_indices = #map}, {transform_indices = #map}, {transform_indices = #map}]} {
    %mul3A = arith.constant 2 : i32
    %mul3A_0 = arith.muli %arg1, %mul3A : i32
    %add3A = arith.addi %mul3A_0, %arg0 : i32
    %mul3A_1 = arith.constant 20 : i32
    %mul3A_2 = arith.muli %add3A, %mul3A_1 : i32
    "tpu.region"() ({
      %run_scoped3A = tpu.sem_alloc : memref<!tpu.dma_semaphore, #tpu.memory_space<semaphore_mem>>
      %dma_start3A_1162 = arith.constant 0 : i32
      %dma_start3A_1163 = tpu.memref_slice %arg3[%mul3A_2, %dma_start3A_1162] : memref<640x1280xi32, #tpu.memory_space<hbm>> -> memref<20x1280xi32, #tpu.memory_space<hbm>>
      %dma_start3A_1164 = arith.constant 0 : i32
      %dma_start3A_1165 = tpu.memref_slice %arg3[%mul3A_2, %dma_start3A_1164] : memref<640x1280xi32, #tpu.memory_space<hbm>> -> memref<20x1280xi32, #tpu.memory_space<hbm>>
      tpu.enqueue_dma source(%dma_start3A_1165 : memref<20x1280xi32, #tpu.memory_space<hbm>>) target(%arg5 : memref<20x1280xi32, #tpu.memory_space<vmem>>) target_semaphore(%run_scoped3A : memref<!tpu.dma_semaphore, #tpu.memory_space<semaphore_mem>>)
      %dma_wait3A_1166 = arith.constant 0 : i32
      %dma_wait3A_1167 = tpu.memref_slice %arg3[%mul3A_2, %dma_wait3A_1166] : memref<640x1280xi32, #tpu.memory_space<hbm>> -> memref<20x1280xi32, #tpu.memory_space<hbm>>
      %dma_wait3A_1168 = arith.constant 0 : i32
      %dma_wait3A_1169 = tpu.memref_slice %arg3[%mul3A_2, %dma_wait3A_1168] : memref<640x1280xi32, #tpu.memory_space<hbm>> -> memref<20x1280xi32, #tpu.memory_space<hbm>>
      tpu.wait_dma2 semaphore(%run_scoped3A : memref<!tpu.dma_semaphore, #tpu.memory_space<semaphore_mem>>) src(%dma_wait3A_1169 : memref<20x1280xi32, #tpu.memory_space<hbm>>) dst(%arg5 : memref<20x1280xi32, #tpu.memory_space<vmem>>)
      tpu.yield
    }) : () -> ()
    %mul3A_3 = arith.constant 6400 : i32
    %mul3A_4 = arith.muli %add3A, %mul3A_3 : i32
    %dma_start3A = arith.constant 0 : i32
    %dma_start3A_5 = arith.constant 0 : i32
    %dma_start3A_6 = arith.constant 0 : i32
    %dma_start3A_7 = arith.constant 0 : i32
    %dma_start3A_8 = tpu.memref_slice %arg6[%dma_start3A_5, %dma_start3A_6, %dma_start3A_7] : memref<2x1280x32xf32, #tpu.memory_space<vmem>> -> memref<1x1280x32xf32, #tpu.memory_space<vmem>>
    %dma_start3A_9 = tpu.memref_squeeze %dma_start3A_8 : memref<1x1280x32xf32, #tpu.memory_space<vmem>> -> memref<1280x32xf32, #tpu.memory_space<vmem>>
    %dma_start3A_10 = arith.constant 0 : i32
    %dma_start3A_11 = tpu.memref_slice %arg5[%dma_start3A, %dma_start3A_10] : memref<20x1280xi32, #tpu.memory_space<vmem>> -> memref<1x1280xi32, #tpu.memory_space<vmem>>
    %dma_start3A_12 = tpu.memref_squeeze %dma_start3A_11 : memref<1x1280xi32, #tpu.memory_space<vmem>> -> memref<1280xi32, #tpu.memory_space<vmem>>
    %dma_start3A_13 = arith.constant 0 : i32
    %dma_start3A_14 = arith.constant 0 : i32
    %dma_start3A_15 = tpu.memref_slice %arg2[%dma_start3A_13, %dma_start3A_14] : memref<1000000x32xf32, #tpu.memory_space<hbm>> -> memref<1000000x32xf32, #tpu.memory_space<hbm>>
    tpu.enqueue_indirect_dma source(%dma_start3A_15 : memref<1000000x32xf32, #tpu.memory_space<hbm>>) target(%dma_start3A_9 : memref<1280x32xf32, #tpu.memory_space<vmem>>) offsets(%dma_start3A_12 : memref<1280xi32, #tpu.memory_space<vmem>>) semaphore(%arg8 : memref<!tpu.dma_semaphore, #tpu.memory_space<semaphore_mem>>)
    %dma_start3A_16 = arith.constant 1 : i32
    %dma_start3A_17 = arith.constant 1 : i32
    %dma_start3A_18 = arith.constant 0 : i32
    %dma_start3A_19 = arith.constant 0 : i32
    %dma_start3A_20 = tpu.memref_slice %arg6[%dma_start3A_17, %dma_start3A_18, %dma_start3A_19] : memref<2x1280x32xf32, #tpu.memory_space<vmem>> -> memref<1x1280x32xf32, #tpu.memory_space<vmem>>
    %dma_start3A_21 = tpu.memref_squeeze %dma_start3A_20 : memref<1x1280x32xf32, #tpu.memory_space<vmem>> -> memref<1280x32xf32, #tpu.memory_space<vmem>>
    %dma_start3A_22 = arith.constant 0 : i32
    %dma_start3A_23 = tpu.memref_slice %arg5[%dma_start3A_16, %dma_start3A_22] : memref<20x1280xi32, #tpu.memory_space<vmem>> -> memref<1x1280xi32, #tpu.memory_space<vmem>>
    %dma_start3A_24 = tpu.memref_squeeze %dma_start3A_23 : memref<1x1280xi32, #tpu.memory_space<vmem>> -> memref<1280xi32, #tpu.memory_space<vmem>>
    %dma_start3A_25 = arith.constant 0 : i32
    %dma_start3A_26 = arith.constant 0 : i32
    %dma_start3A_27 = tpu.memref_slice %arg2[%dma_start3A_25, %dma_start3A_26] : memref<1000000x32xf32, #tpu.memory_space<hbm>> -> memref<1000000x32xf32, #tpu.memory_space<hbm>>
    tpu.enqueue_indirect_dma source(%dma_start3A_27 : memref<1000000x32xf32, #tpu.memory_space<hbm>>) target(%dma_start3A_21 : memref<1280x32xf32, #tpu.memory_space<vmem>>) offsets(%dma_start3A_24 : memref<1280xi32, #tpu.memory_space<vmem>>) semaphore(%arg9 : memref<!tpu.dma_semaphore, #tpu.memory_space<semaphore_mem>>)
    %dma_wait3A = arith.constant 0 : i32
    %dma_wait3A_28 = arith.constant 0 : i32
    %dma_wait3A_29 = arith.constant 0 : i32
    %dma_wait3A_30 = arith.constant 0 : i32
    %dma_wait3A_31 = tpu.memref_slice %arg6[%dma_wait3A_28, %dma_wait3A_29, %dma_wait3A_30] : memref<2x1280x32xf32, #tpu.memory_space<vmem>> -> memref<1x1280x32xf32, #tpu.memory_space<vmem>>
    %dma_wait3A_32 = tpu.memref_squeeze %dma_wait3A_31 : memref<1x1280x32xf32, #tpu.memory_space<vmem>> -> memref<1280x32xf32, #tpu.memory_space<vmem>>
    %dma_wait3A_33 = arith.constant 0 : i32
    %dma_wait3A_34 = tpu.memref_slice %arg5[%dma_wait3A, %dma_wait3A_33] : memref<20x1280xi32, #tpu.memory_space<vmem>> -> memref<1x1280xi32, #tpu.memory_space<vmem>>
    %dma_wait3A_35 = tpu.memref_squeeze %dma_wait3A_34 : memref<1x1280xi32, #tpu.memory_space<vmem>> -> memref<1280xi32, #tpu.memory_space<vmem>>
    %dma_wait3A_36 = arith.constant 0 : i32
    %dma_wait3A_37 = arith.constant 0 : i32
    %dma_wait3A_38 = tpu.memref_slice %arg2[%dma_wait3A_36, %dma_wait3A_37] : memref<1000000x32xf32, #tpu.memory_space<hbm>> -> memref<1000000x32xf32, #tpu.memory_space<hbm>>
    tpu.wait_indirect_dma semaphore(%arg8 : memref<!tpu.dma_semaphore, #tpu.memory_space<semaphore_mem>>) src(%dma_wait3A_38 : memref<1000000x32xf32, #tpu.memory_space<hbm>>) dst(%dma_wait3A_32 : memref<1280x32xf32, #tpu.memory_space<vmem>>)
    %scan3A = arith.constant 0 : i32
    %scan3A_39 = arith.constant 0 : i32
    %scan3A_40 = arith.constant 320 : i32
    %scan3A_41 = arith.addi %scan3A_39, %scan3A_40 : i32
    %scan3A_42 = arith.constant 1 : i32
    scf.for %scan3A_1162 = %scan3A_39 to %scan3A_41 step %scan3A_42  : i32 {
      %mul3A_1163 = arith.constant 4 : i32
      %mul3A_1164 = arith.muli %scan3A_1162, %mul3A_1163 : i32
      %get3A = arith.constant 0 : i32
      %get3A_1165 = arith.index_cast %get3A : i32 to index
      %get3A_1166 = arith.index_cast %mul3A_1164 : i32 to index
      %get3A_1167 = arith.constant 0 : index
      %get3A_1168 = tpu.vector_load %arg6[%get3A_1165, %get3A_1166, %get3A_1167] {strides = array<i32>} : memref<2x1280x32xf32, #tpu.memory_space<vmem>>, vector<1x1x16xf32>,
      %get3A_1169 = vector.shape_cast %get3A_1168 : vector<1x1x16xf32> to vector<16xf32>
      %add3A_1170 = arith.constant 1 : i32
      %add3A_1171 = arith.addi %mul3A_1164, %add3A_1170 : i32
      %get3A_1172 = arith.constant 0 : i32
      %get3A_1173 = arith.index_cast %get3A_1172 : i32 to index
      %get3A_1174 = arith.index_cast %add3A_1171 : i32 to index
      %get3A_1175 = arith.constant 0 : index
      %get3A_1176 = tpu.vector_load %arg6[%get3A_1173, %get3A_1174, %get3A_1175] {strides = array<i32>} : memref<2x1280x32xf32, #tpu.memory_space<vmem>>, vector<1x1x16xf32>,
      %get3A_1177 = vector.shape_cast %get3A_1176 : vector<1x1x16xf32> to vector<16xf32>
      %add3A_1178 = arith.addf %get3A_1169, %get3A_1177 : vector<16xf32>
      %add3A_1179 = arith.constant 2 : i32
      %add3A_1180 = arith.addi %mul3A_1164, %add3A_1179 : i32
      %get3A_1181 = arith.constant 0 : i32
      %get3A_1182 = arith.index_cast %get3A_1181 : i32 to index
      %get3A_1183 = arith.index_cast %add3A_1180 : i32 to index
      %get3A_1184 = arith.constant 0 : index
      %get3A_1185 = tpu.vector_load %arg6[%get3A_1182, %get3A_1183, %get3A_1184] {strides = array<i32>} : memref<2x1280x32xf32, #tpu.memory_space<vmem>>, vector<1x1x16xf32>,
      %get3A_1186 = vector.shape_cast %get3A_1185 : vector<1x1x16xf32> to vector<16xf32>
      %add3A_1187 = arith.addf %add3A_1178, %get3A_1186 : vector<16xf32>
      %add3A_1188 = arith.constant 3 : i32
      %add3A_1189 = arith.addi %mul3A_1164, %add3A_1188 : i32
      %get3A_1190 = arith.constant 0 : i32
      %get3A_1191 = arith.index_cast %get3A_1190 : i32 to index
      %get3A_1192 = arith.index_cast %add3A_1189 : i32 to index
      %get3A_1193 = arith.constant 0 : index
      %get3A_1194 = tpu.vector_load %arg6[%get3A_1191, %get3A_1192, %get3A_1193] {strides = array<i32>} : memref<2x1280x32xf32, #tpu.memory_space<vmem>>, vector<1x1x16xf32>,
      %get3A_1195 = vector.shape_cast %get3A_1194 : vector<1x1x16xf32> to vector<16xf32>
      %add3A_1196 = arith.addf %add3A_1187, %get3A_1195 : vector<16xf32>
      %swap3A = arith.constant 0 : i32
      %swap3A_1197 = arith.index_cast %swap3A : i32 to index
      %swap3A_1198 = arith.index_cast %scan3A_1162 : i32 to index
      %swap3A_1199 = arith.constant 0 : index
      %swap3A_1200 = tpu.vector_load %arg7[%swap3A_1197, %swap3A_1198, %swap3A_1199] {strides = array<i32>} : memref<2x320x32xf32, #tpu.memory_space<vmem>>, vector<1x1x16xf32>,
      %swap3A_1201 = vector.shape_cast %swap3A_1200 : vector<1x1x16xf32> to vector<16xf32>
      %swap3A_1202 = vector.shape_cast %add3A_1196 : vector<16xf32> to vector<1x1x16xf32>
      tpu.vector_store %arg7[%swap3A_1197, %swap3A_1198, %swap3A_1199], %swap3A_1202 {strides = array<i32>} : memref<2x320x32xf32, #tpu.memory_space<vmem>>, vector<1x1x16xf32>,
      %get3A_1203 = arith.constant 0 : i32
      %get3A_1204 = arith.index_cast %get3A_1203 : i32 to index
      %get3A_1205 = arith.index_cast %mul3A_1164 : i32 to index
      %get3A_1206 = arith.constant 16 : index
      %get3A_1207 = tpu.vector_load %arg6[%get3A_1204, %get3A_1205, %get3A_1206] {strides = array<i32>} : memref<2x1280x32xf32, #tpu.memory_space<vmem>>, vector<1x1x16xf32>,
      %get3A_1208 = vector.shape_cast %get3A_1207 : vector<1x1x16xf32> to vector<16xf32>
      %add3A_1209 = arith.constant 1 : i32
      %add3A_1210 = arith.addi %mul3A_1164, %add3A_1209 : i32
      %get3A_1211 = arith.constant 0 : i32
      %get3A_1212 = arith.index_cast %get3A_1211 : i32 to index
      %get3A_1213 = arith.index_cast %add3A_1210 : i32 to index
      %get3A_1214 = arith.constant 16 : index
      %get3A_1215 = tpu.vector_load %arg6[%get3A_1212, %get3A_1213, %get3A_1214] {strides = array<i32>} : memref<2x1280x32xf32, #tpu.memory_space<vmem>>, vector<1x1x16xf32>,
      %get3A_1216 = vector.shape_cast %get3A_1215 : vector<1x1x16xf32> to vector<16xf32>
      %add3A_1217 = arith.addf %get3A_1208, %get3A_1216 : vector<16xf32>
      %add3A_1218 = arith.constant 2 : i32
      %add3A_1219 = arith.addi %mul3A_1164, %add3A_1218 : i32
      %get3A_1220 = arith.constant 0 : i32
      %get3A_1221 = arith.index_cast %get3A_1220 : i32 to index
      %get3A_1222 = arith.index_cast %add3A_1219 : i32 to index
      %get3A_1223 = arith.constant 16 : index
      %get3A_1224 = tpu.vector_load %arg6[%get3A_1221, %get3A_1222, %get3A_1223] {strides = array<i32>} : memref<2x1280x32xf32, #tpu.memory_space<vmem>>, vector<1x1x16xf32>,
      %get3A_1225 = vector.shape_cast %get3A_1224 : vector<1x1x16xf32> to vector<16xf32>
      %add3A_1226 = arith.addf %add3A_1217, %get3A_1225 : vector<16xf32>
      %add3A_1227 = arith.constant 3 : i32
      %add3A_1228 = arith.addi %mul3A_1164, %add3A_1227 : i32
      %get3A_1229 = arith.constant 0 : i32
      %get3A_1230 = arith.index_cast %get3A_1229 : i32 to index
      %get3A_1231 = arith.index_cast %add3A_1228 : i32 to index
      %get3A_1232 = arith.constant 16 : index
      %get3A_1233 = tpu.vector_load %arg6[%get3A_1230, %get3A_1231, %get3A_1232] {strides = array<i32>} : memref<2x1280x32xf32, #tpu.memory_space<vmem>>, vector<1x1x16xf32>,
      %get3A_1234 = vector.shape_cast %get3A_1233 : vector<1x1x16xf32> to vector<16xf32>
      %add3A_1235 = arith.addf %add3A_1226, %get3A_1234 : vector<16xf32>
      %swap3A_1236 = arith.constant 0 : i32
      %swap3A_1237 = arith.index_cast %swap3A_1236 : i32 to index
      %swap3A_1238 = arith.index_cast %scan3A_1162 : i32 to index
      %swap3A_1239 = arith.constant 16 : index
      %swap3A_1240 = tpu.vector_load %arg7[%swap3A_1237, %swap3A_1238, %swap3A_1239] {strides = array<i32>} : memref<2x320x32xf32, #tpu.memory_space<vmem>>, vector<1x1x16xf32>,
      %swap3A_1241 = vector.shape_cast %swap3A_1240 : vector<1x1x16xf32> to vector<16xf32>
      %swap3A_1242 = vector.shape_cast %add3A_1235 : vector<16xf32> to vector<1x1x16xf32>
      tpu.vector_store %arg7[%swap3A_1237, %swap3A_1238, %swap3A_1239], %swap3A_1242 {strides = array<i32>} : memref<2x320x32xf32, #tpu.memory_space<vmem>>, vector<1x1x16xf32>,
    }
    %scan3A_43 = arith.constant 320 : i32
    %add3A_44 = arith.constant 0 : i32
    %add3A_45 = arith.addi %mul3A_4, %add3A_44 : i32
    %dma_start3A_46 = arith.constant 0 : i32
    %dma_start3A_47 = arith.constant 0 : i32
    %dma_start3A_48 = arith.constant 0 : i32
    %dma_start3A_49 = tpu.memref_slice %arg7[%dma_start3A_46, %dma_start3A_47, %dma_start3A_48] : memref<2x320x32xf32, #tpu.memory_space<vmem>> -> memref<1x320x32xf32, #tpu.memory_space<vmem>>
    %dma_start3A_50 = tpu.memref_squeeze %dma_start3A_49 : memref<1x320x32xf32, #tpu.memory_space<vmem>> -> memref<320x32xf32, #tpu.memory_space<vmem>>
    %dma_start3A_51 = arith.constant 0 : i32
    %dma_start3A_52 = tpu.memref_slice %arg4[%add3A_45, %dma_start3A_51] : memref<204800x32xf32, #tpu.memory_space<hbm>> -> memref<320x32xf32, #tpu.memory_space<hbm>>
    %dma_start3A_53 = arith.constant 0 : i32
    %dma_start3A_54 = tpu.memref_slice %arg4[%add3A_45, %dma_start3A_53] : memref<204800x32xf32, #tpu.memory_space<hbm>> -> memref<320x32xf32, #tpu.memory_space<hbm>>
    %dma_start3A_55 = arith.constant 0 : i32
    %dma_start3A_56 = arith.constant 0 : i32
    %dma_start3A_57 = tpu.memref_slice %arg7[%dma_start3A_46, %dma_start3A_55, %dma_start3A_56] : memref<2x320x32xf32, #tpu.memory_space<vmem>> -> memref<1x320x32xf32, #tpu.memory_space<vmem>>
    %dma_start3A_58 = tpu.memref_squeeze %dma_start3A_57 : memref<1x320x32xf32, #tpu.memory_space<vmem>> -> memref<320x32xf32, #tpu.memory_space<vmem>>
    tpu.enqueue_dma source(%dma_start3A_58 : memref<320x32xf32, #tpu.memory_space<vmem>>) target(%dma_start3A_54 : memref<320x32xf32, #tpu.memory_space<hbm>>) target_semaphore(%arg10 : memref<!tpu.dma_semaphore, #tpu.memory_space<semaphore_mem>>)
    %dma_start3A_59 = arith.constant 2 : i32
    %dma_start3A_60 = arith.constant 0 : i32
    %dma_start3A_61 = arith.constant 0 : i32
    %dma_start3A_62 = arith.constant 0 : i32
    %dma_start3A_63 = tpu.memref_slice %arg6[%dma_start3A_60, %dma_start3A_61, %dma_start3A_62] : memref<2x1280x32xf32, #tpu.memory_space<vmem>> -> memref<1x1280x32xf32, #tpu.memory_space<vmem>>
    %dma_start3A_64 = tpu.memref_squeeze %dma_start3A_63 : memref<1x1280x32xf32, #tpu.memory_space<vmem>> -> memref<1280x32xf32, #tpu.memory_space<vmem>>
    %dma_start3A_65 = arith.constant 0 : i32
    %dma_start3A_66 = tpu.memref_slice %arg5[%dma_start3A_59, %dma_start3A_65] : memref<20x1280xi32, #tpu.memory_space<vmem>> -> memref<1x1280xi32, #tpu.memory_space<vmem>>
    %dma_start3A_67 = tpu.memref_squeeze %dma_start3A_66 : memref<1x1280xi32, #tpu.memory_space<vmem>> -> memref<1280xi32, #tpu.memory_space<vmem>>
    %dma_start3A_68 = arith.constant 0 : i32
    %dma_start3A_69 = arith.constant 0 : i32
    %dma_start3A_70 = tpu.memref_slice %arg2[%dma_start3A_68, %dma_start3A_69] : memref<1000000x32xf32, #tpu.memory_space<hbm>> -> memref<1000000x32xf32, #tpu.memory_space<hbm>>
    tpu.enqueue_indirect_dma source(%dma_start3A_70 : memref<1000000x32xf32, #tpu.memory_space<hbm>>) target(%dma_start3A_64 : memref<1280x32xf32, #tpu.memory_space<vmem>>) offsets(%dma_start3A_67 : memref<1280xi32, #tpu.memory_space<vmem>>) semaphore(%arg8 : memref<!tpu.dma_semaphore, #tpu.memory_space<semaphore_mem>>)
    %dma_wait3A_71 = arith.constant 1 : i32
    %dma_wait3A_72 = arith.constant 1 : i32
    %dma_wait3A_73 = arith.constant 0 : i32
    %dma_wait3A_74 = arith.constant 0 : i32
    %dma_wait3A_75 = tpu.memref_slice %arg6[%dma_wait3A_72, %dma_wait3A_73, %dma_wait3A_74] : memref<2x1280x32xf32, #tpu.memory_space<vmem>> -> memref<1x1280x32xf32, #tpu.memory_space<vmem>>
    %dma_wait3A_76 = tpu.memref_squeeze %dma_wait3A_75 : memref<1x1280x32xf32, #tpu.memory_space<vmem>> -> memref<1280x32xf32, #tpu.memory_space<vmem>>
    %dma_wait3A_77 = arith.constant 0 : i32
    %dma_wait3A_78 = tpu.memref_slice %arg5[%dma_wait3A_71, %dma_wait3A_77] : memref<20x1280xi32, #tpu.memory_space<vmem>> -> memref<1x1280xi32, #tpu.memory_space<vmem>>
    %dma_wait3A_79 = tpu.memref_squeeze %dma_wait3A_78 : memref<1x1280xi32, #tpu.memory_space<vmem>> -> memref<1280xi32, #tpu.memory_space<vmem>>
    %dma_wait3A_80 = arith.constant 0 : i32
    %dma_wait3A_81 = arith.constant 0 : i32
    %dma_wait3A_82 = tpu.memref_slice %arg2[%dma_wait3A_80, %dma_wait3A_81] : memref<1000000x32xf32, #tpu.memory_space<hbm>> -> memref<1000000x32xf32, #tpu.memory_space<hbm>>
    tpu.wait_indirect_dma semaphore(%arg9 : memref<!tpu.dma_semaphore, #tpu.memory_space<semaphore_mem>>) src(%dma_wait3A_82 : memref<1000000x32xf32, #tpu.memory_space<hbm>>) dst(%dma_wait3A_76 : memref<1280x32xf32, #tpu.memory_space<vmem>>)
    %scan3A_83 = arith.constant 0 : i32
    %scan3A_84 = arith.constant 0 : i32
    %scan3A_85 = arith.constant 320 : i32
    %scan3A_86 = arith.addi %scan3A_84, %scan3A_85 : i32
    %scan3A_87 = arith.constant 1 : i32
    scf.for %scan3A_1162 = %scan3A_84 to %scan3A_86 step %scan3A_87  : i32 {
      %mul3A_1163 = arith.constant 4 : i32
      %mul3A_1164 = arith.muli %scan3A_1162, %mul3A_1163 : i32
      %get3A = arith.constant 1 : i32
      %get3A_1165 = arith.index_cast %get3A : i32 to index
      %get3A_1166 = arith.index_cast %mul3A_1164 : i32 to index
      %get3A_1167 = arith.constant 0 : index
      %get3A_1168 = tpu.vector_load %arg6[%get3A_1165, %get3A_1166, %get3A_1167] {strides = array<i32>} : memref<2x1280x32xf32, #tpu.memory_space<vmem>>, vector<1x1x16xf32>,
      %get3A_1169 = vector.shape_cast %get3A_1168 : vector<1x1x16xf32> to vector<16xf32>
      %add3A_1170 = arith.constant 1 : i32
      %add3A_1171 = arith.addi %mul3A_1164, %add3A_1170 : i32
      %get3A_1172 = arith.constant 1 : i32
      %get3A_1173 = arith.index_cast %get3A_1172 : i32 to index
      %get3A_1174 = arith.index_cast %add3A_1171 : i32 to index
      %get3A_1175 = arith.constant 0 : index
      %get3A_1176 = tpu.vector_load %arg6[%get3A_1173, %get3A_1174, %get3A_1175] {strides = array<i32>} : memref<2x1280x32xf32, #tpu.memory_space<vmem>>, vector<1x1x16xf32>,
      %get3A_1177 = vector.shape_cast %get3A_1176 : vector<1x1x16xf32> to vector<16xf32>
      %add3A_1178 = arith.addf %get3A_1169, %get3A_1177 : vector<16xf32>
      %add3A_1179 = arith.constant 2 : i32
      %add3A_1180 = arith.addi %mul3A_1164, %add3A_1179 : i32
      %get3A_1181 = arith.constant 1 : i32
      %get3A_1182 = arith.index_cast %get3A_1181 : i32 to index
      %get3A_1183 = arith.index_cast %add3A_1180 : i32 to index
      %get3A_1184 = arith.constant 0 : index
      %get3A_1185 = tpu.vector_load %arg6[%get3A_1182, %get3A_1183, %get3A_1184] {strides = array<i32>} : memref<2x1280x32xf32, #tpu.memory_space<vmem>>, vector<1x1x16xf32>,
      %get3A_1186 = vector.shape_cast %get3A_1185 : vector<1x1x16xf32> to vector<16xf32>
      %add3A_1187 = arith.addf %add3A_1178, %get3A_1186 : vector<16xf32>
      %add3A_1188 = arith.constant 3 : i32
      %add3A_1189 = arith.addi %mul3A_1164, %add3A_1188 : i32
      %get3A_1190 = arith.constant 1 : i32
      %get3A_1191 = arith.index_cast %get3A_1190 : i32 to index
      %get3A_1192 = arith.index_cast %add3A_1189 : i32 to index
      %get3A_1193 = arith.constant 0 : index
      %get3A_1194 = tpu.vector_load %arg6[%get3A_1191, %get3A_1192, %get3A_1193] {strides = array<i32>} : memref<2x1280x32xf32, #tpu.memory_space<vmem>>, vector<1x1x16xf32>,
      %get3A_1195 = vector.shape_cast %get3A_1194 : vector<1x1x16xf32> to vector<16xf32>
      %add3A_1196 = arith.addf %add3A_1187, %get3A_1195 : vector<16xf32>
      %swap3A = arith.constant 1 : i32
      %swap3A_1197 = arith.index_cast %swap3A : i32 to index
      %swap3A_1198 = arith.index_cast %scan3A_1162 : i32 to index
      %swap3A_1199 = arith.constant 0 : index
      %swap3A_1200 = tpu.vector_load %arg7[%swap3A_1197, %swap3A_1198, %swap3A_1199] {strides = array<i32>} : memref<2x320x32xf32, #tpu.memory_space<vmem>>, vector<1x1x16xf32>,
      %swap3A_1201 = vector.shape_cast %swap3A_1200 : vector<1x1x16xf32> to vector<16xf32>
      %swap3A_1202 = vector.shape_cast %add3A_1196 : vector<16xf32> to vector<1x1x16xf32>
      tpu.vector_store %arg7[%swap3A_1197, %swap3A_1198, %swap3A_1199], %swap3A_1202 {strides = array<i32>} : memref<2x320x32xf32, #tpu.memory_space<vmem>>, vector<1x1x16xf32>,
      %get3A_1203 = arith.constant 1 : i32
      %get3A_1204 = arith.index_cast %get3A_1203 : i32 to index
      %get3A_1205 = arith.index_cast %mul3A_1164 : i32 to index
      %get3A_1206 = arith.constant 16 : index
      %get3A_1207 = tpu.vector_load %arg6[%get3A_1204, %get3A_1205, %get3A_1206] {strides = array<i32>} : memref<2x1280x32xf32, #tpu.memory_space<vmem>>, vector<1x1x16xf32>,
      %get3A_1208 = vector.shape_cast %get3A_1207 : vector<1x1x16xf32> to vector<16xf32>
      %add3A_1209 = arith.constant 1 : i32
      %add3A_1210 = arith.addi %mul3A_1164, %add3A_1209 : i32
      %get3A_1211 = arith.constant 1 : i32
      %get3A_1212 = arith.index_cast %get3A_1211 : i32 to index
      %get3A_1213 = arith.index_cast %add3A_1210 : i32 to index
      %get3A_1214 = arith.constant 16 : index
      %get3A_1215 = tpu.vector_load %arg6[%get3A_1212, %get3A_1213, %get3A_1214] {strides = array<i32>} : memref<2x1280x32xf32, #tpu.memory_space<vmem>>, vector<1x1x16xf32>,
      %get3A_1216 = vector.shape_cast %get3A_1215 : vector<1x1x16xf32> to vector<16xf32>
      %add3A_1217 = arith.addf %get3A_1208, %get3A_1216 : vector<16xf32>
      %add3A_1218 = arith.constant 2 : i32
      %add3A_1219 = arith.addi %mul3A_1164, %add3A_1218 : i32
      %get3A_1220 = arith.constant 1 : i32
      %get3A_1221 = arith.index_cast %get3A_1220 : i32 to index
      %get3A_1222 = arith.index_cast %add3A_1219 : i32 to index
      %get3A_1223 = arith.constant 16 : index
      %get3A_1224 = tpu.vector_load %arg6[%get3A_1221, %get3A_1222, %get3A_1223] {strides = array<i32>} : memref<2x1280x32xf32, #tpu.memory_space<vmem>>, vector<1x1x16xf32>,
      %get3A_1225 = vector.shape_cast %get3A_1224 : vector<1x1x16xf32> to vector<16xf32>
      %add3A_1226 = arith.addf %add3A_1217, %get3A_1225 : vector<16xf32>
      %add3A_1227 = arith.constant 3 : i32
      %add3A_1228 = arith.addi %mul3A_1164, %add3A_1227 : i32
      %get3A_1229 = arith.constant 1 : i32
      %get3A_1230 = arith.index_cast %get3A_1229 : i32 to index
      %get3A_1231 = arith.index_cast %add3A_1228 : i32 to index
      %get3A_1232 = arith.constant 16 : index
      %get3A_1233 = tpu.vector_load %arg6[%get3A_1230, %get3A_1231, %get3A_1232] {strides = array<i32>} : memref<2x1280x32xf32, #tpu.memory_space<vmem>>, vector<1x1x16xf32>,
      %get3A_1234 = vector.shape_cast %get3A_1233 : vector<1x1x16xf32> to vector<16xf32>
      %add3A_1235 = arith.addf %add3A_1226, %get3A_1234 : vector<16xf32>
      %swap3A_1236 = arith.constant 1 : i32
      %swap3A_1237 = arith.index_cast %swap3A_1236 : i32 to index
      %swap3A_1238 = arith.index_cast %scan3A_1162 : i32 to index
      %swap3A_1239 = arith.constant 16 : index
      %swap3A_1240 = tpu.vector_load %arg7[%swap3A_1237, %swap3A_1238, %swap3A_1239] {strides = array<i32>} : memref<2x320x32xf32, #tpu.memory_space<vmem>>, vector<1x1x16xf32>,
      %swap3A_1241 = vector.shape_cast %swap3A_1240 : vector<1x1x16xf32> to vector<16xf32>
      %swap3A_1242 = vector.shape_cast %add3A_1235 : vector<16xf32> to vector<1x1x16xf32>
      tpu.vector_store %arg7[%swap3A_1237, %swap3A_1238, %swap3A_1239], %swap3A_1242 {strides = array<i32>} : memref<2x320x32xf32, #tpu.memory_space<vmem>>, vector<1x1x16xf32>,
    }
    %scan3A_88 = arith.constant 320 : i32
    %add3A_89 = arith.constant 320 : i32
    %add3A_90 = arith.addi %mul3A_4, %add3A_89 : i32
    %dma_start3A_91 = arith.constant 1 : i32
    %dma_start3A_92 = arith.constant 0 : i32
    %dma_start3A_93 = arith.constant 0 : i32
    %dma_start3A_94 = tpu.memref_slice %arg7[%dma_start3A_91, %dma_start3A_92, %dma_start3A_93] : memref<2x320x32xf32, #tpu.memory_space<vmem>> -> memref<1x320x32xf32, #tpu.memory_space<vmem>>
    %dma_start3A_95 = tpu.memref_squeeze %dma_start3A_94 : memref<1x320x32xf32, #tpu.memory_space<vmem>> -> memref<320x32xf32, #tpu.memory_space<vmem>>
    %dma_start3A_96 = arith.constant 0 : i32
    %dma_start3A_97 = tpu.memref_slice %arg4[%add3A_90, %dma_start3A_96] : memref<204800x32xf32, #tpu.memory_space<hbm>> -> memref<320x32xf32, #tpu.memory_space<hbm>>
    %dma_start3A_98 = arith.constant 0 : i32
    %dma_start3A_99 = tpu.memref_slice %arg4[%add3A_90, %dma_start3A_98] : memref<204800x32xf32, #tpu.memory_space<hbm>> -> memref<320x32xf32, #tpu.memory_space<hbm>>
    %dma_start3A_100 = arith.constant 0 : i32
    %dma_start3A_101 = arith.constant 0 : i32
    %dma_start3A_102 = tpu.memref_slice %arg7[%dma_start3A_91, %dma_start3A_100, %dma_start3A_101] : memref<2x320x32xf32, #tpu.memory_space<vmem>> -> memref<1x320x32xf32, #tpu.memory_space<vmem>>
    %dma_start3A_103 = tpu.memref_squeeze %dma_start3A_102 : memref<1x320x32xf32, #tpu.memory_space<vmem>> -> memref<320x32xf32, #tpu.memory_space<vmem>>
    tpu.enqueue_dma source(%dma_start3A_103 : memref<320x32xf32, #tpu.memory_space<vmem>>) target(%dma_start3A_99 : memref<320x32xf32, #tpu.memory_space<hbm>>) target_semaphore(%arg11 : memref<!tpu.dma_semaphore, #tpu.memory_space<semaphore_mem>>)
    %dma_start3A_104 = arith.constant 3 : i32
    %dma_start3A_105 = arith.constant 1 : i32
    %dma_start3A_106 = arith.constant 0 : i32
    %dma_start3A_107 = arith.constant 0 : i32
    %dma_start3A_108 = tpu.memref_slice %arg6[%dma_start3A_105, %dma_start3A_106, %dma_start3A_107] : memref<2x1280x32xf32, #tpu.memory_space<vmem>> -> memref<1x1280x32xf32, #tpu.memory_space<vmem>>
    %dma_start3A_109 = tpu.memref_squeeze %dma_start3A_108 : memref<1x1280x32xf32, #tpu.memory_space<vmem>> -> memref<1280x32xf32, #tpu.memory_space<vmem>>
    %dma_start3A_110 = arith.constant 0 : i32
    %dma_start3A_111 = tpu.memref_slice %arg5[%dma_start3A_104, %dma_start3A_110] : memref<20x1280xi32, #tpu.memory_space<vmem>> -> memref<1x1280xi32, #tpu.memory_space<vmem>>
    %dma_start3A_112 = tpu.memref_squeeze %dma_start3A_111 : memref<1x1280xi32, #tpu.memory_space<vmem>> -> memref<1280xi32, #tpu.memory_space<vmem>>
    %dma_start3A_113 = arith.constant 0 : i32
    %dma_start3A_114 = arith.constant 0 : i32
    %dma_start3A_115 = tpu.memref_slice %arg2[%dma_start3A_113, %dma_start3A_114] : memref<1000000x32xf32, #tpu.memory_space<hbm>> -> memref<1000000x32xf32, #tpu.memory_space<hbm>>
    tpu.enqueue_indirect_dma source(%dma_start3A_115 : memref<1000000x32xf32, #tpu.memory_space<hbm>>) target(%dma_start3A_109 : memref<1280x32xf32, #tpu.memory_space<vmem>>) offsets(%dma_start3A_112 : memref<1280xi32, #tpu.memory_space<vmem>>) semaphore(%arg9 : memref<!tpu.dma_semaphore, #tpu.memory_space<semaphore_mem>>)
    %dma_wait3A_116 = arith.constant 2 : i32
    %dma_wait3A_117 = arith.constant 0 : i32
    %dma_wait3A_118 = arith.constant 0 : i32
    %dma_wait3A_119 = arith.constant 0 : i32
    %dma_wait3A_120 = tpu.memref_slice %arg6[%dma_wait3A_117, %dma_wait3A_118, %dma_wait3A_119] : memref<2x1280x32xf32, #tpu.memory_space<vmem>> -> memref<1x1280x32xf32, #tpu.memory_space<vmem>>
    %dma_wait3A_121 = tpu.memref_squeeze %dma_wait3A_120 : memref<1x1280x32xf32, #tpu.memory_space<vmem>> -> memref<1280x32xf32, #tpu.memory_space<vmem>>
    %dma_wait3A_122 = arith.constant 0 : i32
    %dma_wait3A_123 = tpu.memref_slice %arg5[%dma_wait3A_116, %dma_wait3A_122] : memref<20x1280xi32, #tpu.memory_space<vmem>> -> memref<1x1280xi32, #tpu.memory_space<vmem>>
    %dma_wait3A_124 = tpu.memref_squeeze %dma_wait3A_123 : memref<1x1280xi32, #tpu.memory_space<vmem>> -> memref<1280xi32, #tpu.memory_space<vmem>>
    %dma_wait3A_125 = arith.constant 0 : i32
    %dma_wait3A_126 = arith.constant 0 : i32
    %dma_wait3A_127 = tpu.memref_slice %arg2[%dma_wait3A_125, %dma_wait3A_126] : memref<1000000x32xf32, #tpu.memory_space<hbm>> -> memref<1000000x32xf32, #tpu.memory_space<hbm>>
    tpu.wait_indirect_dma semaphore(%arg8 : memref<!tpu.dma_semaphore, #tpu.memory_space<semaphore_mem>>) src(%dma_wait3A_127 : memref<1000000x32xf32, #tpu.memory_space<hbm>>) dst(%dma_wait3A_121 : memref<1280x32xf32, #tpu.memory_space<vmem>>)
    %dma_wait3A_128 = arith.constant 0 : i32
    %dma_wait3A_129 = arith.constant 0 : i32
    %dma_wait3A_130 = arith.constant 0 : i32
    %dma_wait3A_131 = tpu.memref_slice %arg7[%dma_wait3A_128, %dma_wait3A_129, %dma_wait3A_130] : memref<2x320x32xf32, #tpu.memory_space<vmem>> -> memref<1x320x32xf32, #tpu.memory_space<vmem>>
    %dma_wait3A_132 = tpu.memref_squeeze %dma_wait3A_131 : memref<1x320x32xf32, #tpu.memory_space<vmem>> -> memref<320x32xf32, #tpu.memory_space<vmem>>
    %dma_wait3A_133 = arith.constant 0 : i32
    %dma_wait3A_134 = tpu.memref_slice %arg4[%add3A_45, %dma_wait3A_133] : memref<204800x32xf32, #tpu.memory_space<hbm>> -> memref<320x32xf32, #tpu.memory_space<hbm>>
    %dma_wait3A_135 = arith.constant 0 : i32
    %dma_wait3A_136 = tpu.memref_slice %arg4[%add3A_45, %dma_wait3A_135] : memref<204800x32xf32, #tpu.memory_space<hbm>> -> memref<320x32xf32, #tpu.memory_space<hbm>>
    %dma_wait3A_137 = arith.constant 0 : i32
    %dma_wait3A_138 = arith.constant 0 : i32
    %dma_wait3A_139 = tpu.memref_slice %arg7[%dma_wait3A_128, %dma_wait3A_137, %dma_wait3A_138] : memref<2x320x32xf32, #tpu.memory_space<vmem>> -> memref<1x320x32xf32, #tpu.memory_space<vmem>>
    %dma_wait3A_140 = tpu.memref_squeeze %dma_wait3A_139 : memref<1x320x32xf32, #tpu.memory_space<vmem>> -> memref<320x32xf32, #tpu.memory_space<vmem>>
    tpu.wait_dma2 semaphore(%arg10 : memref<!tpu.dma_semaphore, #tpu.memory_space<semaphore_mem>>) src(%dma_wait3A_140 : memref<320x32xf32, #tpu.memory_space<vmem>>) dst(%dma_wait3A_136 : memref<320x32xf32, #tpu.memory_space<hbm>>)
    %scan3A_141 = arith.constant 0 : i32
    %scan3A_142 = arith.constant 0 : i32
    %scan3A_143 = arith.constant 320 : i32
    %scan3A_144 = arith.addi %scan3A_142, %scan3A_143 : i32
    %scan3A_145 = arith.constant 1 : i32
    scf.for %scan3A_1162 = %scan3A_142 to %scan3A_144 step %scan3A_145  : i32 {
      %mul3A_1163 = arith.constant 4 : i32
      %mul3A_1164 = arith.muli %scan3A_1162, %mul3A_1163 : i32
      %get3A = arith.constant 0 : i32
      %get3A_1165 = arith.index_cast %get3A : i32 to index
      %get3A_1166 = arith.index_cast %mul3A_1164 : i32 to index
      %get3A_1167 = arith.constant 0 : index
      %get3A_1168 = tpu.vector_load %arg6[%get3A_1165, %get3A_1166, %get3A_1167] {strides = array<i32>} : memref<2x1280x32xf32, #tpu.memory_space<vmem>>, vector<1x1x16xf32>,
      %get3A_1169 = vector.shape_cast %get3A_1168 : vector<1x1x16xf32> to vector<16xf32>
      %add3A_1170 = arith.constant 1 : i32
      %add3A_1171 = arith.addi %mul3A_1164, %add3A_1170 : i32
      %get3A_1172 = arith.constant 0 : i32
      %get3A_1173 = arith.index_cast %get3A_1172 : i32 to index
      %get3A_1174 = arith.index_cast %add3A_1171 : i32 to index
      %get3A_1175 = arith.constant 0 : index
      %get3A_1176 = tpu.vector_load %arg6[%get3A_1173, %get3A_1174, %get3A_1175] {strides = array<i32>} : memref<2x1280x32xf32, #tpu.memory_space<vmem>>, vector<1x1x16xf32>,
      %get3A_1177 = vector.shape_cast %get3A_1176 : vector<1x1x16xf32> to vector<16xf32>
      %add3A_1178 = arith.addf %get3A_1169, %get3A_1177 : vector<16xf32>
      %add3A_1179 = arith.constant 2 : i32
      %add3A_1180 = arith.addi %mul3A_1164, %add3A_1179 : i32
      %get3A_1181 = arith.constant 0 : i32
      %get3A_1182 = arith.index_cast %get3A_1181 : i32 to index
      %get3A_1183 = arith.index_cast %add3A_1180 : i32 to index
      %get3A_1184 = arith.constant 0 : index
      %get3A_1185 = tpu.vector_load %arg6[%get3A_1182, %get3A_1183, %get3A_1184] {strides = array<i32>} : memref<2x1280x32xf32, #tpu.memory_space<vmem>>, vector<1x1x16xf32>,
      %get3A_1186 = vector.shape_cast %get3A_1185 : vector<1x1x16xf32> to vector<16xf32>
      %add3A_1187 = arith.addf %add3A_1178, %get3A_1186 : vector<16xf32>
      %add3A_1188 = arith.constant 3 : i32
      %add3A_1189 = arith.addi %mul3A_1164, %add3A_1188 : i32
      %get3A_1190 = arith.constant 0 : i32
      %get3A_1191 = arith.index_cast %get3A_1190 : i32 to index
      %get3A_1192 = arith.index_cast %add3A_1189 : i32 to index
      %get3A_1193 = arith.constant 0 : index
      %get3A_1194 = tpu.vector_load %arg6[%get3A_1191, %get3A_1192, %get3A_1193] {strides = array<i32>} : memref<2x1280x32xf32, #tpu.memory_space<vmem>>, vector<1x1x16xf32>,
      %get3A_1195 = vector.shape_cast %get3A_1194 : vector<1x1x16xf32> to vector<16xf32>
      %add3A_1196 = arith.addf %add3A_1187, %get3A_1195 : vector<16xf32>
      %swap3A = arith.constant 0 : i32
      %swap3A_1197 = arith.index_cast %swap3A : i32 to index
      %swap3A_1198 = arith.index_cast %scan3A_1162 : i32 to index
      %swap3A_1199 = arith.constant 0 : index
      %swap3A_1200 = tpu.vector_load %arg7[%swap3A_1197, %swap3A_1198, %swap3A_1199] {strides = array<i32>} : memref<2x320x32xf32, #tpu.memory_space<vmem>>, vector<1x1x16xf32>,
      %swap3A_1201 = vector.shape_cast %swap3A_1200 : vector<1x1x16xf32> to vector<16xf32>
      %swap3A_1202 = vector.shape_cast %add3A_1196 : vector<16xf32> to vector<1x1x16xf32>
      tpu.vector_store %arg7[%swap3A_1197, %swap3A_1198, %swap3A_1199], %swap3A_1202 {strides = array<i32>} : memref<2x320x32xf32, #tpu.memory_space<vmem>>, vector<1x1x16xf32>,
      %get3A_1203 = arith.constant 0 : i32
      %get3A_1204 = arith.index_cast %get3A_1203 : i32 to index
      %get3A_1205 = arith.index_cast %mul3A_1164 : i32 to index
      %get3A_1206 = arith.constant 16 : index
      %get3A_1207 = tpu.vector_load %arg6[%get3A_1204, %get3A_1205, %get3A_1206] {strides = array<i32>} : memref<2x1280x32xf32, #tpu.memory_space<vmem>>, vector<1x1x16xf32>,
      %get3A_1208 = vector.shape_cast %get3A_1207 : vector<1x1x16xf32> to vector<16xf32>
      %add3A_1209 = arith.constant 1 : i32
      %add3A_1210 = arith.addi %mul3A_1164, %add3A_1209 : i32
      %get3A_1211 = arith.constant 0 : i32
      %get3A_1212 = arith.index_cast %get3A_1211 : i32 to index
      %get3A_1213 = arith.index_cast %add3A_1210 : i32 to index
      %get3A_1214 = arith.constant 16 : index
      %get3A_1215 = tpu.vector_load %arg6[%get3A_1212, %get3A_1213, %get3A_1214] {strides = array<i32>} : memref<2x1280x32xf32, #tpu.memory_space<vmem>>, vector<1x1x16xf32>,
      %get3A_1216 = vector.shape_cast %get3A_1215 : vector<1x1x16xf32> to vector<16xf32>
      %add3A_1217 = arith.addf %get3A_1208, %get3A_1216 : vector<16xf32>
      %add3A_1218 = arith.constant 2 : i32
      %add3A_1219 = arith.addi %mul3A_1164, %add3A_1218 : i32
      %get3A_1220 = arith.constant 0 : i32
      %get3A_1221 = arith.index_cast %get3A_1220 : i32 to index
      %get3A_1222 = arith.index_cast %add3A_1219 : i32 to index
      %get3A_1223 = arith.constant 16 : index
      %get3A_1224 = tpu.vector_load %arg6[%get3A_1221, %get3A_1222, %get3A_1223] {strides = array<i32>} : memref<2x1280x32xf32, #tpu.memory_space<vmem>>, vector<1x1x16xf32>,
      %get3A_1225 = vector.shape_cast %get3A_1224 : vector<1x1x16xf32> to vector<16xf32>
      %add3A_1226 = arith.addf %add3A_1217, %get3A_1225 : vector<16xf32>
      %add3A_1227 = arith.constant 3 : i32
      %add3A_1228 = arith.addi %mul3A_1164, %add3A_1227 : i32
      %get3A_1229 = arith.constant 0 : i32
      %get3A_1230 = arith.index_cast %get3A_1229 : i32 to index
      %get3A_1231 = arith.index_cast %add3A_1228 : i32 to index
      %get3A_1232 = arith.constant 16 : index
      %get3A_1233 = tpu.vector_load %arg6[%get3A_1230, %get3A_1231, %get3A_1232] {strides = array<i32>} : memref<2x1280x32xf32, #tpu.memory_space<vmem>>, vector<1x1x16xf32>,
      %get3A_1234 = vector.shape_cast %get3A_1233 : vector<1x1x16xf32> to vector<16xf32>
      %add3A_1235 = arith.addf %add3A_1226, %get3A_1234 : vector<16xf32>
      %swap3A_1236 = arith.constant 0 : i32
      %swap3A_1237 = arith.index_cast %swap3A_1236 : i32 to index
      %swap3A_1238 = arith.index_cast %scan3A_1162 : i32 to index
      %swap3A_1239 = arith.constant 16 : index
      %swap3A_1240 = tpu.vector_load %arg7[%swap3A_1237, %swap3A_1238, %swap3A_1239] {strides = array<i32>} : memref<2x320x32xf32, #tpu.memory_space<vmem>>, vector<1x1x16xf32>,
      %swap3A_1241 = vector.shape_cast %swap3A_1240 : vector<1x1x16xf32> to vector<16xf32>
      %swap3A_1242 = vector.shape_cast %add3A_1235 : vector<16xf32> to vector<1x1x16xf32>
      tpu.vector_store %arg7[%swap3A_1237, %swap3A_1238, %swap3A_1239], %swap3A_1242 {strides = array<i32>} : memref<2x320x32xf32, #tpu.memory_space<vmem>>, vector<1x1x16xf32>,
    }
    %scan3A_146 = arith.constant 320 : i32
    %add3A_147 = arith.constant 640 : i32
    %add3A_148 = arith.addi %mul3A_4, %add3A_147 : i32
    %dma_start3A_149 = arith.constant 0 : i32
    %dma_start3A_150 = arith.constant 0 : i32
    %dma_start3A_151 = arith.constant 0 : i32
    %dma_start3A_152 = tpu.memref_slice %arg7[%dma_start3A_149, %dma_start3A_150, %dma_start3A_151] : memref<2x320x32xf32, #tpu.memory_space<vmem>> -> memref<1x320x32xf32, #tpu.memory_space<vmem>>
    %dma_start3A_153 = tpu.memref_squeeze %dma_start3A_152 : memref<1x320x32xf32, #tpu.memory_space<vmem>> -> memref<320x32xf32, #tpu.memory_space<vmem>>
    %dma_start3A_154 = arith.constant 0 : i32
    %dma_start3A_155 = tpu.memref_slice %arg4[%add3A_148, %dma_start3A_154] : memref<204800x32xf32, #tpu.memory_space<hbm>> -> memref<320x32xf32, #tpu.memory_space<hbm>>
    %dma_start3A_156 = arith.constant 0 : i32
    %dma_start3A_157 = tpu.memref_slice %arg4[%add3A_148, %dma_start3A_156] : memref<204800x32xf32, #tpu.memory_space<hbm>> -> memref<320x32xf32, #tpu.memory_space<hbm>>
    %dma_start3A_158 = arith.constant 0 : i32
    %dma_start3A_159 = arith.constant 0 : i32
    %dma_start3A_160 = tpu.memref_slice %arg7[%dma_start3A_149, %dma_start3A_158, %dma_start3A_159] : memref<2x320x32xf32, #tpu.memory_space<vmem>> -> memref<1x320x32xf32, #tpu.memory_space<vmem>>
    %dma_start3A_161 = tpu.memref_squeeze %dma_start3A_160 : memref<1x320x32xf32, #tpu.memory_space<vmem>> -> memref<320x32xf32, #tpu.memory_space<vmem>>
    tpu.enqueue_dma source(%dma_start3A_161 : memref<320x32xf32, #tpu.memory_space<vmem>>) target(%dma_start3A_157 : memref<320x32xf32, #tpu.memory_space<hbm>>) target_semaphore(%arg10 : memref<!tpu.dma_semaphore, #tpu.memory_space<semaphore_mem>>)
    %dma_start3A_162 = arith.constant 4 : i32
    %dma_start3A_163 = arith.constant 0 : i32
    %dma_start3A_164 = arith.constant 0 : i32
    %dma_start3A_165 = arith.constant 0 : i32
    %dma_start3A_166 = tpu.memref_slice %arg6[%dma_start3A_163, %dma_start3A_164, %dma_start3A_165] : memref<2x1280x32xf32, #tpu.memory_space<vmem>> -> memref<1x1280x32xf32, #tpu.memory_space<vmem>>
    %dma_start3A_167 = tpu.memref_squeeze %dma_start3A_166 : memref<1x1280x32xf32, #tpu.memory_space<vmem>> -> memref<1280x32xf32, #tpu.memory_space<vmem>>
    %dma_start3A_168 = arith.constant 0 : i32
    %dma_start3A_169 = tpu.memref_slice %arg5[%dma_start3A_162, %dma_start3A_168] : memref<20x1280xi32, #tpu.memory_space<vmem>> -> memref<1x1280xi32, #tpu.memory_space<vmem>>
    %dma_start3A_170 = tpu.memref_squeeze %dma_start3A_169 : memref<1x1280xi32, #tpu.memory_space<vmem>> -> memref<1280xi32, #tpu.memory_space<vmem>>
    %dma_start3A_171 = arith.constant 0 : i32
    %dma_start3A_172 = arith.constant 0 : i32
    %dma_start3A_173 = tpu.memref_slice %arg2[%dma_start3A_171, %dma_start3A_172] : memref<1000000x32xf32, #tpu.memory_space<hbm>> -> memref<1000000x32xf32, #tpu.memory_space<hbm>>
    tpu.enqueue_indirect_dma source(%dma_start3A_173 : memref<1000000x32xf32, #tpu.memory_space<hbm>>) target(%dma_start3A_167 : memref<1280x32xf32, #tpu.memory_space<vmem>>) offsets(%dma_start3A_170 : memref<1280xi32, #tpu.memory_space<vmem>>) semaphore(%arg8 : memref<!tpu.dma_semaphore, #tpu.memory_space<semaphore_mem>>)
    %dma_wait3A_174 = arith.constant 3 : i32
    %dma_wait3A_175 = arith.constant 1 : i32
    %dma_wait3A_176 = arith.constant 0 : i32
    %dma_wait3A_177 = arith.constant 0 : i32
    %dma_wait3A_178 = tpu.memref_slice %arg6[%dma_wait3A_175, %dma_wait3A_176, %dma_wait3A_177] : memref<2x1280x32xf32, #tpu.memory_space<vmem>> -> memref<1x1280x32xf32, #tpu.memory_space<vmem>>
    %dma_wait3A_179 = tpu.memref_squeeze %dma_wait3A_178 : memref<1x1280x32xf32, #tpu.memory_space<vmem>> -> memref<1280x32xf32, #tpu.memory_space<vmem>>
    %dma_wait3A_180 = arith.constant 0 : i32
    %dma_wait3A_181 = tpu.memref_slice %arg5[%dma_wait3A_174, %dma_wait3A_180] : memref<20x1280xi32, #tpu.memory_space<vmem>> -> memref<1x1280xi32, #tpu.memory_space<vmem>>
    %dma_wait3A_182 = tpu.memref_squeeze %dma_wait3A_181 : memref<1x1280xi32, #tpu.memory_space<vmem>> -> memref<1280xi32, #tpu.memory_space<vmem>>
    %dma_wait3A_183 = arith.constant 0 : i32
    %dma_wait3A_184 = arith.constant 0 : i32
    %dma_wait3A_185 = tpu.memref_slice %arg2[%dma_wait3A_183, %dma_wait3A_184] : memref<1000000x32xf32, #tpu.memory_space<hbm>> -> memref<1000000x32xf32, #tpu.memory_space<hbm>>
    tpu.wait_indirect_dma semaphore(%arg9 : memref<!tpu.dma_semaphore, #tpu.memory_space<semaphore_mem>>) src(%dma_wait3A_185 : memref<1000000x32xf32, #tpu.memory_space<hbm>>) dst(%dma_wait3A_179 : memref<1280x32xf32, #tpu.memory_space<vmem>>)
    %dma_wait3A_186 = arith.constant 1 : i32
    %dma_wait3A_187 = arith.constant 0 : i32
    %dma_wait3A_188 = arith.constant 0 : i32
    %dma_wait3A_189 = tpu.memref_slice %arg7[%dma_wait3A_186, %dma_wait3A_187, %dma_wait3A_188] : memref<2x320x32xf32, #tpu.memory_space<vmem>> -> memref<1x320x32xf32, #tpu.memory_space<vmem>>
    %dma_wait3A_190 = tpu.memref_squeeze %dma_wait3A_189 : memref<1x320x32xf32, #tpu.memory_space<vmem>> -> memref<320x32xf32, #tpu.memory_space<vmem>>
    %dma_wait3A_191 = arith.constant 0 : i32
    %dma_wait3A_192 = tpu.memref_slice %arg4[%add3A_90, %dma_wait3A_191] : memref<204800x32xf32, #tpu.memory_space<hbm>> -> memref<320x32xf32, #tpu.memory_space<hbm>>
    %dma_wait3A_193 = arith.constant 0 : i32
    %dma_wait3A_194 = tpu.memref_slice %arg4[%add3A_90, %dma_wait3A_193] : memref<204800x32xf32, #tpu.memory_space<hbm>> -> memref<320x32xf32, #tpu.memory_space<hbm>>
    %dma_wait3A_195 = arith.constant 0 : i32
    %dma_wait3A_196 = arith.constant 0 : i32
    %dma_wait3A_197 = tpu.memref_slice %arg7[%dma_wait3A_186, %dma_wait3A_195, %dma_wait3A_196] : memref<2x320x32xf32, #tpu.memory_space<vmem>> -> memref<1x320x32xf32, #tpu.memory_space<vmem>>
    %dma_wait3A_198 = tpu.memref_squeeze %dma_wait3A_197 : memref<1x320x32xf32, #tpu.memory_space<vmem>> -> memref<320x32xf32, #tpu.memory_space<vmem>>
    tpu.wait_dma2 semaphore(%arg11 : memref<!tpu.dma_semaphore, #tpu.memory_space<semaphore_mem>>) src(%dma_wait3A_198 : memref<320x32xf32, #tpu.memory_space<vmem>>) dst(%dma_wait3A_194 : memref<320x32xf32, #tpu.memory_space<hbm>>)
    %scan3A_199 = arith.constant 0 : i32
    %scan3A_200 = arith.constant 0 : i32
    %scan3A_201 = arith.constant 320 : i32
    %scan3A_202 = arith.addi %scan3A_200, %scan3A_201 : i32
    %scan3A_203 = arith.constant 1 : i32
    scf.for %scan3A_1162 = %scan3A_200 to %scan3A_202 step %scan3A_203  : i32 {
      %mul3A_1163 = arith.constant 4 : i32
      %mul3A_1164 = arith.muli %scan3A_1162, %mul3A_1163 : i32
      %get3A = arith.constant 1 : i32
      %get3A_1165 = arith.index_cast %get3A : i32 to index
      %get3A_1166 = arith.index_cast %mul3A_1164 : i32 to index
      %get3A_1167 = arith.constant 0 : index
      %get3A_1168 = tpu.vector_load %arg6[%get3A_1165, %get3A_1166, %get3A_1167] {strides = array<i32>} : memref<2x1280x32xf32, #tpu.memory_space<vmem>>, vector<1x1x16xf32>,
      %get3A_1169 = vector.shape_cast %get3A_1168 : vector<1x1x16xf32> to vector<16xf32>
      %add3A_1170 = arith.constant 1 : i32
      %add3A_1171 = arith.addi %mul3A_1164, %add3A_1170 : i32
      %get3A_1172 = arith.constant 1 : i32
      %get3A_1173 = arith.index_cast %get3A_1172 : i32 to index
      %get3A_1174 = arith.index_cast %add3A_1171 : i32 to index
      %get3A_1175 = arith.constant 0 : index
      %get3A_1176 = tpu.vector_load %arg6[%get3A_1173, %get3A_1174, %get3A_1175] {strides = array<i32>} : memref<2x1280x32xf32, #tpu.memory_space<vmem>>, vector<1x1x16xf32>,
      %get3A_1177 = vector.shape_cast %get3A_1176 : vector<1x1x16xf32> to vector<16xf32>
      %add3A_1178 = arith.addf %get3A_1169, %get3A_1177 : vector<16xf32>
      %add3A_1179 = arith.constant 2 : i32
      %add3A_1180 = arith.addi %mul3A_1164, %add3A_1179 : i32
      %get3A_1181 = arith.constant 1 : i32
      %get3A_1182 = arith.index_cast %get3A_1181 : i32 to index
      %get3A_1183 = arith.index_cast %add3A_1180 : i32 to index
      %get3A_1184 = arith.constant 0 : index
      %get3A_1185 = tpu.vector_load %arg6[%get3A_1182, %get3A_1183, %get3A_1184] {strides = array<i32>} : memref<2x1280x32xf32, #tpu.memory_space<vmem>>, vector<1x1x16xf32>,
      %get3A_1186 = vector.shape_cast %get3A_1185 : vector<1x1x16xf32> to vector<16xf32>
      %add3A_1187 = arith.addf %add3A_1178, %get3A_1186 : vector<16xf32>
      %add3A_1188 = arith.constant 3 : i32
      %add3A_1189 = arith.addi %mul3A_1164, %add3A_1188 : i32
      %get3A_1190 = arith.constant 1 : i32
      %get3A_1191 = arith.index_cast %get3A_1190 : i32 to index
      %get3A_1192 = arith.index_cast %add3A_1189 : i32 to index
      %get3A_1193 = arith.constant 0 : index
      %get3A_1194 = tpu.vector_load %arg6[%get3A_1191, %get3A_1192, %get3A_1193] {strides = array<i32>} : memref<2x1280x32xf32, #tpu.memory_space<vmem>>, vector<1x1x16xf32>,
      %get3A_1195 = vector.shape_cast %get3A_1194 : vector<1x1x16xf32> to vector<16xf32>
      %add3A_1196 = arith.addf %add3A_1187, %get3A_1195 : vector<16xf32>
      %swap3A = arith.constant 1 : i32
      %swap3A_1197 = arith.index_cast %swap3A : i32 to index
      %swap3A_1198 = arith.index_cast %scan3A_1162 : i32 to index
      %swap3A_1199 = arith.constant 0 : index
      %swap3A_1200 = tpu.vector_load %arg7[%swap3A_1197, %swap3A_1198, %swap3A_1199] {strides = array<i32>} : memref<2x320x32xf32, #tpu.memory_space<vmem>>, vector<1x1x16xf32>,
      %swap3A_1201 = vector.shape_cast %swap3A_1200 : vector<1x1x16xf32> to vector<16xf32>
      %swap3A_1202 = vector.shape_cast %add3A_1196 : vector<16xf32> to vector<1x1x16xf32>
      tpu.vector_store %arg7[%swap3A_1197, %swap3A_1198, %swap3A_1199], %swap3A_1202 {strides = array<i32>} : memref<2x320x32xf32, #tpu.memory_space<vmem>>, vector<1x1x16xf32>,
      %get3A_1203 = arith.constant 1 : i32
      %get3A_1204 = arith.index_cast %get3A_1203 : i32 to index
      %get3A_1205 = arith.index_cast %mul3A_1164 : i32 to index
      %get3A_1206 = arith.constant 16 : index
      %get3A_1207 = tpu.vector_load %arg6[%get3A_1204, %get3A_1205, %get3A_1206] {strides = array<i32>} : memref<2x1280x32xf32, #tpu.memory_space<vmem>>, vector<1x1x16xf32>,
      %get3A_1208 = vector.shape_cast %get3A_1207 : vector<1x1x16xf32> to vector<16xf32>
      %add3A_1209 = arith.constant 1 : i32
      %add3A_1210 = arith.addi %mul3A_1164, %add3A_1209 : i32
      %get3A_1211 = arith.constant 1 : i32
      %get3A_1212 = arith.index_cast %get3A_1211 : i32 to index
      %get3A_1213 = arith.index_cast %add3A_1210 : i32 to index
      %get3A_1214 = arith.constant 16 : index
      %get3A_1215 = tpu.vector_load %arg6[%get3A_1212, %get3A_1213, %get3A_1214] {strides = array<i32>} : memref<2x1280x32xf32, #tpu.memory_space<vmem>>, vector<1x1x16xf32>,
      %get3A_1216 = vector.shape_cast %get3A_1215 : vector<1x1x16xf32> to vector<16xf32>
      %add3A_1217 = arith.addf %get3A_1208, %get3A_1216 : vector<16xf32>
      %add3A_1218 = arith.constant 2 : i32
      %add3A_1219 = arith.addi %mul3A_1164, %add3A_1218 : i32
      %get3A_1220 = arith.constant 1 : i32
      %get3A_1221 = arith.index_cast %get3A_1220 : i32 to index
      %get3A_1222 = arith.index_cast %add3A_1219 : i32 to index
      %get3A_1223 = arith.constant 16 : index
      %get3A_1224 = tpu.vector_load %arg6[%get3A_1221, %get3A_1222, %get3A_1223] {strides = array<i32>} : memref<2x1280x32xf32, #tpu.memory_space<vmem>>, vector<1x1x16xf32>,
      %get3A_1225 = vector.shape_cast %get3A_1224 : vector<1x1x16xf32> to vector<16xf32>
      %add3A_1226 = arith.addf %add3A_1217, %get3A_1225 : vector<16xf32>
      %add3A_1227 = arith.constant 3 : i32
      %add3A_1228 = arith.addi %mul3A_1164, %add3A_1227 : i32
      %get3A_1229 = arith.constant 1 : i32
      %get3A_1230 = arith.index_cast %get3A_1229 : i32 to index
      %get3A_1231 = arith.index_cast %add3A_1228 : i32 to index
      %get3A_1232 = arith.constant 16 : index
      %get3A_1233 = tpu.vector_load %arg6[%get3A_1230, %get3A_1231, %get3A_1232] {strides = array<i32>} : memref<2x1280x32xf32, #tpu.memory_space<vmem>>, vector<1x1x16xf32>,
      %get3A_1234 = vector.shape_cast %get3A_1233 : vector<1x1x16xf32> to vector<16xf32>
      %add3A_1235 = arith.addf %add3A_1226, %get3A_1234 : vector<16xf32>
      %swap3A_1236 = arith.constant 1 : i32
      %swap3A_1237 = arith.index_cast %swap3A_1236 : i32 to index
      %swap3A_1238 = arith.index_cast %scan3A_1162 : i32 to index
      %swap3A_1239 = arith.constant 16 : index
      %swap3A_1240 = tpu.vector_load %arg7[%swap3A_1237, %swap3A_1238, %swap3A_1239] {strides = array<i32>} : memref<2x320x32xf32, #tpu.memory_space<vmem>>, vector<1x1x16xf32>,
      %swap3A_1241 = vector.shape_cast %swap3A_1240 : vector<1x1x16xf32> to vector<16xf32>
      %swap3A_1242 = vector.shape_cast %add3A_1235 : vector<16xf32> to vector<1x1x16xf32>
      tpu.vector_store %arg7[%swap3A_1237, %swap3A_1238, %swap3A_1239], %swap3A_1242 {strides = array<i32>} : memref<2x320x32xf32, #tpu.memory_space<vmem>>, vector<1x1x16xf32>,
    }
    %scan3A_204 = arith.constant 320 : i32
    %add3A_205 = arith.constant 960 : i32
    %add3A_206 = arith.addi %mul3A_4, %add3A_205 : i32
    %dma_start3A_207 = arith.constant 1 : i32
    %dma_start3A_208 = arith.constant 0 : i32
    %dma_start3A_209 = arith.constant 0 : i32
    %dma_start3A_210 = tpu.memref_slice %arg7[%dma_start3A_207, %dma_start3A_208, %dma_start3A_209] : memref<2x320x32xf32, #tpu.memory_space<vmem>> -> memref<1x320x32xf32, #tpu.memory_space<vmem>>
    %dma_start3A_211 = tpu.memref_squeeze %dma_start3A_210 : memref<1x320x32xf32, #tpu.memory_space<vmem>> -> memref<320x32xf32, #tpu.memory_space<vmem>>
    %dma_start3A_212 = arith.constant 0 : i32
    %dma_start3A_213 = tpu.memref_slice %arg4[%add3A_206, %dma_start3A_212] : memref<204800x32xf32, #tpu.memory_space<hbm>> -> memref<320x32xf32, #tpu.memory_space<hbm>>
    %dma_start3A_214 = arith.constant 0 : i32
    %dma_start3A_215 = tpu.memref_slice %arg4[%add3A_206, %dma_start3A_214] : memref<204800x32xf32, #tpu.memory_space<hbm>> -> memref<320x32xf32, #tpu.memory_space<hbm>>
    %dma_start3A_216 = arith.constant 0 : i32
    %dma_start3A_217 = arith.constant 0 : i32
    %dma_start3A_218 = tpu.memref_slice %arg7[%dma_start3A_207, %dma_start3A_216, %dma_start3A_217] : memref<2x320x32xf32, #tpu.memory_space<vmem>> -> memref<1x320x32xf32, #tpu.memory_space<vmem>>
    %dma_start3A_219 = tpu.memref_squeeze %dma_start3A_218 : memref<1x320x32xf32, #tpu.memory_space<vmem>> -> memref<320x32xf32, #tpu.memory_space<vmem>>
    tpu.enqueue_dma source(%dma_start3A_219 : memref<320x32xf32, #tpu.memory_space<vmem>>) target(%dma_start3A_215 : memref<320x32xf32, #tpu.memory_space<hbm>>) target_semaphore(%arg11 : memref<!tpu.dma_semaphore, #tpu.memory_space<semaphore_mem>>)
    %dma_start3A_220 = arith.constant 5 : i32
    %dma_start3A_221 = arith.constant 1 : i32
    %dma_start3A_222 = arith.constant 0 : i32
    %dma_start3A_223 = arith.constant 0 : i32
    %dma_start3A_224 = tpu.memref_slice %arg6[%dma_start3A_221, %dma_start3A_222, %dma_start3A_223] : memref<2x1280x32xf32, #tpu.memory_space<vmem>> -> memref<1x1280x32xf32, #tpu.memory_space<vmem>>
    %dma_start3A_225 = tpu.memref_squeeze %dma_start3A_224 : memref<1x1280x32xf32, #tpu.memory_space<vmem>> -> memref<1280x32xf32, #tpu.memory_space<vmem>>
    %dma_start3A_226 = arith.constant 0 : i32
    %dma_start3A_227 = tpu.memref_slice %arg5[%dma_start3A_220, %dma_start3A_226] : memref<20x1280xi32, #tpu.memory_space<vmem>> -> memref<1x1280xi32, #tpu.memory_space<vmem>>
    %dma_start3A_228 = tpu.memref_squeeze %dma_start3A_227 : memref<1x1280xi32, #tpu.memory_space<vmem>> -> memref<1280xi32, #tpu.memory_space<vmem>>
    %dma_start3A_229 = arith.constant 0 : i32
    %dma_start3A_230 = arith.constant 0 : i32
    %dma_start3A_231 = tpu.memref_slice %arg2[%dma_start3A_229, %dma_start3A_230] : memref<1000000x32xf32, #tpu.memory_space<hbm>> -> memref<1000000x32xf32, #tpu.memory_space<hbm>>
    tpu.enqueue_indirect_dma source(%dma_start3A_231 : memref<1000000x32xf32, #tpu.memory_space<hbm>>) target(%dma_start3A_225 : memref<1280x32xf32, #tpu.memory_space<vmem>>) offsets(%dma_start3A_228 : memref<1280xi32, #tpu.memory_space<vmem>>) semaphore(%arg9 : memref<!tpu.dma_semaphore, #tpu.memory_space<semaphore_mem>>)
    %dma_wait3A_232 = arith.constant 4 : i32
    %dma_wait3A_233 = arith.constant 0 : i32
    %dma_wait3A_234 = arith.constant 0 : i32
    %dma_wait3A_235 = arith.constant 0 : i32
    %dma_wait3A_236 = tpu.memref_slice %arg6[%dma_wait3A_233, %dma_wait3A_234, %dma_wait3A_235] : memref<2x1280x32xf32, #tpu.memory_space<vmem>> -> memref<1x1280x32xf32, #tpu.memory_space<vmem>>
    %dma_wait3A_237 = tpu.memref_squeeze %dma_wait3A_236 : memref<1x1280x32xf32, #tpu.memory_space<vmem>> -> memref<1280x32xf32, #tpu.memory_space<vmem>>
    %dma_wait3A_238 = arith.constant 0 : i32
    %dma_wait3A_239 = tpu.memref_slice %arg5[%dma_wait3A_232, %dma_wait3A_238] : memref<20x1280xi32, #tpu.memory_space<vmem>> -> memref<1x1280xi32, #tpu.memory_space<vmem>>
    %dma_wait3A_240 = tpu.memref_squeeze %dma_wait3A_239 : memref<1x1280xi32, #tpu.memory_space<vmem>> -> memref<1280xi32, #tpu.memory_space<vmem>>
    %dma_wait3A_241 = arith.constant 0 : i32
    %dma_wait3A_242 = arith.constant 0 : i32
    %dma_wait3A_243 = tpu.memref_slice %arg2[%dma_wait3A_241, %dma_wait3A_242] : memref<1000000x32xf32, #tpu.memory_space<hbm>> -> memref<1000000x32xf32, #tpu.memory_space<hbm>>
    tpu.wait_indirect_dma semaphore(%arg8 : memref<!tpu.dma_semaphore, #tpu.memory_space<semaphore_mem>>) src(%dma_wait3A_243 : memref<1000000x32xf32, #tpu.memory_space<hbm>>) dst(%dma_wait3A_237 : memref<1280x32xf32, #tpu.memory_space<vmem>>)
    %dma_wait3A_244 = arith.constant 0 : i32
    %dma_wait3A_245 = arith.constant 0 : i32
    %dma_wait3A_246 = arith.constant 0 : i32
    %dma_wait3A_247 = tpu.memref_slice %arg7[%dma_wait3A_244, %dma_wait3A_245, %dma_wait3A_246] : memref<2x320x32xf32, #tpu.memory_space<vmem>> -> memref<1x320x32xf32, #tpu.memory_space<vmem>>
    %dma_wait3A_248 = tpu.memref_squeeze %dma_wait3A_247 : memref<1x320x32xf32, #tpu.memory_space<vmem>> -> memref<320x32xf32, #tpu.memory_space<vmem>>
    %dma_wait3A_249 = arith.constant 0 : i32
    %dma_wait3A_250 = tpu.memref_slice %arg4[%add3A_148, %dma_wait3A_249] : memref<204800x32xf32, #tpu.memory_space<hbm>> -> memref<320x32xf32, #tpu.memory_space<hbm>>
    %dma_wait3A_251 = arith.constant 0 : i32
    %dma_wait3A_252 = tpu.memref_slice %arg4[%add3A_148, %dma_wait3A_251] : memref<204800x32xf32, #tpu.memory_space<hbm>> -> memref<320x32xf32, #tpu.memory_space<hbm>>
    %dma_wait3A_253 = arith.constant 0 : i32
    %dma_wait3A_254 = arith.constant 0 : i32
    %dma_wait3A_255 = tpu.memref_slice %arg7[%dma_wait3A_244, %dma_wait3A_253, %dma_wait3A_254] : memref<2x320x32xf32, #tpu.memory_space<vmem>> -> memref<1x320x32xf32, #tpu.memory_space<vmem>>
    %dma_wait3A_256 = tpu.memref_squeeze %dma_wait3A_255 : memref<1x320x32xf32, #tpu.memory_space<vmem>> -> memref<320x32xf32, #tpu.memory_space<vmem>>
    tpu.wait_dma2 semaphore(%arg10 : memref<!tpu.dma_semaphore, #tpu.memory_space<semaphore_mem>>) src(%dma_wait3A_256 : memref<320x32xf32, #tpu.memory_space<vmem>>) dst(%dma_wait3A_252 : memref<320x32xf32, #tpu.memory_space<hbm>>)
    %scan3A_257 = arith.constant 0 : i32
    %scan3A_258 = arith.constant 0 : i32
    %scan3A_259 = arith.constant 320 : i32
    %scan3A_260 = arith.addi %scan3A_258, %scan3A_259 : i32
    %scan3A_261 = arith.constant 1 : i32
    scf.for %scan3A_1162 = %scan3A_258 to %scan3A_260 step %scan3A_261  : i32 {
      %mul3A_1163 = arith.constant 4 : i32
      %mul3A_1164 = arith.muli %scan3A_1162, %mul3A_1163 : i32
      %get3A = arith.constant 0 : i32
      %get3A_1165 = arith.index_cast %get3A : i32 to index
      %get3A_1166 = arith.index_cast %mul3A_1164 : i32 to index
      %get3A_1167 = arith.constant 0 : index
      %get3A_1168 = tpu.vector_load %arg6[%get3A_1165, %get3A_1166, %get3A_1167] {strides = array<i32>} : memref<2x1280x32xf32, #tpu.memory_space<vmem>>, vector<1x1x16xf32>,
      %get3A_1169 = vector.shape_cast %get3A_1168 : vector<1x1x16xf32> to vector<16xf32>
      %add3A_1170 = arith.constant 1 : i32
      %add3A_1171 = arith.addi %mul3A_1164, %add3A_1170 : i32
      %get3A_1172 = arith.constant 0 : i32
      %get3A_1173 = arith.index_cast %get3A_1172 : i32 to index
      %get3A_1174 = arith.index_cast %add3A_1171 : i32 to index
      %get3A_1175 = arith.constant 0 : index
      %get3A_1176 = tpu.vector_load %arg6[%get3A_1173, %get3A_1174, %get3A_1175] {strides = array<i32>} : memref<2x1280x32xf32, #tpu.memory_space<vmem>>, vector<1x1x16xf32>,
      %get3A_1177 = vector.shape_cast %get3A_1176 : vector<1x1x16xf32> to vector<16xf32>
      %add3A_1178 = arith.addf %get3A_1169, %get3A_1177 : vector<16xf32>
      %add3A_1179 = arith.constant 2 : i32
      %add3A_1180 = arith.addi %mul3A_1164, %add3A_1179 : i32
      %get3A_1181 = arith.constant 0 : i32
      %get3A_1182 = arith.index_cast %get3A_1181 : i32 to index
      %get3A_1183 = arith.index_cast %add3A_1180 : i32 to index
      %get3A_1184 = arith.constant 0 : index
      %get3A_1185 = tpu.vector_load %arg6[%get3A_1182, %get3A_1183, %get3A_1184] {strides = array<i32>} : memref<2x1280x32xf32, #tpu.memory_space<vmem>>, vector<1x1x16xf32>,
      %get3A_1186 = vector.shape_cast %get3A_1185 : vector<1x1x16xf32> to vector<16xf32>
      %add3A_1187 = arith.addf %add3A_1178, %get3A_1186 : vector<16xf32>
      %add3A_1188 = arith.constant 3 : i32
      %add3A_1189 = arith.addi %mul3A_1164, %add3A_1188 : i32
      %get3A_1190 = arith.constant 0 : i32
      %get3A_1191 = arith.index_cast %get3A_1190 : i32 to index
      %get3A_1192 = arith.index_cast %add3A_1189 : i32 to index
      %get3A_1193 = arith.constant 0 : index
      %get3A_1194 = tpu.vector_load %arg6[%get3A_1191, %get3A_1192, %get3A_1193] {strides = array<i32>} : memref<2x1280x32xf32, #tpu.memory_space<vmem>>, vector<1x1x16xf32>,
      %get3A_1195 = vector.shape_cast %get3A_1194 : vector<1x1x16xf32> to vector<16xf32>
      %add3A_1196 = arith.addf %add3A_1187, %get3A_1195 : vector<16xf32>
      %swap3A = arith.constant 0 : i32
      %swap3A_1197 = arith.index_cast %swap3A : i32 to index
      %swap3A_1198 = arith.index_cast %scan3A_1162 : i32 to index
      %swap3A_1199 = arith.constant 0 : index
      %swap3A_1200 = tpu.vector_load %arg7[%swap3A_1197, %swap3A_1198, %swap3A_1199] {strides = array<i32>} : memref<2x320x32xf32, #tpu.memory_space<vmem>>, vector<1x1x16xf32>,
      %swap3A_1201 = vector.shape_cast %swap3A_1200 : vector<1x1x16xf32> to vector<16xf32>
      %swap3A_1202 = vector.shape_cast %add3A_1196 : vector<16xf32> to vector<1x1x16xf32>
      tpu.vector_store %arg7[%swap3A_1197, %swap3A_1198, %swap3A_1199], %swap3A_1202 {strides = array<i32>} : memref<2x320x32xf32, #tpu.memory_space<vmem>>, vector<1x1x16xf32>,
      %get3A_1203 = arith.constant 0 : i32
      %get3A_1204 = arith.index_cast %get3A_1203 : i32 to index
      %get3A_1205 = arith.index_cast %mul3A_1164 : i32 to index
      %get3A_1206 = arith.constant 16 : index
      %get3A_1207 = tpu.vector_load %arg6[%get3A_1204, %get3A_1205, %get3A_1206] {strides = array<i32>} : memref<2x1280x32xf32, #tpu.memory_space<vmem>>, vector<1x1x16xf32>,
      %get3A_1208 = vector.shape_cast %get3A_1207 : vector<1x1x16xf32> to vector<16xf32>
      %add3A_1209 = arith.constant 1 : i32
      %add3A_1210 = arith.addi %mul3A_1164, %add3A_1209 : i32
      %get3A_1211 = arith.constant 0 : i32
      %get3A_1212 = arith.index_cast %get3A_1211 : i32 to index
      %get3A_1213 = arith.index_cast %add3A_1210 : i32 to index
      %get3A_1214 = arith.constant 16 : index
      %get3A_1215 = tpu.vector_load %arg6[%get3A_1212, %get3A_1213, %get3A_1214] {strides = array<i32>} : memref<2x1280x32xf32, #tpu.memory_space<vmem>>, vector<1x1x16xf32>,
      %get3A_1216 = vector.shape_cast %get3A_1215 : vector<1x1x16xf32> to vector<16xf32>
      %add3A_1217 = arith.addf %get3A_1208, %get3A_1216 : vector<16xf32>
      %add3A_1218 = arith.constant 2 : i32
      %add3A_1219 = arith.addi %mul3A_1164, %add3A_1218 : i32
      %get3A_1220 = arith.constant 0 : i32
      %get3A_1221 = arith.index_cast %get3A_1220 : i32 to index
      %get3A_1222 = arith.index_cast %add3A_1219 : i32 to index
      %get3A_1223 = arith.constant 16 : index
      %get3A_1224 = tpu.vector_load %arg6[%get3A_1221, %get3A_1222, %get3A_1223] {strides = array<i32>} : memref<2x1280x32xf32, #tpu.memory_space<vmem>>, vector<1x1x16xf32>,
      %get3A_1225 = vector.shape_cast %get3A_1224 : vector<1x1x16xf32> to vector<16xf32>
      %add3A_1226 = arith.addf %add3A_1217, %get3A_1225 : vector<16xf32>
      %add3A_1227 = arith.constant 3 : i32
      %add3A_1228 = arith.addi %mul3A_1164, %add3A_1227 : i32
      %get3A_1229 = arith.constant 0 : i32
      %get3A_1230 = arith.index_cast %get3A_1229 : i32 to index
      %get3A_1231 = arith.index_cast %add3A_1228 : i32 to index
      %get3A_1232 = arith.constant 16 : index
      %get3A_1233 = tpu.vector_load %arg6[%get3A_1230, %get3A_1231, %get3A_1232] {strides = array<i32>} : memref<2x1280x32xf32, #tpu.memory_space<vmem>>, vector<1x1x16xf32>,
      %get3A_1234 = vector.shape_cast %get3A_1233 : vector<1x1x16xf32> to vector<16xf32>
      %add3A_1235 = arith.addf %add3A_1226, %get3A_1234 : vector<16xf32>
      %swap3A_1236 = arith.constant 0 : i32
      %swap3A_1237 = arith.index_cast %swap3A_1236 : i32 to index
      %swap3A_1238 = arith.index_cast %scan3A_1162 : i32 to index
      %swap3A_1239 = arith.constant 16 : index
      %swap3A_1240 = tpu.vector_load %arg7[%swap3A_1237, %swap3A_1238, %swap3A_1239] {strides = array<i32>} : memref<2x320x32xf32, #tpu.memory_space<vmem>>, vector<1x1x16xf32>,
      %swap3A_1241 = vector.shape_cast %swap3A_1240 : vector<1x1x16xf32> to vector<16xf32>
      %swap3A_1242 = vector.shape_cast %add3A_1235 : vector<16xf32> to vector<1x1x16xf32>
      tpu.vector_store %arg7[%swap3A_1237, %swap3A_1238, %swap3A_1239], %swap3A_1242 {strides = array<i32>} : memref<2x320x32xf32, #tpu.memory_space<vmem>>, vector<1x1x16xf32>,
    }
    %scan3A_262 = arith.constant 320 : i32
    %add3A_263 = arith.constant 1280 : i32
    %add3A_264 = arith.addi %mul3A_4, %add3A_263 : i32
    %dma_start3A_265 = arith.constant 0 : i32
    %dma_start3A_266 = arith.constant 0 : i32
    %dma_start3A_267 = arith.constant 0 : i32
    %dma_start3A_268 = tpu.memref_slice %arg7[%dma_start3A_265, %dma_start3A_266, %dma_start3A_267] : memref<2x320x32xf32, #tpu.memory_space<vmem>> -> memref<1x320x32xf32, #tpu.memory_space<vmem>>
    %dma_start3A_269 = tpu.memref_squeeze %dma_start3A_268 : memref<1x320x32xf32, #tpu.memory_space<vmem>> -> memref<320x32xf32, #tpu.memory_space<vmem>>
    %dma_start3A_270 = arith.constant 0 : i32
    %dma_start3A_271 = tpu.memref_slice %arg4[%add3A_264, %dma_start3A_270] : memref<204800x32xf32, #tpu.memory_space<hbm>> -> memref<320x32xf32, #tpu.memory_space<hbm>>
    %dma_start3A_272 = arith.constant 0 : i32
    %dma_start3A_273 = tpu.memref_slice %arg4[%add3A_264, %dma_start3A_272] : memref<204800x32xf32, #tpu.memory_space<hbm>> -> memref<320x32xf32, #tpu.memory_space<hbm>>
    %dma_start3A_274 = arith.constant 0 : i32
    %dma_start3A_275 = arith.constant 0 : i32
    %dma_start3A_276 = tpu.memref_slice %arg7[%dma_start3A_265, %dma_start3A_274, %dma_start3A_275] : memref<2x320x32xf32, #tpu.memory_space<vmem>> -> memref<1x320x32xf32, #tpu.memory_space<vmem>>
    %dma_start3A_277 = tpu.memref_squeeze %dma_start3A_276 : memref<1x320x32xf32, #tpu.memory_space<vmem>> -> memref<320x32xf32, #tpu.memory_space<vmem>>
    tpu.enqueue_dma source(%dma_start3A_277 : memref<320x32xf32, #tpu.memory_space<vmem>>) target(%dma_start3A_273 : memref<320x32xf32, #tpu.memory_space<hbm>>) target_semaphore(%arg10 : memref<!tpu.dma_semaphore, #tpu.memory_space<semaphore_mem>>)
    %dma_start3A_278 = arith.constant 6 : i32
    %dma_start3A_279 = arith.constant 0 : i32
    %dma_start3A_280 = arith.constant 0 : i32
    %dma_start3A_281 = arith.constant 0 : i32
    %dma_start3A_282 = tpu.memref_slice %arg6[%dma_start3A_279, %dma_start3A_280, %dma_start3A_281] : memref<2x1280x32xf32, #tpu.memory_space<vmem>> -> memref<1x1280x32xf32, #tpu.memory_space<vmem>>
    %dma_start3A_283 = tpu.memref_squeeze %dma_start3A_282 : memref<1x1280x32xf32, #tpu.memory_space<vmem>> -> memref<1280x32xf32, #tpu.memory_space<vmem>>
    %dma_start3A_284 = arith.constant 0 : i32
    %dma_start3A_285 = tpu.memref_slice %arg5[%dma_start3A_278, %dma_start3A_284] : memref<20x1280xi32, #tpu.memory_space<vmem>> -> memref<1x1280xi32, #tpu.memory_space<vmem>>
    %dma_start3A_286 = tpu.memref_squeeze %dma_start3A_285 : memref<1x1280xi32, #tpu.memory_space<vmem>> -> memref<1280xi32, #tpu.memory_space<vmem>>
    %dma_start3A_287 = arith.constant 0 : i32
    %dma_start3A_288 = arith.constant 0 : i32
    %dma_start3A_289 = tpu.memref_slice %arg2[%dma_start3A_287, %dma_start3A_288] : memref<1000000x32xf32, #tpu.memory_space<hbm>> -> memref<1000000x32xf32, #tpu.memory_space<hbm>>
    tpu.enqueue_indirect_dma source(%dma_start3A_289 : memref<1000000x32xf32, #tpu.memory_space<hbm>>) target(%dma_start3A_283 : memref<1280x32xf32, #tpu.memory_space<vmem>>) offsets(%dma_start3A_286 : memref<1280xi32, #tpu.memory_space<vmem>>) semaphore(%arg8 : memref<!tpu.dma_semaphore, #tpu.memory_space<semaphore_mem>>)
    %dma_wait3A_290 = arith.constant 5 : i32
    %dma_wait3A_291 = arith.constant 1 : i32
    %dma_wait3A_292 = arith.constant 0 : i32
    %dma_wait3A_293 = arith.constant 0 : i32
    %dma_wait3A_294 = tpu.memref_slice %arg6[%dma_wait3A_291, %dma_wait3A_292, %dma_wait3A_293] : memref<2x1280x32xf32, #tpu.memory_space<vmem>> -> memref<1x1280x32xf32, #tpu.memory_space<vmem>>
    %dma_wait3A_295 = tpu.memref_squeeze %dma_wait3A_294 : memref<1x1280x32xf32, #tpu.memory_space<vmem>> -> memref<1280x32xf32, #tpu.memory_space<vmem>>
    %dma_wait3A_296 = arith.constant 0 : i32
    %dma_wait3A_297 = tpu.memref_slice %arg5[%dma_wait3A_290, %dma_wait3A_296] : memref<20x1280xi32, #tpu.memory_space<vmem>> -> memref<1x1280xi32, #tpu.memory_space<vmem>>
    %dma_wait3A_298 = tpu.memref_squeeze %dma_wait3A_297 : memref<1x1280xi32, #tpu.memory_space<vmem>> -> memref<1280xi32, #tpu.memory_space<vmem>>
    %dma_wait3A_299 = arith.constant 0 : i32
    %dma_wait3A_300 = arith.constant 0 : i32
    %dma_wait3A_301 = tpu.memref_slice %arg2[%dma_wait3A_299, %dma_wait3A_300] : memref<1000000x32xf32, #tpu.memory_space<hbm>> -> memref<1000000x32xf32, #tpu.memory_space<hbm>>
    tpu.wait_indirect_dma semaphore(%arg9 : memref<!tpu.dma_semaphore, #tpu.memory_space<semaphore_mem>>) src(%dma_wait3A_301 : memref<1000000x32xf32, #tpu.memory_space<hbm>>) dst(%dma_wait3A_295 : memref<1280x32xf32, #tpu.memory_space<vmem>>)
    %dma_wait3A_302 = arith.constant 1 : i32
    %dma_wait3A_303 = arith.constant 0 : i32
    %dma_wait3A_304 = arith.constant 0 : i32
    %dma_wait3A_305 = tpu.memref_slice %arg7[%dma_wait3A_302, %dma_wait3A_303, %dma_wait3A_304] : memref<2x320x32xf32, #tpu.memory_space<vmem>> -> memref<1x320x32xf32, #tpu.memory_space<vmem>>
    %dma_wait3A_306 = tpu.memref_squeeze %dma_wait3A_305 : memref<1x320x32xf32, #tpu.memory_space<vmem>> -> memref<320x32xf32, #tpu.memory_space<vmem>>
    %dma_wait3A_307 = arith.constant 0 : i32
    %dma_wait3A_308 = tpu.memref_slice %arg4[%add3A_206, %dma_wait3A_307] : memref<204800x32xf32, #tpu.memory_space<hbm>> -> memref<320x32xf32, #tpu.memory_space<hbm>>
    %dma_wait3A_309 = arith.constant 0 : i32
    %dma_wait3A_310 = tpu.memref_slice %arg4[%add3A_206, %dma_wait3A_309] : memref<204800x32xf32, #tpu.memory_space<hbm>> -> memref<320x32xf32, #tpu.memory_space<hbm>>
    %dma_wait3A_311 = arith.constant 0 : i32
    %dma_wait3A_312 = arith.constant 0 : i32
    %dma_wait3A_313 = tpu.memref_slice %arg7[%dma_wait3A_302, %dma_wait3A_311, %dma_wait3A_312] : memref<2x320x32xf32, #tpu.memory_space<vmem>> -> memref<1x320x32xf32, #tpu.memory_space<vmem>>
    %dma_wait3A_314 = tpu.memref_squeeze %dma_wait3A_313 : memref<1x320x32xf32, #tpu.memory_space<vmem>> -> memref<320x32xf32, #tpu.memory_space<vmem>>
    tpu.wait_dma2 semaphore(%arg11 : memref<!tpu.dma_semaphore, #tpu.memory_space<semaphore_mem>>) src(%dma_wait3A_314 : memref<320x32xf32, #tpu.memory_space<vmem>>) dst(%dma_wait3A_310 : memref<320x32xf32, #tpu.memory_space<hbm>>)
    %scan3A_315 = arith.constant 0 : i32
    %scan3A_316 = arith.constant 0 : i32
    %scan3A_317 = arith.constant 320 : i32
    %scan3A_318 = arith.addi %scan3A_316, %scan3A_317 : i32
    %scan3A_319 = arith.constant 1 : i32
    scf.for %scan3A_1162 = %scan3A_316 to %scan3A_318 step %scan3A_319  : i32 {
      %mul3A_1163 = arith.constant 4 : i32
      %mul3A_1164 = arith.muli %scan3A_1162, %mul3A_1163 : i32
      %get3A = arith.constant 1 : i32
      %get3A_1165 = arith.index_cast %get3A : i32 to index
      %get3A_1166 = arith.index_cast %mul3A_1164 : i32 to index
      %get3A_1167 = arith.constant 0 : index
      %get3A_1168 = tpu.vector_load %arg6[%get3A_1165, %get3A_1166, %get3A_1167] {strides = array<i32>} : memref<2x1280x32xf32, #tpu.memory_space<vmem>>, vector<1x1x16xf32>,
      %get3A_1169 = vector.shape_cast %get3A_1168 : vector<1x1x16xf32> to vector<16xf32>
      %add3A_1170 = arith.constant 1 : i32
      %add3A_1171 = arith.addi %mul3A_1164, %add3A_1170 : i32
      %get3A_1172 = arith.constant 1 : i32
      %get3A_1173 = arith.index_cast %get3A_1172 : i32 to index
      %get3A_1174 = arith.index_cast %add3A_1171 : i32 to index
      %get3A_1175 = arith.constant 0 : index
      %get3A_1176 = tpu.vector_load %arg6[%get3A_1173, %get3A_1174, %get3A_1175] {strides = array<i32>} : memref<2x1280x32xf32, #tpu.memory_space<vmem>>, vector<1x1x16xf32>,
      %get3A_1177 = vector.shape_cast %get3A_1176 : vector<1x1x16xf32> to vector<16xf32>
      %add3A_1178 = arith.addf %get3A_1169, %get3A_1177 : vector<16xf32>
      %add3A_1179 = arith.constant 2 : i32
      %add3A_1180 = arith.addi %mul3A_1164, %add3A_1179 : i32
      %get3A_1181 = arith.constant 1 : i32
      %get3A_1182 = arith.index_cast %get3A_1181 : i32 to index
      %get3A_1183 = arith.index_cast %add3A_1180 : i32 to index
      %get3A_1184 = arith.constant 0 : index
      %get3A_1185 = tpu.vector_load %arg6[%get3A_1182, %get3A_1183, %get3A_1184] {strides = array<i32>} : memref<2x1280x32xf32, #tpu.memory_space<vmem>>, vector<1x1x16xf32>,
      %get3A_1186 = vector.shape_cast %get3A_1185 : vector<1x1x16xf32> to vector<16xf32>
      %add3A_1187 = arith.addf %add3A_1178, %get3A_1186 : vector<16xf32>
      %add3A_1188 = arith.constant 3 : i32
      %add3A_1189 = arith.addi %mul3A_1164, %add3A_1188 : i32
      %get3A_1190 = arith.constant 1 : i32
      %get3A_1191 = arith.index_cast %get3A_1190 : i32 to index
      %get3A_1192 = arith.index_cast %add3A_1189 : i32 to index
      %get3A_1193 = arith.constant 0 : index
      %get3A_1194 = tpu.vector_load %arg6[%get3A_1191, %get3A_1192, %get3A_1193] {strides = array<i32>} : memref<2x1280x32xf32, #tpu.memory_space<vmem>>, vector<1x1x16xf32>,
      %get3A_1195 = vector.shape_cast %get3A_1194 : vector<1x1x16xf32> to vector<16xf32>
      %add3A_1196 = arith.addf %add3A_1187, %get3A_1195 : vector<16xf32>
      %swap3A = arith.constant 1 : i32
      %swap3A_1197 = arith.index_cast %swap3A : i32 to index
      %swap3A_1198 = arith.index_cast %scan3A_1162 : i32 to index
      %swap3A_1199 = arith.constant 0 : index
      %swap3A_1200 = tpu.vector_load %arg7[%swap3A_1197, %swap3A_1198, %swap3A_1199] {strides = array<i32>} : memref<2x320x32xf32, #tpu.memory_space<vmem>>, vector<1x1x16xf32>,
      %swap3A_1201 = vector.shape_cast %swap3A_1200 : vector<1x1x16xf32> to vector<16xf32>
      %swap3A_1202 = vector.shape_cast %add3A_1196 : vector<16xf32> to vector<1x1x16xf32>
      tpu.vector_store %arg7[%swap3A_1197, %swap3A_1198, %swap3A_1199], %swap3A_1202 {strides = array<i32>} : memref<2x320x32xf32, #tpu.memory_space<vmem>>, vector<1x1x16xf32>,
      %get3A_1203 = arith.constant 1 : i32
      %get3A_1204 = arith.index_cast %get3A_1203 : i32 to index
      %get3A_1205 = arith.index_cast %mul3A_1164 : i32 to index
      %get3A_1206 = arith.constant 16 : index
      %get3A_1207 = tpu.vector_load %arg6[%get3A_1204, %get3A_1205, %get3A_1206] {strides = array<i32>} : memref<2x1280x32xf32, #tpu.memory_space<vmem>>, vector<1x1x16xf32>,
      %get3A_1208 = vector.shape_cast %get3A_1207 : vector<1x1x16xf32> to vector<16xf32>
      %add3A_1209 = arith.constant 1 : i32
      %add3A_1210 = arith.addi %mul3A_1164, %add3A_1209 : i32
      %get3A_1211 = arith.constant 1 : i32
      %get3A_1212 = arith.index_cast %get3A_1211 : i32 to index
      %get3A_1213 = arith.index_cast %add3A_1210 : i32 to index
      %get3A_1214 = arith.constant 16 : index
      %get3A_1215 = tpu.vector_load %arg6[%get3A_1212, %get3A_1213, %get3A_1214] {strides = array<i32>} : memref<2x1280x32xf32, #tpu.memory_space<vmem>>, vector<1x1x16xf32>,
      %get3A_1216 = vector.shape_cast %get3A_1215 : vector<1x1x16xf32> to vector<16xf32>
      %add3A_1217 = arith.addf %get3A_1208, %get3A_1216 : vector<16xf32>
      %add3A_1218 = arith.constant 2 : i32
      %add3A_1219 = arith.addi %mul3A_1164, %add3A_1218 : i32
      %get3A_1220 = arith.constant 1 : i32
      %get3A_1221 = arith.index_cast %get3A_1220 : i32 to index
      %get3A_1222 = arith.index_cast %add3A_1219 : i32 to index
      %get3A_1223 = arith.constant 16 : index
      %get3A_1224 = tpu.vector_load %arg6[%get3A_1221, %get3A_1222, %get3A_1223] {strides = array<i32>} : memref<2x1280x32xf32, #tpu.memory_space<vmem>>, vector<1x1x16xf32>,
      %get3A_1225 = vector.shape_cast %get3A_1224 : vector<1x1x16xf32> to vector<16xf32>
      %add3A_1226 = arith.addf %add3A_1217, %get3A_1225 : vector<16xf32>
      %add3A_1227 = arith.constant 3 : i32
      %add3A_1228 = arith.addi %mul3A_1164, %add3A_1227 : i32
      %get3A_1229 = arith.constant 1 : i32
      %get3A_1230 = arith.index_cast %get3A_1229 : i32 to index
      %get3A_1231 = arith.index_cast %add3A_1228 : i32 to index
      %get3A_1232 = arith.constant 16 : index
      %get3A_1233 = tpu.vector_load %arg6[%get3A_1230, %get3A_1231, %get3A_1232] {strides = array<i32>} : memref<2x1280x32xf32, #tpu.memory_space<vmem>>, vector<1x1x16xf32>,
      %get3A_1234 = vector.shape_cast %get3A_1233 : vector<1x1x16xf32> to vector<16xf32>
      %add3A_1235 = arith.addf %add3A_1226, %get3A_1234 : vector<16xf32>
      %swap3A_1236 = arith.constant 1 : i32
      %swap3A_1237 = arith.index_cast %swap3A_1236 : i32 to index
      %swap3A_1238 = arith.index_cast %scan3A_1162 : i32 to index
      %swap3A_1239 = arith.constant 16 : index
      %swap3A_1240 = tpu.vector_load %arg7[%swap3A_1237, %swap3A_1238, %swap3A_1239] {strides = array<i32>} : memref<2x320x32xf32, #tpu.memory_space<vmem>>, vector<1x1x16xf32>,
      %swap3A_1241 = vector.shape_cast %swap3A_1240 : vector<1x1x16xf32> to vector<16xf32>
      %swap3A_1242 = vector.shape_cast %add3A_1235 : vector<16xf32> to vector<1x1x16xf32>
      tpu.vector_store %arg7[%swap3A_1237, %swap3A_1238, %swap3A_1239], %swap3A_1242 {strides = array<i32>} : memref<2x320x32xf32, #tpu.memory_space<vmem>>, vector<1x1x16xf32>,
    }
    %scan3A_320 = arith.constant 320 : i32
    %add3A_321 = arith.constant 1600 : i32
    %add3A_322 = arith.addi %mul3A_4, %add3A_321 : i32
    %dma_start3A_323 = arith.constant 1 : i32
    %dma_start3A_324 = arith.constant 0 : i32
    %dma_start3A_325 = arith.constant 0 : i32
    %dma_start3A_326 = tpu.memref_slice %arg7[%dma_start3A_323, %dma_start3A_324, %dma_start3A_325] : memref<2x320x32xf32, #tpu.memory_space<vmem>> -> memref<1x320x32xf32, #tpu.memory_space<vmem>>
    %dma_start3A_327 = tpu.memref_squeeze %dma_start3A_326 : memref<1x320x32xf32, #tpu.memory_space<vmem>> -> memref<320x32xf32, #tpu.memory_space<vmem>>
    %dma_start3A_328 = arith.constant 0 : i32
    %dma_start3A_329 = tpu.memref_slice %arg4[%add3A_322, %dma_start3A_328] : memref<204800x32xf32, #tpu.memory_space<hbm>> -> memref<320x32xf32, #tpu.memory_space<hbm>>
    %dma_start3A_330 = arith.constant 0 : i32
    %dma_start3A_331 = tpu.memref_slice %arg4[%add3A_322, %dma_start3A_330] : memref<204800x32xf32, #tpu.memory_space<hbm>> -> memref<320x32xf32, #tpu.memory_space<hbm>>
    %dma_start3A_332 = arith.constant 0 : i32
    %dma_start3A_333 = arith.constant 0 : i32
    %dma_start3A_334 = tpu.memref_slice %arg7[%dma_start3A_323, %dma_start3A_332, %dma_start3A_333] : memref<2x320x32xf32, #tpu.memory_space<vmem>> -> memref<1x320x32xf32, #tpu.memory_space<vmem>>
    %dma_start3A_335 = tpu.memref_squeeze %dma_start3A_334 : memref<1x320x32xf32, #tpu.memory_space<vmem>> -> memref<320x32xf32, #tpu.memory_space<vmem>>
    tpu.enqueue_dma source(%dma_start3A_335 : memref<320x32xf32, #tpu.memory_space<vmem>>) target(%dma_start3A_331 : memref<320x32xf32, #tpu.memory_space<hbm>>) target_semaphore(%arg11 : memref<!tpu.dma_semaphore, #tpu.memory_space<semaphore_mem>>)
    %dma_start3A_336 = arith.constant 7 : i32
    %dma_start3A_337 = arith.constant 1 : i32
    %dma_start3A_338 = arith.constant 0 : i32
    %dma_start3A_339 = arith.constant 0 : i32
    %dma_start3A_340 = tpu.memref_slice %arg6[%dma_start3A_337, %dma_start3A_338, %dma_start3A_339] : memref<2x1280x32xf32, #tpu.memory_space<vmem>> -> memref<1x1280x32xf32, #tpu.memory_space<vmem>>
    %dma_start3A_341 = tpu.memref_squeeze %dma_start3A_340 : memref<1x1280x32xf32, #tpu.memory_space<vmem>> -> memref<1280x32xf32, #tpu.memory_space<vmem>>
    %dma_start3A_342 = arith.constant 0 : i32
    %dma_start3A_343 = tpu.memref_slice %arg5[%dma_start3A_336, %dma_start3A_342] : memref<20x1280xi32, #tpu.memory_space<vmem>> -> memref<1x1280xi32, #tpu.memory_space<vmem>>
    %dma_start3A_344 = tpu.memref_squeeze %dma_start3A_343 : memref<1x1280xi32, #tpu.memory_space<vmem>> -> memref<1280xi32, #tpu.memory_space<vmem>>
    %dma_start3A_345 = arith.constant 0 : i32
    %dma_start3A_346 = arith.constant 0 : i32
    %dma_start3A_347 = tpu.memref_slice %arg2[%dma_start3A_345, %dma_start3A_346] : memref<1000000x32xf32, #tpu.memory_space<hbm>> -> memref<1000000x32xf32, #tpu.memory_space<hbm>>
    tpu.enqueue_indirect_dma source(%dma_start3A_347 : memref<1000000x32xf32, #tpu.memory_space<hbm>>) target(%dma_start3A_341 : memref<1280x32xf32, #tpu.memory_space<vmem>>) offsets(%dma_start3A_344 : memref<1280xi32, #tpu.memory_space<vmem>>) semaphore(%arg9 : memref<!tpu.dma_semaphore, #tpu.memory_space<semaphore_mem>>)
    %dma_wait3A_348 = arith.constant 6 : i32
    %dma_wait3A_349 = arith.constant 0 : i32
    %dma_wait3A_350 = arith.constant 0 : i32
    %dma_wait3A_351 = arith.constant 0 : i32
    %dma_wait3A_352 = tpu.memref_slice %arg6[%dma_wait3A_349, %dma_wait3A_350, %dma_wait3A_351] : memref<2x1280x32xf32, #tpu.memory_space<vmem>> -> memref<1x1280x32xf32, #tpu.memory_space<vmem>>
    %dma_wait3A_353 = tpu.memref_squeeze %dma_wait3A_352 : memref<1x1280x32xf32, #tpu.memory_space<vmem>> -> memref<1280x32xf32, #tpu.memory_space<vmem>>
    %dma_wait3A_354 = arith.constant 0 : i32
    %dma_wait3A_355 = tpu.memref_slice %arg5[%dma_wait3A_348, %dma_wait3A_354] : memref<20x1280xi32, #tpu.memory_space<vmem>> -> memref<1x1280xi32, #tpu.memory_space<vmem>>
    %dma_wait3A_356 = tpu.memref_squeeze %dma_wait3A_355 : memref<1x1280xi32, #tpu.memory_space<vmem>> -> memref<1280xi32, #tpu.memory_space<vmem>>
    %dma_wait3A_357 = arith.constant 0 : i32
    %dma_wait3A_358 = arith.constant 0 : i32
    %dma_wait3A_359 = tpu.memref_slice %arg2[%dma_wait3A_357, %dma_wait3A_358] : memref<1000000x32xf32, #tpu.memory_space<hbm>> -> memref<1000000x32xf32, #tpu.memory_space<hbm>>
    tpu.wait_indirect_dma semaphore(%arg8 : memref<!tpu.dma_semaphore, #tpu.memory_space<semaphore_mem>>) src(%dma_wait3A_359 : memref<1000000x32xf32, #tpu.memory_space<hbm>>) dst(%dma_wait3A_353 : memref<1280x32xf32, #tpu.memory_space<vmem>>)
    %dma_wait3A_360 = arith.constant 0 : i32
    %dma_wait3A_361 = arith.constant 0 : i32
    %dma_wait3A_362 = arith.constant 0 : i32
    %dma_wait3A_363 = tpu.memref_slice %arg7[%dma_wait3A_360, %dma_wait3A_361, %dma_wait3A_362] : memref<2x320x32xf32, #tpu.memory_space<vmem>> -> memref<1x320x32xf32, #tpu.memory_space<vmem>>
    %dma_wait3A_364 = tpu.memref_squeeze %dma_wait3A_363 : memref<1x320x32xf32, #tpu.memory_space<vmem>> -> memref<320x32xf32, #tpu.memory_space<vmem>>
    %dma_wait3A_365 = arith.constant 0 : i32
    %dma_wait3A_366 = tpu.memref_slice %arg4[%add3A_264, %dma_wait3A_365] : memref<204800x32xf32, #tpu.memory_space<hbm>> -> memref<320x32xf32, #tpu.memory_space<hbm>>
    %dma_wait3A_367 = arith.constant 0 : i32
    %dma_wait3A_368 = tpu.memref_slice %arg4[%add3A_264, %dma_wait3A_367] : memref<204800x32xf32, #tpu.memory_space<hbm>> -> memref<320x32xf32, #tpu.memory_space<hbm>>
    %dma_wait3A_369 = arith.constant 0 : i32
    %dma_wait3A_370 = arith.constant 0 : i32
    %dma_wait3A_371 = tpu.memref_slice %arg7[%dma_wait3A_360, %dma_wait3A_369, %dma_wait3A_370] : memref<2x320x32xf32, #tpu.memory_space<vmem>> -> memref<1x320x32xf32, #tpu.memory_space<vmem>>
    %dma_wait3A_372 = tpu.memref_squeeze %dma_wait3A_371 : memref<1x320x32xf32, #tpu.memory_space<vmem>> -> memref<320x32xf32, #tpu.memory_space<vmem>>
    tpu.wait_dma2 semaphore(%arg10 : memref<!tpu.dma_semaphore, #tpu.memory_space<semaphore_mem>>) src(%dma_wait3A_372 : memref<320x32xf32, #tpu.memory_space<vmem>>) dst(%dma_wait3A_368 : memref<320x32xf32, #tpu.memory_space<hbm>>)
    %scan3A_373 = arith.constant 0 : i32
    %scan3A_374 = arith.constant 0 : i32
    %scan3A_375 = arith.constant 320 : i32
    %scan3A_376 = arith.addi %scan3A_374, %scan3A_375 : i32
    %scan3A_377 = arith.constant 1 : i32
    scf.for %scan3A_1162 = %scan3A_374 to %scan3A_376 step %scan3A_377  : i32 {
      %mul3A_1163 = arith.constant 4 : i32
      %mul3A_1164 = arith.muli %scan3A_1162, %mul3A_1163 : i32
      %get3A = arith.constant 0 : i32
      %get3A_1165 = arith.index_cast %get3A : i32 to index
      %get3A_1166 = arith.index_cast %mul3A_1164 : i32 to index
      %get3A_1167 = arith.constant 0 : index
      %get3A_1168 = tpu.vector_load %arg6[%get3A_1165, %get3A_1166, %get3A_1167] {strides = array<i32>} : memref<2x1280x32xf32, #tpu.memory_space<vmem>>, vector<1x1x16xf32>,
      %get3A_1169 = vector.shape_cast %get3A_1168 : vector<1x1x16xf32> to vector<16xf32>
      %add3A_1170 = arith.constant 1 : i32
      %add3A_1171 = arith.addi %mul3A_1164, %add3A_1170 : i32
      %get3A_1172 = arith.constant 0 : i32
      %get3A_1173 = arith.index_cast %get3A_1172 : i32 to index
      %get3A_1174 = arith.index_cast %add3A_1171 : i32 to index
      %get3A_1175 = arith.constant 0 : index
      %get3A_1176 = tpu.vector_load %arg6[%get3A_1173, %get3A_1174, %get3A_1175] {strides = array<i32>} : memref<2x1280x32xf32, #tpu.memory_space<vmem>>, vector<1x1x16xf32>,
      %get3A_1177 = vector.shape_cast %get3A_1176 : vector<1x1x16xf32> to vector<16xf32>
      %add3A_1178 = arith.addf %get3A_1169, %get3A_1177 : vector<16xf32>
      %add3A_1179 = arith.constant 2 : i32
      %add3A_1180 = arith.addi %mul3A_1164, %add3A_1179 : i32
      %get3A_1181 = arith.constant 0 : i32
      %get3A_1182 = arith.index_cast %get3A_1181 : i32 to index
      %get3A_1183 = arith.index_cast %add3A_1180 : i32 to index
      %get3A_1184 = arith.constant 0 : index
      %get3A_1185 = tpu.vector_load %arg6[%get3A_1182, %get3A_1183, %get3A_1184] {strides = array<i32>} : memref<2x1280x32xf32, #tpu.memory_space<vmem>>, vector<1x1x16xf32>,
      %get3A_1186 = vector.shape_cast %get3A_1185 : vector<1x1x16xf32> to vector<16xf32>
      %add3A_1187 = arith.addf %add3A_1178, %get3A_1186 : vector<16xf32>
      %add3A_1188 = arith.constant 3 : i32
      %add3A_1189 = arith.addi %mul3A_1164, %add3A_1188 : i32
      %get3A_1190 = arith.constant 0 : i32
      %get3A_1191 = arith.index_cast %get3A_1190 : i32 to index
      %get3A_1192 = arith.index_cast %add3A_1189 : i32 to index
      %get3A_1193 = arith.constant 0 : index
      %get3A_1194 = tpu.vector_load %arg6[%get3A_1191, %get3A_1192, %get3A_1193] {strides = array<i32>} : memref<2x1280x32xf32, #tpu.memory_space<vmem>>, vector<1x1x16xf32>,
      %get3A_1195 = vector.shape_cast %get3A_1194 : vector<1x1x16xf32> to vector<16xf32>
      %add3A_1196 = arith.addf %add3A_1187, %get3A_1195 : vector<16xf32>
      %swap3A = arith.constant 0 : i32
      %swap3A_1197 = arith.index_cast %swap3A : i32 to index
      %swap3A_1198 = arith.index_cast %scan3A_1162 : i32 to index
      %swap3A_1199 = arith.constant 0 : index
      %swap3A_1200 = tpu.vector_load %arg7[%swap3A_1197, %swap3A_1198, %swap3A_1199] {strides = array<i32>} : memref<2x320x32xf32, #tpu.memory_space<vmem>>, vector<1x1x16xf32>,
      %swap3A_1201 = vector.shape_cast %swap3A_1200 : vector<1x1x16xf32> to vector<16xf32>
      %swap3A_1202 = vector.shape_cast %add3A_1196 : vector<16xf32> to vector<1x1x16xf32>
      tpu.vector_store %arg7[%swap3A_1197, %swap3A_1198, %swap3A_1199], %swap3A_1202 {strides = array<i32>} : memref<2x320x32xf32, #tpu.memory_space<vmem>>, vector<1x1x16xf32>,
      %get3A_1203 = arith.constant 0 : i32
      %get3A_1204 = arith.index_cast %get3A_1203 : i32 to index
      %get3A_1205 = arith.index_cast %mul3A_1164 : i32 to index
      %get3A_1206 = arith.constant 16 : index
      %get3A_1207 = tpu.vector_load %arg6[%get3A_1204, %get3A_1205, %get3A_1206] {strides = array<i32>} : memref<2x1280x32xf32, #tpu.memory_space<vmem>>, vector<1x1x16xf32>,
      %get3A_1208 = vector.shape_cast %get3A_1207 : vector<1x1x16xf32> to vector<16xf32>
      %add3A_1209 = arith.constant 1 : i32
      %add3A_1210 = arith.addi %mul3A_1164, %add3A_1209 : i32
      %get3A_1211 = arith.constant 0 : i32
      %get3A_1212 = arith.index_cast %get3A_1211 : i32 to index
      %get3A_1213 = arith.index_cast %add3A_1210 : i32 to index
      %get3A_1214 = arith.constant 16 : index
      %get3A_1215 = tpu.vector_load %arg6[%get3A_1212, %get3A_1213, %get3A_1214] {strides = array<i32>} : memref<2x1280x32xf32, #tpu.memory_space<vmem>>, vector<1x1x16xf32>,
      %get3A_1216 = vector.shape_cast %get3A_1215 : vector<1x1x16xf32> to vector<16xf32>
      %add3A_1217 = arith.addf %get3A_1208, %get3A_1216 : vector<16xf32>
      %add3A_1218 = arith.constant 2 : i32
      %add3A_1219 = arith.addi %mul3A_1164, %add3A_1218 : i32
      %get3A_1220 = arith.constant 0 : i32
      %get3A_1221 = arith.index_cast %get3A_1220 : i32 to index
      %get3A_1222 = arith.index_cast %add3A_1219 : i32 to index
      %get3A_1223 = arith.constant 16 : index
      %get3A_1224 = tpu.vector_load %arg6[%get3A_1221, %get3A_1222, %get3A_1223] {strides = array<i32>} : memref<2x1280x32xf32, #tpu.memory_space<vmem>>, vector<1x1x16xf32>,
      %get3A_1225 = vector.shape_cast %get3A_1224 : vector<1x1x16xf32> to vector<16xf32>
      %add3A_1226 = arith.addf %add3A_1217, %get3A_1225 : vector<16xf32>
      %add3A_1227 = arith.constant 3 : i32
      %add3A_1228 = arith.addi %mul3A_1164, %add3A_1227 : i32
      %get3A_1229 = arith.constant 0 : i32
      %get3A_1230 = arith.index_cast %get3A_1229 : i32 to index
      %get3A_1231 = arith.index_cast %add3A_1228 : i32 to index
      %get3A_1232 = arith.constant 16 : index
      %get3A_1233 = tpu.vector_load %arg6[%get3A_1230, %get3A_1231, %get3A_1232] {strides = array<i32>} : memref<2x1280x32xf32, #tpu.memory_space<vmem>>, vector<1x1x16xf32>,
      %get3A_1234 = vector.shape_cast %get3A_1233 : vector<1x1x16xf32> to vector<16xf32>
      %add3A_1235 = arith.addf %add3A_1226, %get3A_1234 : vector<16xf32>
      %swap3A_1236 = arith.constant 0 : i32
      %swap3A_1237 = arith.index_cast %swap3A_1236 : i32 to index
      %swap3A_1238 = arith.index_cast %scan3A_1162 : i32 to index
      %swap3A_1239 = arith.constant 16 : index
      %swap3A_1240 = tpu.vector_load %arg7[%swap3A_1237, %swap3A_1238, %swap3A_1239] {strides = array<i32>} : memref<2x320x32xf32, #tpu.memory_space<vmem>>, vector<1x1x16xf32>,
      %swap3A_1241 = vector.shape_cast %swap3A_1240 : vector<1x1x16xf32> to vector<16xf32>
      %swap3A_1242 = vector.shape_cast %add3A_1235 : vector<16xf32> to vector<1x1x16xf32>
      tpu.vector_store %arg7[%swap3A_1237, %swap3A_1238, %swap3A_1239], %swap3A_1242 {strides = array<i32>} : memref<2x320x32xf32, #tpu.memory_space<vmem>>, vector<1x1x16xf32>,
    }
    %scan3A_378 = arith.constant 320 : i32
    %add3A_379 = arith.constant 1920 : i32
    %add3A_380 = arith.addi %mul3A_4, %add3A_379 : i32
    %dma_start3A_381 = arith.constant 0 : i32
    %dma_start3A_382 = arith.constant 0 : i32
    %dma_start3A_383 = arith.constant 0 : i32
    %dma_start3A_384 = tpu.memref_slice %arg7[%dma_start3A_381, %dma_start3A_382, %dma_start3A_383] : memref<2x320x32xf32, #tpu.memory_space<vmem>> -> memref<1x320x32xf32, #tpu.memory_space<vmem>>
    %dma_start3A_385 = tpu.memref_squeeze %dma_start3A_384 : memref<1x320x32xf32, #tpu.memory_space<vmem>> -> memref<320x32xf32, #tpu.memory_space<vmem>>
    %dma_start3A_386 = arith.constant 0 : i32
    %dma_start3A_387 = tpu.memref_slice %arg4[%add3A_380, %dma_start3A_386] : memref<204800x32xf32, #tpu.memory_space<hbm>> -> memref<320x32xf32, #tpu.memory_space<hbm>>
    %dma_start3A_388 = arith.constant 0 : i32
    %dma_start3A_389 = tpu.memref_slice %arg4[%add3A_380, %dma_start3A_388] : memref<204800x32xf32, #tpu.memory_space<hbm>> -> memref<320x32xf32, #tpu.memory_space<hbm>>
    %dma_start3A_390 = arith.constant 0 : i32
    %dma_start3A_391 = arith.constant 0 : i32
    %dma_start3A_392 = tpu.memref_slice %arg7[%dma_start3A_381, %dma_start3A_390, %dma_start3A_391] : memref<2x320x32xf32, #tpu.memory_space<vmem>> -> memref<1x320x32xf32, #tpu.memory_space<vmem>>
    %dma_start3A_393 = tpu.memref_squeeze %dma_start3A_392 : memref<1x320x32xf32, #tpu.memory_space<vmem>> -> memref<320x32xf32, #tpu.memory_space<vmem>>
    tpu.enqueue_dma source(%dma_start3A_393 : memref<320x32xf32, #tpu.memory_space<vmem>>) target(%dma_start3A_389 : memref<320x32xf32, #tpu.memory_space<hbm>>) target_semaphore(%arg10 : memref<!tpu.dma_semaphore, #tpu.memory_space<semaphore_mem>>)
    %dma_start3A_394 = arith.constant 8 : i32
    %dma_start3A_395 = arith.constant 0 : i32
    %dma_start3A_396 = arith.constant 0 : i32
    %dma_start3A_397 = arith.constant 0 : i32
    %dma_start3A_398 = tpu.memref_slice %arg6[%dma_start3A_395, %dma_start3A_396, %dma_start3A_397] : memref<2x1280x32xf32, #tpu.memory_space<vmem>> -> memref<1x1280x32xf32, #tpu.memory_space<vmem>>
    %dma_start3A_399 = tpu.memref_squeeze %dma_start3A_398 : memref<1x1280x32xf32, #tpu.memory_space<vmem>> -> memref<1280x32xf32, #tpu.memory_space<vmem>>
    %dma_start3A_400 = arith.constant 0 : i32
    %dma_start3A_401 = tpu.memref_slice %arg5[%dma_start3A_394, %dma_start3A_400] : memref<20x1280xi32, #tpu.memory_space<vmem>> -> memref<1x1280xi32, #tpu.memory_space<vmem>>
    %dma_start3A_402 = tpu.memref_squeeze %dma_start3A_401 : memref<1x1280xi32, #tpu.memory_space<vmem>> -> memref<1280xi32, #tpu.memory_space<vmem>>
    %dma_start3A_403 = arith.constant 0 : i32
    %dma_start3A_404 = arith.constant 0 : i32
    %dma_start3A_405 = tpu.memref_slice %arg2[%dma_start3A_403, %dma_start3A_404] : memref<1000000x32xf32, #tpu.memory_space<hbm>> -> memref<1000000x32xf32, #tpu.memory_space<hbm>>
    tpu.enqueue_indirect_dma source(%dma_start3A_405 : memref<1000000x32xf32, #tpu.memory_space<hbm>>) target(%dma_start3A_399 : memref<1280x32xf32, #tpu.memory_space<vmem>>) offsets(%dma_start3A_402 : memref<1280xi32, #tpu.memory_space<vmem>>) semaphore(%arg8 : memref<!tpu.dma_semaphore, #tpu.memory_space<semaphore_mem>>)
    %dma_wait3A_406 = arith.constant 7 : i32
    %dma_wait3A_407 = arith.constant 1 : i32
    %dma_wait3A_408 = arith.constant 0 : i32
    %dma_wait3A_409 = arith.constant 0 : i32
    %dma_wait3A_410 = tpu.memref_slice %arg6[%dma_wait3A_407, %dma_wait3A_408, %dma_wait3A_409] : memref<2x1280x32xf32, #tpu.memory_space<vmem>> -> memref<1x1280x32xf32, #tpu.memory_space<vmem>>
    %dma_wait3A_411 = tpu.memref_squeeze %dma_wait3A_410 : memref<1x1280x32xf32, #tpu.memory_space<vmem>> -> memref<1280x32xf32, #tpu.memory_space<vmem>>
    %dma_wait3A_412 = arith.constant 0 : i32
    %dma_wait3A_413 = tpu.memref_slice %arg5[%dma_wait3A_406, %dma_wait3A_412] : memref<20x1280xi32, #tpu.memory_space<vmem>> -> memref<1x1280xi32, #tpu.memory_space<vmem>>
    %dma_wait3A_414 = tpu.memref_squeeze %dma_wait3A_413 : memref<1x1280xi32, #tpu.memory_space<vmem>> -> memref<1280xi32, #tpu.memory_space<vmem>>
    %dma_wait3A_415 = arith.constant 0 : i32
    %dma_wait3A_416 = arith.constant 0 : i32
    %dma_wait3A_417 = tpu.memref_slice %arg2[%dma_wait3A_415, %dma_wait3A_416] : memref<1000000x32xf32, #tpu.memory_space<hbm>> -> memref<1000000x32xf32, #tpu.memory_space<hbm>>
    tpu.wait_indirect_dma semaphore(%arg9 : memref<!tpu.dma_semaphore, #tpu.memory_space<semaphore_mem>>) src(%dma_wait3A_417 : memref<1000000x32xf32, #tpu.memory_space<hbm>>) dst(%dma_wait3A_411 : memref<1280x32xf32, #tpu.memory_space<vmem>>)
    %dma_wait3A_418 = arith.constant 1 : i32
    %dma_wait3A_419 = arith.constant 0 : i32
    %dma_wait3A_420 = arith.constant 0 : i32
    %dma_wait3A_421 = tpu.memref_slice %arg7[%dma_wait3A_418, %dma_wait3A_419, %dma_wait3A_420] : memref<2x320x32xf32, #tpu.memory_space<vmem>> -> memref<1x320x32xf32, #tpu.memory_space<vmem>>
    %dma_wait3A_422 = tpu.memref_squeeze %dma_wait3A_421 : memref<1x320x32xf32, #tpu.memory_space<vmem>> -> memref<320x32xf32, #tpu.memory_space<vmem>>
    %dma_wait3A_423 = arith.constant 0 : i32
    %dma_wait3A_424 = tpu.memref_slice %arg4[%add3A_322, %dma_wait3A_423] : memref<204800x32xf32, #tpu.memory_space<hbm>> -> memref<320x32xf32, #tpu.memory_space<hbm>>
    %dma_wait3A_425 = arith.constant 0 : i32
    %dma_wait3A_426 = tpu.memref_slice %arg4[%add3A_322, %dma_wait3A_425] : memref<204800x32xf32, #tpu.memory_space<hbm>> -> memref<320x32xf32, #tpu.memory_space<hbm>>
    %dma_wait3A_427 = arith.constant 0 : i32
    %dma_wait3A_428 = arith.constant 0 : i32
    %dma_wait3A_429 = tpu.memref_slice %arg7[%dma_wait3A_418, %dma_wait3A_427, %dma_wait3A_428] : memref<2x320x32xf32, #tpu.memory_space<vmem>> -> memref<1x320x32xf32, #tpu.memory_space<vmem>>
    %dma_wait3A_430 = tpu.memref_squeeze %dma_wait3A_429 : memref<1x320x32xf32, #tpu.memory_space<vmem>> -> memref<320x32xf32, #tpu.memory_space<vmem>>
    tpu.wait_dma2 semaphore(%arg11 : memref<!tpu.dma_semaphore, #tpu.memory_space<semaphore_mem>>) src(%dma_wait3A_430 : memref<320x32xf32, #tpu.memory_space<vmem>>) dst(%dma_wait3A_426 : memref<320x32xf32, #tpu.memory_space<hbm>>)
    %scan3A_431 = arith.constant 0 : i32
    %scan3A_432 = arith.constant 0 : i32
    %scan3A_433 = arith.constant 320 : i32
    %scan3A_434 = arith.addi %scan3A_432, %scan3A_433 : i32
    %scan3A_435 = arith.constant 1 : i32
    scf.for %scan3A_1162 = %scan3A_432 to %scan3A_434 step %scan3A_435  : i32 {
      %mul3A_1163 = arith.constant 4 : i32
      %mul3A_1164 = arith.muli %scan3A_1162, %mul3A_1163 : i32
      %get3A = arith.constant 1 : i32
      %get3A_1165 = arith.index_cast %get3A : i32 to index
      %get3A_1166 = arith.index_cast %mul3A_1164 : i32 to index
      %get3A_1167 = arith.constant 0 : index
      %get3A_1168 = tpu.vector_load %arg6[%get3A_1165, %get3A_1166, %get3A_1167] {strides = array<i32>} : memref<2x1280x32xf32, #tpu.memory_space<vmem>>, vector<1x1x16xf32>,
      %get3A_1169 = vector.shape_cast %get3A_1168 : vector<1x1x16xf32> to vector<16xf32>
      %add3A_1170 = arith.constant 1 : i32
      %add3A_1171 = arith.addi %mul3A_1164, %add3A_1170 : i32
      %get3A_1172 = arith.constant 1 : i32
      %get3A_1173 = arith.index_cast %get3A_1172 : i32 to index
      %get3A_1174 = arith.index_cast %add3A_1171 : i32 to index
      %get3A_1175 = arith.constant 0 : index
      %get3A_1176 = tpu.vector_load %arg6[%get3A_1173, %get3A_1174, %get3A_1175] {strides = array<i32>} : memref<2x1280x32xf32, #tpu.memory_space<vmem>>, vector<1x1x16xf32>,
      %get3A_1177 = vector.shape_cast %get3A_1176 : vector<1x1x16xf32> to vector<16xf32>
      %add3A_1178 = arith.addf %get3A_1169, %get3A_1177 : vector<16xf32>
      %add3A_1179 = arith.constant 2 : i32
      %add3A_1180 = arith.addi %mul3A_1164, %add3A_1179 : i32
      %get3A_1181 = arith.constant 1 : i32
      %get3A_1182 = arith.index_cast %get3A_1181 : i32 to index
      %get3A_1183 = arith.index_cast %add3A_1180 : i32 to index
      %get3A_1184 = arith.constant 0 : index
      %get3A_1185 = tpu.vector_load %arg6[%get3A_1182, %get3A_1183, %get3A_1184] {strides = array<i32>} : memref<2x1280x32xf32, #tpu.memory_space<vmem>>, vector<1x1x16xf32>,
      %get3A_1186 = vector.shape_cast %get3A_1185 : vector<1x1x16xf32> to vector<16xf32>
      %add3A_1187 = arith.addf %add3A_1178, %get3A_1186 : vector<16xf32>
      %add3A_1188 = arith.constant 3 : i32
      %add3A_1189 = arith.addi %mul3A_1164, %add3A_1188 : i32
      %get3A_1190 = arith.constant 1 : i32
      %get3A_1191 = arith.index_cast %get3A_1190 : i32 to index
      %get3A_1192 = arith.index_cast %add3A_1189 : i32 to index
      %get3A_1193 = arith.constant 0 : index
      %get3A_1194 = tpu.vector_load %arg6[%get3A_1191, %get3A_1192, %get3A_1193] {strides = array<i32>} : memref<2x1280x32xf32, #tpu.memory_space<vmem>>, vector<1x1x16xf32>,
      %get3A_1195 = vector.shape_cast %get3A_1194 : vector<1x1x16xf32> to vector<16xf32>
      %add3A_1196 = arith.addf %add3A_1187, %get3A_1195 : vector<16xf32>
      %swap3A = arith.constant 1 : i32
      %swap3A_1197 = arith.index_cast %swap3A : i32 to index
      %swap3A_1198 = arith.index_cast %scan3A_1162 : i32 to index
      %swap3A_1199 = arith.constant 0 : index
      %swap3A_1200 = tpu.vector_load %arg7[%swap3A_1197, %swap3A_1198, %swap3A_1199] {strides = array<i32>} : memref<2x320x32xf32, #tpu.memory_space<vmem>>, vector<1x1x16xf32>,
      %swap3A_1201 = vector.shape_cast %swap3A_1200 : vector<1x1x16xf32> to vector<16xf32>
      %swap3A_1202 = vector.shape_cast %add3A_1196 : vector<16xf32> to vector<1x1x16xf32>
      tpu.vector_store %arg7[%swap3A_1197, %swap3A_1198, %swap3A_1199], %swap3A_1202 {strides = array<i32>} : memref<2x320x32xf32, #tpu.memory_space<vmem>>, vector<1x1x16xf32>,
      %get3A_1203 = arith.constant 1 : i32
      %get3A_1204 = arith.index_cast %get3A_1203 : i32 to index
      %get3A_1205 = arith.index_cast %mul3A_1164 : i32 to index
      %get3A_1206 = arith.constant 16 : index
      %get3A_1207 = tpu.vector_load %arg6[%get3A_1204, %get3A_1205, %get3A_1206] {strides = array<i32>} : memref<2x1280x32xf32, #tpu.memory_space<vmem>>, vector<1x1x16xf32>,
      %get3A_1208 = vector.shape_cast %get3A_1207 : vector<1x1x16xf32> to vector<16xf32>
      %add3A_1209 = arith.constant 1 : i32
      %add3A_1210 = arith.addi %mul3A_1164, %add3A_1209 : i32
      %get3A_1211 = arith.constant 1 : i32
      %get3A_1212 = arith.index_cast %get3A_1211 : i32 to index
      %get3A_1213 = arith.index_cast %add3A_1210 : i32 to index
      %get3A_1214 = arith.constant 16 : index
      %get3A_1215 = tpu.vector_load %arg6[%get3A_1212, %get3A_1213, %get3A_1214] {strides = array<i32>} : memref<2x1280x32xf32, #tpu.memory_space<vmem>>, vector<1x1x16xf32>,
      %get3A_1216 = vector.shape_cast %get3A_1215 : vector<1x1x16xf32> to vector<16xf32>
      %add3A_1217 = arith.addf %get3A_1208, %get3A_1216 : vector<16xf32>
      %add3A_1218 = arith.constant 2 : i32
      %add3A_1219 = arith.addi %mul3A_1164, %add3A_1218 : i32
      %get3A_1220 = arith.constant 1 : i32
      %get3A_1221 = arith.index_cast %get3A_1220 : i32 to index
      %get3A_1222 = arith.index_cast %add3A_1219 : i32 to index
      %get3A_1223 = arith.constant 16 : index
      %get3A_1224 = tpu.vector_load %arg6[%get3A_1221, %get3A_1222, %get3A_1223] {strides = array<i32>} : memref<2x1280x32xf32, #tpu.memory_space<vmem>>, vector<1x1x16xf32>,
      %get3A_1225 = vector.shape_cast %get3A_1224 : vector<1x1x16xf32> to vector<16xf32>
      %add3A_1226 = arith.addf %add3A_1217, %get3A_1225 : vector<16xf32>
      %add3A_1227 = arith.constant 3 : i32
      %add3A_1228 = arith.addi %mul3A_1164, %add3A_1227 : i32
      %get3A_1229 = arith.constant 1 : i32
      %get3A_1230 = arith.index_cast %get3A_1229 : i32 to index
      %get3A_1231 = arith.index_cast %add3A_1228 : i32 to index
      %get3A_1232 = arith.constant 16 : index
      %get3A_1233 = tpu.vector_load %arg6[%get3A_1230, %get3A_1231, %get3A_1232] {strides = array<i32>} : memref<2x1280x32xf32, #tpu.memory_space<vmem>>, vector<1x1x16xf32>,
      %get3A_1234 = vector.shape_cast %get3A_1233 : vector<1x1x16xf32> to vector<16xf32>
      %add3A_1235 = arith.addf %add3A_1226, %get3A_1234 : vector<16xf32>
      %swap3A_1236 = arith.constant 1 : i32
      %swap3A_1237 = arith.index_cast %swap3A_1236 : i32 to index
      %swap3A_1238 = arith.index_cast %scan3A_1162 : i32 to index
      %swap3A_1239 = arith.constant 16 : index
      %swap3A_1240 = tpu.vector_load %arg7[%swap3A_1237, %swap3A_1238, %swap3A_1239] {strides = array<i32>} : memref<2x320x32xf32, #tpu.memory_space<vmem>>, vector<1x1x16xf32>,
      %swap3A_1241 = vector.shape_cast %swap3A_1240 : vector<1x1x16xf32> to vector<16xf32>
      %swap3A_1242 = vector.shape_cast %add3A_1235 : vector<16xf32> to vector<1x1x16xf32>
      tpu.vector_store %arg7[%swap3A_1237, %swap3A_1238, %swap3A_1239], %swap3A_1242 {strides = array<i32>} : memref<2x320x32xf32, #tpu.memory_space<vmem>>, vector<1x1x16xf32>,
    }
    %scan3A_436 = arith.constant 320 : i32
    %add3A_437 = arith.constant 2240 : i32
    %add3A_438 = arith.addi %mul3A_4, %add3A_437 : i32
    %dma_start3A_439 = arith.constant 1 : i32
    %dma_start3A_440 = arith.constant 0 : i32
    %dma_start3A_441 = arith.constant 0 : i32
    %dma_start3A_442 = tpu.memref_slice %arg7[%dma_start3A_439, %dma_start3A_440, %dma_start3A_441] : memref<2x320x32xf32, #tpu.memory_space<vmem>> -> memref<1x320x32xf32, #tpu.memory_space<vmem>>
    %dma_start3A_443 = tpu.memref_squeeze %dma_start3A_442 : memref<1x320x32xf32, #tpu.memory_space<vmem>> -> memref<320x32xf32, #tpu.memory_space<vmem>>
    %dma_start3A_444 = arith.constant 0 : i32
    %dma_start3A_445 = tpu.memref_slice %arg4[%add3A_438, %dma_start3A_444] : memref<204800x32xf32, #tpu.memory_space<hbm>> -> memref<320x32xf32, #tpu.memory_space<hbm>>
    %dma_start3A_446 = arith.constant 0 : i32
    %dma_start3A_447 = tpu.memref_slice %arg4[%add3A_438, %dma_start3A_446] : memref<204800x32xf32, #tpu.memory_space<hbm>> -> memref<320x32xf32, #tpu.memory_space<hbm>>
    %dma_start3A_448 = arith.constant 0 : i32
    %dma_start3A_449 = arith.constant 0 : i32
    %dma_start3A_450 = tpu.memref_slice %arg7[%dma_start3A_439, %dma_start3A_448, %dma_start3A_449] : memref<2x320x32xf32, #tpu.memory_space<vmem>> -> memref<1x320x32xf32, #tpu.memory_space<vmem>>
    %dma_start3A_451 = tpu.memref_squeeze %dma_start3A_450 : memref<1x320x32xf32, #tpu.memory_space<vmem>> -> memref<320x32xf32, #tpu.memory_space<vmem>>
    tpu.enqueue_dma source(%dma_start3A_451 : memref<320x32xf32, #tpu.memory_space<vmem>>) target(%dma_start3A_447 : memref<320x32xf32, #tpu.memory_space<hbm>>) target_semaphore(%arg11 : memref<!tpu.dma_semaphore, #tpu.memory_space<semaphore_mem>>)
    %dma_start3A_452 = arith.constant 9 : i32
    %dma_start3A_453 = arith.constant 1 : i32
    %dma_start3A_454 = arith.constant 0 : i32
    %dma_start3A_455 = arith.constant 0 : i32
    %dma_start3A_456 = tpu.memref_slice %arg6[%dma_start3A_453, %dma_start3A_454, %dma_start3A_455] : memref<2x1280x32xf32, #tpu.memory_space<vmem>> -> memref<1x1280x32xf32, #tpu.memory_space<vmem>>
    %dma_start3A_457 = tpu.memref_squeeze %dma_start3A_456 : memref<1x1280x32xf32, #tpu.memory_space<vmem>> -> memref<1280x32xf32, #tpu.memory_space<vmem>>
    %dma_start3A_458 = arith.constant 0 : i32
    %dma_start3A_459 = tpu.memref_slice %arg5[%dma_start3A_452, %dma_start3A_458] : memref<20x1280xi32, #tpu.memory_space<vmem>> -> memref<1x1280xi32, #tpu.memory_space<vmem>>
    %dma_start3A_460 = tpu.memref_squeeze %dma_start3A_459 : memref<1x1280xi32, #tpu.memory_space<vmem>> -> memref<1280xi32, #tpu.memory_space<vmem>>
    %dma_start3A_461 = arith.constant 0 : i32
    %dma_start3A_462 = arith.constant 0 : i32
    %dma_start3A_463 = tpu.memref_slice %arg2[%dma_start3A_461, %dma_start3A_462] : memref<1000000x32xf32, #tpu.memory_space<hbm>> -> memref<1000000x32xf32, #tpu.memory_space<hbm>>
    tpu.enqueue_indirect_dma source(%dma_start3A_463 : memref<1000000x32xf32, #tpu.memory_space<hbm>>) target(%dma_start3A_457 : memref<1280x32xf32, #tpu.memory_space<vmem>>) offsets(%dma_start3A_460 : memref<1280xi32, #tpu.memory_space<vmem>>) semaphore(%arg9 : memref<!tpu.dma_semaphore, #tpu.memory_space<semaphore_mem>>)
    %dma_wait3A_464 = arith.constant 8 : i32
    %dma_wait3A_465 = arith.constant 0 : i32
    %dma_wait3A_466 = arith.constant 0 : i32
    %dma_wait3A_467 = arith.constant 0 : i32
    %dma_wait3A_468 = tpu.memref_slice %arg6[%dma_wait3A_465, %dma_wait3A_466, %dma_wait3A_467] : memref<2x1280x32xf32, #tpu.memory_space<vmem>> -> memref<1x1280x32xf32, #tpu.memory_space<vmem>>
    %dma_wait3A_469 = tpu.memref_squeeze %dma_wait3A_468 : memref<1x1280x32xf32, #tpu.memory_space<vmem>> -> memref<1280x32xf32, #tpu.memory_space<vmem>>
    %dma_wait3A_470 = arith.constant 0 : i32
    %dma_wait3A_471 = tpu.memref_slice %arg5[%dma_wait3A_464, %dma_wait3A_470] : memref<20x1280xi32, #tpu.memory_space<vmem>> -> memref<1x1280xi32, #tpu.memory_space<vmem>>
    %dma_wait3A_472 = tpu.memref_squeeze %dma_wait3A_471 : memref<1x1280xi32, #tpu.memory_space<vmem>> -> memref<1280xi32, #tpu.memory_space<vmem>>
    %dma_wait3A_473 = arith.constant 0 : i32
    %dma_wait3A_474 = arith.constant 0 : i32
    %dma_wait3A_475 = tpu.memref_slice %arg2[%dma_wait3A_473, %dma_wait3A_474] : memref<1000000x32xf32, #tpu.memory_space<hbm>> -> memref<1000000x32xf32, #tpu.memory_space<hbm>>
    tpu.wait_indirect_dma semaphore(%arg8 : memref<!tpu.dma_semaphore, #tpu.memory_space<semaphore_mem>>) src(%dma_wait3A_475 : memref<1000000x32xf32, #tpu.memory_space<hbm>>) dst(%dma_wait3A_469 : memref<1280x32xf32, #tpu.memory_space<vmem>>)
    %dma_wait3A_476 = arith.constant 0 : i32
    %dma_wait3A_477 = arith.constant 0 : i32
    %dma_wait3A_478 = arith.constant 0 : i32
    %dma_wait3A_479 = tpu.memref_slice %arg7[%dma_wait3A_476, %dma_wait3A_477, %dma_wait3A_478] : memref<2x320x32xf32, #tpu.memory_space<vmem>> -> memref<1x320x32xf32, #tpu.memory_space<vmem>>
    %dma_wait3A_480 = tpu.memref_squeeze %dma_wait3A_479 : memref<1x320x32xf32, #tpu.memory_space<vmem>> -> memref<320x32xf32, #tpu.memory_space<vmem>>
    %dma_wait3A_481 = arith.constant 0 : i32
    %dma_wait3A_482 = tpu.memref_slice %arg4[%add3A_380, %dma_wait3A_481] : memref<204800x32xf32, #tpu.memory_space<hbm>> -> memref<320x32xf32, #tpu.memory_space<hbm>>
    %dma_wait3A_483 = arith.constant 0 : i32
    %dma_wait3A_484 = tpu.memref_slice %arg4[%add3A_380, %dma_wait3A_483] : memref<204800x32xf32, #tpu.memory_space<hbm>> -> memref<320x32xf32, #tpu.memory_space<hbm>>
    %dma_wait3A_485 = arith.constant 0 : i32
    %dma_wait3A_486 = arith.constant 0 : i32
    %dma_wait3A_487 = tpu.memref_slice %arg7[%dma_wait3A_476, %dma_wait3A_485, %dma_wait3A_486] : memref<2x320x32xf32, #tpu.memory_space<vmem>> -> memref<1x320x32xf32, #tpu.memory_space<vmem>>
    %dma_wait3A_488 = tpu.memref_squeeze %dma_wait3A_487 : memref<1x320x32xf32, #tpu.memory_space<vmem>> -> memref<320x32xf32, #tpu.memory_space<vmem>>
    tpu.wait_dma2 semaphore(%arg10 : memref<!tpu.dma_semaphore, #tpu.memory_space<semaphore_mem>>) src(%dma_wait3A_488 : memref<320x32xf32, #tpu.memory_space<vmem>>) dst(%dma_wait3A_484 : memref<320x32xf32, #tpu.memory_space<hbm>>)
    %scan3A_489 = arith.constant 0 : i32
    %scan3A_490 = arith.constant 0 : i32
    %scan3A_491 = arith.constant 320 : i32
    %scan3A_492 = arith.addi %scan3A_490, %scan3A_491 : i32
    %scan3A_493 = arith.constant 1 : i32
    scf.for %scan3A_1162 = %scan3A_490 to %scan3A_492 step %scan3A_493  : i32 {
      %mul3A_1163 = arith.constant 4 : i32
      %mul3A_1164 = arith.muli %scan3A_1162, %mul3A_1163 : i32
      %get3A = arith.constant 0 : i32
      %get3A_1165 = arith.index_cast %get3A : i32 to index
      %get3A_1166 = arith.index_cast %mul3A_1164 : i32 to index
      %get3A_1167 = arith.constant 0 : index
      %get3A_1168 = tpu.vector_load %arg6[%get3A_1165, %get3A_1166, %get3A_1167] {strides = array<i32>} : memref<2x1280x32xf32, #tpu.memory_space<vmem>>, vector<1x1x16xf32>,
      %get3A_1169 = vector.shape_cast %get3A_1168 : vector<1x1x16xf32> to vector<16xf32>
      %add3A_1170 = arith.constant 1 : i32
      %add3A_1171 = arith.addi %mul3A_1164, %add3A_1170 : i32
      %get3A_1172 = arith.constant 0 : i32
      %get3A_1173 = arith.index_cast %get3A_1172 : i32 to index
      %get3A_1174 = arith.index_cast %add3A_1171 : i32 to index
      %get3A_1175 = arith.constant 0 : index
      %get3A_1176 = tpu.vector_load %arg6[%get3A_1173, %get3A_1174, %get3A_1175] {strides = array<i32>} : memref<2x1280x32xf32, #tpu.memory_space<vmem>>, vector<1x1x16xf32>,
      %get3A_1177 = vector.shape_cast %get3A_1176 : vector<1x1x16xf32> to vector<16xf32>
      %add3A_1178 = arith.addf %get3A_1169, %get3A_1177 : vector<16xf32>
      %add3A_1179 = arith.constant 2 : i32
      %add3A_1180 = arith.addi %mul3A_1164, %add3A_1179 : i32
      %get3A_1181 = arith.constant 0 : i32
      %get3A_1182 = arith.index_cast %get3A_1181 : i32 to index
      %get3A_1183 = arith.index_cast %add3A_1180 : i32 to index
      %get3A_1184 = arith.constant 0 : index
      %get3A_1185 = tpu.vector_load %arg6[%get3A_1182, %get3A_1183, %get3A_1184] {strides = array<i32>} : memref<2x1280x32xf32, #tpu.memory_space<vmem>>, vector<1x1x16xf32>,
      %get3A_1186 = vector.shape_cast %get3A_1185 : vector<1x1x16xf32> to vector<16xf32>
      %add3A_1187 = arith.addf %add3A_1178, %get3A_1186 : vector<16xf32>
      %add3A_1188 = arith.constant 3 : i32
      %add3A_1189 = arith.addi %mul3A_1164, %add3A_1188 : i32
      %get3A_1190 = arith.constant 0 : i32
      %get3A_1191 = arith.index_cast %get3A_1190 : i32 to index
      %get3A_1192 = arith.index_cast %add3A_1189 : i32 to index
      %get3A_1193 = arith.constant 0 : index
      %get3A_1194 = tpu.vector_load %arg6[%get3A_1191, %get3A_1192, %get3A_1193] {strides = array<i32>} : memref<2x1280x32xf32, #tpu.memory_space<vmem>>, vector<1x1x16xf32>,
      %get3A_1195 = vector.shape_cast %get3A_1194 : vector<1x1x16xf32> to vector<16xf32>
      %add3A_1196 = arith.addf %add3A_1187, %get3A_1195 : vector<16xf32>
      %swap3A = arith.constant 0 : i32
      %swap3A_1197 = arith.index_cast %swap3A : i32 to index
      %swap3A_1198 = arith.index_cast %scan3A_1162 : i32 to index
      %swap3A_1199 = arith.constant 0 : index
      %swap3A_1200 = tpu.vector_load %arg7[%swap3A_1197, %swap3A_1198, %swap3A_1199] {strides = array<i32>} : memref<2x320x32xf32, #tpu.memory_space<vmem>>, vector<1x1x16xf32>,
      %swap3A_1201 = vector.shape_cast %swap3A_1200 : vector<1x1x16xf32> to vector<16xf32>
      %swap3A_1202 = vector.shape_cast %add3A_1196 : vector<16xf32> to vector<1x1x16xf32>
      tpu.vector_store %arg7[%swap3A_1197, %swap3A_1198, %swap3A_1199], %swap3A_1202 {strides = array<i32>} : memref<2x320x32xf32, #tpu.memory_space<vmem>>, vector<1x1x16xf32>,
      %get3A_1203 = arith.constant 0 : i32
      %get3A_1204 = arith.index_cast %get3A_1203 : i32 to index
      %get3A_1205 = arith.index_cast %mul3A_1164 : i32 to index
      %get3A_1206 = arith.constant 16 : index
      %get3A_1207 = tpu.vector_load %arg6[%get3A_1204, %get3A_1205, %get3A_1206] {strides = array<i32>} : memref<2x1280x32xf32, #tpu.memory_space<vmem>>, vector<1x1x16xf32>,
      %get3A_1208 = vector.shape_cast %get3A_1207 : vector<1x1x16xf32> to vector<16xf32>
      %add3A_1209 = arith.constant 1 : i32
      %add3A_1210 = arith.addi %mul3A_1164, %add3A_1209 : i32
      %get3A_1211 = arith.constant 0 : i32
      %get3A_1212 = arith.index_cast %get3A_1211 : i32 to index
      %get3A_1213 = arith.index_cast %add3A_1210 : i32 to index
      %get3A_1214 = arith.constant 16 : index
      %get3A_1215 = tpu.vector_load %arg6[%get3A_1212, %get3A_1213, %get3A_1214] {strides = array<i32>} : memref<2x1280x32xf32, #tpu.memory_space<vmem>>, vector<1x1x16xf32>,
      %get3A_1216 = vector.shape_cast %get3A_1215 : vector<1x1x16xf32> to vector<16xf32>
      %add3A_1217 = arith.addf %get3A_1208, %get3A_1216 : vector<16xf32>
      %add3A_1218 = arith.constant 2 : i32
      %add3A_1219 = arith.addi %mul3A_1164, %add3A_1218 : i32
      %get3A_1220 = arith.constant 0 : i32
      %get3A_1221 = arith.index_cast %get3A_1220 : i32 to index
      %get3A_1222 = arith.index_cast %add3A_1219 : i32 to index
      %get3A_1223 = arith.constant 16 : index
      %get3A_1224 = tpu.vector_load %arg6[%get3A_1221, %get3A_1222, %get3A_1223] {strides = array<i32>} : memref<2x1280x32xf32, #tpu.memory_space<vmem>>, vector<1x1x16xf32>,
      %get3A_1225 = vector.shape_cast %get3A_1224 : vector<1x1x16xf32> to vector<16xf32>
      %add3A_1226 = arith.addf %add3A_1217, %get3A_1225 : vector<16xf32>
      %add3A_1227 = arith.constant 3 : i32
      %add3A_1228 = arith.addi %mul3A_1164, %add3A_1227 : i32
      %get3A_1229 = arith.constant 0 : i32
      %get3A_1230 = arith.index_cast %get3A_1229 : i32 to index
      %get3A_1231 = arith.index_cast %add3A_1228 : i32 to index
      %get3A_1232 = arith.constant 16 : index
      %get3A_1233 = tpu.vector_load %arg6[%get3A_1230, %get3A_1231, %get3A_1232] {strides = array<i32>} : memref<2x1280x32xf32, #tpu.memory_space<vmem>>, vector<1x1x16xf32>,
      %get3A_1234 = vector.shape_cast %get3A_1233 : vector<1x1x16xf32> to vector<16xf32>
      %add3A_1235 = arith.addf %add3A_1226, %get3A_1234 : vector<16xf32>
      %swap3A_1236 = arith.constant 0 : i32
      %swap3A_1237 = arith.index_cast %swap3A_1236 : i32 to index
      %swap3A_1238 = arith.index_cast %scan3A_1162 : i32 to index
      %swap3A_1239 = arith.constant 16 : index
      %swap3A_1240 = tpu.vector_load %arg7[%swap3A_1237, %swap3A_1238, %swap3A_1239] {strides = array<i32>} : memref<2x320x32xf32, #tpu.memory_space<vmem>>, vector<1x1x16xf32>,
      %swap3A_1241 = vector.shape_cast %swap3A_1240 : vector<1x1x16xf32> to vector<16xf32>
      %swap3A_1242 = vector.shape_cast %add3A_1235 : vector<16xf32> to vector<1x1x16xf32>
      tpu.vector_store %arg7[%swap3A_1237, %swap3A_1238, %swap3A_1239], %swap3A_1242 {strides = array<i32>} : memref<2x320x32xf32, #tpu.memory_space<vmem>>, vector<1x1x16xf32>,
    }
    %scan3A_494 = arith.constant 320 : i32
    %add3A_495 = arith.constant 2560 : i32
    %add3A_496 = arith.addi %mul3A_4, %add3A_495 : i32
    %dma_start3A_497 = arith.constant 0 : i32
    %dma_start3A_498 = arith.constant 0 : i32
    %dma_start3A_499 = arith.constant 0 : i32
    %dma_start3A_500 = tpu.memref_slice %arg7[%dma_start3A_497, %dma_start3A_498, %dma_start3A_499] : memref<2x320x32xf32, #tpu.memory_space<vmem>> -> memref<1x320x32xf32, #tpu.memory_space<vmem>>
    %dma_start3A_501 = tpu.memref_squeeze %dma_start3A_500 : memref<1x320x32xf32, #tpu.memory_space<vmem>> -> memref<320x32xf32, #tpu.memory_space<vmem>>
    %dma_start3A_502 = arith.constant 0 : i32
    %dma_start3A_503 = tpu.memref_slice %arg4[%add3A_496, %dma_start3A_502] : memref<204800x32xf32, #tpu.memory_space<hbm>> -> memref<320x32xf32, #tpu.memory_space<hbm>>
    %dma_start3A_504 = arith.constant 0 : i32
    %dma_start3A_505 = tpu.memref_slice %arg4[%add3A_496, %dma_start3A_504] : memref<204800x32xf32, #tpu.memory_space<hbm>> -> memref<320x32xf32, #tpu.memory_space<hbm>>
    %dma_start3A_506 = arith.constant 0 : i32
    %dma_start3A_507 = arith.constant 0 : i32
    %dma_start3A_508 = tpu.memref_slice %arg7[%dma_start3A_497, %dma_start3A_506, %dma_start3A_507] : memref<2x320x32xf32, #tpu.memory_space<vmem>> -> memref<1x320x32xf32, #tpu.memory_space<vmem>>
    %dma_start3A_509 = tpu.memref_squeeze %dma_start3A_508 : memref<1x320x32xf32, #tpu.memory_space<vmem>> -> memref<320x32xf32, #tpu.memory_space<vmem>>
    tpu.enqueue_dma source(%dma_start3A_509 : memref<320x32xf32, #tpu.memory_space<vmem>>) target(%dma_start3A_505 : memref<320x32xf32, #tpu.memory_space<hbm>>) target_semaphore(%arg10 : memref<!tpu.dma_semaphore, #tpu.memory_space<semaphore_mem>>)
    %dma_start3A_510 = arith.constant 10 : i32
    %dma_start3A_511 = arith.constant 0 : i32
    %dma_start3A_512 = arith.constant 0 : i32
    %dma_start3A_513 = arith.constant 0 : i32
    %dma_start3A_514 = tpu.memref_slice %arg6[%dma_start3A_511, %dma_start3A_512, %dma_start3A_513] : memref<2x1280x32xf32, #tpu.memory_space<vmem>> -> memref<1x1280x32xf32, #tpu.memory_space<vmem>>
    %dma_start3A_515 = tpu.memref_squeeze %dma_start3A_514 : memref<1x1280x32xf32, #tpu.memory_space<vmem>> -> memref<1280x32xf32, #tpu.memory_space<vmem>>
    %dma_start3A_516 = arith.constant 0 : i32
    %dma_start3A_517 = tpu.memref_slice %arg5[%dma_start3A_510, %dma_start3A_516] : memref<20x1280xi32, #tpu.memory_space<vmem>> -> memref<1x1280xi32, #tpu.memory_space<vmem>>
    %dma_start3A_518 = tpu.memref_squeeze %dma_start3A_517 : memref<1x1280xi32, #tpu.memory_space<vmem>> -> memref<1280xi32, #tpu.memory_space<vmem>>
    %dma_start3A_519 = arith.constant 0 : i32
    %dma_start3A_520 = arith.constant 0 : i32
    %dma_start3A_521 = tpu.memref_slice %arg2[%dma_start3A_519, %dma_start3A_520] : memref<1000000x32xf32, #tpu.memory_space<hbm>> -> memref<1000000x32xf32, #tpu.memory_space<hbm>>
    tpu.enqueue_indirect_dma source(%dma_start3A_521 : memref<1000000x32xf32, #tpu.memory_space<hbm>>) target(%dma_start3A_515 : memref<1280x32xf32, #tpu.memory_space<vmem>>) offsets(%dma_start3A_518 : memref<1280xi32, #tpu.memory_space<vmem>>) semaphore(%arg8 : memref<!tpu.dma_semaphore, #tpu.memory_space<semaphore_mem>>)
    %dma_wait3A_522 = arith.constant 9 : i32
    %dma_wait3A_523 = arith.constant 1 : i32
    %dma_wait3A_524 = arith.constant 0 : i32
    %dma_wait3A_525 = arith.constant 0 : i32
    %dma_wait3A_526 = tpu.memref_slice %arg6[%dma_wait3A_523, %dma_wait3A_524, %dma_wait3A_525] : memref<2x1280x32xf32, #tpu.memory_space<vmem>> -> memref<1x1280x32xf32, #tpu.memory_space<vmem>>
    %dma_wait3A_527 = tpu.memref_squeeze %dma_wait3A_526 : memref<1x1280x32xf32, #tpu.memory_space<vmem>> -> memref<1280x32xf32, #tpu.memory_space<vmem>>
    %dma_wait3A_528 = arith.constant 0 : i32
    %dma_wait3A_529 = tpu.memref_slice %arg5[%dma_wait3A_522, %dma_wait3A_528] : memref<20x1280xi32, #tpu.memory_space<vmem>> -> memref<1x1280xi32, #tpu.memory_space<vmem>>
    %dma_wait3A_530 = tpu.memref_squeeze %dma_wait3A_529 : memref<1x1280xi32, #tpu.memory_space<vmem>> -> memref<1280xi32, #tpu.memory_space<vmem>>
    %dma_wait3A_531 = arith.constant 0 : i32
    %dma_wait3A_532 = arith.constant 0 : i32
    %dma_wait3A_533 = tpu.memref_slice %arg2[%dma_wait3A_531, %dma_wait3A_532] : memref<1000000x32xf32, #tpu.memory_space<hbm>> -> memref<1000000x32xf32, #tpu.memory_space<hbm>>
    tpu.wait_indirect_dma semaphore(%arg9 : memref<!tpu.dma_semaphore, #tpu.memory_space<semaphore_mem>>) src(%dma_wait3A_533 : memref<1000000x32xf32, #tpu.memory_space<hbm>>) dst(%dma_wait3A_527 : memref<1280x32xf32, #tpu.memory_space<vmem>>)
    %dma_wait3A_534 = arith.constant 1 : i32
    %dma_wait3A_535 = arith.constant 0 : i32
    %dma_wait3A_536 = arith.constant 0 : i32
    %dma_wait3A_537 = tpu.memref_slice %arg7[%dma_wait3A_534, %dma_wait3A_535, %dma_wait3A_536] : memref<2x320x32xf32, #tpu.memory_space<vmem>> -> memref<1x320x32xf32, #tpu.memory_space<vmem>>
    %dma_wait3A_538 = tpu.memref_squeeze %dma_wait3A_537 : memref<1x320x32xf32, #tpu.memory_space<vmem>> -> memref<320x32xf32, #tpu.memory_space<vmem>>
    %dma_wait3A_539 = arith.constant 0 : i32
    %dma_wait3A_540 = tpu.memref_slice %arg4[%add3A_438, %dma_wait3A_539] : memref<204800x32xf32, #tpu.memory_space<hbm>> -> memref<320x32xf32, #tpu.memory_space<hbm>>
    %dma_wait3A_541 = arith.constant 0 : i32
    %dma_wait3A_542 = tpu.memref_slice %arg4[%add3A_438, %dma_wait3A_541] : memref<204800x32xf32, #tpu.memory_space<hbm>> -> memref<320x32xf32, #tpu.memory_space<hbm>>
    %dma_wait3A_543 = arith.constant 0 : i32
    %dma_wait3A_544 = arith.constant 0 : i32
    %dma_wait3A_545 = tpu.memref_slice %arg7[%dma_wait3A_534, %dma_wait3A_543, %dma_wait3A_544] : memref<2x320x32xf32, #tpu.memory_space<vmem>> -> memref<1x320x32xf32, #tpu.memory_space<vmem>>
    %dma_wait3A_546 = tpu.memref_squeeze %dma_wait3A_545 : memref<1x320x32xf32, #tpu.memory_space<vmem>> -> memref<320x32xf32, #tpu.memory_space<vmem>>
    tpu.wait_dma2 semaphore(%arg11 : memref<!tpu.dma_semaphore, #tpu.memory_space<semaphore_mem>>) src(%dma_wait3A_546 : memref<320x32xf32, #tpu.memory_space<vmem>>) dst(%dma_wait3A_542 : memref<320x32xf32, #tpu.memory_space<hbm>>)
    %scan3A_547 = arith.constant 0 : i32
    %scan3A_548 = arith.constant 0 : i32
    %scan3A_549 = arith.constant 320 : i32
    %scan3A_550 = arith.addi %scan3A_548, %scan3A_549 : i32
    %scan3A_551 = arith.constant 1 : i32
    scf.for %scan3A_1162 = %scan3A_548 to %scan3A_550 step %scan3A_551  : i32 {
      %mul3A_1163 = arith.constant 4 : i32
      %mul3A_1164 = arith.muli %scan3A_1162, %mul3A_1163 : i32
      %get3A = arith.constant 1 : i32
      %get3A_1165 = arith.index_cast %get3A : i32 to index
      %get3A_1166 = arith.index_cast %mul3A_1164 : i32 to index
      %get3A_1167 = arith.constant 0 : index
      %get3A_1168 = tpu.vector_load %arg6[%get3A_1165, %get3A_1166, %get3A_1167] {strides = array<i32>} : memref<2x1280x32xf32, #tpu.memory_space<vmem>>, vector<1x1x16xf32>,
      %get3A_1169 = vector.shape_cast %get3A_1168 : vector<1x1x16xf32> to vector<16xf32>
      %add3A_1170 = arith.constant 1 : i32
      %add3A_1171 = arith.addi %mul3A_1164, %add3A_1170 : i32
      %get3A_1172 = arith.constant 1 : i32
      %get3A_1173 = arith.index_cast %get3A_1172 : i32 to index
      %get3A_1174 = arith.index_cast %add3A_1171 : i32 to index
      %get3A_1175 = arith.constant 0 : index
      %get3A_1176 = tpu.vector_load %arg6[%get3A_1173, %get3A_1174, %get3A_1175] {strides = array<i32>} : memref<2x1280x32xf32, #tpu.memory_space<vmem>>, vector<1x1x16xf32>,
      %get3A_1177 = vector.shape_cast %get3A_1176 : vector<1x1x16xf32> to vector<16xf32>
      %add3A_1178 = arith.addf %get3A_1169, %get3A_1177 : vector<16xf32>
      %add3A_1179 = arith.constant 2 : i32
      %add3A_1180 = arith.addi %mul3A_1164, %add3A_1179 : i32
      %get3A_1181 = arith.constant 1 : i32
      %get3A_1182 = arith.index_cast %get3A_1181 : i32 to index
      %get3A_1183 = arith.index_cast %add3A_1180 : i32 to index
      %get3A_1184 = arith.constant 0 : index
      %get3A_1185 = tpu.vector_load %arg6[%get3A_1182, %get3A_1183, %get3A_1184] {strides = array<i32>} : memref<2x1280x32xf32, #tpu.memory_space<vmem>>, vector<1x1x16xf32>,
      %get3A_1186 = vector.shape_cast %get3A_1185 : vector<1x1x16xf32> to vector<16xf32>
      %add3A_1187 = arith.addf %add3A_1178, %get3A_1186 : vector<16xf32>
      %add3A_1188 = arith.constant 3 : i32
      %add3A_1189 = arith.addi %mul3A_1164, %add3A_1188 : i32
      %get3A_1190 = arith.constant 1 : i32
      %get3A_1191 = arith.index_cast %get3A_1190 : i32 to index
      %get3A_1192 = arith.index_cast %add3A_1189 : i32 to index
      %get3A_1193 = arith.constant 0 : index
      %get3A_1194 = tpu.vector_load %arg6[%get3A_1191, %get3A_1192, %get3A_1193] {strides = array<i32>} : memref<2x1280x32xf32, #tpu.memory_space<vmem>>, vector<1x1x16xf32>,
      %get3A_1195 = vector.shape_cast %get3A_1194 : vector<1x1x16xf32> to vector<16xf32>
      %add3A_1196 = arith.addf %add3A_1187, %get3A_1195 : vector<16xf32>
      %swap3A = arith.constant 1 : i32
      %swap3A_1197 = arith.index_cast %swap3A : i32 to index
      %swap3A_1198 = arith.index_cast %scan3A_1162 : i32 to index
      %swap3A_1199 = arith.constant 0 : index
      %swap3A_1200 = tpu.vector_load %arg7[%swap3A_1197, %swap3A_1198, %swap3A_1199] {strides = array<i32>} : memref<2x320x32xf32, #tpu.memory_space<vmem>>, vector<1x1x16xf32>,
      %swap3A_1201 = vector.shape_cast %swap3A_1200 : vector<1x1x16xf32> to vector<16xf32>
      %swap3A_1202 = vector.shape_cast %add3A_1196 : vector<16xf32> to vector<1x1x16xf32>
      tpu.vector_store %arg7[%swap3A_1197, %swap3A_1198, %swap3A_1199], %swap3A_1202 {strides = array<i32>} : memref<2x320x32xf32, #tpu.memory_space<vmem>>, vector<1x1x16xf32>,
      %get3A_1203 = arith.constant 1 : i32
      %get3A_1204 = arith.index_cast %get3A_1203 : i32 to index
      %get3A_1205 = arith.index_cast %mul3A_1164 : i32 to index
      %get3A_1206 = arith.constant 16 : index
      %get3A_1207 = tpu.vector_load %arg6[%get3A_1204, %get3A_1205, %get3A_1206] {strides = array<i32>} : memref<2x1280x32xf32, #tpu.memory_space<vmem>>, vector<1x1x16xf32>,
      %get3A_1208 = vector.shape_cast %get3A_1207 : vector<1x1x16xf32> to vector<16xf32>
      %add3A_1209 = arith.constant 1 : i32
      %add3A_1210 = arith.addi %mul3A_1164, %add3A_1209 : i32
      %get3A_1211 = arith.constant 1 : i32
      %get3A_1212 = arith.index_cast %get3A_1211 : i32 to index
      %get3A_1213 = arith.index_cast %add3A_1210 : i32 to index
      %get3A_1214 = arith.constant 16 : index
      %get3A_1215 = tpu.vector_load %arg6[%get3A_1212, %get3A_1213, %get3A_1214] {strides = array<i32>} : memref<2x1280x32xf32, #tpu.memory_space<vmem>>, vector<1x1x16xf32>,
      %get3A_1216 = vector.shape_cast %get3A_1215 : vector<1x1x16xf32> to vector<16xf32>
      %add3A_1217 = arith.addf %get3A_1208, %get3A_1216 : vector<16xf32>
      %add3A_1218 = arith.constant 2 : i32
      %add3A_1219 = arith.addi %mul3A_1164, %add3A_1218 : i32
      %get3A_1220 = arith.constant 1 : i32
      %get3A_1221 = arith.index_cast %get3A_1220 : i32 to index
      %get3A_1222 = arith.index_cast %add3A_1219 : i32 to index
      %get3A_1223 = arith.constant 16 : index
      %get3A_1224 = tpu.vector_load %arg6[%get3A_1221, %get3A_1222, %get3A_1223] {strides = array<i32>} : memref<2x1280x32xf32, #tpu.memory_space<vmem>>, vector<1x1x16xf32>,
      %get3A_1225 = vector.shape_cast %get3A_1224 : vector<1x1x16xf32> to vector<16xf32>
      %add3A_1226 = arith.addf %add3A_1217, %get3A_1225 : vector<16xf32>
      %add3A_1227 = arith.constant 3 : i32
      %add3A_1228 = arith.addi %mul3A_1164, %add3A_1227 : i32
      %get3A_1229 = arith.constant 1 : i32
      %get3A_1230 = arith.index_cast %get3A_1229 : i32 to index
      %get3A_1231 = arith.index_cast %add3A_1228 : i32 to index
      %get3A_1232 = arith.constant 16 : index
      %get3A_1233 = tpu.vector_load %arg6[%get3A_1230, %get3A_1231, %get3A_1232] {strides = array<i32>} : memref<2x1280x32xf32, #tpu.memory_space<vmem>>, vector<1x1x16xf32>,
      %get3A_1234 = vector.shape_cast %get3A_1233 : vector<1x1x16xf32> to vector<16xf32>
      %add3A_1235 = arith.addf %add3A_1226, %get3A_1234 : vector<16xf32>
      %swap3A_1236 = arith.constant 1 : i32
      %swap3A_1237 = arith.index_cast %swap3A_1236 : i32 to index
      %swap3A_1238 = arith.index_cast %scan3A_1162 : i32 to index
      %swap3A_1239 = arith.constant 16 : index
      %swap3A_1240 = tpu.vector_load %arg7[%swap3A_1237, %swap3A_1238, %swap3A_1239] {strides = array<i32>} : memref<2x320x32xf32, #tpu.memory_space<vmem>>, vector<1x1x16xf32>,
      %swap3A_1241 = vector.shape_cast %swap3A_1240 : vector<1x1x16xf32> to vector<16xf32>
      %swap3A_1242 = vector.shape_cast %add3A_1235 : vector<16xf32> to vector<1x1x16xf32>
      tpu.vector_store %arg7[%swap3A_1237, %swap3A_1238, %swap3A_1239], %swap3A_1242 {strides = array<i32>} : memref<2x320x32xf32, #tpu.memory_space<vmem>>, vector<1x1x16xf32>,
    }
    %scan3A_552 = arith.constant 320 : i32
    %add3A_553 = arith.constant 2880 : i32
    %add3A_554 = arith.addi %mul3A_4, %add3A_553 : i32
    %dma_start3A_555 = arith.constant 1 : i32
    %dma_start3A_556 = arith.constant 0 : i32
    %dma_start3A_557 = arith.constant 0 : i32
    %dma_start3A_558 = tpu.memref_slice %arg7[%dma_start3A_555, %dma_start3A_556, %dma_start3A_557] : memref<2x320x32xf32, #tpu.memory_space<vmem>> -> memref<1x320x32xf32, #tpu.memory_space<vmem>>
    %dma_start3A_559 = tpu.memref_squeeze %dma_start3A_558 : memref<1x320x32xf32, #tpu.memory_space<vmem>> -> memref<320x32xf32, #tpu.memory_space<vmem>>
    %dma_start3A_560 = arith.constant 0 : i32
    %dma_start3A_561 = tpu.memref_slice %arg4[%add3A_554, %dma_start3A_560] : memref<204800x32xf32, #tpu.memory_space<hbm>> -> memref<320x32xf32, #tpu.memory_space<hbm>>
    %dma_start3A_562 = arith.constant 0 : i32
    %dma_start3A_563 = tpu.memref_slice %arg4[%add3A_554, %dma_start3A_562] : memref<204800x32xf32, #tpu.memory_space<hbm>> -> memref<320x32xf32, #tpu.memory_space<hbm>>
    %dma_start3A_564 = arith.constant 0 : i32
    %dma_start3A_565 = arith.constant 0 : i32
    %dma_start3A_566 = tpu.memref_slice %arg7[%dma_start3A_555, %dma_start3A_564, %dma_start3A_565] : memref<2x320x32xf32, #tpu.memory_space<vmem>> -> memref<1x320x32xf32, #tpu.memory_space<vmem>>
    %dma_start3A_567 = tpu.memref_squeeze %dma_start3A_566 : memref<1x320x32xf32, #tpu.memory_space<vmem>> -> memref<320x32xf32, #tpu.memory_space<vmem>>
    tpu.enqueue_dma source(%dma_start3A_567 : memref<320x32xf32, #tpu.memory_space<vmem>>) target(%dma_start3A_563 : memref<320x32xf32, #tpu.memory_space<hbm>>) target_semaphore(%arg11 : memref<!tpu.dma_semaphore, #tpu.memory_space<semaphore_mem>>)
    %dma_start3A_568 = arith.constant 11 : i32
    %dma_start3A_569 = arith.constant 1 : i32
    %dma_start3A_570 = arith.constant 0 : i32
    %dma_start3A_571 = arith.constant 0 : i32
    %dma_start3A_572 = tpu.memref_slice %arg6[%dma_start3A_569, %dma_start3A_570, %dma_start3A_571] : memref<2x1280x32xf32, #tpu.memory_space<vmem>> -> memref<1x1280x32xf32, #tpu.memory_space<vmem>>
    %dma_start3A_573 = tpu.memref_squeeze %dma_start3A_572 : memref<1x1280x32xf32, #tpu.memory_space<vmem>> -> memref<1280x32xf32, #tpu.memory_space<vmem>>
    %dma_start3A_574 = arith.constant 0 : i32
    %dma_start3A_575 = tpu.memref_slice %arg5[%dma_start3A_568, %dma_start3A_574] : memref<20x1280xi32, #tpu.memory_space<vmem>> -> memref<1x1280xi32, #tpu.memory_space<vmem>>
    %dma_start3A_576 = tpu.memref_squeeze %dma_start3A_575 : memref<1x1280xi32, #tpu.memory_space<vmem>> -> memref<1280xi32, #tpu.memory_space<vmem>>
    %dma_start3A_577 = arith.constant 0 : i32
    %dma_start3A_578 = arith.constant 0 : i32
    %dma_start3A_579 = tpu.memref_slice %arg2[%dma_start3A_577, %dma_start3A_578] : memref<1000000x32xf32, #tpu.memory_space<hbm>> -> memref<1000000x32xf32, #tpu.memory_space<hbm>>
    tpu.enqueue_indirect_dma source(%dma_start3A_579 : memref<1000000x32xf32, #tpu.memory_space<hbm>>) target(%dma_start3A_573 : memref<1280x32xf32, #tpu.memory_space<vmem>>) offsets(%dma_start3A_576 : memref<1280xi32, #tpu.memory_space<vmem>>) semaphore(%arg9 : memref<!tpu.dma_semaphore, #tpu.memory_space<semaphore_mem>>)
    %dma_wait3A_580 = arith.constant 10 : i32
    %dma_wait3A_581 = arith.constant 0 : i32
    %dma_wait3A_582 = arith.constant 0 : i32
    %dma_wait3A_583 = arith.constant 0 : i32
    %dma_wait3A_584 = tpu.memref_slice %arg6[%dma_wait3A_581, %dma_wait3A_582, %dma_wait3A_583] : memref<2x1280x32xf32, #tpu.memory_space<vmem>> -> memref<1x1280x32xf32, #tpu.memory_space<vmem>>
    %dma_wait3A_585 = tpu.memref_squeeze %dma_wait3A_584 : memref<1x1280x32xf32, #tpu.memory_space<vmem>> -> memref<1280x32xf32, #tpu.memory_space<vmem>>
    %dma_wait3A_586 = arith.constant 0 : i32
    %dma_wait3A_587 = tpu.memref_slice %arg5[%dma_wait3A_580, %dma_wait3A_586] : memref<20x1280xi32, #tpu.memory_space<vmem>> -> memref<1x1280xi32, #tpu.memory_space<vmem>>
    %dma_wait3A_588 = tpu.memref_squeeze %dma_wait3A_587 : memref<1x1280xi32, #tpu.memory_space<vmem>> -> memref<1280xi32, #tpu.memory_space<vmem>>
    %dma_wait3A_589 = arith.constant 0 : i32
    %dma_wait3A_590 = arith.constant 0 : i32
    %dma_wait3A_591 = tpu.memref_slice %arg2[%dma_wait3A_589, %dma_wait3A_590] : memref<1000000x32xf32, #tpu.memory_space<hbm>> -> memref<1000000x32xf32, #tpu.memory_space<hbm>>
    tpu.wait_indirect_dma semaphore(%arg8 : memref<!tpu.dma_semaphore, #tpu.memory_space<semaphore_mem>>) src(%dma_wait3A_591 : memref<1000000x32xf32, #tpu.memory_space<hbm>>) dst(%dma_wait3A_585 : memref<1280x32xf32, #tpu.memory_space<vmem>>)
    %dma_wait3A_592 = arith.constant 0 : i32
    %dma_wait3A_593 = arith.constant 0 : i32
    %dma_wait3A_594 = arith.constant 0 : i32
    %dma_wait3A_595 = tpu.memref_slice %arg7[%dma_wait3A_592, %dma_wait3A_593, %dma_wait3A_594] : memref<2x320x32xf32, #tpu.memory_space<vmem>> -> memref<1x320x32xf32, #tpu.memory_space<vmem>>
    %dma_wait3A_596 = tpu.memref_squeeze %dma_wait3A_595 : memref<1x320x32xf32, #tpu.memory_space<vmem>> -> memref<320x32xf32, #tpu.memory_space<vmem>>
    %dma_wait3A_597 = arith.constant 0 : i32
    %dma_wait3A_598 = tpu.memref_slice %arg4[%add3A_496, %dma_wait3A_597] : memref<204800x32xf32, #tpu.memory_space<hbm>> -> memref<320x32xf32, #tpu.memory_space<hbm>>
    %dma_wait3A_599 = arith.constant 0 : i32
    %dma_wait3A_600 = tpu.memref_slice %arg4[%add3A_496, %dma_wait3A_599] : memref<204800x32xf32, #tpu.memory_space<hbm>> -> memref<320x32xf32, #tpu.memory_space<hbm>>
    %dma_wait3A_601 = arith.constant 0 : i32
    %dma_wait3A_602 = arith.constant 0 : i32
    %dma_wait3A_603 = tpu.memref_slice %arg7[%dma_wait3A_592, %dma_wait3A_601, %dma_wait3A_602] : memref<2x320x32xf32, #tpu.memory_space<vmem>> -> memref<1x320x32xf32, #tpu.memory_space<vmem>>
    %dma_wait3A_604 = tpu.memref_squeeze %dma_wait3A_603 : memref<1x320x32xf32, #tpu.memory_space<vmem>> -> memref<320x32xf32, #tpu.memory_space<vmem>>
    tpu.wait_dma2 semaphore(%arg10 : memref<!tpu.dma_semaphore, #tpu.memory_space<semaphore_mem>>) src(%dma_wait3A_604 : memref<320x32xf32, #tpu.memory_space<vmem>>) dst(%dma_wait3A_600 : memref<320x32xf32, #tpu.memory_space<hbm>>)
    %scan3A_605 = arith.constant 0 : i32
    %scan3A_606 = arith.constant 0 : i32
    %scan3A_607 = arith.constant 320 : i32
    %scan3A_608 = arith.addi %scan3A_606, %scan3A_607 : i32
    %scan3A_609 = arith.constant 1 : i32
    scf.for %scan3A_1162 = %scan3A_606 to %scan3A_608 step %scan3A_609  : i32 {
      %mul3A_1163 = arith.constant 4 : i32
      %mul3A_1164 = arith.muli %scan3A_1162, %mul3A_1163 : i32
      %get3A = arith.constant 0 : i32
      %get3A_1165 = arith.index_cast %get3A : i32 to index
      %get3A_1166 = arith.index_cast %mul3A_1164 : i32 to index
      %get3A_1167 = arith.constant 0 : index
      %get3A_1168 = tpu.vector_load %arg6[%get3A_1165, %get3A_1166, %get3A_1167] {strides = array<i32>} : memref<2x1280x32xf32, #tpu.memory_space<vmem>>, vector<1x1x16xf32>,
      %get3A_1169 = vector.shape_cast %get3A_1168 : vector<1x1x16xf32> to vector<16xf32>
      %add3A_1170 = arith.constant 1 : i32
      %add3A_1171 = arith.addi %mul3A_1164, %add3A_1170 : i32
      %get3A_1172 = arith.constant 0 : i32
      %get3A_1173 = arith.index_cast %get3A_1172 : i32 to index
      %get3A_1174 = arith.index_cast %add3A_1171 : i32 to index
      %get3A_1175 = arith.constant 0 : index
      %get3A_1176 = tpu.vector_load %arg6[%get3A_1173, %get3A_1174, %get3A_1175] {strides = array<i32>} : memref<2x1280x32xf32, #tpu.memory_space<vmem>>, vector<1x1x16xf32>,
      %get3A_1177 = vector.shape_cast %get3A_1176 : vector<1x1x16xf32> to vector<16xf32>
      %add3A_1178 = arith.addf %get3A_1169, %get3A_1177 : vector<16xf32>
      %add3A_1179 = arith.constant 2 : i32
      %add3A_1180 = arith.addi %mul3A_1164, %add3A_1179 : i32
      %get3A_1181 = arith.constant 0 : i32
      %get3A_1182 = arith.index_cast %get3A_1181 : i32 to index
      %get3A_1183 = arith.index_cast %add3A_1180 : i32 to index
      %get3A_1184 = arith.constant 0 : index
      %get3A_1185 = tpu.vector_load %arg6[%get3A_1182, %get3A_1183, %get3A_1184] {strides = array<i32>} : memref<2x1280x32xf32, #tpu.memory_space<vmem>>, vector<1x1x16xf32>,
      %get3A_1186 = vector.shape_cast %get3A_1185 : vector<1x1x16xf32> to vector<16xf32>
      %add3A_1187 = arith.addf %add3A_1178, %get3A_1186 : vector<16xf32>
      %add3A_1188 = arith.constant 3 : i32
      %add3A_1189 = arith.addi %mul3A_1164, %add3A_1188 : i32
      %get3A_1190 = arith.constant 0 : i32
      %get3A_1191 = arith.index_cast %get3A_1190 : i32 to index
      %get3A_1192 = arith.index_cast %add3A_1189 : i32 to index
      %get3A_1193 = arith.constant 0 : index
      %get3A_1194 = tpu.vector_load %arg6[%get3A_1191, %get3A_1192, %get3A_1193] {strides = array<i32>} : memref<2x1280x32xf32, #tpu.memory_space<vmem>>, vector<1x1x16xf32>,
      %get3A_1195 = vector.shape_cast %get3A_1194 : vector<1x1x16xf32> to vector<16xf32>
      %add3A_1196 = arith.addf %add3A_1187, %get3A_1195 : vector<16xf32>
      %swap3A = arith.constant 0 : i32
      %swap3A_1197 = arith.index_cast %swap3A : i32 to index
      %swap3A_1198 = arith.index_cast %scan3A_1162 : i32 to index
      %swap3A_1199 = arith.constant 0 : index
      %swap3A_1200 = tpu.vector_load %arg7[%swap3A_1197, %swap3A_1198, %swap3A_1199] {strides = array<i32>} : memref<2x320x32xf32, #tpu.memory_space<vmem>>, vector<1x1x16xf32>,
      %swap3A_1201 = vector.shape_cast %swap3A_1200 : vector<1x1x16xf32> to vector<16xf32>
      %swap3A_1202 = vector.shape_cast %add3A_1196 : vector<16xf32> to vector<1x1x16xf32>
      tpu.vector_store %arg7[%swap3A_1197, %swap3A_1198, %swap3A_1199], %swap3A_1202 {strides = array<i32>} : memref<2x320x32xf32, #tpu.memory_space<vmem>>, vector<1x1x16xf32>,
      %get3A_1203 = arith.constant 0 : i32
      %get3A_1204 = arith.index_cast %get3A_1203 : i32 to index
      %get3A_1205 = arith.index_cast %mul3A_1164 : i32 to index
      %get3A_1206 = arith.constant 16 : index
      %get3A_1207 = tpu.vector_load %arg6[%get3A_1204, %get3A_1205, %get3A_1206] {strides = array<i32>} : memref<2x1280x32xf32, #tpu.memory_space<vmem>>, vector<1x1x16xf32>,
      %get3A_1208 = vector.shape_cast %get3A_1207 : vector<1x1x16xf32> to vector<16xf32>
      %add3A_1209 = arith.constant 1 : i32
      %add3A_1210 = arith.addi %mul3A_1164, %add3A_1209 : i32
      %get3A_1211 = arith.constant 0 : i32
      %get3A_1212 = arith.index_cast %get3A_1211 : i32 to index
      %get3A_1213 = arith.index_cast %add3A_1210 : i32 to index
      %get3A_1214 = arith.constant 16 : index
      %get3A_1215 = tpu.vector_load %arg6[%get3A_1212, %get3A_1213, %get3A_1214] {strides = array<i32>} : memref<2x1280x32xf32, #tpu.memory_space<vmem>>, vector<1x1x16xf32>,
      %get3A_1216 = vector.shape_cast %get3A_1215 : vector<1x1x16xf32> to vector<16xf32>
      %add3A_1217 = arith.addf %get3A_1208, %get3A_1216 : vector<16xf32>
      %add3A_1218 = arith.constant 2 : i32
      %add3A_1219 = arith.addi %mul3A_1164, %add3A_1218 : i32
      %get3A_1220 = arith.constant 0 : i32
      %get3A_1221 = arith.index_cast %get3A_1220 : i32 to index
      %get3A_1222 = arith.index_cast %add3A_1219 : i32 to index
      %get3A_1223 = arith.constant 16 : index
      %get3A_1224 = tpu.vector_load %arg6[%get3A_1221, %get3A_1222, %get3A_1223] {strides = array<i32>} : memref<2x1280x32xf32, #tpu.memory_space<vmem>>, vector<1x1x16xf32>,
      %get3A_1225 = vector.shape_cast %get3A_1224 : vector<1x1x16xf32> to vector<16xf32>
      %add3A_1226 = arith.addf %add3A_1217, %get3A_1225 : vector<16xf32>
      %add3A_1227 = arith.constant 3 : i32
      %add3A_1228 = arith.addi %mul3A_1164, %add3A_1227 : i32
      %get3A_1229 = arith.constant 0 : i32
      %get3A_1230 = arith.index_cast %get3A_1229 : i32 to index
      %get3A_1231 = arith.index_cast %add3A_1228 : i32 to index
      %get3A_1232 = arith.constant 16 : index
      %get3A_1233 = tpu.vector_load %arg6[%get3A_1230, %get3A_1231, %get3A_1232] {strides = array<i32>} : memref<2x1280x32xf32, #tpu.memory_space<vmem>>, vector<1x1x16xf32>,
      %get3A_1234 = vector.shape_cast %get3A_1233 : vector<1x1x16xf32> to vector<16xf32>
      %add3A_1235 = arith.addf %add3A_1226, %get3A_1234 : vector<16xf32>
      %swap3A_1236 = arith.constant 0 : i32
      %swap3A_1237 = arith.index_cast %swap3A_1236 : i32 to index
      %swap3A_1238 = arith.index_cast %scan3A_1162 : i32 to index
      %swap3A_1239 = arith.constant 16 : index
      %swap3A_1240 = tpu.vector_load %arg7[%swap3A_1237, %swap3A_1238, %swap3A_1239] {strides = array<i32>} : memref<2x320x32xf32, #tpu.memory_space<vmem>>, vector<1x1x16xf32>,
      %swap3A_1241 = vector.shape_cast %swap3A_1240 : vector<1x1x16xf32> to vector<16xf32>
      %swap3A_1242 = vector.shape_cast %add3A_1235 : vector<16xf32> to vector<1x1x16xf32>
      tpu.vector_store %arg7[%swap3A_1237, %swap3A_1238, %swap3A_1239], %swap3A_1242 {strides = array<i32>} : memref<2x320x32xf32, #tpu.memory_space<vmem>>, vector<1x1x16xf32>,
    }
    %scan3A_610 = arith.constant 320 : i32
    %add3A_611 = arith.constant 3200 : i32
    %add3A_612 = arith.addi %mul3A_4, %add3A_611 : i32
    %dma_start3A_613 = arith.constant 0 : i32
    %dma_start3A_614 = arith.constant 0 : i32
    %dma_start3A_615 = arith.constant 0 : i32
    %dma_start3A_616 = tpu.memref_slice %arg7[%dma_start3A_613, %dma_start3A_614, %dma_start3A_615] : memref<2x320x32xf32, #tpu.memory_space<vmem>> -> memref<1x320x32xf32, #tpu.memory_space<vmem>>
    %dma_start3A_617 = tpu.memref_squeeze %dma_start3A_616 : memref<1x320x32xf32, #tpu.memory_space<vmem>> -> memref<320x32xf32, #tpu.memory_space<vmem>>
    %dma_start3A_618 = arith.constant 0 : i32
    %dma_start3A_619 = tpu.memref_slice %arg4[%add3A_612, %dma_start3A_618] : memref<204800x32xf32, #tpu.memory_space<hbm>> -> memref<320x32xf32, #tpu.memory_space<hbm>>
    %dma_start3A_620 = arith.constant 0 : i32
    %dma_start3A_621 = tpu.memref_slice %arg4[%add3A_612, %dma_start3A_620] : memref<204800x32xf32, #tpu.memory_space<hbm>> -> memref<320x32xf32, #tpu.memory_space<hbm>>
    %dma_start3A_622 = arith.constant 0 : i32
    %dma_start3A_623 = arith.constant 0 : i32
    %dma_start3A_624 = tpu.memref_slice %arg7[%dma_start3A_613, %dma_start3A_622, %dma_start3A_623] : memref<2x320x32xf32, #tpu.memory_space<vmem>> -> memref<1x320x32xf32, #tpu.memory_space<vmem>>
    %dma_start3A_625 = tpu.memref_squeeze %dma_start3A_624 : memref<1x320x32xf32, #tpu.memory_space<vmem>> -> memref<320x32xf32, #tpu.memory_space<vmem>>
    tpu.enqueue_dma source(%dma_start3A_625 : memref<320x32xf32, #tpu.memory_space<vmem>>) target(%dma_start3A_621 : memref<320x32xf32, #tpu.memory_space<hbm>>) target_semaphore(%arg10 : memref<!tpu.dma_semaphore, #tpu.memory_space<semaphore_mem>>)
    %dma_start3A_626 = arith.constant 12 : i32
    %dma_start3A_627 = arith.constant 0 : i32
    %dma_start3A_628 = arith.constant 0 : i32
    %dma_start3A_629 = arith.constant 0 : i32
    %dma_start3A_630 = tpu.memref_slice %arg6[%dma_start3A_627, %dma_start3A_628, %dma_start3A_629] : memref<2x1280x32xf32, #tpu.memory_space<vmem>> -> memref<1x1280x32xf32, #tpu.memory_space<vmem>>
    %dma_start3A_631 = tpu.memref_squeeze %dma_start3A_630 : memref<1x1280x32xf32, #tpu.memory_space<vmem>> -> memref<1280x32xf32, #tpu.memory_space<vmem>>
    %dma_start3A_632 = arith.constant 0 : i32
    %dma_start3A_633 = tpu.memref_slice %arg5[%dma_start3A_626, %dma_start3A_632] : memref<20x1280xi32, #tpu.memory_space<vmem>> -> memref<1x1280xi32, #tpu.memory_space<vmem>>
    %dma_start3A_634 = tpu.memref_squeeze %dma_start3A_633 : memref<1x1280xi32, #tpu.memory_space<vmem>> -> memref<1280xi32, #tpu.memory_space<vmem>>
    %dma_start3A_635 = arith.constant 0 : i32
    %dma_start3A_636 = arith.constant 0 : i32
    %dma_start3A_637 = tpu.memref_slice %arg2[%dma_start3A_635, %dma_start3A_636] : memref<1000000x32xf32, #tpu.memory_space<hbm>> -> memref<1000000x32xf32, #tpu.memory_space<hbm>>
    tpu.enqueue_indirect_dma source(%dma_start3A_637 : memref<1000000x32xf32, #tpu.memory_space<hbm>>) target(%dma_start3A_631 : memref<1280x32xf32, #tpu.memory_space<vmem>>) offsets(%dma_start3A_634 : memref<1280xi32, #tpu.memory_space<vmem>>) semaphore(%arg8 : memref<!tpu.dma_semaphore, #tpu.memory_space<semaphore_mem>>)
    %dma_wait3A_638 = arith.constant 11 : i32
    %dma_wait3A_639 = arith.constant 1 : i32
    %dma_wait3A_640 = arith.constant 0 : i32
    %dma_wait3A_641 = arith.constant 0 : i32
    %dma_wait3A_642 = tpu.memref_slice %arg6[%dma_wait3A_639, %dma_wait3A_640, %dma_wait3A_641] : memref<2x1280x32xf32, #tpu.memory_space<vmem>> -> memref<1x1280x32xf32, #tpu.memory_space<vmem>>
    %dma_wait3A_643 = tpu.memref_squeeze %dma_wait3A_642 : memref<1x1280x32xf32, #tpu.memory_space<vmem>> -> memref<1280x32xf32, #tpu.memory_space<vmem>>
    %dma_wait3A_644 = arith.constant 0 : i32
    %dma_wait3A_645 = tpu.memref_slice %arg5[%dma_wait3A_638, %dma_wait3A_644] : memref<20x1280xi32, #tpu.memory_space<vmem>> -> memref<1x1280xi32, #tpu.memory_space<vmem>>
    %dma_wait3A_646 = tpu.memref_squeeze %dma_wait3A_645 : memref<1x1280xi32, #tpu.memory_space<vmem>> -> memref<1280xi32, #tpu.memory_space<vmem>>
    %dma_wait3A_647 = arith.constant 0 : i32
    %dma_wait3A_648 = arith.constant 0 : i32
    %dma_wait3A_649 = tpu.memref_slice %arg2[%dma_wait3A_647, %dma_wait3A_648] : memref<1000000x32xf32, #tpu.memory_space<hbm>> -> memref<1000000x32xf32, #tpu.memory_space<hbm>>
    tpu.wait_indirect_dma semaphore(%arg9 : memref<!tpu.dma_semaphore, #tpu.memory_space<semaphore_mem>>) src(%dma_wait3A_649 : memref<1000000x32xf32, #tpu.memory_space<hbm>>) dst(%dma_wait3A_643 : memref<1280x32xf32, #tpu.memory_space<vmem>>)
    %dma_wait3A_650 = arith.constant 1 : i32
    %dma_wait3A_651 = arith.constant 0 : i32
    %dma_wait3A_652 = arith.constant 0 : i32
    %dma_wait3A_653 = tpu.memref_slice %arg7[%dma_wait3A_650, %dma_wait3A_651, %dma_wait3A_652] : memref<2x320x32xf32, #tpu.memory_space<vmem>> -> memref<1x320x32xf32, #tpu.memory_space<vmem>>
    %dma_wait3A_654 = tpu.memref_squeeze %dma_wait3A_653 : memref<1x320x32xf32, #tpu.memory_space<vmem>> -> memref<320x32xf32, #tpu.memory_space<vmem>>
    %dma_wait3A_655 = arith.constant 0 : i32
    %dma_wait3A_656 = tpu.memref_slice %arg4[%add3A_554, %dma_wait3A_655] : memref<204800x32xf32, #tpu.memory_space<hbm>> -> memref<320x32xf32, #tpu.memory_space<hbm>>
    %dma_wait3A_657 = arith.constant 0 : i32
    %dma_wait3A_658 = tpu.memref_slice %arg4[%add3A_554, %dma_wait3A_657] : memref<204800x32xf32, #tpu.memory_space<hbm>> -> memref<320x32xf32, #tpu.memory_space<hbm>>
    %dma_wait3A_659 = arith.constant 0 : i32
    %dma_wait3A_660 = arith.constant 0 : i32
    %dma_wait3A_661 = tpu.memref_slice %arg7[%dma_wait3A_650, %dma_wait3A_659, %dma_wait3A_660] : memref<2x320x32xf32, #tpu.memory_space<vmem>> -> memref<1x320x32xf32, #tpu.memory_space<vmem>>
    %dma_wait3A_662 = tpu.memref_squeeze %dma_wait3A_661 : memref<1x320x32xf32, #tpu.memory_space<vmem>> -> memref<320x32xf32, #tpu.memory_space<vmem>>
    tpu.wait_dma2 semaphore(%arg11 : memref<!tpu.dma_semaphore, #tpu.memory_space<semaphore_mem>>) src(%dma_wait3A_662 : memref<320x32xf32, #tpu.memory_space<vmem>>) dst(%dma_wait3A_658 : memref<320x32xf32, #tpu.memory_space<hbm>>)
    %scan3A_663 = arith.constant 0 : i32
    %scan3A_664 = arith.constant 0 : i32
    %scan3A_665 = arith.constant 320 : i32
    %scan3A_666 = arith.addi %scan3A_664, %scan3A_665 : i32
    %scan3A_667 = arith.constant 1 : i32
    scf.for %scan3A_1162 = %scan3A_664 to %scan3A_666 step %scan3A_667  : i32 {
      %mul3A_1163 = arith.constant 4 : i32
      %mul3A_1164 = arith.muli %scan3A_1162, %mul3A_1163 : i32
      %get3A = arith.constant 1 : i32
      %get3A_1165 = arith.index_cast %get3A : i32 to index
      %get3A_1166 = arith.index_cast %mul3A_1164 : i32 to index
      %get3A_1167 = arith.constant 0 : index
      %get3A_1168 = tpu.vector_load %arg6[%get3A_1165, %get3A_1166, %get3A_1167] {strides = array<i32>} : memref<2x1280x32xf32, #tpu.memory_space<vmem>>, vector<1x1x16xf32>,
      %get3A_1169 = vector.shape_cast %get3A_1168 : vector<1x1x16xf32> to vector<16xf32>
      %add3A_1170 = arith.constant 1 : i32
      %add3A_1171 = arith.addi %mul3A_1164, %add3A_1170 : i32
      %get3A_1172 = arith.constant 1 : i32
      %get3A_1173 = arith.index_cast %get3A_1172 : i32 to index
      %get3A_1174 = arith.index_cast %add3A_1171 : i32 to index
      %get3A_1175 = arith.constant 0 : index
      %get3A_1176 = tpu.vector_load %arg6[%get3A_1173, %get3A_1174, %get3A_1175] {strides = array<i32>} : memref<2x1280x32xf32, #tpu.memory_space<vmem>>, vector<1x1x16xf32>,
      %get3A_1177 = vector.shape_cast %get3A_1176 : vector<1x1x16xf32> to vector<16xf32>
      %add3A_1178 = arith.addf %get3A_1169, %get3A_1177 : vector<16xf32>
      %add3A_1179 = arith.constant 2 : i32
      %add3A_1180 = arith.addi %mul3A_1164, %add3A_1179 : i32
      %get3A_1181 = arith.constant 1 : i32
      %get3A_1182 = arith.index_cast %get3A_1181 : i32 to index
      %get3A_1183 = arith.index_cast %add3A_1180 : i32 to index
      %get3A_1184 = arith.constant 0 : index
      %get3A_1185 = tpu.vector_load %arg6[%get3A_1182, %get3A_1183, %get3A_1184] {strides = array<i32>} : memref<2x1280x32xf32, #tpu.memory_space<vmem>>, vector<1x1x16xf32>,
      %get3A_1186 = vector.shape_cast %get3A_1185 : vector<1x1x16xf32> to vector<16xf32>
      %add3A_1187 = arith.addf %add3A_1178, %get3A_1186 : vector<16xf32>
      %add3A_1188 = arith.constant 3 : i32
      %add3A_1189 = arith.addi %mul3A_1164, %add3A_1188 : i32
      %get3A_1190 = arith.constant 1 : i32
      %get3A_1191 = arith.index_cast %get3A_1190 : i32 to index
      %get3A_1192 = arith.index_cast %add3A_1189 : i32 to index
      %get3A_1193 = arith.constant 0 : index
      %get3A_1194 = tpu.vector_load %arg6[%get3A_1191, %get3A_1192, %get3A_1193] {strides = array<i32>} : memref<2x1280x32xf32, #tpu.memory_space<vmem>>, vector<1x1x16xf32>,
      %get3A_1195 = vector.shape_cast %get3A_1194 : vector<1x1x16xf32> to vector<16xf32>
      %add3A_1196 = arith.addf %add3A_1187, %get3A_1195 : vector<16xf32>
      %swap3A = arith.constant 1 : i32
      %swap3A_1197 = arith.index_cast %swap3A : i32 to index
      %swap3A_1198 = arith.index_cast %scan3A_1162 : i32 to index
      %swap3A_1199 = arith.constant 0 : index
      %swap3A_1200 = tpu.vector_load %arg7[%swap3A_1197, %swap3A_1198, %swap3A_1199] {strides = array<i32>} : memref<2x320x32xf32, #tpu.memory_space<vmem>>, vector<1x1x16xf32>,
      %swap3A_1201 = vector.shape_cast %swap3A_1200 : vector<1x1x16xf32> to vector<16xf32>
      %swap3A_1202 = vector.shape_cast %add3A_1196 : vector<16xf32> to vector<1x1x16xf32>
      tpu.vector_store %arg7[%swap3A_1197, %swap3A_1198, %swap3A_1199], %swap3A_1202 {strides = array<i32>} : memref<2x320x32xf32, #tpu.memory_space<vmem>>, vector<1x1x16xf32>,
      %get3A_1203 = arith.constant 1 : i32
      %get3A_1204 = arith.index_cast %get3A_1203 : i32 to index
      %get3A_1205 = arith.index_cast %mul3A_1164 : i32 to index
      %get3A_1206 = arith.constant 16 : index
      %get3A_1207 = tpu.vector_load %arg6[%get3A_1204, %get3A_1205, %get3A_1206] {strides = array<i32>} : memref<2x1280x32xf32, #tpu.memory_space<vmem>>, vector<1x1x16xf32>,
      %get3A_1208 = vector.shape_cast %get3A_1207 : vector<1x1x16xf32> to vector<16xf32>
      %add3A_1209 = arith.constant 1 : i32
      %add3A_1210 = arith.addi %mul3A_1164, %add3A_1209 : i32
      %get3A_1211 = arith.constant 1 : i32
      %get3A_1212 = arith.index_cast %get3A_1211 : i32 to index
      %get3A_1213 = arith.index_cast %add3A_1210 : i32 to index
      %get3A_1214 = arith.constant 16 : index
      %get3A_1215 = tpu.vector_load %arg6[%get3A_1212, %get3A_1213, %get3A_1214] {strides = array<i32>} : memref<2x1280x32xf32, #tpu.memory_space<vmem>>, vector<1x1x16xf32>,
      %get3A_1216 = vector.shape_cast %get3A_1215 : vector<1x1x16xf32> to vector<16xf32>
      %add3A_1217 = arith.addf %get3A_1208, %get3A_1216 : vector<16xf32>
      %add3A_1218 = arith.constant 2 : i32
      %add3A_1219 = arith.addi %mul3A_1164, %add3A_1218 : i32
      %get3A_1220 = arith.constant 1 : i32
      %get3A_1221 = arith.index_cast %get3A_1220 : i32 to index
      %get3A_1222 = arith.index_cast %add3A_1219 : i32 to index
      %get3A_1223 = arith.constant 16 : index
      %get3A_1224 = tpu.vector_load %arg6[%get3A_1221, %get3A_1222, %get3A_1223] {strides = array<i32>} : memref<2x1280x32xf32, #tpu.memory_space<vmem>>, vector<1x1x16xf32>,
      %get3A_1225 = vector.shape_cast %get3A_1224 : vector<1x1x16xf32> to vector<16xf32>
      %add3A_1226 = arith.addf %add3A_1217, %get3A_1225 : vector<16xf32>
      %add3A_1227 = arith.constant 3 : i32
      %add3A_1228 = arith.addi %mul3A_1164, %add3A_1227 : i32
      %get3A_1229 = arith.constant 1 : i32
      %get3A_1230 = arith.index_cast %get3A_1229 : i32 to index
      %get3A_1231 = arith.index_cast %add3A_1228 : i32 to index
      %get3A_1232 = arith.constant 16 : index
      %get3A_1233 = tpu.vector_load %arg6[%get3A_1230, %get3A_1231, %get3A_1232] {strides = array<i32>} : memref<2x1280x32xf32, #tpu.memory_space<vmem>>, vector<1x1x16xf32>,
      %get3A_1234 = vector.shape_cast %get3A_1233 : vector<1x1x16xf32> to vector<16xf32>
      %add3A_1235 = arith.addf %add3A_1226, %get3A_1234 : vector<16xf32>
      %swap3A_1236 = arith.constant 1 : i32
      %swap3A_1237 = arith.index_cast %swap3A_1236 : i32 to index
      %swap3A_1238 = arith.index_cast %scan3A_1162 : i32 to index
      %swap3A_1239 = arith.constant 16 : index
      %swap3A_1240 = tpu.vector_load %arg7[%swap3A_1237, %swap3A_1238, %swap3A_1239] {strides = array<i32>} : memref<2x320x32xf32, #tpu.memory_space<vmem>>, vector<1x1x16xf32>,
      %swap3A_1241 = vector.shape_cast %swap3A_1240 : vector<1x1x16xf32> to vector<16xf32>
      %swap3A_1242 = vector.shape_cast %add3A_1235 : vector<16xf32> to vector<1x1x16xf32>
      tpu.vector_store %arg7[%swap3A_1237, %swap3A_1238, %swap3A_1239], %swap3A_1242 {strides = array<i32>} : memref<2x320x32xf32, #tpu.memory_space<vmem>>, vector<1x1x16xf32>,
    }
    %scan3A_668 = arith.constant 320 : i32
    %add3A_669 = arith.constant 3520 : i32
    %add3A_670 = arith.addi %mul3A_4, %add3A_669 : i32
    %dma_start3A_671 = arith.constant 1 : i32
    %dma_start3A_672 = arith.constant 0 : i32
    %dma_start3A_673 = arith.constant 0 : i32
    %dma_start3A_674 = tpu.memref_slice %arg7[%dma_start3A_671, %dma_start3A_672, %dma_start3A_673] : memref<2x320x32xf32, #tpu.memory_space<vmem>> -> memref<1x320x32xf32, #tpu.memory_space<vmem>>
    %dma_start3A_675 = tpu.memref_squeeze %dma_start3A_674 : memref<1x320x32xf32, #tpu.memory_space<vmem>> -> memref<320x32xf32, #tpu.memory_space<vmem>>
    %dma_start3A_676 = arith.constant 0 : i32
    %dma_start3A_677 = tpu.memref_slice %arg4[%add3A_670, %dma_start3A_676] : memref<204800x32xf32, #tpu.memory_space<hbm>> -> memref<320x32xf32, #tpu.memory_space<hbm>>
    %dma_start3A_678 = arith.constant 0 : i32
    %dma_start3A_679 = tpu.memref_slice %arg4[%add3A_670, %dma_start3A_678] : memref<204800x32xf32, #tpu.memory_space<hbm>> -> memref<320x32xf32, #tpu.memory_space<hbm>>
    %dma_start3A_680 = arith.constant 0 : i32
    %dma_start3A_681 = arith.constant 0 : i32
    %dma_start3A_682 = tpu.memref_slice %arg7[%dma_start3A_671, %dma_start3A_680, %dma_start3A_681] : memref<2x320x32xf32, #tpu.memory_space<vmem>> -> memref<1x320x32xf32, #tpu.memory_space<vmem>>
    %dma_start3A_683 = tpu.memref_squeeze %dma_start3A_682 : memref<1x320x32xf32, #tpu.memory_space<vmem>> -> memref<320x32xf32, #tpu.memory_space<vmem>>
    tpu.enqueue_dma source(%dma_start3A_683 : memref<320x32xf32, #tpu.memory_space<vmem>>) target(%dma_start3A_679 : memref<320x32xf32, #tpu.memory_space<hbm>>) target_semaphore(%arg11 : memref<!tpu.dma_semaphore, #tpu.memory_space<semaphore_mem>>)
    %dma_start3A_684 = arith.constant 13 : i32
    %dma_start3A_685 = arith.constant 1 : i32
    %dma_start3A_686 = arith.constant 0 : i32
    %dma_start3A_687 = arith.constant 0 : i32
    %dma_start3A_688 = tpu.memref_slice %arg6[%dma_start3A_685, %dma_start3A_686, %dma_start3A_687] : memref<2x1280x32xf32, #tpu.memory_space<vmem>> -> memref<1x1280x32xf32, #tpu.memory_space<vmem>>
    %dma_start3A_689 = tpu.memref_squeeze %dma_start3A_688 : memref<1x1280x32xf32, #tpu.memory_space<vmem>> -> memref<1280x32xf32, #tpu.memory_space<vmem>>
    %dma_start3A_690 = arith.constant 0 : i32
    %dma_start3A_691 = tpu.memref_slice %arg5[%dma_start3A_684, %dma_start3A_690] : memref<20x1280xi32, #tpu.memory_space<vmem>> -> memref<1x1280xi32, #tpu.memory_space<vmem>>
    %dma_start3A_692 = tpu.memref_squeeze %dma_start3A_691 : memref<1x1280xi32, #tpu.memory_space<vmem>> -> memref<1280xi32, #tpu.memory_space<vmem>>
    %dma_start3A_693 = arith.constant 0 : i32
    %dma_start3A_694 = arith.constant 0 : i32
    %dma_start3A_695 = tpu.memref_slice %arg2[%dma_start3A_693, %dma_start3A_694] : memref<1000000x32xf32, #tpu.memory_space<hbm>> -> memref<1000000x32xf32, #tpu.memory_space<hbm>>
    tpu.enqueue_indirect_dma source(%dma_start3A_695 : memref<1000000x32xf32, #tpu.memory_space<hbm>>) target(%dma_start3A_689 : memref<1280x32xf32, #tpu.memory_space<vmem>>) offsets(%dma_start3A_692 : memref<1280xi32, #tpu.memory_space<vmem>>) semaphore(%arg9 : memref<!tpu.dma_semaphore, #tpu.memory_space<semaphore_mem>>)
    %dma_wait3A_696 = arith.constant 12 : i32
    %dma_wait3A_697 = arith.constant 0 : i32
    %dma_wait3A_698 = arith.constant 0 : i32
    %dma_wait3A_699 = arith.constant 0 : i32
    %dma_wait3A_700 = tpu.memref_slice %arg6[%dma_wait3A_697, %dma_wait3A_698, %dma_wait3A_699] : memref<2x1280x32xf32, #tpu.memory_space<vmem>> -> memref<1x1280x32xf32, #tpu.memory_space<vmem>>
    %dma_wait3A_701 = tpu.memref_squeeze %dma_wait3A_700 : memref<1x1280x32xf32, #tpu.memory_space<vmem>> -> memref<1280x32xf32, #tpu.memory_space<vmem>>
    %dma_wait3A_702 = arith.constant 0 : i32
    %dma_wait3A_703 = tpu.memref_slice %arg5[%dma_wait3A_696, %dma_wait3A_702] : memref<20x1280xi32, #tpu.memory_space<vmem>> -> memref<1x1280xi32, #tpu.memory_space<vmem>>
    %dma_wait3A_704 = tpu.memref_squeeze %dma_wait3A_703 : memref<1x1280xi32, #tpu.memory_space<vmem>> -> memref<1280xi32, #tpu.memory_space<vmem>>
    %dma_wait3A_705 = arith.constant 0 : i32
    %dma_wait3A_706 = arith.constant 0 : i32
    %dma_wait3A_707 = tpu.memref_slice %arg2[%dma_wait3A_705, %dma_wait3A_706] : memref<1000000x32xf32, #tpu.memory_space<hbm>> -> memref<1000000x32xf32, #tpu.memory_space<hbm>>
    tpu.wait_indirect_dma semaphore(%arg8 : memref<!tpu.dma_semaphore, #tpu.memory_space<semaphore_mem>>) src(%dma_wait3A_707 : memref<1000000x32xf32, #tpu.memory_space<hbm>>) dst(%dma_wait3A_701 : memref<1280x32xf32, #tpu.memory_space<vmem>>)
    %dma_wait3A_708 = arith.constant 0 : i32
    %dma_wait3A_709 = arith.constant 0 : i32
    %dma_wait3A_710 = arith.constant 0 : i32
    %dma_wait3A_711 = tpu.memref_slice %arg7[%dma_wait3A_708, %dma_wait3A_709, %dma_wait3A_710] : memref<2x320x32xf32, #tpu.memory_space<vmem>> -> memref<1x320x32xf32, #tpu.memory_space<vmem>>
    %dma_wait3A_712 = tpu.memref_squeeze %dma_wait3A_711 : memref<1x320x32xf32, #tpu.memory_space<vmem>> -> memref<320x32xf32, #tpu.memory_space<vmem>>
    %dma_wait3A_713 = arith.constant 0 : i32
    %dma_wait3A_714 = tpu.memref_slice %arg4[%add3A_612, %dma_wait3A_713] : memref<204800x32xf32, #tpu.memory_space<hbm>> -> memref<320x32xf32, #tpu.memory_space<hbm>>
    %dma_wait3A_715 = arith.constant 0 : i32
    %dma_wait3A_716 = tpu.memref_slice %arg4[%add3A_612, %dma_wait3A_715] : memref<204800x32xf32, #tpu.memory_space<hbm>> -> memref<320x32xf32, #tpu.memory_space<hbm>>
    %dma_wait3A_717 = arith.constant 0 : i32
    %dma_wait3A_718 = arith.constant 0 : i32
    %dma_wait3A_719 = tpu.memref_slice %arg7[%dma_wait3A_708, %dma_wait3A_717, %dma_wait3A_718] : memref<2x320x32xf32, #tpu.memory_space<vmem>> -> memref<1x320x32xf32, #tpu.memory_space<vmem>>
    %dma_wait3A_720 = tpu.memref_squeeze %dma_wait3A_719 : memref<1x320x32xf32, #tpu.memory_space<vmem>> -> memref<320x32xf32, #tpu.memory_space<vmem>>
    tpu.wait_dma2 semaphore(%arg10 : memref<!tpu.dma_semaphore, #tpu.memory_space<semaphore_mem>>) src(%dma_wait3A_720 : memref<320x32xf32, #tpu.memory_space<vmem>>) dst(%dma_wait3A_716 : memref<320x32xf32, #tpu.memory_space<hbm>>)
    %scan3A_721 = arith.constant 0 : i32
    %scan3A_722 = arith.constant 0 : i32
    %scan3A_723 = arith.constant 320 : i32
    %scan3A_724 = arith.addi %scan3A_722, %scan3A_723 : i32
    %scan3A_725 = arith.constant 1 : i32
    scf.for %scan3A_1162 = %scan3A_722 to %scan3A_724 step %scan3A_725  : i32 {
      %mul3A_1163 = arith.constant 4 : i32
      %mul3A_1164 = arith.muli %scan3A_1162, %mul3A_1163 : i32
      %get3A = arith.constant 0 : i32
      %get3A_1165 = arith.index_cast %get3A : i32 to index
      %get3A_1166 = arith.index_cast %mul3A_1164 : i32 to index
      %get3A_1167 = arith.constant 0 : index
      %get3A_1168 = tpu.vector_load %arg6[%get3A_1165, %get3A_1166, %get3A_1167] {strides = array<i32>} : memref<2x1280x32xf32, #tpu.memory_space<vmem>>, vector<1x1x16xf32>,
      %get3A_1169 = vector.shape_cast %get3A_1168 : vector<1x1x16xf32> to vector<16xf32>
      %add3A_1170 = arith.constant 1 : i32
      %add3A_1171 = arith.addi %mul3A_1164, %add3A_1170 : i32
      %get3A_1172 = arith.constant 0 : i32
      %get3A_1173 = arith.index_cast %get3A_1172 : i32 to index
      %get3A_1174 = arith.index_cast %add3A_1171 : i32 to index
      %get3A_1175 = arith.constant 0 : index
      %get3A_1176 = tpu.vector_load %arg6[%get3A_1173, %get3A_1174, %get3A_1175] {strides = array<i32>} : memref<2x1280x32xf32, #tpu.memory_space<vmem>>, vector<1x1x16xf32>,
      %get3A_1177 = vector.shape_cast %get3A_1176 : vector<1x1x16xf32> to vector<16xf32>
      %add3A_1178 = arith.addf %get3A_1169, %get3A_1177 : vector<16xf32>
      %add3A_1179 = arith.constant 2 : i32
      %add3A_1180 = arith.addi %mul3A_1164, %add3A_1179 : i32
      %get3A_1181 = arith.constant 0 : i32
      %get3A_1182 = arith.index_cast %get3A_1181 : i32 to index
      %get3A_1183 = arith.index_cast %add3A_1180 : i32 to index
      %get3A_1184 = arith.constant 0 : index
      %get3A_1185 = tpu.vector_load %arg6[%get3A_1182, %get3A_1183, %get3A_1184] {strides = array<i32>} : memref<2x1280x32xf32, #tpu.memory_space<vmem>>, vector<1x1x16xf32>,
      %get3A_1186 = vector.shape_cast %get3A_1185 : vector<1x1x16xf32> to vector<16xf32>
      %add3A_1187 = arith.addf %add3A_1178, %get3A_1186 : vector<16xf32>
      %add3A_1188 = arith.constant 3 : i32
      %add3A_1189 = arith.addi %mul3A_1164, %add3A_1188 : i32
      %get3A_1190 = arith.constant 0 : i32
      %get3A_1191 = arith.index_cast %get3A_1190 : i32 to index
      %get3A_1192 = arith.index_cast %add3A_1189 : i32 to index
      %get3A_1193 = arith.constant 0 : index
      %get3A_1194 = tpu.vector_load %arg6[%get3A_1191, %get3A_1192, %get3A_1193] {strides = array<i32>} : memref<2x1280x32xf32, #tpu.memory_space<vmem>>, vector<1x1x16xf32>,
      %get3A_1195 = vector.shape_cast %get3A_1194 : vector<1x1x16xf32> to vector<16xf32>
      %add3A_1196 = arith.addf %add3A_1187, %get3A_1195 : vector<16xf32>
      %swap3A = arith.constant 0 : i32
      %swap3A_1197 = arith.index_cast %swap3A : i32 to index
      %swap3A_1198 = arith.index_cast %scan3A_1162 : i32 to index
      %swap3A_1199 = arith.constant 0 : index
      %swap3A_1200 = tpu.vector_load %arg7[%swap3A_1197, %swap3A_1198, %swap3A_1199] {strides = array<i32>} : memref<2x320x32xf32, #tpu.memory_space<vmem>>, vector<1x1x16xf32>,
      %swap3A_1201 = vector.shape_cast %swap3A_1200 : vector<1x1x16xf32> to vector<16xf32>
      %swap3A_1202 = vector.shape_cast %add3A_1196 : vector<16xf32> to vector<1x1x16xf32>
      tpu.vector_store %arg7[%swap3A_1197, %swap3A_1198, %swap3A_1199], %swap3A_1202 {strides = array<i32>} : memref<2x320x32xf32, #tpu.memory_space<vmem>>, vector<1x1x16xf32>,
      %get3A_1203 = arith.constant 0 : i32
      %get3A_1204 = arith.index_cast %get3A_1203 : i32 to index
      %get3A_1205 = arith.index_cast %mul3A_1164 : i32 to index
      %get3A_1206 = arith.constant 16 : index
      %get3A_1207 = tpu.vector_load %arg6[%get3A_1204, %get3A_1205, %get3A_1206] {strides = array<i32>} : memref<2x1280x32xf32, #tpu.memory_space<vmem>>, vector<1x1x16xf32>,
      %get3A_1208 = vector.shape_cast %get3A_1207 : vector<1x1x16xf32> to vector<16xf32>
      %add3A_1209 = arith.constant 1 : i32
      %add3A_1210 = arith.addi %mul3A_1164, %add3A_1209 : i32
      %get3A_1211 = arith.constant 0 : i32
      %get3A_1212 = arith.index_cast %get3A_1211 : i32 to index
      %get3A_1213 = arith.index_cast %add3A_1210 : i32 to index
      %get3A_1214 = arith.constant 16 : index
      %get3A_1215 = tpu.vector_load %arg6[%get3A_1212, %get3A_1213, %get3A_1214] {strides = array<i32>} : memref<2x1280x32xf32, #tpu.memory_space<vmem>>, vector<1x1x16xf32>,
      %get3A_1216 = vector.shape_cast %get3A_1215 : vector<1x1x16xf32> to vector<16xf32>
      %add3A_1217 = arith.addf %get3A_1208, %get3A_1216 : vector<16xf32>
      %add3A_1218 = arith.constant 2 : i32
      %add3A_1219 = arith.addi %mul3A_1164, %add3A_1218 : i32
      %get3A_1220 = arith.constant 0 : i32
      %get3A_1221 = arith.index_cast %get3A_1220 : i32 to index
      %get3A_1222 = arith.index_cast %add3A_1219 : i32 to index
      %get3A_1223 = arith.constant 16 : index
      %get3A_1224 = tpu.vector_load %arg6[%get3A_1221, %get3A_1222, %get3A_1223] {strides = array<i32>} : memref<2x1280x32xf32, #tpu.memory_space<vmem>>, vector<1x1x16xf32>,
      %get3A_1225 = vector.shape_cast %get3A_1224 : vector<1x1x16xf32> to vector<16xf32>
      %add3A_1226 = arith.addf %add3A_1217, %get3A_1225 : vector<16xf32>
      %add3A_1227 = arith.constant 3 : i32
      %add3A_1228 = arith.addi %mul3A_1164, %add3A_1227 : i32
      %get3A_1229 = arith.constant 0 : i32
      %get3A_1230 = arith.index_cast %get3A_1229 : i32 to index
      %get3A_1231 = arith.index_cast %add3A_1228 : i32 to index
      %get3A_1232 = arith.constant 16 : index
      %get3A_1233 = tpu.vector_load %arg6[%get3A_1230, %get3A_1231, %get3A_1232] {strides = array<i32>} : memref<2x1280x32xf32, #tpu.memory_space<vmem>>, vector<1x1x16xf32>,
      %get3A_1234 = vector.shape_cast %get3A_1233 : vector<1x1x16xf32> to vector<16xf32>
      %add3A_1235 = arith.addf %add3A_1226, %get3A_1234 : vector<16xf32>
      %swap3A_1236 = arith.constant 0 : i32
      %swap3A_1237 = arith.index_cast %swap3A_1236 : i32 to index
      %swap3A_1238 = arith.index_cast %scan3A_1162 : i32 to index
      %swap3A_1239 = arith.constant 16 : index
      %swap3A_1240 = tpu.vector_load %arg7[%swap3A_1237, %swap3A_1238, %swap3A_1239] {strides = array<i32>} : memref<2x320x32xf32, #tpu.memory_space<vmem>>, vector<1x1x16xf32>,
      %swap3A_1241 = vector.shape_cast %swap3A_1240 : vector<1x1x16xf32> to vector<16xf32>
      %swap3A_1242 = vector.shape_cast %add3A_1235 : vector<16xf32> to vector<1x1x16xf32>
      tpu.vector_store %arg7[%swap3A_1237, %swap3A_1238, %swap3A_1239], %swap3A_1242 {strides = array<i32>} : memref<2x320x32xf32, #tpu.memory_space<vmem>>, vector<1x1x16xf32>,
    }
    %scan3A_726 = arith.constant 320 : i32
    %add3A_727 = arith.constant 3840 : i32
    %add3A_728 = arith.addi %mul3A_4, %add3A_727 : i32
    %dma_start3A_729 = arith.constant 0 : i32
    %dma_start3A_730 = arith.constant 0 : i32
    %dma_start3A_731 = arith.constant 0 : i32
    %dma_start3A_732 = tpu.memref_slice %arg7[%dma_start3A_729, %dma_start3A_730, %dma_start3A_731] : memref<2x320x32xf32, #tpu.memory_space<vmem>> -> memref<1x320x32xf32, #tpu.memory_space<vmem>>
    %dma_start3A_733 = tpu.memref_squeeze %dma_start3A_732 : memref<1x320x32xf32, #tpu.memory_space<vmem>> -> memref<320x32xf32, #tpu.memory_space<vmem>>
    %dma_start3A_734 = arith.constant 0 : i32
    %dma_start3A_735 = tpu.memref_slice %arg4[%add3A_728, %dma_start3A_734] : memref<204800x32xf32, #tpu.memory_space<hbm>> -> memref<320x32xf32, #tpu.memory_space<hbm>>
    %dma_start3A_736 = arith.constant 0 : i32
    %dma_start3A_737 = tpu.memref_slice %arg4[%add3A_728, %dma_start3A_736] : memref<204800x32xf32, #tpu.memory_space<hbm>> -> memref<320x32xf32, #tpu.memory_space<hbm>>
    %dma_start3A_738 = arith.constant 0 : i32
    %dma_start3A_739 = arith.constant 0 : i32
    %dma_start3A_740 = tpu.memref_slice %arg7[%dma_start3A_729, %dma_start3A_738, %dma_start3A_739] : memref<2x320x32xf32, #tpu.memory_space<vmem>> -> memref<1x320x32xf32, #tpu.memory_space<vmem>>
    %dma_start3A_741 = tpu.memref_squeeze %dma_start3A_740 : memref<1x320x32xf32, #tpu.memory_space<vmem>> -> memref<320x32xf32, #tpu.memory_space<vmem>>
    tpu.enqueue_dma source(%dma_start3A_741 : memref<320x32xf32, #tpu.memory_space<vmem>>) target(%dma_start3A_737 : memref<320x32xf32, #tpu.memory_space<hbm>>) target_semaphore(%arg10 : memref<!tpu.dma_semaphore, #tpu.memory_space<semaphore_mem>>)
    %dma_start3A_742 = arith.constant 14 : i32
    %dma_start3A_743 = arith.constant 0 : i32
    %dma_start3A_744 = arith.constant 0 : i32
    %dma_start3A_745 = arith.constant 0 : i32
    %dma_start3A_746 = tpu.memref_slice %arg6[%dma_start3A_743, %dma_start3A_744, %dma_start3A_745] : memref<2x1280x32xf32, #tpu.memory_space<vmem>> -> memref<1x1280x32xf32, #tpu.memory_space<vmem>>
    %dma_start3A_747 = tpu.memref_squeeze %dma_start3A_746 : memref<1x1280x32xf32, #tpu.memory_space<vmem>> -> memref<1280x32xf32, #tpu.memory_space<vmem>>
    %dma_start3A_748 = arith.constant 0 : i32
    %dma_start3A_749 = tpu.memref_slice %arg5[%dma_start3A_742, %dma_start3A_748] : memref<20x1280xi32, #tpu.memory_space<vmem>> -> memref<1x1280xi32, #tpu.memory_space<vmem>>
    %dma_start3A_750 = tpu.memref_squeeze %dma_start3A_749 : memref<1x1280xi32, #tpu.memory_space<vmem>> -> memref<1280xi32, #tpu.memory_space<vmem>>
    %dma_start3A_751 = arith.constant 0 : i32
    %dma_start3A_752 = arith.constant 0 : i32
    %dma_start3A_753 = tpu.memref_slice %arg2[%dma_start3A_751, %dma_start3A_752] : memref<1000000x32xf32, #tpu.memory_space<hbm>> -> memref<1000000x32xf32, #tpu.memory_space<hbm>>
    tpu.enqueue_indirect_dma source(%dma_start3A_753 : memref<1000000x32xf32, #tpu.memory_space<hbm>>) target(%dma_start3A_747 : memref<1280x32xf32, #tpu.memory_space<vmem>>) offsets(%dma_start3A_750 : memref<1280xi32, #tpu.memory_space<vmem>>) semaphore(%arg8 : memref<!tpu.dma_semaphore, #tpu.memory_space<semaphore_mem>>)
    %dma_wait3A_754 = arith.constant 13 : i32
    %dma_wait3A_755 = arith.constant 1 : i32
    %dma_wait3A_756 = arith.constant 0 : i32
    %dma_wait3A_757 = arith.constant 0 : i32
    %dma_wait3A_758 = tpu.memref_slice %arg6[%dma_wait3A_755, %dma_wait3A_756, %dma_wait3A_757] : memref<2x1280x32xf32, #tpu.memory_space<vmem>> -> memref<1x1280x32xf32, #tpu.memory_space<vmem>>
    %dma_wait3A_759 = tpu.memref_squeeze %dma_wait3A_758 : memref<1x1280x32xf32, #tpu.memory_space<vmem>> -> memref<1280x32xf32, #tpu.memory_space<vmem>>
    %dma_wait3A_760 = arith.constant 0 : i32
    %dma_wait3A_761 = tpu.memref_slice %arg5[%dma_wait3A_754, %dma_wait3A_760] : memref<20x1280xi32, #tpu.memory_space<vmem>> -> memref<1x1280xi32, #tpu.memory_space<vmem>>
    %dma_wait3A_762 = tpu.memref_squeeze %dma_wait3A_761 : memref<1x1280xi32, #tpu.memory_space<vmem>> -> memref<1280xi32, #tpu.memory_space<vmem>>
    %dma_wait3A_763 = arith.constant 0 : i32
    %dma_wait3A_764 = arith.constant 0 : i32
    %dma_wait3A_765 = tpu.memref_slice %arg2[%dma_wait3A_763, %dma_wait3A_764] : memref<1000000x32xf32, #tpu.memory_space<hbm>> -> memref<1000000x32xf32, #tpu.memory_space<hbm>>
    tpu.wait_indirect_dma semaphore(%arg9 : memref<!tpu.dma_semaphore, #tpu.memory_space<semaphore_mem>>) src(%dma_wait3A_765 : memref<1000000x32xf32, #tpu.memory_space<hbm>>) dst(%dma_wait3A_759 : memref<1280x32xf32, #tpu.memory_space<vmem>>)
    %dma_wait3A_766 = arith.constant 1 : i32
    %dma_wait3A_767 = arith.constant 0 : i32
    %dma_wait3A_768 = arith.constant 0 : i32
    %dma_wait3A_769 = tpu.memref_slice %arg7[%dma_wait3A_766, %dma_wait3A_767, %dma_wait3A_768] : memref<2x320x32xf32, #tpu.memory_space<vmem>> -> memref<1x320x32xf32, #tpu.memory_space<vmem>>
    %dma_wait3A_770 = tpu.memref_squeeze %dma_wait3A_769 : memref<1x320x32xf32, #tpu.memory_space<vmem>> -> memref<320x32xf32, #tpu.memory_space<vmem>>
    %dma_wait3A_771 = arith.constant 0 : i32
    %dma_wait3A_772 = tpu.memref_slice %arg4[%add3A_670, %dma_wait3A_771] : memref<204800x32xf32, #tpu.memory_space<hbm>> -> memref<320x32xf32, #tpu.memory_space<hbm>>
    %dma_wait3A_773 = arith.constant 0 : i32
    %dma_wait3A_774 = tpu.memref_slice %arg4[%add3A_670, %dma_wait3A_773] : memref<204800x32xf32, #tpu.memory_space<hbm>> -> memref<320x32xf32, #tpu.memory_space<hbm>>
    %dma_wait3A_775 = arith.constant 0 : i32
    %dma_wait3A_776 = arith.constant 0 : i32
    %dma_wait3A_777 = tpu.memref_slice %arg7[%dma_wait3A_766, %dma_wait3A_775, %dma_wait3A_776] : memref<2x320x32xf32, #tpu.memory_space<vmem>> -> memref<1x320x32xf32, #tpu.memory_space<vmem>>
    %dma_wait3A_778 = tpu.memref_squeeze %dma_wait3A_777 : memref<1x320x32xf32, #tpu.memory_space<vmem>> -> memref<320x32xf32, #tpu.memory_space<vmem>>
    tpu.wait_dma2 semaphore(%arg11 : memref<!tpu.dma_semaphore, #tpu.memory_space<semaphore_mem>>) src(%dma_wait3A_778 : memref<320x32xf32, #tpu.memory_space<vmem>>) dst(%dma_wait3A_774 : memref<320x32xf32, #tpu.memory_space<hbm>>)
    %scan3A_779 = arith.constant 0 : i32
    %scan3A_780 = arith.constant 0 : i32
    %scan3A_781 = arith.constant 320 : i32
    %scan3A_782 = arith.addi %scan3A_780, %scan3A_781 : i32
    %scan3A_783 = arith.constant 1 : i32
    scf.for %scan3A_1162 = %scan3A_780 to %scan3A_782 step %scan3A_783  : i32 {
      %mul3A_1163 = arith.constant 4 : i32
      %mul3A_1164 = arith.muli %scan3A_1162, %mul3A_1163 : i32
      %get3A = arith.constant 1 : i32
      %get3A_1165 = arith.index_cast %get3A : i32 to index
      %get3A_1166 = arith.index_cast %mul3A_1164 : i32 to index
      %get3A_1167 = arith.constant 0 : index
      %get3A_1168 = tpu.vector_load %arg6[%get3A_1165, %get3A_1166, %get3A_1167] {strides = array<i32>} : memref<2x1280x32xf32, #tpu.memory_space<vmem>>, vector<1x1x16xf32>,
      %get3A_1169 = vector.shape_cast %get3A_1168 : vector<1x1x16xf32> to vector<16xf32>
      %add3A_1170 = arith.constant 1 : i32
      %add3A_1171 = arith.addi %mul3A_1164, %add3A_1170 : i32
      %get3A_1172 = arith.constant 1 : i32
      %get3A_1173 = arith.index_cast %get3A_1172 : i32 to index
      %get3A_1174 = arith.index_cast %add3A_1171 : i32 to index
      %get3A_1175 = arith.constant 0 : index
      %get3A_1176 = tpu.vector_load %arg6[%get3A_1173, %get3A_1174, %get3A_1175] {strides = array<i32>} : memref<2x1280x32xf32, #tpu.memory_space<vmem>>, vector<1x1x16xf32>,
      %get3A_1177 = vector.shape_cast %get3A_1176 : vector<1x1x16xf32> to vector<16xf32>
      %add3A_1178 = arith.addf %get3A_1169, %get3A_1177 : vector<16xf32>
      %add3A_1179 = arith.constant 2 : i32
      %add3A_1180 = arith.addi %mul3A_1164, %add3A_1179 : i32
      %get3A_1181 = arith.constant 1 : i32
      %get3A_1182 = arith.index_cast %get3A_1181 : i32 to index
      %get3A_1183 = arith.index_cast %add3A_1180 : i32 to index
      %get3A_1184 = arith.constant 0 : index
      %get3A_1185 = tpu.vector_load %arg6[%get3A_1182, %get3A_1183, %get3A_1184] {strides = array<i32>} : memref<2x1280x32xf32, #tpu.memory_space<vmem>>, vector<1x1x16xf32>,
      %get3A_1186 = vector.shape_cast %get3A_1185 : vector<1x1x16xf32> to vector<16xf32>
      %add3A_1187 = arith.addf %add3A_1178, %get3A_1186 : vector<16xf32>
      %add3A_1188 = arith.constant 3 : i32
      %add3A_1189 = arith.addi %mul3A_1164, %add3A_1188 : i32
      %get3A_1190 = arith.constant 1 : i32
      %get3A_1191 = arith.index_cast %get3A_1190 : i32 to index
      %get3A_1192 = arith.index_cast %add3A_1189 : i32 to index
      %get3A_1193 = arith.constant 0 : index
      %get3A_1194 = tpu.vector_load %arg6[%get3A_1191, %get3A_1192, %get3A_1193] {strides = array<i32>} : memref<2x1280x32xf32, #tpu.memory_space<vmem>>, vector<1x1x16xf32>,
      %get3A_1195 = vector.shape_cast %get3A_1194 : vector<1x1x16xf32> to vector<16xf32>
      %add3A_1196 = arith.addf %add3A_1187, %get3A_1195 : vector<16xf32>
      %swap3A = arith.constant 1 : i32
      %swap3A_1197 = arith.index_cast %swap3A : i32 to index
      %swap3A_1198 = arith.index_cast %scan3A_1162 : i32 to index
      %swap3A_1199 = arith.constant 0 : index
      %swap3A_1200 = tpu.vector_load %arg7[%swap3A_1197, %swap3A_1198, %swap3A_1199] {strides = array<i32>} : memref<2x320x32xf32, #tpu.memory_space<vmem>>, vector<1x1x16xf32>,
      %swap3A_1201 = vector.shape_cast %swap3A_1200 : vector<1x1x16xf32> to vector<16xf32>
      %swap3A_1202 = vector.shape_cast %add3A_1196 : vector<16xf32> to vector<1x1x16xf32>
      tpu.vector_store %arg7[%swap3A_1197, %swap3A_1198, %swap3A_1199], %swap3A_1202 {strides = array<i32>} : memref<2x320x32xf32, #tpu.memory_space<vmem>>, vector<1x1x16xf32>,
      %get3A_1203 = arith.constant 1 : i32
      %get3A_1204 = arith.index_cast %get3A_1203 : i32 to index
      %get3A_1205 = arith.index_cast %mul3A_1164 : i32 to index
      %get3A_1206 = arith.constant 16 : index
      %get3A_1207 = tpu.vector_load %arg6[%get3A_1204, %get3A_1205, %get3A_1206] {strides = array<i32>} : memref<2x1280x32xf32, #tpu.memory_space<vmem>>, vector<1x1x16xf32>,
      %get3A_1208 = vector.shape_cast %get3A_1207 : vector<1x1x16xf32> to vector<16xf32>
      %add3A_1209 = arith.constant 1 : i32
      %add3A_1210 = arith.addi %mul3A_1164, %add3A_1209 : i32
      %get3A_1211 = arith.constant 1 : i32
      %get3A_1212 = arith.index_cast %get3A_1211 : i32 to index
      %get3A_1213 = arith.index_cast %add3A_1210 : i32 to index
      %get3A_1214 = arith.constant 16 : index
      %get3A_1215 = tpu.vector_load %arg6[%get3A_1212, %get3A_1213, %get3A_1214] {strides = array<i32>} : memref<2x1280x32xf32, #tpu.memory_space<vmem>>, vector<1x1x16xf32>,
      %get3A_1216 = vector.shape_cast %get3A_1215 : vector<1x1x16xf32> to vector<16xf32>
      %add3A_1217 = arith.addf %get3A_1208, %get3A_1216 : vector<16xf32>
      %add3A_1218 = arith.constant 2 : i32
      %add3A_1219 = arith.addi %mul3A_1164, %add3A_1218 : i32
      %get3A_1220 = arith.constant 1 : i32
      %get3A_1221 = arith.index_cast %get3A_1220 : i32 to index
      %get3A_1222 = arith.index_cast %add3A_1219 : i32 to index
      %get3A_1223 = arith.constant 16 : index
      %get3A_1224 = tpu.vector_load %arg6[%get3A_1221, %get3A_1222, %get3A_1223] {strides = array<i32>} : memref<2x1280x32xf32, #tpu.memory_space<vmem>>, vector<1x1x16xf32>,
      %get3A_1225 = vector.shape_cast %get3A_1224 : vector<1x1x16xf32> to vector<16xf32>
      %add3A_1226 = arith.addf %add3A_1217, %get3A_1225 : vector<16xf32>
      %add3A_1227 = arith.constant 3 : i32
      %add3A_1228 = arith.addi %mul3A_1164, %add3A_1227 : i32
      %get3A_1229 = arith.constant 1 : i32
      %get3A_1230 = arith.index_cast %get3A_1229 : i32 to index
      %get3A_1231 = arith.index_cast %add3A_1228 : i32 to index
      %get3A_1232 = arith.constant 16 : index
      %get3A_1233 = tpu.vector_load %arg6[%get3A_1230, %get3A_1231, %get3A_1232] {strides = array<i32>} : memref<2x1280x32xf32, #tpu.memory_space<vmem>>, vector<1x1x16xf32>,
      %get3A_1234 = vector.shape_cast %get3A_1233 : vector<1x1x16xf32> to vector<16xf32>
      %add3A_1235 = arith.addf %add3A_1226, %get3A_1234 : vector<16xf32>
      %swap3A_1236 = arith.constant 1 : i32
      %swap3A_1237 = arith.index_cast %swap3A_1236 : i32 to index
      %swap3A_1238 = arith.index_cast %scan3A_1162 : i32 to index
      %swap3A_1239 = arith.constant 16 : index
      %swap3A_1240 = tpu.vector_load %arg7[%swap3A_1237, %swap3A_1238, %swap3A_1239] {strides = array<i32>} : memref<2x320x32xf32, #tpu.memory_space<vmem>>, vector<1x1x16xf32>,
      %swap3A_1241 = vector.shape_cast %swap3A_1240 : vector<1x1x16xf32> to vector<16xf32>
      %swap3A_1242 = vector.shape_cast %add3A_1235 : vector<16xf32> to vector<1x1x16xf32>
      tpu.vector_store %arg7[%swap3A_1237, %swap3A_1238, %swap3A_1239], %swap3A_1242 {strides = array<i32>} : memref<2x320x32xf32, #tpu.memory_space<vmem>>, vector<1x1x16xf32>,
    }
    %scan3A_784 = arith.constant 320 : i32
    %add3A_785 = arith.constant 4160 : i32
    %add3A_786 = arith.addi %mul3A_4, %add3A_785 : i32
    %dma_start3A_787 = arith.constant 1 : i32
    %dma_start3A_788 = arith.constant 0 : i32
    %dma_start3A_789 = arith.constant 0 : i32
    %dma_start3A_790 = tpu.memref_slice %arg7[%dma_start3A_787, %dma_start3A_788, %dma_start3A_789] : memref<2x320x32xf32, #tpu.memory_space<vmem>> -> memref<1x320x32xf32, #tpu.memory_space<vmem>>
    %dma_start3A_791 = tpu.memref_squeeze %dma_start3A_790 : memref<1x320x32xf32, #tpu.memory_space<vmem>> -> memref<320x32xf32, #tpu.memory_space<vmem>>
    %dma_start3A_792 = arith.constant 0 : i32
    %dma_start3A_793 = tpu.memref_slice %arg4[%add3A_786, %dma_start3A_792] : memref<204800x32xf32, #tpu.memory_space<hbm>> -> memref<320x32xf32, #tpu.memory_space<hbm>>
    %dma_start3A_794 = arith.constant 0 : i32
    %dma_start3A_795 = tpu.memref_slice %arg4[%add3A_786, %dma_start3A_794] : memref<204800x32xf32, #tpu.memory_space<hbm>> -> memref<320x32xf32, #tpu.memory_space<hbm>>
    %dma_start3A_796 = arith.constant 0 : i32
    %dma_start3A_797 = arith.constant 0 : i32
    %dma_start3A_798 = tpu.memref_slice %arg7[%dma_start3A_787, %dma_start3A_796, %dma_start3A_797] : memref<2x320x32xf32, #tpu.memory_space<vmem>> -> memref<1x320x32xf32, #tpu.memory_space<vmem>>
    %dma_start3A_799 = tpu.memref_squeeze %dma_start3A_798 : memref<1x320x32xf32, #tpu.memory_space<vmem>> -> memref<320x32xf32, #tpu.memory_space<vmem>>
    tpu.enqueue_dma source(%dma_start3A_799 : memref<320x32xf32, #tpu.memory_space<vmem>>) target(%dma_start3A_795 : memref<320x32xf32, #tpu.memory_space<hbm>>) target_semaphore(%arg11 : memref<!tpu.dma_semaphore, #tpu.memory_space<semaphore_mem>>)
    %dma_start3A_800 = arith.constant 15 : i32
    %dma_start3A_801 = arith.constant 1 : i32
    %dma_start3A_802 = arith.constant 0 : i32
    %dma_start3A_803 = arith.constant 0 : i32
    %dma_start3A_804 = tpu.memref_slice %arg6[%dma_start3A_801, %dma_start3A_802, %dma_start3A_803] : memref<2x1280x32xf32, #tpu.memory_space<vmem>> -> memref<1x1280x32xf32, #tpu.memory_space<vmem>>
    %dma_start3A_805 = tpu.memref_squeeze %dma_start3A_804 : memref<1x1280x32xf32, #tpu.memory_space<vmem>> -> memref<1280x32xf32, #tpu.memory_space<vmem>>
    %dma_start3A_806 = arith.constant 0 : i32
    %dma_start3A_807 = tpu.memref_slice %arg5[%dma_start3A_800, %dma_start3A_806] : memref<20x1280xi32, #tpu.memory_space<vmem>> -> memref<1x1280xi32, #tpu.memory_space<vmem>>
    %dma_start3A_808 = tpu.memref_squeeze %dma_start3A_807 : memref<1x1280xi32, #tpu.memory_space<vmem>> -> memref<1280xi32, #tpu.memory_space<vmem>>
    %dma_start3A_809 = arith.constant 0 : i32
    %dma_start3A_810 = arith.constant 0 : i32
    %dma_start3A_811 = tpu.memref_slice %arg2[%dma_start3A_809, %dma_start3A_810] : memref<1000000x32xf32, #tpu.memory_space<hbm>> -> memref<1000000x32xf32, #tpu.memory_space<hbm>>
    tpu.enqueue_indirect_dma source(%dma_start3A_811 : memref<1000000x32xf32, #tpu.memory_space<hbm>>) target(%dma_start3A_805 : memref<1280x32xf32, #tpu.memory_space<vmem>>) offsets(%dma_start3A_808 : memref<1280xi32, #tpu.memory_space<vmem>>) semaphore(%arg9 : memref<!tpu.dma_semaphore, #tpu.memory_space<semaphore_mem>>)
    %dma_wait3A_812 = arith.constant 14 : i32
    %dma_wait3A_813 = arith.constant 0 : i32
    %dma_wait3A_814 = arith.constant 0 : i32
    %dma_wait3A_815 = arith.constant 0 : i32
    %dma_wait3A_816 = tpu.memref_slice %arg6[%dma_wait3A_813, %dma_wait3A_814, %dma_wait3A_815] : memref<2x1280x32xf32, #tpu.memory_space<vmem>> -> memref<1x1280x32xf32, #tpu.memory_space<vmem>>
    %dma_wait3A_817 = tpu.memref_squeeze %dma_wait3A_816 : memref<1x1280x32xf32, #tpu.memory_space<vmem>> -> memref<1280x32xf32, #tpu.memory_space<vmem>>
    %dma_wait3A_818 = arith.constant 0 : i32
    %dma_wait3A_819 = tpu.memref_slice %arg5[%dma_wait3A_812, %dma_wait3A_818] : memref<20x1280xi32, #tpu.memory_space<vmem>> -> memref<1x1280xi32, #tpu.memory_space<vmem>>
    %dma_wait3A_820 = tpu.memref_squeeze %dma_wait3A_819 : memref<1x1280xi32, #tpu.memory_space<vmem>> -> memref<1280xi32, #tpu.memory_space<vmem>>
    %dma_wait3A_821 = arith.constant 0 : i32
    %dma_wait3A_822 = arith.constant 0 : i32
    %dma_wait3A_823 = tpu.memref_slice %arg2[%dma_wait3A_821, %dma_wait3A_822] : memref<1000000x32xf32, #tpu.memory_space<hbm>> -> memref<1000000x32xf32, #tpu.memory_space<hbm>>
    tpu.wait_indirect_dma semaphore(%arg8 : memref<!tpu.dma_semaphore, #tpu.memory_space<semaphore_mem>>) src(%dma_wait3A_823 : memref<1000000x32xf32, #tpu.memory_space<hbm>>) dst(%dma_wait3A_817 : memref<1280x32xf32, #tpu.memory_space<vmem>>)
    %dma_wait3A_824 = arith.constant 0 : i32
    %dma_wait3A_825 = arith.constant 0 : i32
    %dma_wait3A_826 = arith.constant 0 : i32
    %dma_wait3A_827 = tpu.memref_slice %arg7[%dma_wait3A_824, %dma_wait3A_825, %dma_wait3A_826] : memref<2x320x32xf32, #tpu.memory_space<vmem>> -> memref<1x320x32xf32, #tpu.memory_space<vmem>>
    %dma_wait3A_828 = tpu.memref_squeeze %dma_wait3A_827 : memref<1x320x32xf32, #tpu.memory_space<vmem>> -> memref<320x32xf32, #tpu.memory_space<vmem>>
    %dma_wait3A_829 = arith.constant 0 : i32
    %dma_wait3A_830 = tpu.memref_slice %arg4[%add3A_728, %dma_wait3A_829] : memref<204800x32xf32, #tpu.memory_space<hbm>> -> memref<320x32xf32, #tpu.memory_space<hbm>>
    %dma_wait3A_831 = arith.constant 0 : i32
    %dma_wait3A_832 = tpu.memref_slice %arg4[%add3A_728, %dma_wait3A_831] : memref<204800x32xf32, #tpu.memory_space<hbm>> -> memref<320x32xf32, #tpu.memory_space<hbm>>
    %dma_wait3A_833 = arith.constant 0 : i32
    %dma_wait3A_834 = arith.constant 0 : i32
    %dma_wait3A_835 = tpu.memref_slice %arg7[%dma_wait3A_824, %dma_wait3A_833, %dma_wait3A_834] : memref<2x320x32xf32, #tpu.memory_space<vmem>> -> memref<1x320x32xf32, #tpu.memory_space<vmem>>
    %dma_wait3A_836 = tpu.memref_squeeze %dma_wait3A_835 : memref<1x320x32xf32, #tpu.memory_space<vmem>> -> memref<320x32xf32, #tpu.memory_space<vmem>>
    tpu.wait_dma2 semaphore(%arg10 : memref<!tpu.dma_semaphore, #tpu.memory_space<semaphore_mem>>) src(%dma_wait3A_836 : memref<320x32xf32, #tpu.memory_space<vmem>>) dst(%dma_wait3A_832 : memref<320x32xf32, #tpu.memory_space<hbm>>)
    %scan3A_837 = arith.constant 0 : i32
    %scan3A_838 = arith.constant 0 : i32
    %scan3A_839 = arith.constant 320 : i32
    %scan3A_840 = arith.addi %scan3A_838, %scan3A_839 : i32
    %scan3A_841 = arith.constant 1 : i32
    scf.for %scan3A_1162 = %scan3A_838 to %scan3A_840 step %scan3A_841  : i32 {
      %mul3A_1163 = arith.constant 4 : i32
      %mul3A_1164 = arith.muli %scan3A_1162, %mul3A_1163 : i32
      %get3A = arith.constant 0 : i32
      %get3A_1165 = arith.index_cast %get3A : i32 to index
      %get3A_1166 = arith.index_cast %mul3A_1164 : i32 to index
      %get3A_1167 = arith.constant 0 : index
      %get3A_1168 = tpu.vector_load %arg6[%get3A_1165, %get3A_1166, %get3A_1167] {strides = array<i32>} : memref<2x1280x32xf32, #tpu.memory_space<vmem>>, vector<1x1x16xf32>,
      %get3A_1169 = vector.shape_cast %get3A_1168 : vector<1x1x16xf32> to vector<16xf32>
      %add3A_1170 = arith.constant 1 : i32
      %add3A_1171 = arith.addi %mul3A_1164, %add3A_1170 : i32
      %get3A_1172 = arith.constant 0 : i32
      %get3A_1173 = arith.index_cast %get3A_1172 : i32 to index
      %get3A_1174 = arith.index_cast %add3A_1171 : i32 to index
      %get3A_1175 = arith.constant 0 : index
      %get3A_1176 = tpu.vector_load %arg6[%get3A_1173, %get3A_1174, %get3A_1175] {strides = array<i32>} : memref<2x1280x32xf32, #tpu.memory_space<vmem>>, vector<1x1x16xf32>,
      %get3A_1177 = vector.shape_cast %get3A_1176 : vector<1x1x16xf32> to vector<16xf32>
      %add3A_1178 = arith.addf %get3A_1169, %get3A_1177 : vector<16xf32>
      %add3A_1179 = arith.constant 2 : i32
      %add3A_1180 = arith.addi %mul3A_1164, %add3A_1179 : i32
      %get3A_1181 = arith.constant 0 : i32
      %get3A_1182 = arith.index_cast %get3A_1181 : i32 to index
      %get3A_1183 = arith.index_cast %add3A_1180 : i32 to index
      %get3A_1184 = arith.constant 0 : index
      %get3A_1185 = tpu.vector_load %arg6[%get3A_1182, %get3A_1183, %get3A_1184] {strides = array<i32>} : memref<2x1280x32xf32, #tpu.memory_space<vmem>>, vector<1x1x16xf32>,
      %get3A_1186 = vector.shape_cast %get3A_1185 : vector<1x1x16xf32> to vector<16xf32>
      %add3A_1187 = arith.addf %add3A_1178, %get3A_1186 : vector<16xf32>
      %add3A_1188 = arith.constant 3 : i32
      %add3A_1189 = arith.addi %mul3A_1164, %add3A_1188 : i32
      %get3A_1190 = arith.constant 0 : i32
      %get3A_1191 = arith.index_cast %get3A_1190 : i32 to index
      %get3A_1192 = arith.index_cast %add3A_1189 : i32 to index
      %get3A_1193 = arith.constant 0 : index
      %get3A_1194 = tpu.vector_load %arg6[%get3A_1191, %get3A_1192, %get3A_1193] {strides = array<i32>} : memref<2x1280x32xf32, #tpu.memory_space<vmem>>, vector<1x1x16xf32>,
      %get3A_1195 = vector.shape_cast %get3A_1194 : vector<1x1x16xf32> to vector<16xf32>
      %add3A_1196 = arith.addf %add3A_1187, %get3A_1195 : vector<16xf32>
      %swap3A = arith.constant 0 : i32
      %swap3A_1197 = arith.index_cast %swap3A : i32 to index
      %swap3A_1198 = arith.index_cast %scan3A_1162 : i32 to index
      %swap3A_1199 = arith.constant 0 : index
      %swap3A_1200 = tpu.vector_load %arg7[%swap3A_1197, %swap3A_1198, %swap3A_1199] {strides = array<i32>} : memref<2x320x32xf32, #tpu.memory_space<vmem>>, vector<1x1x16xf32>,
      %swap3A_1201 = vector.shape_cast %swap3A_1200 : vector<1x1x16xf32> to vector<16xf32>
      %swap3A_1202 = vector.shape_cast %add3A_1196 : vector<16xf32> to vector<1x1x16xf32>
      tpu.vector_store %arg7[%swap3A_1197, %swap3A_1198, %swap3A_1199], %swap3A_1202 {strides = array<i32>} : memref<2x320x32xf32, #tpu.memory_space<vmem>>, vector<1x1x16xf32>,
      %get3A_1203 = arith.constant 0 : i32
      %get3A_1204 = arith.index_cast %get3A_1203 : i32 to index
      %get3A_1205 = arith.index_cast %mul3A_1164 : i32 to index
      %get3A_1206 = arith.constant 16 : index
      %get3A_1207 = tpu.vector_load %arg6[%get3A_1204, %get3A_1205, %get3A_1206] {strides = array<i32>} : memref<2x1280x32xf32, #tpu.memory_space<vmem>>, vector<1x1x16xf32>,
      %get3A_1208 = vector.shape_cast %get3A_1207 : vector<1x1x16xf32> to vector<16xf32>
      %add3A_1209 = arith.constant 1 : i32
      %add3A_1210 = arith.addi %mul3A_1164, %add3A_1209 : i32
      %get3A_1211 = arith.constant 0 : i32
      %get3A_1212 = arith.index_cast %get3A_1211 : i32 to index
      %get3A_1213 = arith.index_cast %add3A_1210 : i32 to index
      %get3A_1214 = arith.constant 16 : index
      %get3A_1215 = tpu.vector_load %arg6[%get3A_1212, %get3A_1213, %get3A_1214] {strides = array<i32>} : memref<2x1280x32xf32, #tpu.memory_space<vmem>>, vector<1x1x16xf32>,
      %get3A_1216 = vector.shape_cast %get3A_1215 : vector<1x1x16xf32> to vector<16xf32>
      %add3A_1217 = arith.addf %get3A_1208, %get3A_1216 : vector<16xf32>
      %add3A_1218 = arith.constant 2 : i32
      %add3A_1219 = arith.addi %mul3A_1164, %add3A_1218 : i32
      %get3A_1220 = arith.constant 0 : i32
      %get3A_1221 = arith.index_cast %get3A_1220 : i32 to index
      %get3A_1222 = arith.index_cast %add3A_1219 : i32 to index
      %get3A_1223 = arith.constant 16 : index
      %get3A_1224 = tpu.vector_load %arg6[%get3A_1221, %get3A_1222, %get3A_1223] {strides = array<i32>} : memref<2x1280x32xf32, #tpu.memory_space<vmem>>, vector<1x1x16xf32>,
      %get3A_1225 = vector.shape_cast %get3A_1224 : vector<1x1x16xf32> to vector<16xf32>
      %add3A_1226 = arith.addf %add3A_1217, %get3A_1225 : vector<16xf32>
      %add3A_1227 = arith.constant 3 : i32
      %add3A_1228 = arith.addi %mul3A_1164, %add3A_1227 : i32
      %get3A_1229 = arith.constant 0 : i32
      %get3A_1230 = arith.index_cast %get3A_1229 : i32 to index
      %get3A_1231 = arith.index_cast %add3A_1228 : i32 to index
      %get3A_1232 = arith.constant 16 : index
      %get3A_1233 = tpu.vector_load %arg6[%get3A_1230, %get3A_1231, %get3A_1232] {strides = array<i32>} : memref<2x1280x32xf32, #tpu.memory_space<vmem>>, vector<1x1x16xf32>,
      %get3A_1234 = vector.shape_cast %get3A_1233 : vector<1x1x16xf32> to vector<16xf32>
      %add3A_1235 = arith.addf %add3A_1226, %get3A_1234 : vector<16xf32>
      %swap3A_1236 = arith.constant 0 : i32
      %swap3A_1237 = arith.index_cast %swap3A_1236 : i32 to index
      %swap3A_1238 = arith.index_cast %scan3A_1162 : i32 to index
      %swap3A_1239 = arith.constant 16 : index
      %swap3A_1240 = tpu.vector_load %arg7[%swap3A_1237, %swap3A_1238, %swap3A_1239] {strides = array<i32>} : memref<2x320x32xf32, #tpu.memory_space<vmem>>, vector<1x1x16xf32>,
      %swap3A_1241 = vector.shape_cast %swap3A_1240 : vector<1x1x16xf32> to vector<16xf32>
      %swap3A_1242 = vector.shape_cast %add3A_1235 : vector<16xf32> to vector<1x1x16xf32>
      tpu.vector_store %arg7[%swap3A_1237, %swap3A_1238, %swap3A_1239], %swap3A_1242 {strides = array<i32>} : memref<2x320x32xf32, #tpu.memory_space<vmem>>, vector<1x1x16xf32>,
    }
    %scan3A_842 = arith.constant 320 : i32
    %add3A_843 = arith.constant 4480 : i32
    %add3A_844 = arith.addi %mul3A_4, %add3A_843 : i32
    %dma_start3A_845 = arith.constant 0 : i32
    %dma_start3A_846 = arith.constant 0 : i32
    %dma_start3A_847 = arith.constant 0 : i32
    %dma_start3A_848 = tpu.memref_slice %arg7[%dma_start3A_845, %dma_start3A_846, %dma_start3A_847] : memref<2x320x32xf32, #tpu.memory_space<vmem>> -> memref<1x320x32xf32, #tpu.memory_space<vmem>>
    %dma_start3A_849 = tpu.memref_squeeze %dma_start3A_848 : memref<1x320x32xf32, #tpu.memory_space<vmem>> -> memref<320x32xf32, #tpu.memory_space<vmem>>
    %dma_start3A_850 = arith.constant 0 : i32
    %dma_start3A_851 = tpu.memref_slice %arg4[%add3A_844, %dma_start3A_850] : memref<204800x32xf32, #tpu.memory_space<hbm>> -> memref<320x32xf32, #tpu.memory_space<hbm>>
    %dma_start3A_852 = arith.constant 0 : i32
    %dma_start3A_853 = tpu.memref_slice %arg4[%add3A_844, %dma_start3A_852] : memref<204800x32xf32, #tpu.memory_space<hbm>> -> memref<320x32xf32, #tpu.memory_space<hbm>>
    %dma_start3A_854 = arith.constant 0 : i32
    %dma_start3A_855 = arith.constant 0 : i32
    %dma_start3A_856 = tpu.memref_slice %arg7[%dma_start3A_845, %dma_start3A_854, %dma_start3A_855] : memref<2x320x32xf32, #tpu.memory_space<vmem>> -> memref<1x320x32xf32, #tpu.memory_space<vmem>>
    %dma_start3A_857 = tpu.memref_squeeze %dma_start3A_856 : memref<1x320x32xf32, #tpu.memory_space<vmem>> -> memref<320x32xf32, #tpu.memory_space<vmem>>
    tpu.enqueue_dma source(%dma_start3A_857 : memref<320x32xf32, #tpu.memory_space<vmem>>) target(%dma_start3A_853 : memref<320x32xf32, #tpu.memory_space<hbm>>) target_semaphore(%arg10 : memref<!tpu.dma_semaphore, #tpu.memory_space<semaphore_mem>>)
    %dma_start3A_858 = arith.constant 16 : i32
    %dma_start3A_859 = arith.constant 0 : i32
    %dma_start3A_860 = arith.constant 0 : i32
    %dma_start3A_861 = arith.constant 0 : i32
    %dma_start3A_862 = tpu.memref_slice %arg6[%dma_start3A_859, %dma_start3A_860, %dma_start3A_861] : memref<2x1280x32xf32, #tpu.memory_space<vmem>> -> memref<1x1280x32xf32, #tpu.memory_space<vmem>>
    %dma_start3A_863 = tpu.memref_squeeze %dma_start3A_862 : memref<1x1280x32xf32, #tpu.memory_space<vmem>> -> memref<1280x32xf32, #tpu.memory_space<vmem>>
    %dma_start3A_864 = arith.constant 0 : i32
    %dma_start3A_865 = tpu.memref_slice %arg5[%dma_start3A_858, %dma_start3A_864] : memref<20x1280xi32, #tpu.memory_space<vmem>> -> memref<1x1280xi32, #tpu.memory_space<vmem>>
    %dma_start3A_866 = tpu.memref_squeeze %dma_start3A_865 : memref<1x1280xi32, #tpu.memory_space<vmem>> -> memref<1280xi32, #tpu.memory_space<vmem>>
    %dma_start3A_867 = arith.constant 0 : i32
    %dma_start3A_868 = arith.constant 0 : i32
    %dma_start3A_869 = tpu.memref_slice %arg2[%dma_start3A_867, %dma_start3A_868] : memref<1000000x32xf32, #tpu.memory_space<hbm>> -> memref<1000000x32xf32, #tpu.memory_space<hbm>>
    tpu.enqueue_indirect_dma source(%dma_start3A_869 : memref<1000000x32xf32, #tpu.memory_space<hbm>>) target(%dma_start3A_863 : memref<1280x32xf32, #tpu.memory_space<vmem>>) offsets(%dma_start3A_866 : memref<1280xi32, #tpu.memory_space<vmem>>) semaphore(%arg8 : memref<!tpu.dma_semaphore, #tpu.memory_space<semaphore_mem>>)
    %dma_wait3A_870 = arith.constant 15 : i32
    %dma_wait3A_871 = arith.constant 1 : i32
    %dma_wait3A_872 = arith.constant 0 : i32
    %dma_wait3A_873 = arith.constant 0 : i32
    %dma_wait3A_874 = tpu.memref_slice %arg6[%dma_wait3A_871, %dma_wait3A_872, %dma_wait3A_873] : memref<2x1280x32xf32, #tpu.memory_space<vmem>> -> memref<1x1280x32xf32, #tpu.memory_space<vmem>>
    %dma_wait3A_875 = tpu.memref_squeeze %dma_wait3A_874 : memref<1x1280x32xf32, #tpu.memory_space<vmem>> -> memref<1280x32xf32, #tpu.memory_space<vmem>>
    %dma_wait3A_876 = arith.constant 0 : i32
    %dma_wait3A_877 = tpu.memref_slice %arg5[%dma_wait3A_870, %dma_wait3A_876] : memref<20x1280xi32, #tpu.memory_space<vmem>> -> memref<1x1280xi32, #tpu.memory_space<vmem>>
    %dma_wait3A_878 = tpu.memref_squeeze %dma_wait3A_877 : memref<1x1280xi32, #tpu.memory_space<vmem>> -> memref<1280xi32, #tpu.memory_space<vmem>>
    %dma_wait3A_879 = arith.constant 0 : i32
    %dma_wait3A_880 = arith.constant 0 : i32
    %dma_wait3A_881 = tpu.memref_slice %arg2[%dma_wait3A_879, %dma_wait3A_880] : memref<1000000x32xf32, #tpu.memory_space<hbm>> -> memref<1000000x32xf32, #tpu.memory_space<hbm>>
    tpu.wait_indirect_dma semaphore(%arg9 : memref<!tpu.dma_semaphore, #tpu.memory_space<semaphore_mem>>) src(%dma_wait3A_881 : memref<1000000x32xf32, #tpu.memory_space<hbm>>) dst(%dma_wait3A_875 : memref<1280x32xf32, #tpu.memory_space<vmem>>)
    %dma_wait3A_882 = arith.constant 1 : i32
    %dma_wait3A_883 = arith.constant 0 : i32
    %dma_wait3A_884 = arith.constant 0 : i32
    %dma_wait3A_885 = tpu.memref_slice %arg7[%dma_wait3A_882, %dma_wait3A_883, %dma_wait3A_884] : memref<2x320x32xf32, #tpu.memory_space<vmem>> -> memref<1x320x32xf32, #tpu.memory_space<vmem>>
    %dma_wait3A_886 = tpu.memref_squeeze %dma_wait3A_885 : memref<1x320x32xf32, #tpu.memory_space<vmem>> -> memref<320x32xf32, #tpu.memory_space<vmem>>
    %dma_wait3A_887 = arith.constant 0 : i32
    %dma_wait3A_888 = tpu.memref_slice %arg4[%add3A_786, %dma_wait3A_887] : memref<204800x32xf32, #tpu.memory_space<hbm>> -> memref<320x32xf32, #tpu.memory_space<hbm>>
    %dma_wait3A_889 = arith.constant 0 : i32
    %dma_wait3A_890 = tpu.memref_slice %arg4[%add3A_786, %dma_wait3A_889] : memref<204800x32xf32, #tpu.memory_space<hbm>> -> memref<320x32xf32, #tpu.memory_space<hbm>>
    %dma_wait3A_891 = arith.constant 0 : i32
    %dma_wait3A_892 = arith.constant 0 : i32
    %dma_wait3A_893 = tpu.memref_slice %arg7[%dma_wait3A_882, %dma_wait3A_891, %dma_wait3A_892] : memref<2x320x32xf32, #tpu.memory_space<vmem>> -> memref<1x320x32xf32, #tpu.memory_space<vmem>>
    %dma_wait3A_894 = tpu.memref_squeeze %dma_wait3A_893 : memref<1x320x32xf32, #tpu.memory_space<vmem>> -> memref<320x32xf32, #tpu.memory_space<vmem>>
    tpu.wait_dma2 semaphore(%arg11 : memref<!tpu.dma_semaphore, #tpu.memory_space<semaphore_mem>>) src(%dma_wait3A_894 : memref<320x32xf32, #tpu.memory_space<vmem>>) dst(%dma_wait3A_890 : memref<320x32xf32, #tpu.memory_space<hbm>>)
    %scan3A_895 = arith.constant 0 : i32
    %scan3A_896 = arith.constant 0 : i32
    %scan3A_897 = arith.constant 320 : i32
    %scan3A_898 = arith.addi %scan3A_896, %scan3A_897 : i32
    %scan3A_899 = arith.constant 1 : i32
    scf.for %scan3A_1162 = %scan3A_896 to %scan3A_898 step %scan3A_899  : i32 {
      %mul3A_1163 = arith.constant 4 : i32
      %mul3A_1164 = arith.muli %scan3A_1162, %mul3A_1163 : i32
      %get3A = arith.constant 1 : i32
      %get3A_1165 = arith.index_cast %get3A : i32 to index
      %get3A_1166 = arith.index_cast %mul3A_1164 : i32 to index
      %get3A_1167 = arith.constant 0 : index
      %get3A_1168 = tpu.vector_load %arg6[%get3A_1165, %get3A_1166, %get3A_1167] {strides = array<i32>} : memref<2x1280x32xf32, #tpu.memory_space<vmem>>, vector<1x1x16xf32>,
      %get3A_1169 = vector.shape_cast %get3A_1168 : vector<1x1x16xf32> to vector<16xf32>
      %add3A_1170 = arith.constant 1 : i32
      %add3A_1171 = arith.addi %mul3A_1164, %add3A_1170 : i32
      %get3A_1172 = arith.constant 1 : i32
      %get3A_1173 = arith.index_cast %get3A_1172 : i32 to index
      %get3A_1174 = arith.index_cast %add3A_1171 : i32 to index
      %get3A_1175 = arith.constant 0 : index
      %get3A_1176 = tpu.vector_load %arg6[%get3A_1173, %get3A_1174, %get3A_1175] {strides = array<i32>} : memref<2x1280x32xf32, #tpu.memory_space<vmem>>, vector<1x1x16xf32>,
      %get3A_1177 = vector.shape_cast %get3A_1176 : vector<1x1x16xf32> to vector<16xf32>
      %add3A_1178 = arith.addf %get3A_1169, %get3A_1177 : vector<16xf32>
      %add3A_1179 = arith.constant 2 : i32
      %add3A_1180 = arith.addi %mul3A_1164, %add3A_1179 : i32
      %get3A_1181 = arith.constant 1 : i32
      %get3A_1182 = arith.index_cast %get3A_1181 : i32 to index
      %get3A_1183 = arith.index_cast %add3A_1180 : i32 to index
      %get3A_1184 = arith.constant 0 : index
      %get3A_1185 = tpu.vector_load %arg6[%get3A_1182, %get3A_1183, %get3A_1184] {strides = array<i32>} : memref<2x1280x32xf32, #tpu.memory_space<vmem>>, vector<1x1x16xf32>,
      %get3A_1186 = vector.shape_cast %get3A_1185 : vector<1x1x16xf32> to vector<16xf32>
      %add3A_1187 = arith.addf %add3A_1178, %get3A_1186 : vector<16xf32>
      %add3A_1188 = arith.constant 3 : i32
      %add3A_1189 = arith.addi %mul3A_1164, %add3A_1188 : i32
      %get3A_1190 = arith.constant 1 : i32
      %get3A_1191 = arith.index_cast %get3A_1190 : i32 to index
      %get3A_1192 = arith.index_cast %add3A_1189 : i32 to index
      %get3A_1193 = arith.constant 0 : index
      %get3A_1194 = tpu.vector_load %arg6[%get3A_1191, %get3A_1192, %get3A_1193] {strides = array<i32>} : memref<2x1280x32xf32, #tpu.memory_space<vmem>>, vector<1x1x16xf32>,
      %get3A_1195 = vector.shape_cast %get3A_1194 : vector<1x1x16xf32> to vector<16xf32>
      %add3A_1196 = arith.addf %add3A_1187, %get3A_1195 : vector<16xf32>
      %swap3A = arith.constant 1 : i32
      %swap3A_1197 = arith.index_cast %swap3A : i32 to index
      %swap3A_1198 = arith.index_cast %scan3A_1162 : i32 to index
      %swap3A_1199 = arith.constant 0 : index
      %swap3A_1200 = tpu.vector_load %arg7[%swap3A_1197, %swap3A_1198, %swap3A_1199] {strides = array<i32>} : memref<2x320x32xf32, #tpu.memory_space<vmem>>, vector<1x1x16xf32>,
      %swap3A_1201 = vector.shape_cast %swap3A_1200 : vector<1x1x16xf32> to vector<16xf32>
      %swap3A_1202 = vector.shape_cast %add3A_1196 : vector<16xf32> to vector<1x1x16xf32>
      tpu.vector_store %arg7[%swap3A_1197, %swap3A_1198, %swap3A_1199], %swap3A_1202 {strides = array<i32>} : memref<2x320x32xf32, #tpu.memory_space<vmem>>, vector<1x1x16xf32>,
      %get3A_1203 = arith.constant 1 : i32
      %get3A_1204 = arith.index_cast %get3A_1203 : i32 to index
      %get3A_1205 = arith.index_cast %mul3A_1164 : i32 to index
      %get3A_1206 = arith.constant 16 : index
      %get3A_1207 = tpu.vector_load %arg6[%get3A_1204, %get3A_1205, %get3A_1206] {strides = array<i32>} : memref<2x1280x32xf32, #tpu.memory_space<vmem>>, vector<1x1x16xf32>,
      %get3A_1208 = vector.shape_cast %get3A_1207 : vector<1x1x16xf32> to vector<16xf32>
      %add3A_1209 = arith.constant 1 : i32
      %add3A_1210 = arith.addi %mul3A_1164, %add3A_1209 : i32
      %get3A_1211 = arith.constant 1 : i32
      %get3A_1212 = arith.index_cast %get3A_1211 : i32 to index
      %get3A_1213 = arith.index_cast %add3A_1210 : i32 to index
      %get3A_1214 = arith.constant 16 : index
      %get3A_1215 = tpu.vector_load %arg6[%get3A_1212, %get3A_1213, %get3A_1214] {strides = array<i32>} : memref<2x1280x32xf32, #tpu.memory_space<vmem>>, vector<1x1x16xf32>,
      %get3A_1216 = vector.shape_cast %get3A_1215 : vector<1x1x16xf32> to vector<16xf32>
      %add3A_1217 = arith.addf %get3A_1208, %get3A_1216 : vector<16xf32>
      %add3A_1218 = arith.constant 2 : i32
      %add3A_1219 = arith.addi %mul3A_1164, %add3A_1218 : i32
      %get3A_1220 = arith.constant 1 : i32
      %get3A_1221 = arith.index_cast %get3A_1220 : i32 to index
      %get3A_1222 = arith.index_cast %add3A_1219 : i32 to index
      %get3A_1223 = arith.constant 16 : index
      %get3A_1224 = tpu.vector_load %arg6[%get3A_1221, %get3A_1222, %get3A_1223] {strides = array<i32>} : memref<2x1280x32xf32, #tpu.memory_space<vmem>>, vector<1x1x16xf32>,
      %get3A_1225 = vector.shape_cast %get3A_1224 : vector<1x1x16xf32> to vector<16xf32>
      %add3A_1226 = arith.addf %add3A_1217, %get3A_1225 : vector<16xf32>
      %add3A_1227 = arith.constant 3 : i32
      %add3A_1228 = arith.addi %mul3A_1164, %add3A_1227 : i32
      %get3A_1229 = arith.constant 1 : i32
      %get3A_1230 = arith.index_cast %get3A_1229 : i32 to index
      %get3A_1231 = arith.index_cast %add3A_1228 : i32 to index
      %get3A_1232 = arith.constant 16 : index
      %get3A_1233 = tpu.vector_load %arg6[%get3A_1230, %get3A_1231, %get3A_1232] {strides = array<i32>} : memref<2x1280x32xf32, #tpu.memory_space<vmem>>, vector<1x1x16xf32>,
      %get3A_1234 = vector.shape_cast %get3A_1233 : vector<1x1x16xf32> to vector<16xf32>
      %add3A_1235 = arith.addf %add3A_1226, %get3A_1234 : vector<16xf32>
      %swap3A_1236 = arith.constant 1 : i32
      %swap3A_1237 = arith.index_cast %swap3A_1236 : i32 to index
      %swap3A_1238 = arith.index_cast %scan3A_1162 : i32 to index
      %swap3A_1239 = arith.constant 16 : index
      %swap3A_1240 = tpu.vector_load %arg7[%swap3A_1237, %swap3A_1238, %swap3A_1239] {strides = array<i32>} : memref<2x320x32xf32, #tpu.memory_space<vmem>>, vector<1x1x16xf32>,
      %swap3A_1241 = vector.shape_cast %swap3A_1240 : vector<1x1x16xf32> to vector<16xf32>
      %swap3A_1242 = vector.shape_cast %add3A_1235 : vector<16xf32> to vector<1x1x16xf32>
      tpu.vector_store %arg7[%swap3A_1237, %swap3A_1238, %swap3A_1239], %swap3A_1242 {strides = array<i32>} : memref<2x320x32xf32, #tpu.memory_space<vmem>>, vector<1x1x16xf32>,
    }
    %scan3A_900 = arith.constant 320 : i32
    %add3A_901 = arith.constant 4800 : i32
    %add3A_902 = arith.addi %mul3A_4, %add3A_901 : i32
    %dma_start3A_903 = arith.constant 1 : i32
    %dma_start3A_904 = arith.constant 0 : i32
    %dma_start3A_905 = arith.constant 0 : i32
    %dma_start3A_906 = tpu.memref_slice %arg7[%dma_start3A_903, %dma_start3A_904, %dma_start3A_905] : memref<2x320x32xf32, #tpu.memory_space<vmem>> -> memref<1x320x32xf32, #tpu.memory_space<vmem>>
    %dma_start3A_907 = tpu.memref_squeeze %dma_start3A_906 : memref<1x320x32xf32, #tpu.memory_space<vmem>> -> memref<320x32xf32, #tpu.memory_space<vmem>>
    %dma_start3A_908 = arith.constant 0 : i32
    %dma_start3A_909 = tpu.memref_slice %arg4[%add3A_902, %dma_start3A_908] : memref<204800x32xf32, #tpu.memory_space<hbm>> -> memref<320x32xf32, #tpu.memory_space<hbm>>
    %dma_start3A_910 = arith.constant 0 : i32
    %dma_start3A_911 = tpu.memref_slice %arg4[%add3A_902, %dma_start3A_910] : memref<204800x32xf32, #tpu.memory_space<hbm>> -> memref<320x32xf32, #tpu.memory_space<hbm>>
    %dma_start3A_912 = arith.constant 0 : i32
    %dma_start3A_913 = arith.constant 0 : i32
    %dma_start3A_914 = tpu.memref_slice %arg7[%dma_start3A_903, %dma_start3A_912, %dma_start3A_913] : memref<2x320x32xf32, #tpu.memory_space<vmem>> -> memref<1x320x32xf32, #tpu.memory_space<vmem>>
    %dma_start3A_915 = tpu.memref_squeeze %dma_start3A_914 : memref<1x320x32xf32, #tpu.memory_space<vmem>> -> memref<320x32xf32, #tpu.memory_space<vmem>>
    tpu.enqueue_dma source(%dma_start3A_915 : memref<320x32xf32, #tpu.memory_space<vmem>>) target(%dma_start3A_911 : memref<320x32xf32, #tpu.memory_space<hbm>>) target_semaphore(%arg11 : memref<!tpu.dma_semaphore, #tpu.memory_space<semaphore_mem>>)
    %dma_start3A_916 = arith.constant 17 : i32
    %dma_start3A_917 = arith.constant 1 : i32
    %dma_start3A_918 = arith.constant 0 : i32
    %dma_start3A_919 = arith.constant 0 : i32
    %dma_start3A_920 = tpu.memref_slice %arg6[%dma_start3A_917, %dma_start3A_918, %dma_start3A_919] : memref<2x1280x32xf32, #tpu.memory_space<vmem>> -> memref<1x1280x32xf32, #tpu.memory_space<vmem>>
    %dma_start3A_921 = tpu.memref_squeeze %dma_start3A_920 : memref<1x1280x32xf32, #tpu.memory_space<vmem>> -> memref<1280x32xf32, #tpu.memory_space<vmem>>
    %dma_start3A_922 = arith.constant 0 : i32
    %dma_start3A_923 = tpu.memref_slice %arg5[%dma_start3A_916, %dma_start3A_922] : memref<20x1280xi32, #tpu.memory_space<vmem>> -> memref<1x1280xi32, #tpu.memory_space<vmem>>
    %dma_start3A_924 = tpu.memref_squeeze %dma_start3A_923 : memref<1x1280xi32, #tpu.memory_space<vmem>> -> memref<1280xi32, #tpu.memory_space<vmem>>
    %dma_start3A_925 = arith.constant 0 : i32
    %dma_start3A_926 = arith.constant 0 : i32
    %dma_start3A_927 = tpu.memref_slice %arg2[%dma_start3A_925, %dma_start3A_926] : memref<1000000x32xf32, #tpu.memory_space<hbm>> -> memref<1000000x32xf32, #tpu.memory_space<hbm>>
    tpu.enqueue_indirect_dma source(%dma_start3A_927 : memref<1000000x32xf32, #tpu.memory_space<hbm>>) target(%dma_start3A_921 : memref<1280x32xf32, #tpu.memory_space<vmem>>) offsets(%dma_start3A_924 : memref<1280xi32, #tpu.memory_space<vmem>>) semaphore(%arg9 : memref<!tpu.dma_semaphore, #tpu.memory_space<semaphore_mem>>)
    %dma_wait3A_928 = arith.constant 16 : i32
    %dma_wait3A_929 = arith.constant 0 : i32
    %dma_wait3A_930 = arith.constant 0 : i32
    %dma_wait3A_931 = arith.constant 0 : i32
    %dma_wait3A_932 = tpu.memref_slice %arg6[%dma_wait3A_929, %dma_wait3A_930, %dma_wait3A_931] : memref<2x1280x32xf32, #tpu.memory_space<vmem>> -> memref<1x1280x32xf32, #tpu.memory_space<vmem>>
    %dma_wait3A_933 = tpu.memref_squeeze %dma_wait3A_932 : memref<1x1280x32xf32, #tpu.memory_space<vmem>> -> memref<1280x32xf32, #tpu.memory_space<vmem>>
    %dma_wait3A_934 = arith.constant 0 : i32
    %dma_wait3A_935 = tpu.memref_slice %arg5[%dma_wait3A_928, %dma_wait3A_934] : memref<20x1280xi32, #tpu.memory_space<vmem>> -> memref<1x1280xi32, #tpu.memory_space<vmem>>
    %dma_wait3A_936 = tpu.memref_squeeze %dma_wait3A_935 : memref<1x1280xi32, #tpu.memory_space<vmem>> -> memref<1280xi32, #tpu.memory_space<vmem>>
    %dma_wait3A_937 = arith.constant 0 : i32
    %dma_wait3A_938 = arith.constant 0 : i32
    %dma_wait3A_939 = tpu.memref_slice %arg2[%dma_wait3A_937, %dma_wait3A_938] : memref<1000000x32xf32, #tpu.memory_space<hbm>> -> memref<1000000x32xf32, #tpu.memory_space<hbm>>
    tpu.wait_indirect_dma semaphore(%arg8 : memref<!tpu.dma_semaphore, #tpu.memory_space<semaphore_mem>>) src(%dma_wait3A_939 : memref<1000000x32xf32, #tpu.memory_space<hbm>>) dst(%dma_wait3A_933 : memref<1280x32xf32, #tpu.memory_space<vmem>>)
    %dma_wait3A_940 = arith.constant 0 : i32
    %dma_wait3A_941 = arith.constant 0 : i32
    %dma_wait3A_942 = arith.constant 0 : i32
    %dma_wait3A_943 = tpu.memref_slice %arg7[%dma_wait3A_940, %dma_wait3A_941, %dma_wait3A_942] : memref<2x320x32xf32, #tpu.memory_space<vmem>> -> memref<1x320x32xf32, #tpu.memory_space<vmem>>
    %dma_wait3A_944 = tpu.memref_squeeze %dma_wait3A_943 : memref<1x320x32xf32, #tpu.memory_space<vmem>> -> memref<320x32xf32, #tpu.memory_space<vmem>>
    %dma_wait3A_945 = arith.constant 0 : i32
    %dma_wait3A_946 = tpu.memref_slice %arg4[%add3A_844, %dma_wait3A_945] : memref<204800x32xf32, #tpu.memory_space<hbm>> -> memref<320x32xf32, #tpu.memory_space<hbm>>
    %dma_wait3A_947 = arith.constant 0 : i32
    %dma_wait3A_948 = tpu.memref_slice %arg4[%add3A_844, %dma_wait3A_947] : memref<204800x32xf32, #tpu.memory_space<hbm>> -> memref<320x32xf32, #tpu.memory_space<hbm>>
    %dma_wait3A_949 = arith.constant 0 : i32
    %dma_wait3A_950 = arith.constant 0 : i32
    %dma_wait3A_951 = tpu.memref_slice %arg7[%dma_wait3A_940, %dma_wait3A_949, %dma_wait3A_950] : memref<2x320x32xf32, #tpu.memory_space<vmem>> -> memref<1x320x32xf32, #tpu.memory_space<vmem>>
    %dma_wait3A_952 = tpu.memref_squeeze %dma_wait3A_951 : memref<1x320x32xf32, #tpu.memory_space<vmem>> -> memref<320x32xf32, #tpu.memory_space<vmem>>
    tpu.wait_dma2 semaphore(%arg10 : memref<!tpu.dma_semaphore, #tpu.memory_space<semaphore_mem>>) src(%dma_wait3A_952 : memref<320x32xf32, #tpu.memory_space<vmem>>) dst(%dma_wait3A_948 : memref<320x32xf32, #tpu.memory_space<hbm>>)
    %scan3A_953 = arith.constant 0 : i32
    %scan3A_954 = arith.constant 0 : i32
    %scan3A_955 = arith.constant 320 : i32
    %scan3A_956 = arith.addi %scan3A_954, %scan3A_955 : i32
    %scan3A_957 = arith.constant 1 : i32
    scf.for %scan3A_1162 = %scan3A_954 to %scan3A_956 step %scan3A_957  : i32 {
      %mul3A_1163 = arith.constant 4 : i32
      %mul3A_1164 = arith.muli %scan3A_1162, %mul3A_1163 : i32
      %get3A = arith.constant 0 : i32
      %get3A_1165 = arith.index_cast %get3A : i32 to index
      %get3A_1166 = arith.index_cast %mul3A_1164 : i32 to index
      %get3A_1167 = arith.constant 0 : index
      %get3A_1168 = tpu.vector_load %arg6[%get3A_1165, %get3A_1166, %get3A_1167] {strides = array<i32>} : memref<2x1280x32xf32, #tpu.memory_space<vmem>>, vector<1x1x16xf32>,
      %get3A_1169 = vector.shape_cast %get3A_1168 : vector<1x1x16xf32> to vector<16xf32>
      %add3A_1170 = arith.constant 1 : i32
      %add3A_1171 = arith.addi %mul3A_1164, %add3A_1170 : i32
      %get3A_1172 = arith.constant 0 : i32
      %get3A_1173 = arith.index_cast %get3A_1172 : i32 to index
      %get3A_1174 = arith.index_cast %add3A_1171 : i32 to index
      %get3A_1175 = arith.constant 0 : index
      %get3A_1176 = tpu.vector_load %arg6[%get3A_1173, %get3A_1174, %get3A_1175] {strides = array<i32>} : memref<2x1280x32xf32, #tpu.memory_space<vmem>>, vector<1x1x16xf32>,
      %get3A_1177 = vector.shape_cast %get3A_1176 : vector<1x1x16xf32> to vector<16xf32>
      %add3A_1178 = arith.addf %get3A_1169, %get3A_1177 : vector<16xf32>
      %add3A_1179 = arith.constant 2 : i32
      %add3A_1180 = arith.addi %mul3A_1164, %add3A_1179 : i32
      %get3A_1181 = arith.constant 0 : i32
      %get3A_1182 = arith.index_cast %get3A_1181 : i32 to index
      %get3A_1183 = arith.index_cast %add3A_1180 : i32 to index
      %get3A_1184 = arith.constant 0 : index
      %get3A_1185 = tpu.vector_load %arg6[%get3A_1182, %get3A_1183, %get3A_1184] {strides = array<i32>} : memref<2x1280x32xf32, #tpu.memory_space<vmem>>, vector<1x1x16xf32>,
      %get3A_1186 = vector.shape_cast %get3A_1185 : vector<1x1x16xf32> to vector<16xf32>
      %add3A_1187 = arith.addf %add3A_1178, %get3A_1186 : vector<16xf32>
      %add3A_1188 = arith.constant 3 : i32
      %add3A_1189 = arith.addi %mul3A_1164, %add3A_1188 : i32
      %get3A_1190 = arith.constant 0 : i32
      %get3A_1191 = arith.index_cast %get3A_1190 : i32 to index
      %get3A_1192 = arith.index_cast %add3A_1189 : i32 to index
      %get3A_1193 = arith.constant 0 : index
      %get3A_1194 = tpu.vector_load %arg6[%get3A_1191, %get3A_1192, %get3A_1193] {strides = array<i32>} : memref<2x1280x32xf32, #tpu.memory_space<vmem>>, vector<1x1x16xf32>,
      %get3A_1195 = vector.shape_cast %get3A_1194 : vector<1x1x16xf32> to vector<16xf32>
      %add3A_1196 = arith.addf %add3A_1187, %get3A_1195 : vector<16xf32>
      %swap3A = arith.constant 0 : i32
      %swap3A_1197 = arith.index_cast %swap3A : i32 to index
      %swap3A_1198 = arith.index_cast %scan3A_1162 : i32 to index
      %swap3A_1199 = arith.constant 0 : index
      %swap3A_1200 = tpu.vector_load %arg7[%swap3A_1197, %swap3A_1198, %swap3A_1199] {strides = array<i32>} : memref<2x320x32xf32, #tpu.memory_space<vmem>>, vector<1x1x16xf32>,
      %swap3A_1201 = vector.shape_cast %swap3A_1200 : vector<1x1x16xf32> to vector<16xf32>
      %swap3A_1202 = vector.shape_cast %add3A_1196 : vector<16xf32> to vector<1x1x16xf32>
      tpu.vector_store %arg7[%swap3A_1197, %swap3A_1198, %swap3A_1199], %swap3A_1202 {strides = array<i32>} : memref<2x320x32xf32, #tpu.memory_space<vmem>>, vector<1x1x16xf32>,
      %get3A_1203 = arith.constant 0 : i32
      %get3A_1204 = arith.index_cast %get3A_1203 : i32 to index
      %get3A_1205 = arith.index_cast %mul3A_1164 : i32 to index
      %get3A_1206 = arith.constant 16 : index
      %get3A_1207 = tpu.vector_load %arg6[%get3A_1204, %get3A_1205, %get3A_1206] {strides = array<i32>} : memref<2x1280x32xf32, #tpu.memory_space<vmem>>, vector<1x1x16xf32>,
      %get3A_1208 = vector.shape_cast %get3A_1207 : vector<1x1x16xf32> to vector<16xf32>
      %add3A_1209 = arith.constant 1 : i32
      %add3A_1210 = arith.addi %mul3A_1164, %add3A_1209 : i32
      %get3A_1211 = arith.constant 0 : i32
      %get3A_1212 = arith.index_cast %get3A_1211 : i32 to index
      %get3A_1213 = arith.index_cast %add3A_1210 : i32 to index
      %get3A_1214 = arith.constant 16 : index
      %get3A_1215 = tpu.vector_load %arg6[%get3A_1212, %get3A_1213, %get3A_1214] {strides = array<i32>} : memref<2x1280x32xf32, #tpu.memory_space<vmem>>, vector<1x1x16xf32>,
      %get3A_1216 = vector.shape_cast %get3A_1215 : vector<1x1x16xf32> to vector<16xf32>
      %add3A_1217 = arith.addf %get3A_1208, %get3A_1216 : vector<16xf32>
      %add3A_1218 = arith.constant 2 : i32
      %add3A_1219 = arith.addi %mul3A_1164, %add3A_1218 : i32
      %get3A_1220 = arith.constant 0 : i32
      %get3A_1221 = arith.index_cast %get3A_1220 : i32 to index
      %get3A_1222 = arith.index_cast %add3A_1219 : i32 to index
      %get3A_1223 = arith.constant 16 : index
      %get3A_1224 = tpu.vector_load %arg6[%get3A_1221, %get3A_1222, %get3A_1223] {strides = array<i32>} : memref<2x1280x32xf32, #tpu.memory_space<vmem>>, vector<1x1x16xf32>,
      %get3A_1225 = vector.shape_cast %get3A_1224 : vector<1x1x16xf32> to vector<16xf32>
      %add3A_1226 = arith.addf %add3A_1217, %get3A_1225 : vector<16xf32>
      %add3A_1227 = arith.constant 3 : i32
      %add3A_1228 = arith.addi %mul3A_1164, %add3A_1227 : i32
      %get3A_1229 = arith.constant 0 : i32
      %get3A_1230 = arith.index_cast %get3A_1229 : i32 to index
      %get3A_1231 = arith.index_cast %add3A_1228 : i32 to index
      %get3A_1232 = arith.constant 16 : index
      %get3A_1233 = tpu.vector_load %arg6[%get3A_1230, %get3A_1231, %get3A_1232] {strides = array<i32>} : memref<2x1280x32xf32, #tpu.memory_space<vmem>>, vector<1x1x16xf32>,
      %get3A_1234 = vector.shape_cast %get3A_1233 : vector<1x1x16xf32> to vector<16xf32>
      %add3A_1235 = arith.addf %add3A_1226, %get3A_1234 : vector<16xf32>
      %swap3A_1236 = arith.constant 0 : i32
      %swap3A_1237 = arith.index_cast %swap3A_1236 : i32 to index
      %swap3A_1238 = arith.index_cast %scan3A_1162 : i32 to index
      %swap3A_1239 = arith.constant 16 : index
      %swap3A_1240 = tpu.vector_load %arg7[%swap3A_1237, %swap3A_1238, %swap3A_1239] {strides = array<i32>} : memref<2x320x32xf32, #tpu.memory_space<vmem>>, vector<1x1x16xf32>,
      %swap3A_1241 = vector.shape_cast %swap3A_1240 : vector<1x1x16xf32> to vector<16xf32>
      %swap3A_1242 = vector.shape_cast %add3A_1235 : vector<16xf32> to vector<1x1x16xf32>
      tpu.vector_store %arg7[%swap3A_1237, %swap3A_1238, %swap3A_1239], %swap3A_1242 {strides = array<i32>} : memref<2x320x32xf32, #tpu.memory_space<vmem>>, vector<1x1x16xf32>,
    }
    %scan3A_958 = arith.constant 320 : i32
    %add3A_959 = arith.constant 5120 : i32
    %add3A_960 = arith.addi %mul3A_4, %add3A_959 : i32
    %dma_start3A_961 = arith.constant 0 : i32
    %dma_start3A_962 = arith.constant 0 : i32
    %dma_start3A_963 = arith.constant 0 : i32
    %dma_start3A_964 = tpu.memref_slice %arg7[%dma_start3A_961, %dma_start3A_962, %dma_start3A_963] : memref<2x320x32xf32, #tpu.memory_space<vmem>> -> memref<1x320x32xf32, #tpu.memory_space<vmem>>
    %dma_start3A_965 = tpu.memref_squeeze %dma_start3A_964 : memref<1x320x32xf32, #tpu.memory_space<vmem>> -> memref<320x32xf32, #tpu.memory_space<vmem>>
    %dma_start3A_966 = arith.constant 0 : i32
    %dma_start3A_967 = tpu.memref_slice %arg4[%add3A_960, %dma_start3A_966] : memref<204800x32xf32, #tpu.memory_space<hbm>> -> memref<320x32xf32, #tpu.memory_space<hbm>>
    %dma_start3A_968 = arith.constant 0 : i32
    %dma_start3A_969 = tpu.memref_slice %arg4[%add3A_960, %dma_start3A_968] : memref<204800x32xf32, #tpu.memory_space<hbm>> -> memref<320x32xf32, #tpu.memory_space<hbm>>
    %dma_start3A_970 = arith.constant 0 : i32
    %dma_start3A_971 = arith.constant 0 : i32
    %dma_start3A_972 = tpu.memref_slice %arg7[%dma_start3A_961, %dma_start3A_970, %dma_start3A_971] : memref<2x320x32xf32, #tpu.memory_space<vmem>> -> memref<1x320x32xf32, #tpu.memory_space<vmem>>
    %dma_start3A_973 = tpu.memref_squeeze %dma_start3A_972 : memref<1x320x32xf32, #tpu.memory_space<vmem>> -> memref<320x32xf32, #tpu.memory_space<vmem>>
    tpu.enqueue_dma source(%dma_start3A_973 : memref<320x32xf32, #tpu.memory_space<vmem>>) target(%dma_start3A_969 : memref<320x32xf32, #tpu.memory_space<hbm>>) target_semaphore(%arg10 : memref<!tpu.dma_semaphore, #tpu.memory_space<semaphore_mem>>)
    %dma_start3A_974 = arith.constant 18 : i32
    %dma_start3A_975 = arith.constant 0 : i32
    %dma_start3A_976 = arith.constant 0 : i32
    %dma_start3A_977 = arith.constant 0 : i32
    %dma_start3A_978 = tpu.memref_slice %arg6[%dma_start3A_975, %dma_start3A_976, %dma_start3A_977] : memref<2x1280x32xf32, #tpu.memory_space<vmem>> -> memref<1x1280x32xf32, #tpu.memory_space<vmem>>
    %dma_start3A_979 = tpu.memref_squeeze %dma_start3A_978 : memref<1x1280x32xf32, #tpu.memory_space<vmem>> -> memref<1280x32xf32, #tpu.memory_space<vmem>>
    %dma_start3A_980 = arith.constant 0 : i32
    %dma_start3A_981 = tpu.memref_slice %arg5[%dma_start3A_974, %dma_start3A_980] : memref<20x1280xi32, #tpu.memory_space<vmem>> -> memref<1x1280xi32, #tpu.memory_space<vmem>>
    %dma_start3A_982 = tpu.memref_squeeze %dma_start3A_981 : memref<1x1280xi32, #tpu.memory_space<vmem>> -> memref<1280xi32, #tpu.memory_space<vmem>>
    %dma_start3A_983 = arith.constant 0 : i32
    %dma_start3A_984 = arith.constant 0 : i32
    %dma_start3A_985 = tpu.memref_slice %arg2[%dma_start3A_983, %dma_start3A_984] : memref<1000000x32xf32, #tpu.memory_space<hbm>> -> memref<1000000x32xf32, #tpu.memory_space<hbm>>
    tpu.enqueue_indirect_dma source(%dma_start3A_985 : memref<1000000x32xf32, #tpu.memory_space<hbm>>) target(%dma_start3A_979 : memref<1280x32xf32, #tpu.memory_space<vmem>>) offsets(%dma_start3A_982 : memref<1280xi32, #tpu.memory_space<vmem>>) semaphore(%arg8 : memref<!tpu.dma_semaphore, #tpu.memory_space<semaphore_mem>>)
    %dma_wait3A_986 = arith.constant 17 : i32
    %dma_wait3A_987 = arith.constant 1 : i32
    %dma_wait3A_988 = arith.constant 0 : i32
    %dma_wait3A_989 = arith.constant 0 : i32
    %dma_wait3A_990 = tpu.memref_slice %arg6[%dma_wait3A_987, %dma_wait3A_988, %dma_wait3A_989] : memref<2x1280x32xf32, #tpu.memory_space<vmem>> -> memref<1x1280x32xf32, #tpu.memory_space<vmem>>
    %dma_wait3A_991 = tpu.memref_squeeze %dma_wait3A_990 : memref<1x1280x32xf32, #tpu.memory_space<vmem>> -> memref<1280x32xf32, #tpu.memory_space<vmem>>
    %dma_wait3A_992 = arith.constant 0 : i32
    %dma_wait3A_993 = tpu.memref_slice %arg5[%dma_wait3A_986, %dma_wait3A_992] : memref<20x1280xi32, #tpu.memory_space<vmem>> -> memref<1x1280xi32, #tpu.memory_space<vmem>>
    %dma_wait3A_994 = tpu.memref_squeeze %dma_wait3A_993 : memref<1x1280xi32, #tpu.memory_space<vmem>> -> memref<1280xi32, #tpu.memory_space<vmem>>
    %dma_wait3A_995 = arith.constant 0 : i32
    %dma_wait3A_996 = arith.constant 0 : i32
    %dma_wait3A_997 = tpu.memref_slice %arg2[%dma_wait3A_995, %dma_wait3A_996] : memref<1000000x32xf32, #tpu.memory_space<hbm>> -> memref<1000000x32xf32, #tpu.memory_space<hbm>>
    tpu.wait_indirect_dma semaphore(%arg9 : memref<!tpu.dma_semaphore, #tpu.memory_space<semaphore_mem>>) src(%dma_wait3A_997 : memref<1000000x32xf32, #tpu.memory_space<hbm>>) dst(%dma_wait3A_991 : memref<1280x32xf32, #tpu.memory_space<vmem>>)
    %dma_wait3A_998 = arith.constant 1 : i32
    %dma_wait3A_999 = arith.constant 0 : i32
    %dma_wait3A_1000 = arith.constant 0 : i32
    %dma_wait3A_1001 = tpu.memref_slice %arg7[%dma_wait3A_998, %dma_wait3A_999, %dma_wait3A_1000] : memref<2x320x32xf32, #tpu.memory_space<vmem>> -> memref<1x320x32xf32, #tpu.memory_space<vmem>>
    %dma_wait3A_1002 = tpu.memref_squeeze %dma_wait3A_1001 : memref<1x320x32xf32, #tpu.memory_space<vmem>> -> memref<320x32xf32, #tpu.memory_space<vmem>>
    %dma_wait3A_1003 = arith.constant 0 : i32
    %dma_wait3A_1004 = tpu.memref_slice %arg4[%add3A_902, %dma_wait3A_1003] : memref<204800x32xf32, #tpu.memory_space<hbm>> -> memref<320x32xf32, #tpu.memory_space<hbm>>
    %dma_wait3A_1005 = arith.constant 0 : i32
    %dma_wait3A_1006 = tpu.memref_slice %arg4[%add3A_902, %dma_wait3A_1005] : memref<204800x32xf32, #tpu.memory_space<hbm>> -> memref<320x32xf32, #tpu.memory_space<hbm>>
    %dma_wait3A_1007 = arith.constant 0 : i32
    %dma_wait3A_1008 = arith.constant 0 : i32
    %dma_wait3A_1009 = tpu.memref_slice %arg7[%dma_wait3A_998, %dma_wait3A_1007, %dma_wait3A_1008] : memref<2x320x32xf32, #tpu.memory_space<vmem>> -> memref<1x320x32xf32, #tpu.memory_space<vmem>>
    %dma_wait3A_1010 = tpu.memref_squeeze %dma_wait3A_1009 : memref<1x320x32xf32, #tpu.memory_space<vmem>> -> memref<320x32xf32, #tpu.memory_space<vmem>>
    tpu.wait_dma2 semaphore(%arg11 : memref<!tpu.dma_semaphore, #tpu.memory_space<semaphore_mem>>) src(%dma_wait3A_1010 : memref<320x32xf32, #tpu.memory_space<vmem>>) dst(%dma_wait3A_1006 : memref<320x32xf32, #tpu.memory_space<hbm>>)
    %scan3A_1011 = arith.constant 0 : i32
    %scan3A_1012 = arith.constant 0 : i32
    %scan3A_1013 = arith.constant 320 : i32
    %scan3A_1014 = arith.addi %scan3A_1012, %scan3A_1013 : i32
    %scan3A_1015 = arith.constant 1 : i32
    scf.for %scan3A_1162 = %scan3A_1012 to %scan3A_1014 step %scan3A_1015  : i32 {
      %mul3A_1163 = arith.constant 4 : i32
      %mul3A_1164 = arith.muli %scan3A_1162, %mul3A_1163 : i32
      %get3A = arith.constant 1 : i32
      %get3A_1165 = arith.index_cast %get3A : i32 to index
      %get3A_1166 = arith.index_cast %mul3A_1164 : i32 to index
      %get3A_1167 = arith.constant 0 : index
      %get3A_1168 = tpu.vector_load %arg6[%get3A_1165, %get3A_1166, %get3A_1167] {strides = array<i32>} : memref<2x1280x32xf32, #tpu.memory_space<vmem>>, vector<1x1x16xf32>,
      %get3A_1169 = vector.shape_cast %get3A_1168 : vector<1x1x16xf32> to vector<16xf32>
      %add3A_1170 = arith.constant 1 : i32
      %add3A_1171 = arith.addi %mul3A_1164, %add3A_1170 : i32
      %get3A_1172 = arith.constant 1 : i32
      %get3A_1173 = arith.index_cast %get3A_1172 : i32 to index
      %get3A_1174 = arith.index_cast %add3A_1171 : i32 to index
      %get3A_1175 = arith.constant 0 : index
      %get3A_1176 = tpu.vector_load %arg6[%get3A_1173, %get3A_1174, %get3A_1175] {strides = array<i32>} : memref<2x1280x32xf32, #tpu.memory_space<vmem>>, vector<1x1x16xf32>,
      %get3A_1177 = vector.shape_cast %get3A_1176 : vector<1x1x16xf32> to vector<16xf32>
      %add3A_1178 = arith.addf %get3A_1169, %get3A_1177 : vector<16xf32>
      %add3A_1179 = arith.constant 2 : i32
      %add3A_1180 = arith.addi %mul3A_1164, %add3A_1179 : i32
      %get3A_1181 = arith.constant 1 : i32
      %get3A_1182 = arith.index_cast %get3A_1181 : i32 to index
      %get3A_1183 = arith.index_cast %add3A_1180 : i32 to index
      %get3A_1184 = arith.constant 0 : index
      %get3A_1185 = tpu.vector_load %arg6[%get3A_1182, %get3A_1183, %get3A_1184] {strides = array<i32>} : memref<2x1280x32xf32, #tpu.memory_space<vmem>>, vector<1x1x16xf32>,
      %get3A_1186 = vector.shape_cast %get3A_1185 : vector<1x1x16xf32> to vector<16xf32>
      %add3A_1187 = arith.addf %add3A_1178, %get3A_1186 : vector<16xf32>
      %add3A_1188 = arith.constant 3 : i32
      %add3A_1189 = arith.addi %mul3A_1164, %add3A_1188 : i32
      %get3A_1190 = arith.constant 1 : i32
      %get3A_1191 = arith.index_cast %get3A_1190 : i32 to index
      %get3A_1192 = arith.index_cast %add3A_1189 : i32 to index
      %get3A_1193 = arith.constant 0 : index
      %get3A_1194 = tpu.vector_load %arg6[%get3A_1191, %get3A_1192, %get3A_1193] {strides = array<i32>} : memref<2x1280x32xf32, #tpu.memory_space<vmem>>, vector<1x1x16xf32>,
      %get3A_1195 = vector.shape_cast %get3A_1194 : vector<1x1x16xf32> to vector<16xf32>
      %add3A_1196 = arith.addf %add3A_1187, %get3A_1195 : vector<16xf32>
      %swap3A = arith.constant 1 : i32
      %swap3A_1197 = arith.index_cast %swap3A : i32 to index
      %swap3A_1198 = arith.index_cast %scan3A_1162 : i32 to index
      %swap3A_1199 = arith.constant 0 : index
      %swap3A_1200 = tpu.vector_load %arg7[%swap3A_1197, %swap3A_1198, %swap3A_1199] {strides = array<i32>} : memref<2x320x32xf32, #tpu.memory_space<vmem>>, vector<1x1x16xf32>,
      %swap3A_1201 = vector.shape_cast %swap3A_1200 : vector<1x1x16xf32> to vector<16xf32>
      %swap3A_1202 = vector.shape_cast %add3A_1196 : vector<16xf32> to vector<1x1x16xf32>
      tpu.vector_store %arg7[%swap3A_1197, %swap3A_1198, %swap3A_1199], %swap3A_1202 {strides = array<i32>} : memref<2x320x32xf32, #tpu.memory_space<vmem>>, vector<1x1x16xf32>,
      %get3A_1203 = arith.constant 1 : i32
      %get3A_1204 = arith.index_cast %get3A_1203 : i32 to index
      %get3A_1205 = arith.index_cast %mul3A_1164 : i32 to index
      %get3A_1206 = arith.constant 16 : index
      %get3A_1207 = tpu.vector_load %arg6[%get3A_1204, %get3A_1205, %get3A_1206] {strides = array<i32>} : memref<2x1280x32xf32, #tpu.memory_space<vmem>>, vector<1x1x16xf32>,
      %get3A_1208 = vector.shape_cast %get3A_1207 : vector<1x1x16xf32> to vector<16xf32>
      %add3A_1209 = arith.constant 1 : i32
      %add3A_1210 = arith.addi %mul3A_1164, %add3A_1209 : i32
      %get3A_1211 = arith.constant 1 : i32
      %get3A_1212 = arith.index_cast %get3A_1211 : i32 to index
      %get3A_1213 = arith.index_cast %add3A_1210 : i32 to index
      %get3A_1214 = arith.constant 16 : index
      %get3A_1215 = tpu.vector_load %arg6[%get3A_1212, %get3A_1213, %get3A_1214] {strides = array<i32>} : memref<2x1280x32xf32, #tpu.memory_space<vmem>>, vector<1x1x16xf32>,
      %get3A_1216 = vector.shape_cast %get3A_1215 : vector<1x1x16xf32> to vector<16xf32>
      %add3A_1217 = arith.addf %get3A_1208, %get3A_1216 : vector<16xf32>
      %add3A_1218 = arith.constant 2 : i32
      %add3A_1219 = arith.addi %mul3A_1164, %add3A_1218 : i32
      %get3A_1220 = arith.constant 1 : i32
      %get3A_1221 = arith.index_cast %get3A_1220 : i32 to index
      %get3A_1222 = arith.index_cast %add3A_1219 : i32 to index
      %get3A_1223 = arith.constant 16 : index
      %get3A_1224 = tpu.vector_load %arg6[%get3A_1221, %get3A_1222, %get3A_1223] {strides = array<i32>} : memref<2x1280x32xf32, #tpu.memory_space<vmem>>, vector<1x1x16xf32>,
      %get3A_1225 = vector.shape_cast %get3A_1224 : vector<1x1x16xf32> to vector<16xf32>
      %add3A_1226 = arith.addf %add3A_1217, %get3A_1225 : vector<16xf32>
      %add3A_1227 = arith.constant 3 : i32
      %add3A_1228 = arith.addi %mul3A_1164, %add3A_1227 : i32
      %get3A_1229 = arith.constant 1 : i32
      %get3A_1230 = arith.index_cast %get3A_1229 : i32 to index
      %get3A_1231 = arith.index_cast %add3A_1228 : i32 to index
      %get3A_1232 = arith.constant 16 : index
      %get3A_1233 = tpu.vector_load %arg6[%get3A_1230, %get3A_1231, %get3A_1232] {strides = array<i32>} : memref<2x1280x32xf32, #tpu.memory_space<vmem>>, vector<1x1x16xf32>,
      %get3A_1234 = vector.shape_cast %get3A_1233 : vector<1x1x16xf32> to vector<16xf32>
      %add3A_1235 = arith.addf %add3A_1226, %get3A_1234 : vector<16xf32>
      %swap3A_1236 = arith.constant 1 : i32
      %swap3A_1237 = arith.index_cast %swap3A_1236 : i32 to index
      %swap3A_1238 = arith.index_cast %scan3A_1162 : i32 to index
      %swap3A_1239 = arith.constant 16 : index
      %swap3A_1240 = tpu.vector_load %arg7[%swap3A_1237, %swap3A_1238, %swap3A_1239] {strides = array<i32>} : memref<2x320x32xf32, #tpu.memory_space<vmem>>, vector<1x1x16xf32>,
      %swap3A_1241 = vector.shape_cast %swap3A_1240 : vector<1x1x16xf32> to vector<16xf32>
      %swap3A_1242 = vector.shape_cast %add3A_1235 : vector<16xf32> to vector<1x1x16xf32>
      tpu.vector_store %arg7[%swap3A_1237, %swap3A_1238, %swap3A_1239], %swap3A_1242 {strides = array<i32>} : memref<2x320x32xf32, #tpu.memory_space<vmem>>, vector<1x1x16xf32>,
    }
    %scan3A_1016 = arith.constant 320 : i32
    %add3A_1017 = arith.constant 5440 : i32
    %add3A_1018 = arith.addi %mul3A_4, %add3A_1017 : i32
    %dma_start3A_1019 = arith.constant 1 : i32
    %dma_start3A_1020 = arith.constant 0 : i32
    %dma_start3A_1021 = arith.constant 0 : i32
    %dma_start3A_1022 = tpu.memref_slice %arg7[%dma_start3A_1019, %dma_start3A_1020, %dma_start3A_1021] : memref<2x320x32xf32, #tpu.memory_space<vmem>> -> memref<1x320x32xf32, #tpu.memory_space<vmem>>
    %dma_start3A_1023 = tpu.memref_squeeze %dma_start3A_1022 : memref<1x320x32xf32, #tpu.memory_space<vmem>> -> memref<320x32xf32, #tpu.memory_space<vmem>>
    %dma_start3A_1024 = arith.constant 0 : i32
    %dma_start3A_1025 = tpu.memref_slice %arg4[%add3A_1018, %dma_start3A_1024] : memref<204800x32xf32, #tpu.memory_space<hbm>> -> memref<320x32xf32, #tpu.memory_space<hbm>>
    %dma_start3A_1026 = arith.constant 0 : i32
    %dma_start3A_1027 = tpu.memref_slice %arg4[%add3A_1018, %dma_start3A_1026] : memref<204800x32xf32, #tpu.memory_space<hbm>> -> memref<320x32xf32, #tpu.memory_space<hbm>>
    %dma_start3A_1028 = arith.constant 0 : i32
    %dma_start3A_1029 = arith.constant 0 : i32
    %dma_start3A_1030 = tpu.memref_slice %arg7[%dma_start3A_1019, %dma_start3A_1028, %dma_start3A_1029] : memref<2x320x32xf32, #tpu.memory_space<vmem>> -> memref<1x320x32xf32, #tpu.memory_space<vmem>>
    %dma_start3A_1031 = tpu.memref_squeeze %dma_start3A_1030 : memref<1x320x32xf32, #tpu.memory_space<vmem>> -> memref<320x32xf32, #tpu.memory_space<vmem>>
    tpu.enqueue_dma source(%dma_start3A_1031 : memref<320x32xf32, #tpu.memory_space<vmem>>) target(%dma_start3A_1027 : memref<320x32xf32, #tpu.memory_space<hbm>>) target_semaphore(%arg11 : memref<!tpu.dma_semaphore, #tpu.memory_space<semaphore_mem>>)
    %dma_start3A_1032 = arith.constant 19 : i32
    %dma_start3A_1033 = arith.constant 1 : i32
    %dma_start3A_1034 = arith.constant 0 : i32
    %dma_start3A_1035 = arith.constant 0 : i32
    %dma_start3A_1036 = tpu.memref_slice %arg6[%dma_start3A_1033, %dma_start3A_1034, %dma_start3A_1035] : memref<2x1280x32xf32, #tpu.memory_space<vmem>> -> memref<1x1280x32xf32, #tpu.memory_space<vmem>>
    %dma_start3A_1037 = tpu.memref_squeeze %dma_start3A_1036 : memref<1x1280x32xf32, #tpu.memory_space<vmem>> -> memref<1280x32xf32, #tpu.memory_space<vmem>>
    %dma_start3A_1038 = arith.constant 0 : i32
    %dma_start3A_1039 = tpu.memref_slice %arg5[%dma_start3A_1032, %dma_start3A_1038] : memref<20x1280xi32, #tpu.memory_space<vmem>> -> memref<1x1280xi32, #tpu.memory_space<vmem>>
    %dma_start3A_1040 = tpu.memref_squeeze %dma_start3A_1039 : memref<1x1280xi32, #tpu.memory_space<vmem>> -> memref<1280xi32, #tpu.memory_space<vmem>>
    %dma_start3A_1041 = arith.constant 0 : i32
    %dma_start3A_1042 = arith.constant 0 : i32
    %dma_start3A_1043 = tpu.memref_slice %arg2[%dma_start3A_1041, %dma_start3A_1042] : memref<1000000x32xf32, #tpu.memory_space<hbm>> -> memref<1000000x32xf32, #tpu.memory_space<hbm>>
    tpu.enqueue_indirect_dma source(%dma_start3A_1043 : memref<1000000x32xf32, #tpu.memory_space<hbm>>) target(%dma_start3A_1037 : memref<1280x32xf32, #tpu.memory_space<vmem>>) offsets(%dma_start3A_1040 : memref<1280xi32, #tpu.memory_space<vmem>>) semaphore(%arg9 : memref<!tpu.dma_semaphore, #tpu.memory_space<semaphore_mem>>)
    %dma_wait3A_1044 = arith.constant 18 : i32
    %dma_wait3A_1045 = arith.constant 0 : i32
    %dma_wait3A_1046 = arith.constant 0 : i32
    %dma_wait3A_1047 = arith.constant 0 : i32
    %dma_wait3A_1048 = tpu.memref_slice %arg6[%dma_wait3A_1045, %dma_wait3A_1046, %dma_wait3A_1047] : memref<2x1280x32xf32, #tpu.memory_space<vmem>> -> memref<1x1280x32xf32, #tpu.memory_space<vmem>>
    %dma_wait3A_1049 = tpu.memref_squeeze %dma_wait3A_1048 : memref<1x1280x32xf32, #tpu.memory_space<vmem>> -> memref<1280x32xf32, #tpu.memory_space<vmem>>
    %dma_wait3A_1050 = arith.constant 0 : i32
    %dma_wait3A_1051 = tpu.memref_slice %arg5[%dma_wait3A_1044, %dma_wait3A_1050] : memref<20x1280xi32, #tpu.memory_space<vmem>> -> memref<1x1280xi32, #tpu.memory_space<vmem>>
    %dma_wait3A_1052 = tpu.memref_squeeze %dma_wait3A_1051 : memref<1x1280xi32, #tpu.memory_space<vmem>> -> memref<1280xi32, #tpu.memory_space<vmem>>
    %dma_wait3A_1053 = arith.constant 0 : i32
    %dma_wait3A_1054 = arith.constant 0 : i32
    %dma_wait3A_1055 = tpu.memref_slice %arg2[%dma_wait3A_1053, %dma_wait3A_1054] : memref<1000000x32xf32, #tpu.memory_space<hbm>> -> memref<1000000x32xf32, #tpu.memory_space<hbm>>
    tpu.wait_indirect_dma semaphore(%arg8 : memref<!tpu.dma_semaphore, #tpu.memory_space<semaphore_mem>>) src(%dma_wait3A_1055 : memref<1000000x32xf32, #tpu.memory_space<hbm>>) dst(%dma_wait3A_1049 : memref<1280x32xf32, #tpu.memory_space<vmem>>)
    %dma_wait3A_1056 = arith.constant 0 : i32
    %dma_wait3A_1057 = arith.constant 0 : i32
    %dma_wait3A_1058 = arith.constant 0 : i32
    %dma_wait3A_1059 = tpu.memref_slice %arg7[%dma_wait3A_1056, %dma_wait3A_1057, %dma_wait3A_1058] : memref<2x320x32xf32, #tpu.memory_space<vmem>> -> memref<1x320x32xf32, #tpu.memory_space<vmem>>
    %dma_wait3A_1060 = tpu.memref_squeeze %dma_wait3A_1059 : memref<1x320x32xf32, #tpu.memory_space<vmem>> -> memref<320x32xf32, #tpu.memory_space<vmem>>
    %dma_wait3A_1061 = arith.constant 0 : i32
    %dma_wait3A_1062 = tpu.memref_slice %arg4[%add3A_960, %dma_wait3A_1061] : memref<204800x32xf32, #tpu.memory_space<hbm>> -> memref<320x32xf32, #tpu.memory_space<hbm>>
    %dma_wait3A_1063 = arith.constant 0 : i32
    %dma_wait3A_1064 = tpu.memref_slice %arg4[%add3A_960, %dma_wait3A_1063] : memref<204800x32xf32, #tpu.memory_space<hbm>> -> memref<320x32xf32, #tpu.memory_space<hbm>>
    %dma_wait3A_1065 = arith.constant 0 : i32
    %dma_wait3A_1066 = arith.constant 0 : i32
    %dma_wait3A_1067 = tpu.memref_slice %arg7[%dma_wait3A_1056, %dma_wait3A_1065, %dma_wait3A_1066] : memref<2x320x32xf32, #tpu.memory_space<vmem>> -> memref<1x320x32xf32, #tpu.memory_space<vmem>>
    %dma_wait3A_1068 = tpu.memref_squeeze %dma_wait3A_1067 : memref<1x320x32xf32, #tpu.memory_space<vmem>> -> memref<320x32xf32, #tpu.memory_space<vmem>>
    tpu.wait_dma2 semaphore(%arg10 : memref<!tpu.dma_semaphore, #tpu.memory_space<semaphore_mem>>) src(%dma_wait3A_1068 : memref<320x32xf32, #tpu.memory_space<vmem>>) dst(%dma_wait3A_1064 : memref<320x32xf32, #tpu.memory_space<hbm>>)
    %scan3A_1069 = arith.constant 0 : i32
    %scan3A_1070 = arith.constant 0 : i32
    %scan3A_1071 = arith.constant 320 : i32
    %scan3A_1072 = arith.addi %scan3A_1070, %scan3A_1071 : i32
    %scan3A_1073 = arith.constant 1 : i32
    scf.for %scan3A_1162 = %scan3A_1070 to %scan3A_1072 step %scan3A_1073  : i32 {
      %mul3A_1163 = arith.constant 4 : i32
      %mul3A_1164 = arith.muli %scan3A_1162, %mul3A_1163 : i32
      %get3A = arith.constant 0 : i32
      %get3A_1165 = arith.index_cast %get3A : i32 to index
      %get3A_1166 = arith.index_cast %mul3A_1164 : i32 to index
      %get3A_1167 = arith.constant 0 : index
      %get3A_1168 = tpu.vector_load %arg6[%get3A_1165, %get3A_1166, %get3A_1167] {strides = array<i32>} : memref<2x1280x32xf32, #tpu.memory_space<vmem>>, vector<1x1x16xf32>,
      %get3A_1169 = vector.shape_cast %get3A_1168 : vector<1x1x16xf32> to vector<16xf32>
      %add3A_1170 = arith.constant 1 : i32
      %add3A_1171 = arith.addi %mul3A_1164, %add3A_1170 : i32
      %get3A_1172 = arith.constant 0 : i32
      %get3A_1173 = arith.index_cast %get3A_1172 : i32 to index
      %get3A_1174 = arith.index_cast %add3A_1171 : i32 to index
      %get3A_1175 = arith.constant 0 : index
      %get3A_1176 = tpu.vector_load %arg6[%get3A_1173, %get3A_1174, %get3A_1175] {strides = array<i32>} : memref<2x1280x32xf32, #tpu.memory_space<vmem>>, vector<1x1x16xf32>,
      %get3A_1177 = vector.shape_cast %get3A_1176 : vector<1x1x16xf32> to vector<16xf32>
      %add3A_1178 = arith.addf %get3A_1169, %get3A_1177 : vector<16xf32>
      %add3A_1179 = arith.constant 2 : i32
      %add3A_1180 = arith.addi %mul3A_1164, %add3A_1179 : i32
      %get3A_1181 = arith.constant 0 : i32
      %get3A_1182 = arith.index_cast %get3A_1181 : i32 to index
      %get3A_1183 = arith.index_cast %add3A_1180 : i32 to index
      %get3A_1184 = arith.constant 0 : index
      %get3A_1185 = tpu.vector_load %arg6[%get3A_1182, %get3A_1183, %get3A_1184] {strides = array<i32>} : memref<2x1280x32xf32, #tpu.memory_space<vmem>>, vector<1x1x16xf32>,
      %get3A_1186 = vector.shape_cast %get3A_1185 : vector<1x1x16xf32> to vector<16xf32>
      %add3A_1187 = arith.addf %add3A_1178, %get3A_1186 : vector<16xf32>
      %add3A_1188 = arith.constant 3 : i32
      %add3A_1189 = arith.addi %mul3A_1164, %add3A_1188 : i32
      %get3A_1190 = arith.constant 0 : i32
      %get3A_1191 = arith.index_cast %get3A_1190 : i32 to index
      %get3A_1192 = arith.index_cast %add3A_1189 : i32 to index
      %get3A_1193 = arith.constant 0 : index
      %get3A_1194 = tpu.vector_load %arg6[%get3A_1191, %get3A_1192, %get3A_1193] {strides = array<i32>} : memref<2x1280x32xf32, #tpu.memory_space<vmem>>, vector<1x1x16xf32>,
      %get3A_1195 = vector.shape_cast %get3A_1194 : vector<1x1x16xf32> to vector<16xf32>
      %add3A_1196 = arith.addf %add3A_1187, %get3A_1195 : vector<16xf32>
      %swap3A = arith.constant 0 : i32
      %swap3A_1197 = arith.index_cast %swap3A : i32 to index
      %swap3A_1198 = arith.index_cast %scan3A_1162 : i32 to index
      %swap3A_1199 = arith.constant 0 : index
      %swap3A_1200 = tpu.vector_load %arg7[%swap3A_1197, %swap3A_1198, %swap3A_1199] {strides = array<i32>} : memref<2x320x32xf32, #tpu.memory_space<vmem>>, vector<1x1x16xf32>,
      %swap3A_1201 = vector.shape_cast %swap3A_1200 : vector<1x1x16xf32> to vector<16xf32>
      %swap3A_1202 = vector.shape_cast %add3A_1196 : vector<16xf32> to vector<1x1x16xf32>
      tpu.vector_store %arg7[%swap3A_1197, %swap3A_1198, %swap3A_1199], %swap3A_1202 {strides = array<i32>} : memref<2x320x32xf32, #tpu.memory_space<vmem>>, vector<1x1x16xf32>,
      %get3A_1203 = arith.constant 0 : i32
      %get3A_1204 = arith.index_cast %get3A_1203 : i32 to index
      %get3A_1205 = arith.index_cast %mul3A_1164 : i32 to index
      %get3A_1206 = arith.constant 16 : index
      %get3A_1207 = tpu.vector_load %arg6[%get3A_1204, %get3A_1205, %get3A_1206] {strides = array<i32>} : memref<2x1280x32xf32, #tpu.memory_space<vmem>>, vector<1x1x16xf32>,
      %get3A_1208 = vector.shape_cast %get3A_1207 : vector<1x1x16xf32> to vector<16xf32>
      %add3A_1209 = arith.constant 1 : i32
      %add3A_1210 = arith.addi %mul3A_1164, %add3A_1209 : i32
      %get3A_1211 = arith.constant 0 : i32
      %get3A_1212 = arith.index_cast %get3A_1211 : i32 to index
      %get3A_1213 = arith.index_cast %add3A_1210 : i32 to index
      %get3A_1214 = arith.constant 16 : index
      %get3A_1215 = tpu.vector_load %arg6[%get3A_1212, %get3A_1213, %get3A_1214] {strides = array<i32>} : memref<2x1280x32xf32, #tpu.memory_space<vmem>>, vector<1x1x16xf32>,
      %get3A_1216 = vector.shape_cast %get3A_1215 : vector<1x1x16xf32> to vector<16xf32>
      %add3A_1217 = arith.addf %get3A_1208, %get3A_1216 : vector<16xf32>
      %add3A_1218 = arith.constant 2 : i32
      %add3A_1219 = arith.addi %mul3A_1164, %add3A_1218 : i32
      %get3A_1220 = arith.constant 0 : i32
      %get3A_1221 = arith.index_cast %get3A_1220 : i32 to index
      %get3A_1222 = arith.index_cast %add3A_1219 : i32 to index
      %get3A_1223 = arith.constant 16 : index
      %get3A_1224 = tpu.vector_load %arg6[%get3A_1221, %get3A_1222, %get3A_1223] {strides = array<i32>} : memref<2x1280x32xf32, #tpu.memory_space<vmem>>, vector<1x1x16xf32>,
      %get3A_1225 = vector.shape_cast %get3A_1224 : vector<1x1x16xf32> to vector<16xf32>
      %add3A_1226 = arith.addf %add3A_1217, %get3A_1225 : vector<16xf32>
      %add3A_1227 = arith.constant 3 : i32
      %add3A_1228 = arith.addi %mul3A_1164, %add3A_1227 : i32
      %get3A_1229 = arith.constant 0 : i32
      %get3A_1230 = arith.index_cast %get3A_1229 : i32 to index
      %get3A_1231 = arith.index_cast %add3A_1228 : i32 to index
      %get3A_1232 = arith.constant 16 : index
      %get3A_1233 = tpu.vector_load %arg6[%get3A_1230, %get3A_1231, %get3A_1232] {strides = array<i32>} : memref<2x1280x32xf32, #tpu.memory_space<vmem>>, vector<1x1x16xf32>,
      %get3A_1234 = vector.shape_cast %get3A_1233 : vector<1x1x16xf32> to vector<16xf32>
      %add3A_1235 = arith.addf %add3A_1226, %get3A_1234 : vector<16xf32>
      %swap3A_1236 = arith.constant 0 : i32
      %swap3A_1237 = arith.index_cast %swap3A_1236 : i32 to index
      %swap3A_1238 = arith.index_cast %scan3A_1162 : i32 to index
      %swap3A_1239 = arith.constant 16 : index
      %swap3A_1240 = tpu.vector_load %arg7[%swap3A_1237, %swap3A_1238, %swap3A_1239] {strides = array<i32>} : memref<2x320x32xf32, #tpu.memory_space<vmem>>, vector<1x1x16xf32>,
      %swap3A_1241 = vector.shape_cast %swap3A_1240 : vector<1x1x16xf32> to vector<16xf32>
      %swap3A_1242 = vector.shape_cast %add3A_1235 : vector<16xf32> to vector<1x1x16xf32>
      tpu.vector_store %arg7[%swap3A_1237, %swap3A_1238, %swap3A_1239], %swap3A_1242 {strides = array<i32>} : memref<2x320x32xf32, #tpu.memory_space<vmem>>, vector<1x1x16xf32>,
    }
    %scan3A_1074 = arith.constant 320 : i32
    %add3A_1075 = arith.constant 5760 : i32
    %add3A_1076 = arith.addi %mul3A_4, %add3A_1075 : i32
    %dma_start3A_1077 = arith.constant 0 : i32
    %dma_start3A_1078 = arith.constant 0 : i32
    %dma_start3A_1079 = arith.constant 0 : i32
    %dma_start3A_1080 = tpu.memref_slice %arg7[%dma_start3A_1077, %dma_start3A_1078, %dma_start3A_1079] : memref<2x320x32xf32, #tpu.memory_space<vmem>> -> memref<1x320x32xf32, #tpu.memory_space<vmem>>
    %dma_start3A_1081 = tpu.memref_squeeze %dma_start3A_1080 : memref<1x320x32xf32, #tpu.memory_space<vmem>> -> memref<320x32xf32, #tpu.memory_space<vmem>>
    %dma_start3A_1082 = arith.constant 0 : i32
    %dma_start3A_1083 = tpu.memref_slice %arg4[%add3A_1076, %dma_start3A_1082] : memref<204800x32xf32, #tpu.memory_space<hbm>> -> memref<320x32xf32, #tpu.memory_space<hbm>>
    %dma_start3A_1084 = arith.constant 0 : i32
    %dma_start3A_1085 = tpu.memref_slice %arg4[%add3A_1076, %dma_start3A_1084] : memref<204800x32xf32, #tpu.memory_space<hbm>> -> memref<320x32xf32, #tpu.memory_space<hbm>>
    %dma_start3A_1086 = arith.constant 0 : i32
    %dma_start3A_1087 = arith.constant 0 : i32
    %dma_start3A_1088 = tpu.memref_slice %arg7[%dma_start3A_1077, %dma_start3A_1086, %dma_start3A_1087] : memref<2x320x32xf32, #tpu.memory_space<vmem>> -> memref<1x320x32xf32, #tpu.memory_space<vmem>>
    %dma_start3A_1089 = tpu.memref_squeeze %dma_start3A_1088 : memref<1x320x32xf32, #tpu.memory_space<vmem>> -> memref<320x32xf32, #tpu.memory_space<vmem>>
    tpu.enqueue_dma source(%dma_start3A_1089 : memref<320x32xf32, #tpu.memory_space<vmem>>) target(%dma_start3A_1085 : memref<320x32xf32, #tpu.memory_space<hbm>>) target_semaphore(%arg10 : memref<!tpu.dma_semaphore, #tpu.memory_space<semaphore_mem>>)
    %dma_wait3A_1090 = arith.constant 19 : i32
    %dma_wait3A_1091 = arith.constant 1 : i32
    %dma_wait3A_1092 = arith.constant 0 : i32
    %dma_wait3A_1093 = arith.constant 0 : i32
    %dma_wait3A_1094 = tpu.memref_slice %arg6[%dma_wait3A_1091, %dma_wait3A_1092, %dma_wait3A_1093] : memref<2x1280x32xf32, #tpu.memory_space<vmem>> -> memref<1x1280x32xf32, #tpu.memory_space<vmem>>
    %dma_wait3A_1095 = tpu.memref_squeeze %dma_wait3A_1094 : memref<1x1280x32xf32, #tpu.memory_space<vmem>> -> memref<1280x32xf32, #tpu.memory_space<vmem>>
    %dma_wait3A_1096 = arith.constant 0 : i32
    %dma_wait3A_1097 = tpu.memref_slice %arg5[%dma_wait3A_1090, %dma_wait3A_1096] : memref<20x1280xi32, #tpu.memory_space<vmem>> -> memref<1x1280xi32, #tpu.memory_space<vmem>>
    %dma_wait3A_1098 = tpu.memref_squeeze %dma_wait3A_1097 : memref<1x1280xi32, #tpu.memory_space<vmem>> -> memref<1280xi32, #tpu.memory_space<vmem>>
    %dma_wait3A_1099 = arith.constant 0 : i32
    %dma_wait3A_1100 = arith.constant 0 : i32
    %dma_wait3A_1101 = tpu.memref_slice %arg2[%dma_wait3A_1099, %dma_wait3A_1100] : memref<1000000x32xf32, #tpu.memory_space<hbm>> -> memref<1000000x32xf32, #tpu.memory_space<hbm>>
    tpu.wait_indirect_dma semaphore(%arg9 : memref<!tpu.dma_semaphore, #tpu.memory_space<semaphore_mem>>) src(%dma_wait3A_1101 : memref<1000000x32xf32, #tpu.memory_space<hbm>>) dst(%dma_wait3A_1095 : memref<1280x32xf32, #tpu.memory_space<vmem>>)
    %dma_wait3A_1102 = arith.constant 1 : i32
    %dma_wait3A_1103 = arith.constant 0 : i32
    %dma_wait3A_1104 = arith.constant 0 : i32
    %dma_wait3A_1105 = tpu.memref_slice %arg7[%dma_wait3A_1102, %dma_wait3A_1103, %dma_wait3A_1104] : memref<2x320x32xf32, #tpu.memory_space<vmem>> -> memref<1x320x32xf32, #tpu.memory_space<vmem>>
    %dma_wait3A_1106 = tpu.memref_squeeze %dma_wait3A_1105 : memref<1x320x32xf32, #tpu.memory_space<vmem>> -> memref<320x32xf32, #tpu.memory_space<vmem>>
    %dma_wait3A_1107 = arith.constant 0 : i32
    %dma_wait3A_1108 = tpu.memref_slice %arg4[%add3A_1018, %dma_wait3A_1107] : memref<204800x32xf32, #tpu.memory_space<hbm>> -> memref<320x32xf32, #tpu.memory_space<hbm>>
    %dma_wait3A_1109 = arith.constant 0 : i32
    %dma_wait3A_1110 = tpu.memref_slice %arg4[%add3A_1018, %dma_wait3A_1109] : memref<204800x32xf32, #tpu.memory_space<hbm>> -> memref<320x32xf32, #tpu.memory_space<hbm>>
    %dma_wait3A_1111 = arith.constant 0 : i32
    %dma_wait3A_1112 = arith.constant 0 : i32
    %dma_wait3A_1113 = tpu.memref_slice %arg7[%dma_wait3A_1102, %dma_wait3A_1111, %dma_wait3A_1112] : memref<2x320x32xf32, #tpu.memory_space<vmem>> -> memref<1x320x32xf32, #tpu.memory_space<vmem>>
    %dma_wait3A_1114 = tpu.memref_squeeze %dma_wait3A_1113 : memref<1x320x32xf32, #tpu.memory_space<vmem>> -> memref<320x32xf32, #tpu.memory_space<vmem>>
    tpu.wait_dma2 semaphore(%arg11 : memref<!tpu.dma_semaphore, #tpu.memory_space<semaphore_mem>>) src(%dma_wait3A_1114 : memref<320x32xf32, #tpu.memory_space<vmem>>) dst(%dma_wait3A_1110 : memref<320x32xf32, #tpu.memory_space<hbm>>)
    %scan3A_1115 = arith.constant 0 : i32
    %scan3A_1116 = arith.constant 0 : i32
    %scan3A_1117 = arith.constant 320 : i32
    %scan3A_1118 = arith.addi %scan3A_1116, %scan3A_1117 : i32
    %scan3A_1119 = arith.constant 1 : i32
    scf.for %scan3A_1162 = %scan3A_1116 to %scan3A_1118 step %scan3A_1119  : i32 {
      %mul3A_1163 = arith.constant 4 : i32
      %mul3A_1164 = arith.muli %scan3A_1162, %mul3A_1163 : i32
      %get3A = arith.constant 1 : i32
      %get3A_1165 = arith.index_cast %get3A : i32 to index
      %get3A_1166 = arith.index_cast %mul3A_1164 : i32 to index
      %get3A_1167 = arith.constant 0 : index
      %get3A_1168 = tpu.vector_load %arg6[%get3A_1165, %get3A_1166, %get3A_1167] {strides = array<i32>} : memref<2x1280x32xf32, #tpu.memory_space<vmem>>, vector<1x1x16xf32>,
      %get3A_1169 = vector.shape_cast %get3A_1168 : vector<1x1x16xf32> to vector<16xf32>
      %add3A_1170 = arith.constant 1 : i32
      %add3A_1171 = arith.addi %mul3A_1164, %add3A_1170 : i32
      %get3A_1172 = arith.constant 1 : i32
      %get3A_1173 = arith.index_cast %get3A_1172 : i32 to index
      %get3A_1174 = arith.index_cast %add3A_1171 : i32 to index
      %get3A_1175 = arith.constant 0 : index
      %get3A_1176 = tpu.vector_load %arg6[%get3A_1173, %get3A_1174, %get3A_1175] {strides = array<i32>} : memref<2x1280x32xf32, #tpu.memory_space<vmem>>, vector<1x1x16xf32>,
      %get3A_1177 = vector.shape_cast %get3A_1176 : vector<1x1x16xf32> to vector<16xf32>
      %add3A_1178 = arith.addf %get3A_1169, %get3A_1177 : vector<16xf32>
      %add3A_1179 = arith.constant 2 : i32
      %add3A_1180 = arith.addi %mul3A_1164, %add3A_1179 : i32
      %get3A_1181 = arith.constant 1 : i32
      %get3A_1182 = arith.index_cast %get3A_1181 : i32 to index
      %get3A_1183 = arith.index_cast %add3A_1180 : i32 to index
      %get3A_1184 = arith.constant 0 : index
      %get3A_1185 = tpu.vector_load %arg6[%get3A_1182, %get3A_1183, %get3A_1184] {strides = array<i32>} : memref<2x1280x32xf32, #tpu.memory_space<vmem>>, vector<1x1x16xf32>,
      %get3A_1186 = vector.shape_cast %get3A_1185 : vector<1x1x16xf32> to vector<16xf32>
      %add3A_1187 = arith.addf %add3A_1178, %get3A_1186 : vector<16xf32>
      %add3A_1188 = arith.constant 3 : i32
      %add3A_1189 = arith.addi %mul3A_1164, %add3A_1188 : i32
      %get3A_1190 = arith.constant 1 : i32
      %get3A_1191 = arith.index_cast %get3A_1190 : i32 to index
      %get3A_1192 = arith.index_cast %add3A_1189 : i32 to index
      %get3A_1193 = arith.constant 0 : index
      %get3A_1194 = tpu.vector_load %arg6[%get3A_1191, %get3A_1192, %get3A_1193] {strides = array<i32>} : memref<2x1280x32xf32, #tpu.memory_space<vmem>>, vector<1x1x16xf32>,
      %get3A_1195 = vector.shape_cast %get3A_1194 : vector<1x1x16xf32> to vector<16xf32>
      %add3A_1196 = arith.addf %add3A_1187, %get3A_1195 : vector<16xf32>
      %swap3A = arith.constant 1 : i32
      %swap3A_1197 = arith.index_cast %swap3A : i32 to index
      %swap3A_1198 = arith.index_cast %scan3A_1162 : i32 to index
      %swap3A_1199 = arith.constant 0 : index
      %swap3A_1200 = tpu.vector_load %arg7[%swap3A_1197, %swap3A_1198, %swap3A_1199] {strides = array<i32>} : memref<2x320x32xf32, #tpu.memory_space<vmem>>, vector<1x1x16xf32>,
      %swap3A_1201 = vector.shape_cast %swap3A_1200 : vector<1x1x16xf32> to vector<16xf32>
      %swap3A_1202 = vector.shape_cast %add3A_1196 : vector<16xf32> to vector<1x1x16xf32>
      tpu.vector_store %arg7[%swap3A_1197, %swap3A_1198, %swap3A_1199], %swap3A_1202 {strides = array<i32>} : memref<2x320x32xf32, #tpu.memory_space<vmem>>, vector<1x1x16xf32>,
      %get3A_1203 = arith.constant 1 : i32
      %get3A_1204 = arith.index_cast %get3A_1203 : i32 to index
      %get3A_1205 = arith.index_cast %mul3A_1164 : i32 to index
      %get3A_1206 = arith.constant 16 : index
      %get3A_1207 = tpu.vector_load %arg6[%get3A_1204, %get3A_1205, %get3A_1206] {strides = array<i32>} : memref<2x1280x32xf32, #tpu.memory_space<vmem>>, vector<1x1x16xf32>,
      %get3A_1208 = vector.shape_cast %get3A_1207 : vector<1x1x16xf32> to vector<16xf32>
      %add3A_1209 = arith.constant 1 : i32
      %add3A_1210 = arith.addi %mul3A_1164, %add3A_1209 : i32
      %get3A_1211 = arith.constant 1 : i32
      %get3A_1212 = arith.index_cast %get3A_1211 : i32 to index
      %get3A_1213 = arith.index_cast %add3A_1210 : i32 to index
      %get3A_1214 = arith.constant 16 : index
      %get3A_1215 = tpu.vector_load %arg6[%get3A_1212, %get3A_1213, %get3A_1214] {strides = array<i32>} : memref<2x1280x32xf32, #tpu.memory_space<vmem>>, vector<1x1x16xf32>,
      %get3A_1216 = vector.shape_cast %get3A_1215 : vector<1x1x16xf32> to vector<16xf32>
      %add3A_1217 = arith.addf %get3A_1208, %get3A_1216 : vector<16xf32>
      %add3A_1218 = arith.constant 2 : i32
      %add3A_1219 = arith.addi %mul3A_1164, %add3A_1218 : i32
      %get3A_1220 = arith.constant 1 : i32
      %get3A_1221 = arith.index_cast %get3A_1220 : i32 to index
      %get3A_1222 = arith.index_cast %add3A_1219 : i32 to index
      %get3A_1223 = arith.constant 16 : index
      %get3A_1224 = tpu.vector_load %arg6[%get3A_1221, %get3A_1222, %get3A_1223] {strides = array<i32>} : memref<2x1280x32xf32, #tpu.memory_space<vmem>>, vector<1x1x16xf32>,
      %get3A_1225 = vector.shape_cast %get3A_1224 : vector<1x1x16xf32> to vector<16xf32>
      %add3A_1226 = arith.addf %add3A_1217, %get3A_1225 : vector<16xf32>
      %add3A_1227 = arith.constant 3 : i32
      %add3A_1228 = arith.addi %mul3A_1164, %add3A_1227 : i32
      %get3A_1229 = arith.constant 1 : i32
      %get3A_1230 = arith.index_cast %get3A_1229 : i32 to index
      %get3A_1231 = arith.index_cast %add3A_1228 : i32 to index
      %get3A_1232 = arith.constant 16 : index
      %get3A_1233 = tpu.vector_load %arg6[%get3A_1230, %get3A_1231, %get3A_1232] {strides = array<i32>} : memref<2x1280x32xf32, #tpu.memory_space<vmem>>, vector<1x1x16xf32>,
      %get3A_1234 = vector.shape_cast %get3A_1233 : vector<1x1x16xf32> to vector<16xf32>
      %add3A_1235 = arith.addf %add3A_1226, %get3A_1234 : vector<16xf32>
      %swap3A_1236 = arith.constant 1 : i32
      %swap3A_1237 = arith.index_cast %swap3A_1236 : i32 to index
      %swap3A_1238 = arith.index_cast %scan3A_1162 : i32 to index
      %swap3A_1239 = arith.constant 16 : index
      %swap3A_1240 = tpu.vector_load %arg7[%swap3A_1237, %swap3A_1238, %swap3A_1239] {strides = array<i32>} : memref<2x320x32xf32, #tpu.memory_space<vmem>>, vector<1x1x16xf32>,
      %swap3A_1241 = vector.shape_cast %swap3A_1240 : vector<1x1x16xf32> to vector<16xf32>
      %swap3A_1242 = vector.shape_cast %add3A_1235 : vector<16xf32> to vector<1x1x16xf32>
      tpu.vector_store %arg7[%swap3A_1237, %swap3A_1238, %swap3A_1239], %swap3A_1242 {strides = array<i32>} : memref<2x320x32xf32, #tpu.memory_space<vmem>>, vector<1x1x16xf32>,
    }
    %scan3A_1120 = arith.constant 320 : i32
    %add3A_1121 = arith.constant 6080 : i32
    %add3A_1122 = arith.addi %mul3A_4, %add3A_1121 : i32
    %dma_start3A_1123 = arith.constant 1 : i32
    %dma_start3A_1124 = arith.constant 0 : i32
    %dma_start3A_1125 = arith.constant 0 : i32
    %dma_start3A_1126 = tpu.memref_slice %arg7[%dma_start3A_1123, %dma_start3A_1124, %dma_start3A_1125] : memref<2x320x32xf32, #tpu.memory_space<vmem>> -> memref<1x320x32xf32, #tpu.memory_space<vmem>>
    %dma_start3A_1127 = tpu.memref_squeeze %dma_start3A_1126 : memref<1x320x32xf32, #tpu.memory_space<vmem>> -> memref<320x32xf32, #tpu.memory_space<vmem>>
    %dma_start3A_1128 = arith.constant 0 : i32
    %dma_start3A_1129 = tpu.memref_slice %arg4[%add3A_1122, %dma_start3A_1128] : memref<204800x32xf32, #tpu.memory_space<hbm>> -> memref<320x32xf32, #tpu.memory_space<hbm>>
    %dma_start3A_1130 = arith.constant 0 : i32
    %dma_start3A_1131 = tpu.memref_slice %arg4[%add3A_1122, %dma_start3A_1130] : memref<204800x32xf32, #tpu.memory_space<hbm>> -> memref<320x32xf32, #tpu.memory_space<hbm>>
    %dma_start3A_1132 = arith.constant 0 : i32
    %dma_start3A_1133 = arith.constant 0 : i32
    %dma_start3A_1134 = tpu.memref_slice %arg7[%dma_start3A_1123, %dma_start3A_1132, %dma_start3A_1133] : memref<2x320x32xf32, #tpu.memory_space<vmem>> -> memref<1x320x32xf32, #tpu.memory_space<vmem>>
    %dma_start3A_1135 = tpu.memref_squeeze %dma_start3A_1134 : memref<1x320x32xf32, #tpu.memory_space<vmem>> -> memref<320x32xf32, #tpu.memory_space<vmem>>
    tpu.enqueue_dma source(%dma_start3A_1135 : memref<320x32xf32, #tpu.memory_space<vmem>>) target(%dma_start3A_1131 : memref<320x32xf32, #tpu.memory_space<hbm>>) target_semaphore(%arg11 : memref<!tpu.dma_semaphore, #tpu.memory_space<semaphore_mem>>)
    %dma_wait3A_1136 = arith.constant 0 : i32
    %dma_wait3A_1137 = arith.constant 0 : i32
    %dma_wait3A_1138 = arith.constant 0 : i32
    %dma_wait3A_1139 = tpu.memref_slice %arg7[%dma_wait3A_1136, %dma_wait3A_1137, %dma_wait3A_1138] : memref<2x320x32xf32, #tpu.memory_space<vmem>> -> memref<1x320x32xf32, #tpu.memory_space<vmem>>
    %dma_wait3A_1140 = tpu.memref_squeeze %dma_wait3A_1139 : memref<1x320x32xf32, #tpu.memory_space<vmem>> -> memref<320x32xf32, #tpu.memory_space<vmem>>
    %dma_wait3A_1141 = arith.constant 0 : i32
    %dma_wait3A_1142 = tpu.memref_slice %arg4[%add3A_1076, %dma_wait3A_1141] : memref<204800x32xf32, #tpu.memory_space<hbm>> -> memref<320x32xf32, #tpu.memory_space<hbm>>
    %dma_wait3A_1143 = arith.constant 0 : i32
    %dma_wait3A_1144 = tpu.memref_slice %arg4[%add3A_1076, %dma_wait3A_1143] : memref<204800x32xf32, #tpu.memory_space<hbm>> -> memref<320x32xf32, #tpu.memory_space<hbm>>
    %dma_wait3A_1145 = arith.constant 0 : i32
    %dma_wait3A_1146 = arith.constant 0 : i32
    %dma_wait3A_1147 = tpu.memref_slice %arg7[%dma_wait3A_1136, %dma_wait3A_1145, %dma_wait3A_1146] : memref<2x320x32xf32, #tpu.memory_space<vmem>> -> memref<1x320x32xf32, #tpu.memory_space<vmem>>
    %dma_wait3A_1148 = tpu.memref_squeeze %dma_wait3A_1147 : memref<1x320x32xf32, #tpu.memory_space<vmem>> -> memref<320x32xf32, #tpu.memory_space<vmem>>
    tpu.wait_dma2 semaphore(%arg10 : memref<!tpu.dma_semaphore, #tpu.memory_space<semaphore_mem>>) src(%dma_wait3A_1148 : memref<320x32xf32, #tpu.memory_space<vmem>>) dst(%dma_wait3A_1144 : memref<320x32xf32, #tpu.memory_space<hbm>>)
    %dma_wait3A_1149 = arith.constant 1 : i32
    %dma_wait3A_1150 = arith.constant 0 : i32
    %dma_wait3A_1151 = arith.constant 0 : i32
    %dma_wait3A_1152 = tpu.memref_slice %arg7[%dma_wait3A_1149, %dma_wait3A_1150, %dma_wait3A_1151] : memref<2x320x32xf32, #tpu.memory_space<vmem>> -> memref<1x320x32xf32, #tpu.memory_space<vmem>>
    %dma_wait3A_1153 = tpu.memref_squeeze %dma_wait3A_1152 : memref<1x320x32xf32, #tpu.memory_space<vmem>> -> memref<320x32xf32, #tpu.memory_space<vmem>>
    %dma_wait3A_1154 = arith.constant 0 : i32
    %dma_wait3A_1155 = tpu.memref_slice %arg4[%add3A_1122, %dma_wait3A_1154] : memref<204800x32xf32, #tpu.memory_space<hbm>> -> memref<320x32xf32, #tpu.memory_space<hbm>>
    %dma_wait3A_1156 = arith.constant 0 : i32
    %dma_wait3A_1157 = tpu.memref_slice %arg4[%add3A_1122, %dma_wait3A_1156] : memref<204800x32xf32, #tpu.memory_space<hbm>> -> memref<320x32xf32, #tpu.memory_space<hbm>>
    %dma_wait3A_1158 = arith.constant 0 : i32
    %dma_wait3A_1159 = arith.constant 0 : i32
    %dma_wait3A_1160 = tpu.memref_slice %arg7[%dma_wait3A_1149, %dma_wait3A_1158, %dma_wait3A_1159] : memref<2x320x32xf32, #tpu.memory_space<vmem>> -> memref<1x320x32xf32, #tpu.memory_space<vmem>>
    %dma_wait3A_1161 = tpu.memref_squeeze %dma_wait3A_1160 : memref<1x320x32xf32, #tpu.memory_space<vmem>> -> memref<320x32xf32, #tpu.memory_space<vmem>>
    tpu.wait_dma2 semaphore(%arg11 : memref<!tpu.dma_semaphore, #tpu.memory_space<semaphore_mem>>) src(%dma_wait3A_1161 : memref<320x32xf32, #tpu.memory_space<vmem>>) dst(%dma_wait3A_1157 : memref<320x32xf32, #tpu.memory_space<hbm>>)
    return
  }
}

</mosaic_0001>

<sc_bundles>
// kernel: kernel.3.cloned.1.call-start
scs
__scs_entry_jumppad:
0x0: {  	(pc) =	sbr.rel $0x88, $3  }
0x1: {  	(tag) =	ssettag $0x0;
	lr =	simm.s32 $0x1  }
0x2: {  	[smem:$0x3F9F] =	sst lr;
	_ =	strace $0xD0000000  }
0x3: {  	_ = 	snop  }
0x4: {  	_ = 	snop  }
0x5: {  	_ = 	snop  }
0x6: {  	_ = 	snop  }
0x7: {  	_ = 	snop  }
__scs_overlays_trampoline_lowered:
0x8: {  	[smem:$0x3FAE] =	sst s0  }
0x9: {  	[smem:$0x3FAF] =	sst s1  }
0xa: {  	[smem:$0x3FB0] =	sst s2  }
0xb: {  	[smem:$0x3FB1] =	sst s3  }
0xc: {  	[smem:$0x3FB2] =	sst s4  }
0xd: {  	[smem:$0x3FB3] =	sst s5  }
0xe: {  	[smem:$0x3FB4] =	sst s6  }
0xf: {  	[smem:$0x3FB5] =	sst s7  }
0x10: {  	[smem:$0x3FB6] =	sst s8  }
0x11: {  	[smem:$0x3FB7] =	sst s9;
	s0 =	simm.s32 @!p0 $0x0  }
0x12: {  	s1 =	sld [smem:$0x3F9D];
	s0 =	simm.s32 @p0 $0x1  }
0x13: {  	[smem:$0x3FB8] =	sst s0;
	s0 =	simm.s32 @!p1 $0x0  }
0x14: {  	s2 =	sld [smem:$0x3F9C];
	s0 =	simm.s32 @p1 $0x1  }
0x15: {  	[smem:$0x3FB9] =	sst s0;
	s0 =	simm.s32 @!p2 $0x0  }
0x16: {  	s3 =	sld [smem:$0x3FDB];
	s0 =	simm.s32 @p2 $0x1  }
0x17: {  	s4 =	simm.s32 $0x1BF5;
	[smem:$0x3FBB] =	sst s0  }
0x18: {  	s0 =	sld [smem:$0x3F9E];
	_ =	swait.ge [sflag:s4], $0x0  }
0x19: {  	s7 =	sld [smem:$0x3F9F]  }
0x1a: {  	s8 =	sadd.s32 $0xFFFFE003, lr  }
0x1b: {  	s9 =	sadd.s32 $0xFFFFFEF7, lr;
	s5 =	simm.s32 $0xFFFFFFFF;
	p2 =	slt.u32 s8, $0xFFFFF086  }
0x1c: {  	p1 =	slt.u32 s9, $0xF7A;
	s5 =	simm.s32 @!p2 $0x0  }
0x1d: {  	s5 =	simm.s32 @p1 $0x1;
	p0 =	seq.s32 s7, s2  }
0x1e: {  	s7 =	smul.u32 @!p0 $0xF7A, s2;
	p2 =	seq.s32 @!p0 s5, $0x0  }
0x1f: {  	s9 =	smul.u32 $0xF7A, s1;
	s8 =	simm.s32 @!p0 $0x1BF5;
	p2 =	por !p2, p0  }
0x20: {  	[sflag:s8] =	ssyncset.s32 @!p0 $0xFFFFF086;
	s6 =	sadd.s32 @!p0 s3, s7;
	s7 =	simm.s32 @!p0 $0x108  }
0x21: {  	s3 =	sadd.s32 s3, s9;
	s6 =	sadd.s32 @!p0 $0x88, s6;
	s7 =	simm.s32 @p2 $0x1082  }
0x22: {  	[simem:s7], [sflag:s8] =	dma.local @!p0 [hbm:s6], $0xF7A  }
0x23: {  	s9 =	sor.u32 $0xD0000000, s2;
	s6 =	simm.s32 $0x108;
	_ =	swait.ge @!p0 [sflag:s8], $0x0  }
0x24: {  	s3 =	sadd.s32 $0x88, s3;
	s6 =	simm.s32 @!p1 $0x1082;
	[sflag:s4] =	ssyncset.s32 $0xFFFFF086  }
0x25: {  	[simem:s6], [sflag:s4] =	dma.local [hbm:s3], $0xF7A  }
0x26: {  	[smem:$0x3F9F] =	sst s1;
	(tag) =	ssettag s2;
	_ =	strace s9  }
0x27: {  	s1 =	sld [smem:$0x3FAF]  }
0x28: {  	s2 =	sld [smem:$0x3FB0]  }
0x29: {  	s4 =	sld [smem:$0x3FB2]  }
0x2a: {  	p0 =	seq.s32 s5, $0x0;
	s5 =	sld [smem:$0x3FB3]  }
0x2b: {  	s6 =	sld [smem:$0x3FB4]  }
0x2c: {  	s7 =	sld [smem:$0x3FB5]  }
0x2d: {  	s3 =	simm.s32 $0x108;
	s8 =	sld [smem:$0x3FB6]  }
0x2e: {  	s3 =	simm.s32 @!p0 $0x1082;
	s9 =	sld [smem:$0x3FB7]  }
0x2f: {  	lr =	sadd.s32 s0, s3;
	s0 =	sld [smem:$0x3FAE]  }
0x30: {  	s3 =	sld [smem:$0x3FB1]  }
0x31: {  	[smem:$0x3FBA] =	sst s10  }
0x32: {  	s10 =	sld [smem:$0x3FB8];
	_ =	sdelay $0x3  }
0x33: {  	p0 =	seq.s32 s10, $0x1;
	s10 =	sld [smem:$0x3FBA];
	_ =	sdelay $0x3  }
0x34: {  	[smem:$0x3FBA] =	sst s10  }
0x35: {  	s10 =	sld [smem:$0x3FB9];
	_ =	sdelay $0x3  }
0x36: {  	p1 =	seq.s32 s10, $0x1;
	s10 =	sld [smem:$0x3FBA];
	_ =	sdelay $0x3  }
0x37: {  	[smem:$0x3FBA] =	sst s10  }
0x38: {  	s10 =	sld [smem:$0x3FBB]  }
0x39: {  	_ = 	snop;
	(pc) =	sbr.ind lr, $3  }
0x3a: {  	_ = 	snop  }
0x3b: {  	_ = 	snop  }
0x3c: {  	p2 =	seq.s32 s10, $0x1;
	s10 =	sld [smem:$0x3FBA]  }
0x3d: {  	_ =	shalt  }
0x3e: {  	_ =	shalt  }
0x3f: {  	_ =	shalt  }
0x40: {  	_ =	shalt  }
0x41: {  	_ =	shalt  }
0x42: {  	_ =	shalt  }
0x43: {  	_ =	shalt  }
0x44: {  	_ =	shalt  }
0x45: {  	_ =	shalt  }
0x46: {  	_ =	shalt  }
0x47: {  	_ =	shalt  }
0x48: {  	_ =	shalt  }
0x49: {  	_ =	shalt  }
0x4a: {  	_ =	shalt  }
0x4b: {  	_ =	shalt  }
0x4c: {  	_ =	shalt  }
0x4d: {  	_ =	shalt  }
0x4e: {  	_ =	shalt  }
0x4f: {  	_ =	shalt  }
0x50: {  	_ =	shalt  }
0x51: {  	_ =	shalt  }
0x52: {  	_ =	shalt  }
0x53: {  	_ =	shalt  }
0x54: {  	_ =	shalt  }
0x55: {  	_ =	shalt  }
0x56: {  	_ =	shalt  }
0x57: {  	_ =	shalt  }
0x58: {  	_ =	shalt  }
0x59: {  	_ =	shalt  }
0x5a: {  	_ =	shalt  }
0x5b: {  	_ =	shalt  }
0x5c: {  	_ =	shalt  }
0x5d: {  	_ =	shalt  }
0x5e: {  	_ =	shalt  }
0x5f: {  	_ =	shalt  }
0x60: {  	_ =	shalt  }
0x61: {  	_ =	shalt  }
0x62: {  	_ =	shalt  }
0x63: {  	_ =	shalt  }
0x64: {  	_ =	shalt  }
0x65: {  	_ =	shalt  }
0x66: {  	_ =	shalt  }
0x67: {  	_ =	shalt  }
0x68: {  	_ =	shalt  }
0x69: {  	_ =	shalt  }
0x6a: {  	_ =	shalt  }
0x6b: {  	_ =	shalt  }
0x6c: {  	_ =	shalt  }
0x6d: {  	_ =	shalt  }
0x6e: {  	_ =	shalt  }
0x6f: {  	_ =	shalt  }
0x70: {  	_ =	shalt  }
0x71: {  	_ =	shalt  }
0x72: {  	_ =	shalt  }
0x73: {  	_ =	shalt  }
0x74: {  	_ =	shalt  }
0x75: {  	_ =	shalt  }
0x76: {  	_ =	shalt  }
0x77: {  	_ =	shalt  }
0x78: {  	_ =	shalt  }
0x79: {  	_ =	shalt  }
0x7a: {  	_ =	shalt  }
0x7b: {  	_ =	shalt  }
0x7c: {  	_ =	shalt  }
0x7d: {  	_ =	shalt  }
0x7e: {  	_ =	shalt  }
0x7f: {  	_ =	shalt  }
0x80: {  	_ =	shalt  }
0x81: {  	_ =	shalt  }
0x82: {  	_ =	shalt  }
0x83: {  	_ =	shalt  }
0x84: {  	_ =	shalt  }
0x85: {  	_ =	shalt  }
0x86: {  	_ =	shalt  }
0x87: {  	_ =	shalt  }
.Lfunc_end0:
.L_simem_size_0:
called_computation_lowered:
.L_overlay_start_0:
0x88: {  	s2 =	sld [smem:$0x3FD9]  }
0x89: {  	s3 =	sld [smem:$0x3FFE];
	_ =	sdelay $0x1  }
0x8a: {  	s1 =	srdreg.scid  }
0x8b: {  	s0 =	sand.u32 $0x1, s1  }
0x8c: {  	s17 =	sshll.u32 s0, $0xA;
	s2 =	sadd.s32 s3, s2  }
0x8d: {  	s2 =	sadd.s32 s2, s17  }
0x8e: {  	[smem:$0x3FC6] =	sst s2  }
0x8f: {  	_ = 	snop  }
0x90: {  	s2 =	sld [smem:$0x3FD0];
	(tm) =	ssettm $0x1  }
0x91: {  	s18 =	sld [smem:$0x3FFB];
	_ =	sdelay $0x3  }
0x92: {  	_ =	strace s18  }
0x93: {  	s3 =	sld [smem:$0x3FFC];
	_ =	sdelay $0x3  }
0x94: {  	_ =	strace s3  }
0x95: {  	s3 =	sld [smem:$0x3FFD];
	_ =	sdelay $0x3  }
0x96: {  	_ =	strace s3  }
0x97: {  	_ =	strace $0x8FFFFFFF  }
0x98: {  	s19 =	sld [smem:$0x3FDB];
	_ =	sdelay $0x1  }
0x99: {  	s4 =	simm.s32 $_scs_section_size  }
0x9a: {  	s5 =	simm.s32 $_size__tile_overlayer_lowered;
	s6 =	simm.s32 $_tile_overlayer_lowered  }
0x9b: {  	s22 =	simm.s32 $0x1BFF;
	s21 =	sshll.u32 s6, $0x1;
	s3 =	sadd.s32 s4, s19  }
0x9c: {  	s7 =	simm.s32 $0x0;
	s20 =	sshll.u32 s5, $0x1;
	s5 =	sadd.s32 s21, s3  }
0x9d: {  	[timem:s7], [sflag:s22] =	dma.local [hbm:s5], s20  }
0x9e: {  	_ =	swait.ge [sflag:s22], s20  }
0x9f: {  	s4 =	ssub.s32 $0x0, s20;
	[sflag:s22] =	ssyncset.done $0x0  }
0xa0: {  	[sflag:s22] =	ssyncadd.s32 s4;
	_ =	sdelay $0x1  }
0xa1: {  	s23 =	simm.s32 $0x1B8B  }
0xa2: {  	_ =	swait.ge [sflag:s23], $0x1  }
0xa3: {  	[sflag:s23] =	ssyncset.done $0x0  }
0xa4: {  	s25 =	simm.s32 $0x1B8E;
	s24 =	sld [smem:$0x3FFE];
	[sflag:s23] =	ssyncadd.s32 $0xFFFFFFFF  }
0xa5: {  	s26 =	simm.s32 $execute0_lowered;
	[smem:$0x3FD2] =	sst s25  }
0xa6: {  	s5 =	sshll.u32 s26, $0x1;
	_ =	strace $0x80000046;
	[dreg:$0x1] =	wrdreg $0xFFFFFFFF  }
0xa7: {  	s28 =	simm.s32 $_size_execute0_lowered;
	s3 =	sadd.s32 s3, s5;
	[dreg:$0x0] =	wrdreg $0x0  }
0xa8: {  	s5 =	sshll.u32 s28, $0x1;
	[dreg:$0x2] =	wrdreg s3  }
0xa9: {  	[dreg:$0x3] =	wrdreg s5  }
0xaa: {  	[dreg:$0x4] =	wrdreg $0xC0  }
0xab: {  	_ =	task [dreg:s7], $0x5FFFF  }
0xac: {  	[dreg:$0x1] =	wrdreg $0xFFFFFFFF  }
0xad: {  	[dreg:$0x0] =	wrdreg $0x60  }
0xae: {  	[dreg:$0x2] =	wrdreg s24  }
0xaf: {  	[dreg:$0x3] =	wrdreg s2  }
0xb0: {  	[dreg:$0x4] =	wrdreg $0x9  }
0xb1: {  	_ =	task.clear_ibuf [dreg:s7], $0x5FFFF;
	_ =	strace $0x90000046  }
0xb2: {  	s29 =	simm.s32 $0x9;
	_ =	strace $0x80000048  }
0xb3: {  	_ =	swait.ge [sflag:s29], $0x1  }
0xb4: {  	[sflag:s29] =	ssyncadd.s32 $0xFFFFFFFF  }
0xb5: {  	_ =	strace $0x90000048  }
0xb6: {  	_ =	sfence  }
0xb7: {  	s30 =	sld [smem:$0x0];
	_ =	sdelay $0x2  }
0xb8: {  	s31 =	sshll.u32 s1, $0xD;
	s1 =	sshrl.u32 s1, $0x2  }
0xb9: {  	s3 =	sand.u32 $0x4000, s31;
	s1 =	sadd.s32 s1, s30  }
0xba: {  	s0 =	sor.u32 s3, s0;
	s1 =	sshll.u32 s1, $0x11  }
0xbb: {  	s0 =	sor.u32 s1, s0  }
0xbc: {  	s0 =	sadd.s32 $0x8F2B, s0  }
0xbd: {  	[sflag:s0] =	ssyncadd.remote.s32 $0x1  }
0xbe: {  	_ =	sfence.sel $0xFFFF  }
0xbf: {  	[dreg:$0x0] =	wrdreg $0xFFFFFFFF;
	(pc) =	sbr.abs _section_cstart, $3  }
0xc0: {  	[dreg:$0x1] =	wrdreg $0xFFFFFFFF  }
0xc1: {  	_ =	task.clear_ibuf [dreg:s7], $0x2FFFF;
	_ =	strace $0x9FFFFFFF  }
0xc2: {  	(tm) =	ssettm $0x7FFFFFFF  }
0xc3: {  	_ =	shalt  }
tec
execute0_lowered:
.L_overlay_start_1:
0x0: {  	(tag) =	ssettag $0x1  }
0x1: {  	s0 =	rddreg [dreg:$0x0]  }
0x2: {  	s1 =	rddreg [dreg:$0x1]  }
0x3: {  	s3 =	srdreg.scid;
	s5 =	stileid.u32  }
0x4: {  	s2 =	simm.s32 $0x0;
	s4 =	sand.u32 $0x1, s3;
	s19 =	sshll.u32 s5, $0x1  }
0x5: {  	s28 =	simm.s32 $0x500;
	s29 =	simm.s32 $0x6400;
	s5 =	sor.u32 s4, s19  }
0x6: {  	s30 =	simm.s32 $0x10400;
	s31 =	simm.s32 $0x1;
	s6 =	smul.u32 $0x32000, s5  }
0x7: {  	[smem:$0x7FF] =	sst s2;
	s4 =	ssub.s32 $0x2, s4;
	s7 =	smul.u32 $0xC80, s5  }
0x8: {  	s3 =	sadd.s32 $0xF42A00, s0;
	s8 =	sshrl.u32 s4, $0x1;
	s5 =	smul.u32 $0x6400, s5  }
0x9: {  	_ =	strace $0x80000047;
	s4 =	ssub.s32 s4, s8;
	s6 =	sshrl.u32 s6, $0x3  }
0xa: {  	s0 =	sadd.s32 s7, s0;
	s20 =	sadd.s32 s1, s5;
	s5 =	simm.s32 $0x3  }
0xb: {  	s7 =	simm.s32 $0x0;
	s0 =	sadd.s32 $0x380600, s0;
	[dreg:$0x4] =	wrdreg s20  }
0xc: {  	s6 =	sadd.s32 s1, s6;
	s1 =	simm.s32 $0x2;
	[dreg:$0x3] =	wrdreg s0  }
0xd: {  	s21 =	sadd.s32 $0x500, s6;
	s22 =	sadd.s32 $0xA00, s6;
	s23 =	sadd.s32 $0xF00, s6  }
0xe: {  	s24 =	sadd.s32 $0x1400, s6;
	s25 =	sadd.s32 $0x1900, s6;
	s26 =	sadd.s32 $0x1E00, s6  }
0xf: {  	s12 =	sadd.s32 $0x2300, s6;
	s13 =	sadd.s32 $0x2800, s6;
	[dreg:$0x5] =	wrdreg s21  }
0x10: {  	s14 =	sadd.s32 $0x2D00, s6;
	s15 =	sadd.s32 $0x3200, s6;
	[dreg:$0x6] =	wrdreg s22  }
0x11: {  	s16 =	sadd.s32 $0x3700, s6;
	s17 =	sadd.s32 $0x3C00, s6;
	[dreg:$0x7] =	wrdreg s23  }
0x12: {  	s18 =	sadd.s32 $0x4100, s6;
	s19 =	sadd.s32 $0x4600, s6;
	[dreg:$0x8] =	wrdreg s24  }
0x13: {  	s20 =	sadd.s32 $0x4B00, s6;
	s0 =	simm.s32 $0x1A400;
	[dreg:$0x9] =	wrdreg s25  }
0x14: {  	[dreg:$0xa] =	wrdreg s26;
	s21 =	sadd.s32 $0x5000, s6;
	s22 =	sadd.s32 $0x5500, s6  }
0x15: {  	s23 =	sadd.s32 $0x5A00, s6;
	s24 =	sadd.s32 $0x5F00, s6;
	s25 =	smax.u32 s4, $0x1  }
0x16: {  	s26 =	simm.s32 $0x5;
	s4 =	simm.s32 $0x1CC00;
	s6 =	simm.s32 $0x4  }
.LBB2_1:
0x17: {  	s8 =	rddreg [dreg:$0x3]  }
0x18: {  	[tilespmem:s2], [sflag:$0x5] =	stream.linear.gather [hbm4b:s8+s2], $0x6400, $0x38;
	[tilespmem:$0x1F400] =	vst v63  }
0x19: {  	_ =	swait.ge [sflag:s26], $0x6400  }
0x1a: {  	[sflag:s26] =	ssyncset.done $0x0  }
0x1b: {  	[sflag:s26] =	ssyncadd.s32 $0xFFFF9C00  }
0x1c: {  	[tilespmem:s29], [sflag:$0x1] =	stream.indirect.gather [hbm4b:s3+s28], $0x20, s2, s28, $0xb8;
	[tilespmem:$0x1F400] =	vst v63  }
0x1d: {  	_ = 	snop  }
0x1e: {  	[tilespmem:s30], [sflag:$0x2] =	stream.indirect.gather [hbm4b:s3+s28], $0x20, s28, s28, $0xb8;
	[tilespmem:$0x1F400] =	vst v63  }
0x1f: {  	_ =	swait.ge [sflag:s31], $0xA000  }
0x20: {  	[sflag:s31] =	ssyncset.done $0x0  }
0x21: {  	s8 =	simm.s32 $0x6440;
	[sflag:s31] =	ssyncadd.s32 $0xFFFF6000  }
0x22: {  	v0 =	vld [tilespmem:s8+$0xFFFFFFC0]  }
0x23: {  	v1 =	vld [tilespmem:s8+$0xFFFFFFE0];
	_ =	sdelay $0x1  }
0x24: {  	v2 =	vld [tilespmem:s8+$0x0];
	_ =	sdelay $0x1  }
0x25: {  	v3 =	vld [tilespmem:s8+$0x20]  }
0x26: {  	v0 =	vadd.f32 v1, v0;
	_ =	sdelay $0x1  }
0x27: {  	v0 =	vadd.f32 v2, v0;
	_ =	sdelay $0x1  }
0x28: {  	v0 =	vadd.f32 v3, v0  }
0x29: {  	s10 =	simm.s32 $0x0  }
0x2a: {  	[tilespmem:s10+$0x1A400] =	vst v0  }
0x2b: {  	v0 =	vld [tilespmem:s8+$0xFFFFFFD0]  }
0x2c: {  	v1 =	vld [tilespmem:s8+$0xFFFFFFF0];
	_ =	sdelay $0x1  }
0x2d: {  	v2 =	vld [tilespmem:s8+$0x10];
	_ =	sdelay $0x1  }
0x2e: {  	v3 =	vld [tilespmem:s8+$0x30]  }
0x2f: {  	v0 =	vadd.f32 v1, v0;
	_ =	sdelay $0x1  }
0x30: {  	v0 =	vadd.f32 v2, v0;
	_ =	sdelay $0x1  }
0x31: {  	s9 =	simm.s32 $0x80;
	v0 =	vadd.f32 v3, v0  }
.LBB2_2:
0x32: {  	p0 =	sne.s32 s9, $0x9F80  }
0x33: {  	s8 =	sadd.s32 $0x80, s8;
	s11 =	smov.u32 s9;
	s9 =	sadd.s32 $0x80, s9  }
0x34: {  	[tilespmem:s10+$0x1A410] =	vst v0  }
0x35: {  	v0 =	vld [tilespmem:s8+$0xFFFFFFC0]  }
0x36: {  	v1 =	vld [tilespmem:s8+$0xFFFFFFE0];
	_ =	sdelay $0x1  }
0x37: {  	v2 =	vld [tilespmem:s8+$0x0];
	_ =	sdelay $0x1  }
0x38: {  	v3 =	vld [tilespmem:s8+$0x20]  }
0x39: {  	v0 =	vadd.f32 v1, v0;
	_ =	sdelay $0x1  }
0x3a: {  	v0 =	vadd.f32 v2, v0;
	_ =	sdelay $0x1  }
0x3b: {  	v0 =	vadd.f32 v3, v0  }
0x3c: {  	s10 =	sshra.s32 s11, $0x2  }
0x3d: {  	[tilespmem:s10+$0x1A400] =	vst v0  }
0x3e: {  	v0 =	vld [tilespmem:s8+$0xFFFFFFD0]  }
0x3f: {  	v1 =	vld [tilespmem:s8+$0xFFFFFFF0]  }
0x40: {  	v2 =	vld [tilespmem:s8+$0x10];
	_ =	sdelay $0x1  }
0x41: {  	v3 =	vld [tilespmem:s8+$0x30];
	_ =	sdelay $0x1  }
.Ltmp0:
0x42: {  	v0 =	vadd.f32 v1, v0;
	(pc) =	sbr.rel @p0 .LBB2_2-.Ltmp0, $3  }
0x43: {  	_ = 	snop  }
0x44: {  	v0 =	vadd.f32 v2, v0;
	_ =	sdelay $0x1  }
0x45: {  	v0 =	vadd.f32 v3, v0  }
0x46: {  	_ = 	snop  }
0x47: {  	s8 =	simm.s32 $0x0;
	s9 =	rddreg [dreg:$0x4];
	[tilespmem:s10+$0x1A410] =	vst v0  }
0x48: {  	[hbm4b:s9+s8] =	stream.linear.scatter [tilespmem:s0], [sflag:$0x3], $0x2800, $0x38;
	[tilespmem:$0x1F400] =	vst v63  }
0x49: {  	s10 =	simm.s32 $0xA00  }
0x4a: {  	[tilespmem:s29], [sflag:$0x1] =	stream.indirect.gather [hbm4b:s3+s28], $0x20, s10, s28, $0xb8;
	[tilespmem:$0x1F400] =	vst v63  }
0x4b: {  	_ =	swait.ge [sflag:s1], $0xA000  }
0x4c: {  	[sflag:s1] =	ssyncset.done $0x0  }
0x4d: {  	s11 =	simm.s32 $0x0;
	[sflag:s1] =	ssyncadd.s32 $0xFFFF6000  }
0x4e: {  	v0 =	vld [tilespmem:s11+$0x10400]  }
0x4f: {  	v1 =	vld [tilespmem:s11+$0x10420];
	_ =	sdelay $0x1  }
0x50: {  	v2 =	vld [tilespmem:s11+$0x10440];
	_ =	sdelay $0x1  }
0x51: {  	v3 =	vld [tilespmem:s11+$0x10460]  }
0x52: {  	v0 =	vadd.f32 v1, v0;
	_ =	sdelay $0x1  }
0x53: {  	v0 =	vadd.f32 v2, v0;
	_ =	sdelay $0x1  }
0x54: {  	v0 =	vadd.f32 v3, v0  }
0x55: {  	s8 =	simm.s32 $0x1CC10  }
0x56: {  	[tilespmem:s8+$0xFFFFFFF0] =	vst v0  }
0x57: {  	v0 =	vld [tilespmem:s11+$0x10410]  }
0x58: {  	v1 =	vld [tilespmem:s11+$0x10430];
	_ =	sdelay $0x1  }
0x59: {  	v2 =	vld [tilespmem:s11+$0x10450];
	_ =	sdelay $0x2  }
0x5a: {  	v1 =	vadd.f32 v1, v0;
	v0 =	vld [tilespmem:s11+$0x10470];
	_ =	sdelay $0x1  }
0x5b: {  	s9 =	simm.s32 $0x200;
	s10 =	simm.s32 $0x1CC10;
	v1 =	vadd.f32 v2, v1  }
.LBB2_4:
0x5c: {  	p0 =	sne.s32 s9, $0x27E00  }
0x5d: {  	s8 =	sadd.s32 $0x20, s8;
	s11 =	smov.u32 s9;
	s9 =	sadd.s32 $0x200, s9  }
0x5e: {  	v0 =	vadd.f32 v0, v1  }
0x5f: {  	s11 =	sshra.s32 s11, $0x2  }
0x60: {  	[tilespmem:s10+$0x0] =	vst v0;
	s10 =	smov.u32 s8  }
0x61: {  	v0 =	vld [tilespmem:s11+$0x10400]  }
0x62: {  	v1 =	vld [tilespmem:s11+$0x10420];
	_ =	sdelay $0x1  }
0x63: {  	v2 =	vld [tilespmem:s11+$0x10440];
	_ =	sdelay $0x1  }
0x64: {  	v3 =	vld [tilespmem:s11+$0x10460]  }
0x65: {  	v0 =	vadd.f32 v1, v0;
	_ =	sdelay $0x1  }
0x66: {  	v0 =	vadd.f32 v2, v0;
	_ =	sdelay $0x1  }
0x67: {  	v0 =	vadd.f32 v3, v0;
	_ =	sdelay $0x1  }
0x68: {  	[tilespmem:s8+$0xFFFFFFF0] =	vst v0  }
0x69: {  	v1 =	vld [tilespmem:s11+$0x10410]  }
0x6a: {  	v2 =	vld [tilespmem:s11+$0x10430];
	_ =	sdelay $0x1  }
0x6b: {  	v3 =	vld [tilespmem:s11+$0x10450]  }
.Ltmp1:
0x6c: {  	v0 =	vld [tilespmem:s11+$0x10470];
	(pc) =	sbr.rel @p0 .LBB2_4-.Ltmp1, $3  }
0x6d: {  	_ = 	snop  }
0x6e: {  	v1 =	vadd.f32 v2, v1;
	_ =	sdelay $0x1  }
0x6f: {  	v1 =	vadd.f32 v3, v1  }
0x70: {  	_ = 	snop  }
0x71: {  	v0 =	vadd.f32 v0, v1;
	_ =	sdelay $0x1  }
0x72: {  	s8 =	simm.s32 $0x0;
	s9 =	rddreg [dreg:$0x5];
	[tilespmem:s10+$0x0] =	vst v0  }
0x73: {  	[hbm4b:s9+s8] =	stream.linear.scatter [tilespmem:s4], [sflag:$0x4], $0x2800, $0x38;
	[tilespmem:$0x1F400] =	vst v63  }
0x74: {  	s11 =	simm.s32 $0xF00  }
0x75: {  	[tilespmem:s30], [sflag:$0x2] =	stream.indirect.gather [hbm4b:s3+s28], $0x20, s11, s28, $0xb8;
	[tilespmem:$0x1F400] =	vst v63  }
0x76: {  	_ =	swait.ge [sflag:s31], $0xA000  }
0x77: {  	[sflag:s31] =	ssyncset.done $0x0  }
0x78: {  	[sflag:s31] =	ssyncadd.s32 $0xFFFF6000  }
0x79: {  	_ =	swait.ge [sflag:s5], $0x2800  }
0x7a: {  	[sflag:s5] =	ssyncset.done $0x0  }
0x7b: {  	s8 =	simm.s32 $0x6440;
	[sflag:s5] =	ssyncadd.s32 $0xFFFFD800  }
0x7c: {  	v0 =	vld [tilespmem:s8+$0xFFFFFFC0]  }
0x7d: {  	v1 =	vld [tilespmem:s8+$0xFFFFFFE0];
	_ =	sdelay $0x1  }
0x7e: {  	v2 =	vld [tilespmem:s8+$0x0];
	_ =	sdelay $0x1  }
0x7f: {  	v3 =	vld [tilespmem:s8+$0x20]  }
0x80: {  	v0 =	vadd.f32 v1, v0;
	_ =	sdelay $0x1  }
0x81: {  	v0 =	vadd.f32 v2, v0;
	_ =	sdelay $0x1  }
0x82: {  	v0 =	vadd.f32 v3, v0  }
0x83: {  	s10 =	simm.s32 $0x0  }
0x84: {  	[tilespmem:s10+$0x1A400] =	vst v0  }
0x85: {  	v0 =	vld [tilespmem:s8+$0xFFFFFFD0]  }
0x86: {  	v1 =	vld [tilespmem:s8+$0xFFFFFFF0];
	_ =	sdelay $0x1  }
0x87: {  	v2 =	vld [tilespmem:s8+$0x10];
	_ =	sdelay $0x1  }
0x88: {  	v3 =	vld [tilespmem:s8+$0x30]  }
0x89: {  	v0 =	vadd.f32 v1, v0;
	_ =	sdelay $0x1  }
0x8a: {  	v0 =	vadd.f32 v2, v0;
	_ =	sdelay $0x1  }
0x8b: {  	s9 =	simm.s32 $0x80;
	v0 =	vadd.f32 v3, v0  }
.LBB2_6:
0x8c: {  	p0 =	sne.s32 s9, $0x9F80  }
0x8d: {  	s8 =	sadd.s32 $0x80, s8;
	s11 =	smov.u32 s9;
	s9 =	sadd.s32 $0x80, s9  }
0x8e: {  	[tilespmem:s10+$0x1A410] =	vst v0  }
0x8f: {  	v0 =	vld [tilespmem:s8+$0xFFFFFFC0]  }
0x90: {  	v1 =	vld [tilespmem:s8+$0xFFFFFFE0];
	_ =	sdelay $0x1  }
0x91: {  	v2 =	vld [tilespmem:s8+$0x0];
	_ =	sdelay $0x1  }
0x92: {  	v3 =	vld [tilespmem:s8+$0x20]  }
0x93: {  	v0 =	vadd.f32 v1, v0;
	_ =	sdelay $0x1  }
0x94: {  	v0 =	vadd.f32 v2, v0;
	_ =	sdelay $0x1  }
0x95: {  	v0 =	vadd.f32 v3, v0  }
0x96: {  	s10 =	sshra.s32 s11, $0x2  }
0x97: {  	[tilespmem:s10+$0x1A400] =	vst v0  }
0x98: {  	v0 =	vld [tilespmem:s8+$0xFFFFFFD0]  }
0x99: {  	v1 =	vld [tilespmem:s8+$0xFFFFFFF0]  }
0x9a: {  	v2 =	vld [tilespmem:s8+$0x10];
	_ =	sdelay $0x1  }
0x9b: {  	v3 =	vld [tilespmem:s8+$0x30];
	_ =	sdelay $0x1  }
.Ltmp2:
0x9c: {  	v0 =	vadd.f32 v1, v0;
	(pc) =	sbr.rel @p0 .LBB2_6-.Ltmp2, $3  }
0x9d: {  	_ = 	snop  }
0x9e: {  	v0 =	vadd.f32 v2, v0;
	_ =	sdelay $0x1  }
0x9f: {  	v0 =	vadd.f32 v3, v0  }
0xa0: {  	_ = 	snop  }
0xa1: {  	s8 =	simm.s32 $0x0;
	s9 =	rddreg [dreg:$0x6];
	[tilespmem:s10+$0x1A410] =	vst v0  }
0xa2: {  	[hbm4b:s9+s8] =	stream.linear.scatter [tilespmem:s0], [sflag:$0x3], $0x2800, $0x38;
	[tilespmem:$0x1F400] =	vst v63  }
0xa3: {  	s10 =	simm.s32 $0x1400  }
0xa4: {  	[tilespmem:s29], [sflag:$0x1] =	stream.indirect.gather [hbm4b:s3+s28], $0x20, s10, s28, $0xb8;
	[tilespmem:$0x1F400] =	vst v63  }
0xa5: {  	_ =	swait.ge [sflag:s1], $0xA000  }
0xa6: {  	[sflag:s1] =	ssyncset.done $0x0  }
0xa7: {  	[sflag:s1] =	ssyncadd.s32 $0xFFFF6000  }
0xa8: {  	_ =	swait.ge [sflag:s6], $0x2800  }
0xa9: {  	[sflag:s6] =	ssyncset.done $0x0  }
0xaa: {  	s11 =	simm.s32 $0x0;
	[sflag:s6] =	ssyncadd.s32 $0xFFFFD800  }
0xab: {  	v0 =	vld [tilespmem:s11+$0x10400]  }
0xac: {  	v1 =	vld [tilespmem:s11+$0x10420];
	_ =	sdelay $0x1  }
0xad: {  	v2 =	vld [tilespmem:s11+$0x10440];
	_ =	sdelay $0x1  }
0xae: {  	v3 =	vld [tilespmem:s11+$0x10460]  }
0xaf: {  	v0 =	vadd.f32 v1, v0;
	_ =	sdelay $0x1  }
0xb0: {  	v0 =	vadd.f32 v2, v0;
	_ =	sdelay $0x1  }
0xb1: {  	v0 =	vadd.f32 v3, v0  }
0xb2: {  	s8 =	simm.s32 $0x1CC10  }
0xb3: {  	[tilespmem:s8+$0xFFFFFFF0] =	vst v0  }
0xb4: {  	v0 =	vld [tilespmem:s11+$0x10410]  }
0xb5: {  	v1 =	vld [tilespmem:s11+$0x10430];
	_ =	sdelay $0x1  }
0xb6: {  	v2 =	vld [tilespmem:s11+$0x10450];
	_ =	sdelay $0x2  }
0xb7: {  	v1 =	vadd.f32 v1, v0;
	v0 =	vld [tilespmem:s11+$0x10470];
	_ =	sdelay $0x1  }
0xb8: {  	s9 =	simm.s32 $0x200;
	s10 =	simm.s32 $0x1CC10;
	v1 =	vadd.f32 v2, v1  }
.LBB2_8:
0xb9: {  	p0 =	sne.s32 s9, $0x27E00  }
0xba: {  	s8 =	sadd.s32 $0x20, s8;
	s11 =	smov.u32 s9;
	s9 =	sadd.s32 $0x200, s9  }
0xbb: {  	v0 =	vadd.f32 v0, v1  }
0xbc: {  	s11 =	sshra.s32 s11, $0x2  }
0xbd: {  	[tilespmem:s10+$0x0] =	vst v0;
	s10 =	smov.u32 s8  }
0xbe: {  	v0 =	vld [tilespmem:s11+$0x10400]  }
0xbf: {  	v1 =	vld [tilespmem:s11+$0x10420];
	_ =	sdelay $0x1  }
0xc0: {  	v2 =	vld [tilespmem:s11+$0x10440];
	_ =	sdelay $0x1  }
0xc1: {  	v3 =	vld [tilespmem:s11+$0x10460]  }
0xc2: {  	v0 =	vadd.f32 v1, v0;
	_ =	sdelay $0x1  }
0xc3: {  	v0 =	vadd.f32 v2, v0;
	_ =	sdelay $0x1  }
0xc4: {  	v0 =	vadd.f32 v3, v0;
	_ =	sdelay $0x1  }
0xc5: {  	[tilespmem:s8+$0xFFFFFFF0] =	vst v0  }
0xc6: {  	v1 =	vld [tilespmem:s11+$0x10410]  }
0xc7: {  	v2 =	vld [tilespmem:s11+$0x10430];
	_ =	sdelay $0x1  }
0xc8: {  	v3 =	vld [tilespmem:s11+$0x10450]  }
.Ltmp3:
0xc9: {  	v0 =	vld [tilespmem:s11+$0x10470];
	(pc) =	sbr.rel @p0 .LBB2_8-.Ltmp3, $3  }
0xca: {  	_ = 	snop  }
0xcb: {  	v1 =	vadd.f32 v2, v1;
	_ =	sdelay $0x1  }
0xcc: {  	v1 =	vadd.f32 v3, v1  }
0xcd: {  	_ = 	snop  }
0xce: {  	v0 =	vadd.f32 v0, v1;
	_ =	sdelay $0x1  }
0xcf: {  	s8 =	simm.s32 $0x0;
	s9 =	rddreg [dreg:$0x7];
	[tilespmem:s10+$0x0] =	vst v0  }
0xd0: {  	[hbm4b:s9+s8] =	stream.linear.scatter [tilespmem:s4], [sflag:$0x4], $0x2800, $0x38;
	[tilespmem:$0x1F400] =	vst v63  }
0xd1: {  	s11 =	simm.s32 $0x1900  }
0xd2: {  	[tilespmem:s30], [sflag:$0x2] =	stream.indirect.gather [hbm4b:s3+s28], $0x20, s11, s28, $0xb8;
	[tilespmem:$0x1F400] =	vst v63  }
0xd3: {  	_ =	swait.ge [sflag:s31], $0xA000  }
0xd4: {  	[sflag:s31] =	ssyncset.done $0x0  }
0xd5: {  	[sflag:s31] =	ssyncadd.s32 $0xFFFF6000  }
0xd6: {  	_ =	swait.ge [sflag:s5], $0x2800  }
0xd7: {  	[sflag:s5] =	ssyncset.done $0x0  }
0xd8: {  	s8 =	simm.s32 $0x6440;
	[sflag:s5] =	ssyncadd.s32 $0xFFFFD800  }
0xd9: {  	v0 =	vld [tilespmem:s8+$0xFFFFFFC0]  }
0xda: {  	v1 =	vld [tilespmem:s8+$0xFFFFFFE0];
	_ =	sdelay $0x1  }
0xdb: {  	v2 =	vld [tilespmem:s8+$0x0];
	_ =	sdelay $0x1  }
0xdc: {  	v3 =	vld [tilespmem:s8+$0x20]  }
0xdd: {  	v0 =	vadd.f32 v1, v0;
	_ =	sdelay $0x1  }
0xde: {  	v0 =	vadd.f32 v2, v0;
	_ =	sdelay $0x1  }
0xdf: {  	v0 =	vadd.f32 v3, v0  }
0xe0: {  	s10 =	simm.s32 $0x0  }
0xe1: {  	[tilespmem:s10+$0x1A400] =	vst v0  }
0xe2: {  	v0 =	vld [tilespmem:s8+$0xFFFFFFD0]  }
0xe3: {  	v1 =	vld [tilespmem:s8+$0xFFFFFFF0];
	_ =	sdelay $0x1  }
0xe4: {  	v2 =	vld [tilespmem:s8+$0x10];
	_ =	sdelay $0x1  }
0xe5: {  	v3 =	vld [tilespmem:s8+$0x30]  }
0xe6: {  	v0 =	vadd.f32 v1, v0;
	_ =	sdelay $0x1  }
0xe7: {  	v0 =	vadd.f32 v2, v0;
	_ =	sdelay $0x1  }
0xe8: {  	s9 =	simm.s32 $0x80;
	v0 =	vadd.f32 v3, v0  }
.LBB2_10:
0xe9: {  	p0 =	sne.s32 s9, $0x9F80  }
0xea: {  	s8 =	sadd.s32 $0x80, s8;
	s11 =	smov.u32 s9;
	s9 =	sadd.s32 $0x80, s9  }
0xeb: {  	[tilespmem:s10+$0x1A410] =	vst v0  }
0xec: {  	v0 =	vld [tilespmem:s8+$0xFFFFFFC0]  }
0xed: {  	v1 =	vld [tilespmem:s8+$0xFFFFFFE0];
	_ =	sdelay $0x1  }
0xee: {  	v2 =	vld [tilespmem:s8+$0x0];
	_ =	sdelay $0x1  }
0xef: {  	v3 =	vld [tilespmem:s8+$0x20]  }
0xf0: {  	v0 =	vadd.f32 v1, v0;
	_ =	sdelay $0x1  }
0xf1: {  	v0 =	vadd.f32 v2, v0;
	_ =	sdelay $0x1  }
0xf2: {  	v0 =	vadd.f32 v3, v0  }
0xf3: {  	s10 =	sshra.s32 s11, $0x2  }
0xf4: {  	[tilespmem:s10+$0x1A400] =	vst v0  }
0xf5: {  	v0 =	vld [tilespmem:s8+$0xFFFFFFD0]  }
0xf6: {  	v1 =	vld [tilespmem:s8+$0xFFFFFFF0]  }
0xf7: {  	v2 =	vld [tilespmem:s8+$0x10];
	_ =	sdelay $0x1  }
0xf8: {  	v3 =	vld [tilespmem:s8+$0x30];
	_ =	sdelay $0x1  }
.Ltmp4:
0xf9: {  	v0 =	vadd.f32 v1, v0;
	(pc) =	sbr.rel @p0 .LBB2_10-.Ltmp4, $3  }
0xfa: {  	_ = 	snop  }
0xfb: {  	v0 =	vadd.f32 v2, v0;
	_ =	sdelay $0x1  }
0xfc: {  	v0 =	vadd.f32 v3, v0  }
0xfd: {  	_ = 	snop  }
0xfe: {  	s8 =	simm.s32 $0x0;
	s9 =	rddreg [dreg:$0x8];
	[tilespmem:s10+$0x1A410] =	vst v0  }
0xff: {  	[hbm4b:s9+s8] =	stream.linear.scatter [tilespmem:s0], [sflag:$0x3], $0x2800, $0x38;
	[tilespmem:$0x1F400] =	vst v63  }
0x100: {  	s10 =	simm.s32 $0x1E00  }
0x101: {  	[tilespmem:s29], [sflag:$0x1] =	stream.indirect.gather [hbm4b:s3+s28], $0x20, s10, s28, $0xb8;
	[tilespmem:$0x1F400] =	vst v63  }
0x102: {  	_ =	swait.ge [sflag:s1], $0xA000  }
0x103: {  	[sflag:s1] =	ssyncset.done $0x0  }
0x104: {  	[sflag:s1] =	ssyncadd.s32 $0xFFFF6000  }
0x105: {  	_ =	swait.ge [sflag:s6], $0x2800  }
0x106: {  	[sflag:s6] =	ssyncset.done $0x0  }
0x107: {  	s11 =	simm.s32 $0x0;
	[sflag:s6] =	ssyncadd.s32 $0xFFFFD800  }
0x108: {  	v0 =	vld [tilespmem:s11+$0x10400]  }
0x109: {  	v1 =	vld [tilespmem:s11+$0x10420];
	_ =	sdelay $0x1  }
0x10a: {  	v2 =	vld [tilespmem:s11+$0x10440];
	_ =	sdelay $0x1  }
0x10b: {  	v3 =	vld [tilespmem:s11+$0x10460]  }
0x10c: {  	v0 =	vadd.f32 v1, v0;
	_ =	sdelay $0x1  }
0x10d: {  	v0 =	vadd.f32 v2, v0;
	_ =	sdelay $0x1  }
0x10e: {  	v0 =	vadd.f32 v3, v0  }
0x10f: {  	s8 =	simm.s32 $0x1CC10  }
0x110: {  	[tilespmem:s8+$0xFFFFFFF0] =	vst v0  }
0x111: {  	v0 =	vld [tilespmem:s11+$0x10410]  }
0x112: {  	v1 =	vld [tilespmem:s11+$0x10430];
	_ =	sdelay $0x1  }
0x113: {  	v2 =	vld [tilespmem:s11+$0x10450];
	_ =	sdelay $0x2  }
0x114: {  	v1 =	vadd.f32 v1, v0;
	v0 =	vld [tilespmem:s11+$0x10470];
	_ =	sdelay $0x1  }
0x115: {  	s9 =	simm.s32 $0x200;
	s10 =	simm.s32 $0x1CC10;
	v1 =	vadd.f32 v2, v1  }
.LBB2_12:
0x116: {  	p0 =	sne.s32 s9, $0x27E00  }
0x117: {  	s8 =	sadd.s32 $0x20, s8;
	s11 =	smov.u32 s9;
	s9 =	sadd.s32 $0x200, s9  }
0x118: {  	v0 =	vadd.f32 v0, v1  }
0x119: {  	s11 =	sshra.s32 s11, $0x2  }
0x11a: {  	[tilespmem:s10+$0x0] =	vst v0;
	s10 =	smov.u32 s8  }
0x11b: {  	v0 =	vld [tilespmem:s11+$0x10400]  }
0x11c: {  	v1 =	vld [tilespmem:s11+$0x10420];
	_ =	sdelay $0x1  }
0x11d: {  	v2 =	vld [tilespmem:s11+$0x10440];
	_ =	sdelay $0x1  }
0x11e: {  	v3 =	vld [tilespmem:s11+$0x10460]  }
0x11f: {  	v0 =	vadd.f32 v1, v0;
	_ =	sdelay $0x1  }
0x120: {  	v0 =	vadd.f32 v2, v0;
	_ =	sdelay $0x1  }
0x121: {  	v0 =	vadd.f32 v3, v0;
	_ =	sdelay $0x1  }
0x122: {  	[tilespmem:s8+$0xFFFFFFF0] =	vst v0  }
0x123: {  	v1 =	vld [tilespmem:s11+$0x10410]  }
0x124: {  	v2 =	vld [tilespmem:s11+$0x10430];
	_ =	sdelay $0x1  }
0x125: {  	v3 =	vld [tilespmem:s11+$0x10450]  }
.Ltmp5:
0x126: {  	v0 =	vld [tilespmem:s11+$0x10470];
	(pc) =	sbr.rel @p0 .LBB2_12-.Ltmp5, $3  }
0x127: {  	_ = 	snop  }
0x128: {  	v1 =	vadd.f32 v2, v1;
	_ =	sdelay $0x1  }
0x129: {  	v1 =	vadd.f32 v3, v1  }
0x12a: {  	_ = 	snop  }
0x12b: {  	v0 =	vadd.f32 v0, v1;
	_ =	sdelay $0x1  }
0x12c: {  	s8 =	simm.s32 $0x0;
	s9 =	rddreg [dreg:$0x9];
	[tilespmem:s10+$0x0] =	vst v0  }
0x12d: {  	[hbm4b:s9+s8] =	stream.linear.scatter [tilespmem:s4], [sflag:$0x4], $0x2800, $0x38;
	[tilespmem:$0x1F400] =	vst v63  }
0x12e: {  	s11 =	simm.s32 $0x2300  }
0x12f: {  	[tilespmem:s30], [sflag:$0x2] =	stream.indirect.gather [hbm4b:s3+s28], $0x20, s11, s28, $0xb8;
	[tilespmem:$0x1F400] =	vst v63  }
0x130: {  	_ =	swait.ge [sflag:s31], $0xA000  }
0x131: {  	[sflag:s31] =	ssyncset.done $0x0  }
0x132: {  	[sflag:s31] =	ssyncadd.s32 $0xFFFF6000  }
0x133: {  	_ =	swait.ge [sflag:s5], $0x2800  }
0x134: {  	[sflag:s5] =	ssyncset.done $0x0  }
0x135: {  	s8 =	simm.s32 $0x6440;
	[sflag:s5] =	ssyncadd.s32 $0xFFFFD800  }
0x136: {  	v0 =	vld [tilespmem:s8+$0xFFFFFFC0]  }
0x137: {  	v1 =	vld [tilespmem:s8+$0xFFFFFFE0];
	_ =	sdelay $0x1  }
0x138: {  	v2 =	vld [tilespmem:s8+$0x0];
	_ =	sdelay $0x1  }
0x139: {  	v3 =	vld [tilespmem:s8+$0x20]  }
0x13a: {  	v0 =	vadd.f32 v1, v0;
	_ =	sdelay $0x1  }
0x13b: {  	v0 =	vadd.f32 v2, v0;
	_ =	sdelay $0x1  }
0x13c: {  	v0 =	vadd.f32 v3, v0  }
0x13d: {  	s10 =	simm.s32 $0x0  }
0x13e: {  	[tilespmem:s10+$0x1A400] =	vst v0  }
0x13f: {  	v0 =	vld [tilespmem:s8+$0xFFFFFFD0]  }
0x140: {  	v1 =	vld [tilespmem:s8+$0xFFFFFFF0];
	_ =	sdelay $0x1  }
0x141: {  	v2 =	vld [tilespmem:s8+$0x10];
	_ =	sdelay $0x1  }
0x142: {  	v3 =	vld [tilespmem:s8+$0x30]  }
0x143: {  	v0 =	vadd.f32 v1, v0;
	_ =	sdelay $0x1  }
0x144: {  	v0 =	vadd.f32 v2, v0;
	_ =	sdelay $0x1  }
0x145: {  	s9 =	simm.s32 $0x80;
	v0 =	vadd.f32 v3, v0  }
.LBB2_14:
0x146: {  	p0 =	sne.s32 s9, $0x9F80  }
0x147: {  	s8 =	sadd.s32 $0x80, s8;
	s11 =	smov.u32 s9;
	s9 =	sadd.s32 $0x80, s9  }
0x148: {  	[tilespmem:s10+$0x1A410] =	vst v0  }
0x149: {  	v0 =	vld [tilespmem:s8+$0xFFFFFFC0]  }
0x14a: {  	v1 =	vld [tilespmem:s8+$0xFFFFFFE0];
	_ =	sdelay $0x1  }
0x14b: {  	v2 =	vld [tilespmem:s8+$0x0];
	_ =	sdelay $0x1  }
0x14c: {  	v3 =	vld [tilespmem:s8+$0x20]  }
0x14d: {  	v0 =	vadd.f32 v1, v0;
	_ =	sdelay $0x1  }
0x14e: {  	v0 =	vadd.f32 v2, v0;
	_ =	sdelay $0x1  }
0x14f: {  	v0 =	vadd.f32 v3, v0  }
0x150: {  	s10 =	sshra.s32 s11, $0x2  }
0x151: {  	[tilespmem:s10+$0x1A400] =	vst v0  }
0x152: {  	v0 =	vld [tilespmem:s8+$0xFFFFFFD0]  }
0x153: {  	v1 =	vld [tilespmem:s8+$0xFFFFFFF0]  }
0x154: {  	v2 =	vld [tilespmem:s8+$0x10];
	_ =	sdelay $0x1  }
0x155: {  	v3 =	vld [tilespmem:s8+$0x30];
	_ =	sdelay $0x1  }
.Ltmp6:
0x156: {  	v0 =	vadd.f32 v1, v0;
	(pc) =	sbr.rel @p0 .LBB2_14-.Ltmp6, $3  }
0x157: {  	_ = 	snop  }
0x158: {  	v0 =	vadd.f32 v2, v0;
	_ =	sdelay $0x1  }
0x159: {  	v0 =	vadd.f32 v3, v0  }
0x15a: {  	_ = 	snop  }
0x15b: {  	s8 =	simm.s32 $0x0;
	s9 =	rddreg [dreg:$0xa];
	[tilespmem:s10+$0x1A410] =	vst v0  }
0x15c: {  	[hbm4b:s9+s8] =	stream.linear.scatter [tilespmem:s0], [sflag:$0x3], $0x2800, $0x38;
	[tilespmem:$0x1F400] =	vst v63  }
0x15d: {  	s10 =	simm.s32 $0x2800  }
0x15e: {  	[tilespmem:s29], [sflag:$0x1] =	stream.indirect.gather [hbm4b:s3+s28], $0x20, s10, s28, $0xb8;
	[tilespmem:$0x1F400] =	vst v63  }
0x15f: {  	_ =	swait.ge [sflag:s1], $0xA000  }
0x160: {  	[sflag:s1] =	ssyncset.done $0x0  }
0x161: {  	[sflag:s1] =	ssyncadd.s32 $0xFFFF6000  }
0x162: {  	_ =	swait.ge [sflag:s6], $0x2800  }
0x163: {  	[sflag:s6] =	ssyncset.done $0x0  }
0x164: {  	s11 =	simm.s32 $0x0;
	[sflag:s6] =	ssyncadd.s32 $0xFFFFD800  }
0x165: {  	v0 =	vld [tilespmem:s11+$0x10400]  }
0x166: {  	v1 =	vld [tilespmem:s11+$0x10420];
	_ =	sdelay $0x1  }
0x167: {  	v2 =	vld [tilespmem:s11+$0x10440];
	_ =	sdelay $0x1  }
0x168: {  	v3 =	vld [tilespmem:s11+$0x10460]  }
0x169: {  	v0 =	vadd.f32 v1, v0;
	_ =	sdelay $0x1  }
0x16a: {  	v0 =	vadd.f32 v2, v0;
	_ =	sdelay $0x1  }
0x16b: {  	v0 =	vadd.f32 v3, v0  }
0x16c: {  	s8 =	simm.s32 $0x1CC10  }
0x16d: {  	[tilespmem:s8+$0xFFFFFFF0] =	vst v0  }
0x16e: {  	v0 =	vld [tilespmem:s11+$0x10410]  }
0x16f: {  	v1 =	vld [tilespmem:s11+$0x10430];
	_ =	sdelay $0x1  }
0x170: {  	v2 =	vld [tilespmem:s11+$0x10450];
	_ =	sdelay $0x2  }
0x171: {  	v1 =	vadd.f32 v1, v0;
	v0 =	vld [tilespmem:s11+$0x10470];
	_ =	sdelay $0x1  }
0x172: {  	s9 =	simm.s32 $0x200;
	s10 =	simm.s32 $0x1CC10;
	v1 =	vadd.f32 v2, v1  }
.LBB2_16:
0x173: {  	p0 =	sne.s32 s9, $0x27E00  }
0x174: {  	s8 =	sadd.s32 $0x20, s8;
	s11 =	smov.u32 s9;
	s9 =	sadd.s32 $0x200, s9  }
0x175: {  	v0 =	vadd.f32 v0, v1  }
0x176: {  	s11 =	sshra.s32 s11, $0x2  }
0x177: {  	[tilespmem:s10+$0x0] =	vst v0;
	s10 =	smov.u32 s8  }
0x178: {  	v0 =	vld [tilespmem:s11+$0x10400]  }
0x179: {  	v1 =	vld [tilespmem:s11+$0x10420];
	_ =	sdelay $0x1  }
0x17a: {  	v2 =	vld [tilespmem:s11+$0x10440];
	_ =	sdelay $0x1  }
0x17b: {  	v3 =	vld [tilespmem:s11+$0x10460]  }
0x17c: {  	v0 =	vadd.f32 v1, v0;
	_ =	sdelay $0x1  }
0x17d: {  	v0 =	vadd.f32 v2, v0;
	_ =	sdelay $0x1  }
0x17e: {  	v0 =	vadd.f32 v3, v0;
	_ =	sdelay $0x1  }
0x17f: {  	[tilespmem:s8+$0xFFFFFFF0] =	vst v0  }
0x180: {  	v1 =	vld [tilespmem:s11+$0x10410]  }
0x181: {  	v2 =	vld [tilespmem:s11+$0x10430];
	_ =	sdelay $0x1  }
0x182: {  	v3 =	vld [tilespmem:s11+$0x10450]  }
.Ltmp7:
0x183: {  	v0 =	vld [tilespmem:s11+$0x10470];
	(pc) =	sbr.rel @p0 .LBB2_16-.Ltmp7, $3  }
0x184: {  	_ = 	snop  }
0x185: {  	v1 =	vadd.f32 v2, v1;
	_ =	sdelay $0x1  }
0x186: {  	v1 =	vadd.f32 v3, v1  }
0x187: {  	_ = 	snop  }
0x188: {  	v0 =	vadd.f32 v0, v1;
	_ =	sdelay $0x1  }
0x189: {  	s8 =	simm.s32 $0x0;
	[tilespmem:s10+$0x0] =	vst v0  }
0x18a: {  	[hbm4b:s12+s8] =	stream.linear.scatter [tilespmem:s4], [sflag:$0x4], $0x2800, $0x38;
	[tilespmem:$0x1F400] =	vst v63  }
0x18b: {  	s11 =	simm.s32 $0x2D00  }
0x18c: {  	[tilespmem:s30], [sflag:$0x2] =	stream.indirect.gather [hbm4b:s3+s28], $0x20, s11, s28, $0xb8;
	[tilespmem:$0x1F400] =	vst v63  }
0x18d: {  	_ =	swait.ge [sflag:s31], $0xA000  }
0x18e: {  	[sflag:s31] =	ssyncset.done $0x0  }
0x18f: {  	[sflag:s31] =	ssyncadd.s32 $0xFFFF6000  }
0x190: {  	_ =	swait.ge [sflag:s5], $0x2800  }
0x191: {  	[sflag:s5] =	ssyncset.done $0x0  }
0x192: {  	s8 =	simm.s32 $0x6440;
	[sflag:s5] =	ssyncadd.s32 $0xFFFFD800  }
0x193: {  	v0 =	vld [tilespmem:s8+$0xFFFFFFC0]  }
0x194: {  	v1 =	vld [tilespmem:s8+$0xFFFFFFE0];
	_ =	sdelay $0x1  }
0x195: {  	v2 =	vld [tilespmem:s8+$0x0];
	_ =	sdelay $0x1  }
0x196: {  	v3 =	vld [tilespmem:s8+$0x20]  }
0x197: {  	v0 =	vadd.f32 v1, v0;
	_ =	sdelay $0x1  }
0x198: {  	v0 =	vadd.f32 v2, v0;
	_ =	sdelay $0x1  }
0x199: {  	v0 =	vadd.f32 v3, v0  }
0x19a: {  	s10 =	simm.s32 $0x0  }
0x19b: {  	[tilespmem:s10+$0x1A400] =	vst v0  }
0x19c: {  	v0 =	vld [tilespmem:s8+$0xFFFFFFD0]  }
0x19d: {  	v1 =	vld [tilespmem:s8+$0xFFFFFFF0];
	_ =	sdelay $0x1  }
0x19e: {  	v2 =	vld [tilespmem:s8+$0x10];
	_ =	sdelay $0x1  }
0x19f: {  	v3 =	vld [tilespmem:s8+$0x30]  }
0x1a0: {  	v0 =	vadd.f32 v1, v0;
	_ =	sdelay $0x1  }
0x1a1: {  	v0 =	vadd.f32 v2, v0;
	_ =	sdelay $0x1  }
0x1a2: {  	s9 =	simm.s32 $0x80;
	v0 =	vadd.f32 v3, v0  }
.LBB2_18:
0x1a3: {  	p0 =	sne.s32 s9, $0x9F80  }
0x1a4: {  	s8 =	sadd.s32 $0x80, s8;
	s11 =	smov.u32 s9;
	s9 =	sadd.s32 $0x80, s9  }
0x1a5: {  	[tilespmem:s10+$0x1A410] =	vst v0  }
0x1a6: {  	v0 =	vld [tilespmem:s8+$0xFFFFFFC0]  }
0x1a7: {  	v1 =	vld [tilespmem:s8+$0xFFFFFFE0];
	_ =	sdelay $0x1  }
0x1a8: {  	v2 =	vld [tilespmem:s8+$0x0];
	_ =	sdelay $0x1  }
0x1a9: {  	v3 =	vld [tilespmem:s8+$0x20]  }
0x1aa: {  	v0 =	vadd.f32 v1, v0;
	_ =	sdelay $0x1  }
0x1ab: {  	v0 =	vadd.f32 v2, v0;
	_ =	sdelay $0x1  }
0x1ac: {  	v0 =	vadd.f32 v3, v0  }
0x1ad: {  	s10 =	sshra.s32 s11, $0x2  }
0x1ae: {  	[tilespmem:s10+$0x1A400] =	vst v0  }
0x1af: {  	v0 =	vld [tilespmem:s8+$0xFFFFFFD0]  }
0x1b0: {  	v1 =	vld [tilespmem:s8+$0xFFFFFFF0]  }
0x1b1: {  	v2 =	vld [tilespmem:s8+$0x10];
	_ =	sdelay $0x1  }
0x1b2: {  	v3 =	vld [tilespmem:s8+$0x30];
	_ =	sdelay $0x1  }
.Ltmp8:
0x1b3: {  	v0 =	vadd.f32 v1, v0;
	(pc) =	sbr.rel @p0 .LBB2_18-.Ltmp8, $3  }
0x1b4: {  	_ = 	snop  }
0x1b5: {  	v0 =	vadd.f32 v2, v0;
	_ =	sdelay $0x1  }
0x1b6: {  	v0 =	vadd.f32 v3, v0  }
0x1b7: {  	_ = 	snop  }
0x1b8: {  	s8 =	simm.s32 $0x0;
	[tilespmem:s10+$0x1A410] =	vst v0  }
0x1b9: {  	[hbm4b:s13+s8] =	stream.linear.scatter [tilespmem:s0], [sflag:$0x3], $0x2800, $0x38;
	[tilespmem:$0x1F400] =	vst v63  }
0x1ba: {  	s10 =	simm.s32 $0x3200  }
0x1bb: {  	[tilespmem:s29], [sflag:$0x1] =	stream.indirect.gather [hbm4b:s3+s28], $0x20, s10, s28, $0xb8;
	[tilespmem:$0x1F400] =	vst v63  }
0x1bc: {  	_ =	swait.ge [sflag:s1], $0xA000  }
0x1bd: {  	[sflag:s1] =	ssyncset.done $0x0  }
0x1be: {  	[sflag:s1] =	ssyncadd.s32 $0xFFFF6000  }
0x1bf: {  	_ =	swait.ge [sflag:s6], $0x2800  }
0x1c0: {  	[sflag:s6] =	ssyncset.done $0x0  }
0x1c1: {  	s11 =	simm.s32 $0x0;
	[sflag:s6] =	ssyncadd.s32 $0xFFFFD800  }
0x1c2: {  	v0 =	vld [tilespmem:s11+$0x10400]  }
0x1c3: {  	v1 =	vld [tilespmem:s11+$0x10420];
	_ =	sdelay $0x1  }
0x1c4: {  	v2 =	vld [tilespmem:s11+$0x10440];
	_ =	sdelay $0x1  }
0x1c5: {  	v3 =	vld [tilespmem:s11+$0x10460]  }
0x1c6: {  	v0 =	vadd.f32 v1, v0;
	_ =	sdelay $0x1  }
0x1c7: {  	v0 =	vadd.f32 v2, v0;
	_ =	sdelay $0x1  }
0x1c8: {  	v0 =	vadd.f32 v3, v0  }
0x1c9: {  	s8 =	simm.s32 $0x1CC10  }
0x1ca: {  	[tilespmem:s8+$0xFFFFFFF0] =	vst v0  }
0x1cb: {  	v0 =	vld [tilespmem:s11+$0x10410]  }
0x1cc: {  	v1 =	vld [tilespmem:s11+$0x10430];
	_ =	sdelay $0x1  }
0x1cd: {  	v2 =	vld [tilespmem:s11+$0x10450];
	_ =	sdelay $0x2  }
0x1ce: {  	v1 =	vadd.f32 v1, v0;
	v0 =	vld [tilespmem:s11+$0x10470];
	_ =	sdelay $0x1  }
0x1cf: {  	s9 =	simm.s32 $0x200;
	s10 =	simm.s32 $0x1CC10;
	v1 =	vadd.f32 v2, v1  }
.LBB2_20:
0x1d0: {  	p0 =	sne.s32 s9, $0x27E00  }
0x1d1: {  	s8 =	sadd.s32 $0x20, s8;
	s11 =	smov.u32 s9;
	s9 =	sadd.s32 $0x200, s9  }
0x1d2: {  	v0 =	vadd.f32 v0, v1  }
0x1d3: {  	s11 =	sshra.s32 s11, $0x2  }
0x1d4: {  	[tilespmem:s10+$0x0] =	vst v0;
	s10 =	smov.u32 s8  }
0x1d5: {  	v0 =	vld [tilespmem:s11+$0x10400]  }
0x1d6: {  	v1 =	vld [tilespmem:s11+$0x10420];
	_ =	sdelay $0x1  }
0x1d7: {  	v2 =	vld [tilespmem:s11+$0x10440];
	_ =	sdelay $0x1  }
0x1d8: {  	v3 =	vld [tilespmem:s11+$0x10460]  }
0x1d9: {  	v0 =	vadd.f32 v1, v0;
	_ =	sdelay $0x1  }
0x1da: {  	v0 =	vadd.f32 v2, v0;
	_ =	sdelay $0x1  }
0x1db: {  	v0 =	vadd.f32 v3, v0;
	_ =	sdelay $0x1  }
0x1dc: {  	[tilespmem:s8+$0xFFFFFFF0] =	vst v0  }
0x1dd: {  	v1 =	vld [tilespmem:s11+$0x10410]  }
0x1de: {  	v2 =	vld [tilespmem:s11+$0x10430];
	_ =	sdelay $0x1  }
0x1df: {  	v3 =	vld [tilespmem:s11+$0x10450]  }
.Ltmp9:
0x1e0: {  	v0 =	vld [tilespmem:s11+$0x10470];
	(pc) =	sbr.rel @p0 .LBB2_20-.Ltmp9, $3  }
0x1e1: {  	_ = 	snop  }
0x1e2: {  	v1 =	vadd.f32 v2, v1;
	_ =	sdelay $0x1  }
0x1e3: {  	v1 =	vadd.f32 v3, v1  }
0x1e4: {  	_ = 	snop  }
0x1e5: {  	v0 =	vadd.f32 v0, v1;
	_ =	sdelay $0x1  }
0x1e6: {  	s8 =	simm.s32 $0x0;
	[tilespmem:s10+$0x0] =	vst v0  }
0x1e7: {  	[hbm4b:s14+s8] =	stream.linear.scatter [tilespmem:s4], [sflag:$0x4], $0x2800, $0x38;
	[tilespmem:$0x1F400] =	vst v63  }
0x1e8: {  	s11 =	simm.s32 $0x3700  }
0x1e9: {  	[tilespmem:s30], [sflag:$0x2] =	stream.indirect.gather [hbm4b:s3+s28], $0x20, s11, s28, $0xb8;
	[tilespmem:$0x1F400] =	vst v63  }
0x1ea: {  	_ =	swait.ge [sflag:s31], $0xA000  }
0x1eb: {  	[sflag:s31] =	ssyncset.done $0x0  }
0x1ec: {  	[sflag:s31] =	ssyncadd.s32 $0xFFFF6000  }
0x1ed: {  	_ =	swait.ge [sflag:s5], $0x2800  }
0x1ee: {  	[sflag:s5] =	ssyncset.done $0x0  }
0x1ef: {  	s8 =	simm.s32 $0x6440;
	[sflag:s5] =	ssyncadd.s32 $0xFFFFD800  }
0x1f0: {  	v0 =	vld [tilespmem:s8+$0xFFFFFFC0]  }
0x1f1: {  	v1 =	vld [tilespmem:s8+$0xFFFFFFE0];
	_ =	sdelay $0x1  }
0x1f2: {  	v2 =	vld [tilespmem:s8+$0x0];
	_ =	sdelay $0x1  }
0x1f3: {  	v3 =	vld [tilespmem:s8+$0x20]  }
0x1f4: {  	v0 =	vadd.f32 v1, v0;
	_ =	sdelay $0x1  }
0x1f5: {  	v0 =	vadd.f32 v2, v0;
	_ =	sdelay $0x1  }
0x1f6: {  	v0 =	vadd.f32 v3, v0  }
0x1f7: {  	s10 =	simm.s32 $0x0  }
0x1f8: {  	[tilespmem:s10+$0x1A400] =	vst v0  }
0x1f9: {  	v0 =	vld [tilespmem:s8+$0xFFFFFFD0]  }
0x1fa: {  	v1 =	vld [tilespmem:s8+$0xFFFFFFF0];
	_ =	sdelay $0x1  }
0x1fb: {  	v2 =	vld [tilespmem:s8+$0x10];
	_ =	sdelay $0x1  }
0x1fc: {  	v3 =	vld [tilespmem:s8+$0x30]  }
0x1fd: {  	v0 =	vadd.f32 v1, v0;
	_ =	sdelay $0x1  }
0x1fe: {  	v0 =	vadd.f32 v2, v0;
	_ =	sdelay $0x1  }
0x1ff: {  	s9 =	simm.s32 $0x80;
	v0 =	vadd.f32 v3, v0  }
.LBB2_22:
0x200: {  	p0 =	sne.s32 s9, $0x9F80  }
0x201: {  	s8 =	sadd.s32 $0x80, s8;
	s11 =	smov.u32 s9;
	s9 =	sadd.s32 $0x80, s9  }
0x202: {  	[tilespmem:s10+$0x1A410] =	vst v0  }
0x203: {  	v0 =	vld [tilespmem:s8+$0xFFFFFFC0]  }
0x204: {  	v1 =	vld [tilespmem:s8+$0xFFFFFFE0];
	_ =	sdelay $0x1  }
0x205: {  	v2 =	vld [tilespmem:s8+$0x0];
	_ =	sdelay $0x1  }
0x206: {  	v3 =	vld [tilespmem:s8+$0x20]  }
0x207: {  	v0 =	vadd.f32 v1, v0;
	_ =	sdelay $0x1  }
0x208: {  	v0 =	vadd.f32 v2, v0;
	_ =	sdelay $0x1  }
0x209: {  	v0 =	vadd.f32 v3, v0  }
0x20a: {  	s10 =	sshra.s32 s11, $0x2  }
0x20b: {  	[tilespmem:s10+$0x1A400] =	vst v0  }
0x20c: {  	v0 =	vld [tilespmem:s8+$0xFFFFFFD0]  }
0x20d: {  	v1 =	vld [tilespmem:s8+$0xFFFFFFF0]  }
0x20e: {  	v2 =	vld [tilespmem:s8+$0x10];
	_ =	sdelay $0x1  }
0x20f: {  	v3 =	vld [tilespmem:s8+$0x30];
	_ =	sdelay $0x1  }
.Ltmp10:
0x210: {  	v0 =	vadd.f32 v1, v0;
	(pc) =	sbr.rel @p0 .LBB2_22-.Ltmp10, $3  }
0x211: {  	_ = 	snop  }
0x212: {  	v0 =	vadd.f32 v2, v0;
	_ =	sdelay $0x1  }
0x213: {  	v0 =	vadd.f32 v3, v0  }
0x214: {  	_ = 	snop  }
0x215: {  	s8 =	simm.s32 $0x0;
	[tilespmem:s10+$0x1A410] =	vst v0  }
0x216: {  	[hbm4b:s15+s8] =	stream.linear.scatter [tilespmem:s0], [sflag:$0x3], $0x2800, $0x38;
	[tilespmem:$0x1F400] =	vst v63  }
0x217: {  	s10 =	simm.s32 $0x3C00  }
0x218: {  	[tilespmem:s29], [sflag:$0x1] =	stream.indirect.gather [hbm4b:s3+s28], $0x20, s10, s28, $0xb8;
	[tilespmem:$0x1F400] =	vst v63  }
0x219: {  	_ =	swait.ge [sflag:s1], $0xA000  }
0x21a: {  	[sflag:s1] =	ssyncset.done $0x0  }
0x21b: {  	[sflag:s1] =	ssyncadd.s32 $0xFFFF6000  }
0x21c: {  	_ =	swait.ge [sflag:s6], $0x2800  }
0x21d: {  	[sflag:s6] =	ssyncset.done $0x0  }
0x21e: {  	s11 =	simm.s32 $0x0;
	[sflag:s6] =	ssyncadd.s32 $0xFFFFD800  }
0x21f: {  	v0 =	vld [tilespmem:s11+$0x10400]  }
0x220: {  	v1 =	vld [tilespmem:s11+$0x10420];
	_ =	sdelay $0x1  }
0x221: {  	v2 =	vld [tilespmem:s11+$0x10440];
	_ =	sdelay $0x1  }
0x222: {  	v3 =	vld [tilespmem:s11+$0x10460]  }
0x223: {  	v0 =	vadd.f32 v1, v0;
	_ =	sdelay $0x1  }
0x224: {  	v0 =	vadd.f32 v2, v0;
	_ =	sdelay $0x1  }
0x225: {  	v0 =	vadd.f32 v3, v0  }
0x226: {  	s8 =	simm.s32 $0x1CC10  }
0x227: {  	[tilespmem:s8+$0xFFFFFFF0] =	vst v0  }
0x228: {  	v0 =	vld [tilespmem:s11+$0x10410]  }
0x229: {  	v1 =	vld [tilespmem:s11+$0x10430];
	_ =	sdelay $0x1  }
0x22a: {  	v2 =	vld [tilespmem:s11+$0x10450];
	_ =	sdelay $0x2  }
0x22b: {  	v1 =	vadd.f32 v1, v0;
	v0 =	vld [tilespmem:s11+$0x10470];
	_ =	sdelay $0x1  }
0x22c: {  	s9 =	simm.s32 $0x200;
	s10 =	simm.s32 $0x1CC10;
	v1 =	vadd.f32 v2, v1  }
.LBB2_24:
0x22d: {  	p0 =	sne.s32 s9, $0x27E00  }
0x22e: {  	s8 =	sadd.s32 $0x20, s8;
	s11 =	smov.u32 s9;
	s9 =	sadd.s32 $0x200, s9  }
0x22f: {  	v0 =	vadd.f32 v0, v1  }
0x230: {  	s11 =	sshra.s32 s11, $0x2  }
0x231: {  	[tilespmem:s10+$0x0] =	vst v0;
	s10 =	smov.u32 s8  }
0x232: {  	v0 =	vld [tilespmem:s11+$0x10400]  }
0x233: {  	v1 =	vld [tilespmem:s11+$0x10420];
	_ =	sdelay $0x1  }
0x234: {  	v2 =	vld [tilespmem:s11+$0x10440];
	_ =	sdelay $0x1  }
0x235: {  	v3 =	vld [tilespmem:s11+$0x10460]  }
0x236: {  	v0 =	vadd.f32 v1, v0;
	_ =	sdelay $0x1  }
0x237: {  	v0 =	vadd.f32 v2, v0;
	_ =	sdelay $0x1  }
0x238: {  	v0 =	vadd.f32 v3, v0;
	_ =	sdelay $0x1  }
0x239: {  	[tilespmem:s8+$0xFFFFFFF0] =	vst v0  }
0x23a: {  	v1 =	vld [tilespmem:s11+$0x10410]  }
0x23b: {  	v2 =	vld [tilespmem:s11+$0x10430];
	_ =	sdelay $0x1  }
0x23c: {  	v3 =	vld [tilespmem:s11+$0x10450]  }
.Ltmp11:
0x23d: {  	v0 =	vld [tilespmem:s11+$0x10470];
	(pc) =	sbr.rel @p0 .LBB2_24-.Ltmp11, $3  }
0x23e: {  	_ = 	snop  }
0x23f: {  	v1 =	vadd.f32 v2, v1;
	_ =	sdelay $0x1  }
0x240: {  	v1 =	vadd.f32 v3, v1  }
0x241: {  	_ = 	snop  }
0x242: {  	v0 =	vadd.f32 v0, v1;
	_ =	sdelay $0x1  }
0x243: {  	s8 =	simm.s32 $0x0;
	[tilespmem:s10+$0x0] =	vst v0  }
0x244: {  	[hbm4b:s16+s8] =	stream.linear.scatter [tilespmem:s4], [sflag:$0x4], $0x2800, $0x38;
	[tilespmem:$0x1F400] =	vst v63  }
0x245: {  	s11 =	simm.s32 $0x4100  }
0x246: {  	[tilespmem:s30], [sflag:$0x2] =	stream.indirect.gather [hbm4b:s3+s28], $0x20, s11, s28, $0xb8;
	[tilespmem:$0x1F400] =	vst v63  }
0x247: {  	_ =	swait.ge [sflag:s31], $0xA000  }
0x248: {  	[sflag:s31] =	ssyncset.done $0x0  }
0x249: {  	[sflag:s31] =	ssyncadd.s32 $0xFFFF6000  }
0x24a: {  	_ =	swait.ge [sflag:s5], $0x2800  }
0x24b: {  	[sflag:s5] =	ssyncset.done $0x0  }
0x24c: {  	s8 =	simm.s32 $0x6440;
	[sflag:s5] =	ssyncadd.s32 $0xFFFFD800  }
0x24d: {  	v0 =	vld [tilespmem:s8+$0xFFFFFFC0]  }
0x24e: {  	v1 =	vld [tilespmem:s8+$0xFFFFFFE0];
	_ =	sdelay $0x1  }
0x24f: {  	v2 =	vld [tilespmem:s8+$0x0];
	_ =	sdelay $0x1  }
0x250: {  	v3 =	vld [tilespmem:s8+$0x20]  }
0x251: {  	v0 =	vadd.f32 v1, v0;
	_ =	sdelay $0x1  }
0x252: {  	v0 =	vadd.f32 v2, v0;
	_ =	sdelay $0x1  }
0x253: {  	v0 =	vadd.f32 v3, v0  }
0x254: {  	s10 =	simm.s32 $0x0  }
0x255: {  	[tilespmem:s10+$0x1A400] =	vst v0  }
0x256: {  	v0 =	vld [tilespmem:s8+$0xFFFFFFD0]  }
0x257: {  	v1 =	vld [tilespmem:s8+$0xFFFFFFF0];
	_ =	sdelay $0x1  }
0x258: {  	v2 =	vld [tilespmem:s8+$0x10];
	_ =	sdelay $0x1  }
0x259: {  	v3 =	vld [tilespmem:s8+$0x30]  }
0x25a: {  	v0 =	vadd.f32 v1, v0;
	_ =	sdelay $0x1  }
0x25b: {  	v0 =	vadd.f32 v2, v0;
	_ =	sdelay $0x1  }
0x25c: {  	s9 =	simm.s32 $0x80;
	v0 =	vadd.f32 v3, v0  }
.LBB2_26:
0x25d: {  	p0 =	sne.s32 s9, $0x9F80  }
0x25e: {  	s8 =	sadd.s32 $0x80, s8;
	s11 =	smov.u32 s9;
	s9 =	sadd.s32 $0x80, s9  }
0x25f: {  	[tilespmem:s10+$0x1A410] =	vst v0  }
0x260: {  	v0 =	vld [tilespmem:s8+$0xFFFFFFC0]  }
0x261: {  	v1 =	vld [tilespmem:s8+$0xFFFFFFE0];
	_ =	sdelay $0x1  }
0x262: {  	v2 =	vld [tilespmem:s8+$0x0];
	_ =	sdelay $0x1  }
0x263: {  	v3 =	vld [tilespmem:s8+$0x20]  }
0x264: {  	v0 =	vadd.f32 v1, v0;
	_ =	sdelay $0x1  }
0x265: {  	v0 =	vadd.f32 v2, v0;
	_ =	sdelay $0x1  }
0x266: {  	v0 =	vadd.f32 v3, v0  }
0x267: {  	s10 =	sshra.s32 s11, $0x2  }
0x268: {  	[tilespmem:s10+$0x1A400] =	vst v0  }
0x269: {  	v0 =	vld [tilespmem:s8+$0xFFFFFFD0]  }
0x26a: {  	v1 =	vld [tilespmem:s8+$0xFFFFFFF0]  }
0x26b: {  	v2 =	vld [tilespmem:s8+$0x10];
	_ =	sdelay $0x1  }
0x26c: {  	v3 =	vld [tilespmem:s8+$0x30];
	_ =	sdelay $0x1  }
.Ltmp12:
0x26d: {  	v0 =	vadd.f32 v1, v0;
	(pc) =	sbr.rel @p0 .LBB2_26-.Ltmp12, $3  }
0x26e: {  	_ = 	snop  }
0x26f: {  	v0 =	vadd.f32 v2, v0;
	_ =	sdelay $0x1  }
0x270: {  	v0 =	vadd.f32 v3, v0  }
0x271: {  	_ = 	snop  }
0x272: {  	s8 =	simm.s32 $0x0;
	[tilespmem:s10+$0x1A410] =	vst v0  }
0x273: {  	[hbm4b:s17+s8] =	stream.linear.scatter [tilespmem:s0], [sflag:$0x3], $0x2800, $0x38;
	[tilespmem:$0x1F400] =	vst v63  }
0x274: {  	s10 =	simm.s32 $0x4600  }
0x275: {  	[tilespmem:s29], [sflag:$0x1] =	stream.indirect.gather [hbm4b:s3+s28], $0x20, s10, s28, $0xb8;
	[tilespmem:$0x1F400] =	vst v63  }
0x276: {  	_ =	swait.ge [sflag:s1], $0xA000  }
0x277: {  	[sflag:s1] =	ssyncset.done $0x0  }
0x278: {  	[sflag:s1] =	ssyncadd.s32 $0xFFFF6000  }
0x279: {  	_ =	swait.ge [sflag:s6], $0x2800  }
0x27a: {  	[sflag:s6] =	ssyncset.done $0x0  }
0x27b: {  	s11 =	simm.s32 $0x0;
	[sflag:s6] =	ssyncadd.s32 $0xFFFFD800  }
0x27c: {  	v0 =	vld [tilespmem:s11+$0x10400]  }
0x27d: {  	v1 =	vld [tilespmem:s11+$0x10420];
	_ =	sdelay $0x1  }
0x27e: {  	v2 =	vld [tilespmem:s11+$0x10440];
	_ =	sdelay $0x1  }
0x27f: {  	v3 =	vld [tilespmem:s11+$0x10460]  }
0x280: {  	v0 =	vadd.f32 v1, v0;
	_ =	sdelay $0x1  }
0x281: {  	v0 =	vadd.f32 v2, v0;
	_ =	sdelay $0x1  }
0x282: {  	v0 =	vadd.f32 v3, v0  }
0x283: {  	s8 =	simm.s32 $0x1CC10  }
0x284: {  	[tilespmem:s8+$0xFFFFFFF0] =	vst v0  }
0x285: {  	v0 =	vld [tilespmem:s11+$0x10410]  }
0x286: {  	v1 =	vld [tilespmem:s11+$0x10430];
	_ =	sdelay $0x1  }
0x287: {  	v2 =	vld [tilespmem:s11+$0x10450];
	_ =	sdelay $0x2  }
0x288: {  	v1 =	vadd.f32 v1, v0;
	v0 =	vld [tilespmem:s11+$0x10470];
	_ =	sdelay $0x1  }
0x289: {  	s9 =	simm.s32 $0x200;
	s10 =	simm.s32 $0x1CC10;
	v1 =	vadd.f32 v2, v1  }
.LBB2_28:
0x28a: {  	p0 =	sne.s32 s9, $0x27E00  }
0x28b: {  	s8 =	sadd.s32 $0x20, s8;
	s11 =	smov.u32 s9;
	s9 =	sadd.s32 $0x200, s9  }
0x28c: {  	v0 =	vadd.f32 v0, v1  }
0x28d: {  	s11 =	sshra.s32 s11, $0x2  }
0x28e: {  	[tilespmem:s10+$0x0] =	vst v0;
	s10 =	smov.u32 s8  }
0x28f: {  	v0 =	vld [tilespmem:s11+$0x10400]  }
0x290: {  	v1 =	vld [tilespmem:s11+$0x10420];
	_ =	sdelay $0x1  }
0x291: {  	v2 =	vld [tilespmem:s11+$0x10440];
	_ =	sdelay $0x1  }
0x292: {  	v3 =	vld [tilespmem:s11+$0x10460]  }
0x293: {  	v0 =	vadd.f32 v1, v0;
	_ =	sdelay $0x1  }
0x294: {  	v0 =	vadd.f32 v2, v0;
	_ =	sdelay $0x1  }
0x295: {  	v0 =	vadd.f32 v3, v0;
	_ =	sdelay $0x1  }
0x296: {  	[tilespmem:s8+$0xFFFFFFF0] =	vst v0  }
0x297: {  	v1 =	vld [tilespmem:s11+$0x10410]  }
0x298: {  	v2 =	vld [tilespmem:s11+$0x10430];
	_ =	sdelay $0x1  }
0x299: {  	v3 =	vld [tilespmem:s11+$0x10450]  }
.Ltmp13:
0x29a: {  	v0 =	vld [tilespmem:s11+$0x10470];
	(pc) =	sbr.rel @p0 .LBB2_28-.Ltmp13, $3  }
0x29b: {  	_ = 	snop  }
0x29c: {  	v1 =	vadd.f32 v2, v1;
	_ =	sdelay $0x1  }
0x29d: {  	v1 =	vadd.f32 v3, v1  }
0x29e: {  	_ = 	snop  }
0x29f: {  	v0 =	vadd.f32 v0, v1;
	_ =	sdelay $0x1  }
0x2a0: {  	s8 =	simm.s32 $0x0;
	[tilespmem:s10+$0x0] =	vst v0  }
0x2a1: {  	[hbm4b:s18+s8] =	stream.linear.scatter [tilespmem:s4], [sflag:$0x4], $0x2800, $0x38;
	[tilespmem:$0x1F400] =	vst v63  }
0x2a2: {  	s11 =	simm.s32 $0x4B00  }
0x2a3: {  	[tilespmem:s30], [sflag:$0x2] =	stream.indirect.gather [hbm4b:s3+s28], $0x20, s11, s28, $0xb8;
	[tilespmem:$0x1F400] =	vst v63  }
0x2a4: {  	_ =	swait.ge [sflag:s31], $0xA000  }
0x2a5: {  	[sflag:s31] =	ssyncset.done $0x0  }
0x2a6: {  	[sflag:s31] =	ssyncadd.s32 $0xFFFF6000  }
0x2a7: {  	_ =	swait.ge [sflag:s5], $0x2800  }
0x2a8: {  	[sflag:s5] =	ssyncset.done $0x0  }
0x2a9: {  	s8 =	simm.s32 $0x6440;
	[sflag:s5] =	ssyncadd.s32 $0xFFFFD800  }
0x2aa: {  	v0 =	vld [tilespmem:s8+$0xFFFFFFC0]  }
0x2ab: {  	v1 =	vld [tilespmem:s8+$0xFFFFFFE0];
	_ =	sdelay $0x1  }
0x2ac: {  	v2 =	vld [tilespmem:s8+$0x0];
	_ =	sdelay $0x1  }
0x2ad: {  	v3 =	vld [tilespmem:s8+$0x20]  }
0x2ae: {  	v0 =	vadd.f32 v1, v0;
	_ =	sdelay $0x1  }
0x2af: {  	v0 =	vadd.f32 v2, v0;
	_ =	sdelay $0x1  }
0x2b0: {  	v0 =	vadd.f32 v3, v0  }
0x2b1: {  	s10 =	simm.s32 $0x0  }
0x2b2: {  	[tilespmem:s10+$0x1A400] =	vst v0  }
0x2b3: {  	v0 =	vld [tilespmem:s8+$0xFFFFFFD0]  }
0x2b4: {  	v1 =	vld [tilespmem:s8+$0xFFFFFFF0];
	_ =	sdelay $0x1  }
0x2b5: {  	v2 =	vld [tilespmem:s8+$0x10];
	_ =	sdelay $0x1  }
0x2b6: {  	v3 =	vld [tilespmem:s8+$0x30]  }
0x2b7: {  	v0 =	vadd.f32 v1, v0;
	_ =	sdelay $0x1  }
0x2b8: {  	v0 =	vadd.f32 v2, v0;
	_ =	sdelay $0x1  }
0x2b9: {  	s9 =	simm.s32 $0x80;
	v0 =	vadd.f32 v3, v0  }
.LBB2_30:
0x2ba: {  	p0 =	sne.s32 s9, $0x9F80  }
0x2bb: {  	s8 =	sadd.s32 $0x80, s8;
	s11 =	smov.u32 s9;
	s9 =	sadd.s32 $0x80, s9  }
0x2bc: {  	[tilespmem:s10+$0x1A410] =	vst v0  }
0x2bd: {  	v0 =	vld [tilespmem:s8+$0xFFFFFFC0]  }
0x2be: {  	v1 =	vld [tilespmem:s8+$0xFFFFFFE0];
	_ =	sdelay $0x1  }
0x2bf: {  	v2 =	vld [tilespmem:s8+$0x0];
	_ =	sdelay $0x1  }
0x2c0: {  	v3 =	vld [tilespmem:s8+$0x20]  }
0x2c1: {  	v0 =	vadd.f32 v1, v0;
	_ =	sdelay $0x1  }
0x2c2: {  	v0 =	vadd.f32 v2, v0;
	_ =	sdelay $0x1  }
0x2c3: {  	v0 =	vadd.f32 v3, v0  }
0x2c4: {  	s10 =	sshra.s32 s11, $0x2  }
0x2c5: {  	[tilespmem:s10+$0x1A400] =	vst v0  }
0x2c6: {  	v0 =	vld [tilespmem:s8+$0xFFFFFFD0]  }
0x2c7: {  	v1 =	vld [tilespmem:s8+$0xFFFFFFF0]  }
0x2c8: {  	v2 =	vld [tilespmem:s8+$0x10];
	_ =	sdelay $0x1  }
0x2c9: {  	v3 =	vld [tilespmem:s8+$0x30];
	_ =	sdelay $0x1  }
.Ltmp14:
0x2ca: {  	v0 =	vadd.f32 v1, v0;
	(pc) =	sbr.rel @p0 .LBB2_30-.Ltmp14, $3  }
0x2cb: {  	_ = 	snop  }
0x2cc: {  	v0 =	vadd.f32 v2, v0;
	_ =	sdelay $0x1  }
0x2cd: {  	v0 =	vadd.f32 v3, v0  }
0x2ce: {  	_ = 	snop  }
0x2cf: {  	s8 =	simm.s32 $0x0;
	[tilespmem:s10+$0x1A410] =	vst v0  }
0x2d0: {  	[hbm4b:s19+s8] =	stream.linear.scatter [tilespmem:s0], [sflag:$0x3], $0x2800, $0x38;
	[tilespmem:$0x1F400] =	vst v63  }
0x2d1: {  	s10 =	simm.s32 $0x5000  }
0x2d2: {  	[tilespmem:s29], [sflag:$0x1] =	stream.indirect.gather [hbm4b:s3+s28], $0x20, s10, s28, $0xb8;
	[tilespmem:$0x1F400] =	vst v63  }
0x2d3: {  	_ =	swait.ge [sflag:s1], $0xA000  }
0x2d4: {  	[sflag:s1] =	ssyncset.done $0x0  }
0x2d5: {  	[sflag:s1] =	ssyncadd.s32 $0xFFFF6000  }
0x2d6: {  	_ =	swait.ge [sflag:s6], $0x2800  }
0x2d7: {  	[sflag:s6] =	ssyncset.done $0x0  }
0x2d8: {  	s11 =	simm.s32 $0x0;
	[sflag:s6] =	ssyncadd.s32 $0xFFFFD800  }
0x2d9: {  	v0 =	vld [tilespmem:s11+$0x10400]  }
0x2da: {  	v1 =	vld [tilespmem:s11+$0x10420];
	_ =	sdelay $0x1  }
0x2db: {  	v2 =	vld [tilespmem:s11+$0x10440];
	_ =	sdelay $0x1  }
0x2dc: {  	v3 =	vld [tilespmem:s11+$0x10460]  }
0x2dd: {  	v0 =	vadd.f32 v1, v0;
	_ =	sdelay $0x1  }
0x2de: {  	v0 =	vadd.f32 v2, v0;
	_ =	sdelay $0x1  }
0x2df: {  	v0 =	vadd.f32 v3, v0  }
0x2e0: {  	s8 =	simm.s32 $0x1CC10  }
0x2e1: {  	[tilespmem:s8+$0xFFFFFFF0] =	vst v0  }
0x2e2: {  	v0 =	vld [tilespmem:s11+$0x10410]  }
0x2e3: {  	v1 =	vld [tilespmem:s11+$0x10430];
	_ =	sdelay $0x1  }
0x2e4: {  	v2 =	vld [tilespmem:s11+$0x10450];
	_ =	sdelay $0x2  }
0x2e5: {  	v1 =	vadd.f32 v1, v0;
	v0 =	vld [tilespmem:s11+$0x10470];
	_ =	sdelay $0x1  }
0x2e6: {  	s9 =	simm.s32 $0x200;
	s10 =	simm.s32 $0x1CC10;
	v1 =	vadd.f32 v2, v1  }
.LBB2_32:
0x2e7: {  	p0 =	sne.s32 s9, $0x27E00  }
0x2e8: {  	s8 =	sadd.s32 $0x20, s8;
	s11 =	smov.u32 s9;
	s9 =	sadd.s32 $0x200, s9  }
0x2e9: {  	v0 =	vadd.f32 v0, v1  }
0x2ea: {  	s11 =	sshra.s32 s11, $0x2  }
0x2eb: {  	[tilespmem:s10+$0x0] =	vst v0;
	s10 =	smov.u32 s8  }
0x2ec: {  	v0 =	vld [tilespmem:s11+$0x10400]  }
0x2ed: {  	v1 =	vld [tilespmem:s11+$0x10420];
	_ =	sdelay $0x1  }
0x2ee: {  	v2 =	vld [tilespmem:s11+$0x10440];
	_ =	sdelay $0x1  }
0x2ef: {  	v3 =	vld [tilespmem:s11+$0x10460]  }
0x2f0: {  	v0 =	vadd.f32 v1, v0;
	_ =	sdelay $0x1  }
0x2f1: {  	v0 =	vadd.f32 v2, v0;
	_ =	sdelay $0x1  }
0x2f2: {  	v0 =	vadd.f32 v3, v0;
	_ =	sdelay $0x1  }
0x2f3: {  	[tilespmem:s8+$0xFFFFFFF0] =	vst v0  }
0x2f4: {  	v1 =	vld [tilespmem:s11+$0x10410]  }
0x2f5: {  	v2 =	vld [tilespmem:s11+$0x10430];
	_ =	sdelay $0x1  }
0x2f6: {  	v3 =	vld [tilespmem:s11+$0x10450]  }
.Ltmp15:
0x2f7: {  	v0 =	vld [tilespmem:s11+$0x10470];
	(pc) =	sbr.rel @p0 .LBB2_32-.Ltmp15, $3  }
0x2f8: {  	_ = 	snop  }
0x2f9: {  	v1 =	vadd.f32 v2, v1;
	_ =	sdelay $0x1  }
0x2fa: {  	v1 =	vadd.f32 v3, v1  }
0x2fb: {  	_ = 	snop  }
0x2fc: {  	v0 =	vadd.f32 v0, v1;
	_ =	sdelay $0x1  }
0x2fd: {  	s8 =	simm.s32 $0x0;
	[tilespmem:s10+$0x0] =	vst v0  }
0x2fe: {  	[hbm4b:s20+s8] =	stream.linear.scatter [tilespmem:s4], [sflag:$0x4], $0x2800, $0x38;
	[tilespmem:$0x1F400] =	vst v63  }
0x2ff: {  	s11 =	simm.s32 $0x5500  }
0x300: {  	[tilespmem:s30], [sflag:$0x2] =	stream.indirect.gather [hbm4b:s3+s28], $0x20, s11, s28, $0xb8;
	[tilespmem:$0x1F400] =	vst v63  }
0x301: {  	_ =	swait.ge [sflag:s31], $0xA000  }
0x302: {  	[sflag:s31] =	ssyncset.done $0x0  }
0x303: {  	[sflag:s31] =	ssyncadd.s32 $0xFFFF6000  }
0x304: {  	_ =	swait.ge [sflag:s5], $0x2800  }
0x305: {  	[sflag:s5] =	ssyncset.done $0x0  }
0x306: {  	s8 =	simm.s32 $0x6440;
	[sflag:s5] =	ssyncadd.s32 $0xFFFFD800  }
0x307: {  	v0 =	vld [tilespmem:s8+$0xFFFFFFC0]  }
0x308: {  	v1 =	vld [tilespmem:s8+$0xFFFFFFE0];
	_ =	sdelay $0x1  }
0x309: {  	v2 =	vld [tilespmem:s8+$0x0];
	_ =	sdelay $0x1  }
0x30a: {  	v3 =	vld [tilespmem:s8+$0x20]  }
0x30b: {  	v0 =	vadd.f32 v1, v0;
	_ =	sdelay $0x1  }
0x30c: {  	v0 =	vadd.f32 v2, v0;
	_ =	sdelay $0x1  }
0x30d: {  	v0 =	vadd.f32 v3, v0  }
0x30e: {  	s10 =	simm.s32 $0x0  }
0x30f: {  	[tilespmem:s10+$0x1A400] =	vst v0  }
0x310: {  	v0 =	vld [tilespmem:s8+$0xFFFFFFD0]  }
0x311: {  	v1 =	vld [tilespmem:s8+$0xFFFFFFF0];
	_ =	sdelay $0x1  }
0x312: {  	v2 =	vld [tilespmem:s8+$0x10];
	_ =	sdelay $0x1  }
0x313: {  	v3 =	vld [tilespmem:s8+$0x30]  }
0x314: {  	v0 =	vadd.f32 v1, v0;
	_ =	sdelay $0x1  }
0x315: {  	v0 =	vadd.f32 v2, v0;
	_ =	sdelay $0x1  }
0x316: {  	s9 =	simm.s32 $0x80;
	v0 =	vadd.f32 v3, v0  }
.LBB2_34:
0x317: {  	p0 =	sne.s32 s9, $0x9F80  }
0x318: {  	s8 =	sadd.s32 $0x80, s8;
	s11 =	smov.u32 s9;
	s9 =	sadd.s32 $0x80, s9  }
0x319: {  	[tilespmem:s10+$0x1A410] =	vst v0  }
0x31a: {  	v0 =	vld [tilespmem:s8+$0xFFFFFFC0]  }
0x31b: {  	v1 =	vld [tilespmem:s8+$0xFFFFFFE0];
	_ =	sdelay $0x1  }
0x31c: {  	v2 =	vld [tilespmem:s8+$0x0];
	_ =	sdelay $0x1  }
0x31d: {  	v3 =	vld [tilespmem:s8+$0x20]  }
0x31e: {  	v0 =	vadd.f32 v1, v0;
	_ =	sdelay $0x1  }
0x31f: {  	v0 =	vadd.f32 v2, v0;
	_ =	sdelay $0x1  }
0x320: {  	v0 =	vadd.f32 v3, v0  }
0x321: {  	s10 =	sshra.s32 s11, $0x2  }
0x322: {  	[tilespmem:s10+$0x1A400] =	vst v0  }
0x323: {  	v0 =	vld [tilespmem:s8+$0xFFFFFFD0]  }
0x324: {  	v1 =	vld [tilespmem:s8+$0xFFFFFFF0]  }
0x325: {  	v2 =	vld [tilespmem:s8+$0x10];
	_ =	sdelay $0x1  }
0x326: {  	v3 =	vld [tilespmem:s8+$0x30];
	_ =	sdelay $0x1  }
.Ltmp16:
0x327: {  	v0 =	vadd.f32 v1, v0;
	(pc) =	sbr.rel @p0 .LBB2_34-.Ltmp16, $3  }
0x328: {  	_ = 	snop  }
0x329: {  	v0 =	vadd.f32 v2, v0;
	_ =	sdelay $0x1  }
0x32a: {  	v0 =	vadd.f32 v3, v0  }
0x32b: {  	_ = 	snop  }
0x32c: {  	s8 =	simm.s32 $0x0;
	[tilespmem:s10+$0x1A410] =	vst v0  }
0x32d: {  	[hbm4b:s21+s8] =	stream.linear.scatter [tilespmem:s0], [sflag:$0x3], $0x2800, $0x38;
	[tilespmem:$0x1F400] =	vst v63  }
0x32e: {  	s10 =	simm.s32 $0x5A00  }
0x32f: {  	[tilespmem:s29], [sflag:$0x1] =	stream.indirect.gather [hbm4b:s3+s28], $0x20, s10, s28, $0xb8;
	[tilespmem:$0x1F400] =	vst v63  }
0x330: {  	_ =	swait.ge [sflag:s1], $0xA000  }
0x331: {  	[sflag:s1] =	ssyncset.done $0x0  }
0x332: {  	[sflag:s1] =	ssyncadd.s32 $0xFFFF6000  }
0x333: {  	_ =	swait.ge [sflag:s6], $0x2800  }
0x334: {  	[sflag:s6] =	ssyncset.done $0x0  }
0x335: {  	s11 =	simm.s32 $0x0;
	[sflag:s6] =	ssyncadd.s32 $0xFFFFD800  }
0x336: {  	v0 =	vld [tilespmem:s11+$0x10400]  }
0x337: {  	v1 =	vld [tilespmem:s11+$0x10420];
	_ =	sdelay $0x1  }
0x338: {  	v2 =	vld [tilespmem:s11+$0x10440];
	_ =	sdelay $0x1  }
0x339: {  	v3 =	vld [tilespmem:s11+$0x10460]  }
0x33a: {  	v0 =	vadd.f32 v1, v0;
	_ =	sdelay $0x1  }
0x33b: {  	v0 =	vadd.f32 v2, v0;
	_ =	sdelay $0x1  }
0x33c: {  	v0 =	vadd.f32 v3, v0  }
0x33d: {  	s8 =	simm.s32 $0x1CC10  }
0x33e: {  	[tilespmem:s8+$0xFFFFFFF0] =	vst v0  }
0x33f: {  	v0 =	vld [tilespmem:s11+$0x10410]  }
0x340: {  	v1 =	vld [tilespmem:s11+$0x10430];
	_ =	sdelay $0x1  }
0x341: {  	v2 =	vld [tilespmem:s11+$0x10450];
	_ =	sdelay $0x2  }
0x342: {  	v1 =	vadd.f32 v1, v0;
	v0 =	vld [tilespmem:s11+$0x10470];
	_ =	sdelay $0x1  }
0x343: {  	s9 =	simm.s32 $0x200;
	s10 =	simm.s32 $0x1CC10;
	v1 =	vadd.f32 v2, v1  }
.LBB2_36:
0x344: {  	p0 =	sne.s32 s9, $0x27E00  }
0x345: {  	s8 =	sadd.s32 $0x20, s8;
	s11 =	smov.u32 s9;
	s9 =	sadd.s32 $0x200, s9  }
0x346: {  	v0 =	vadd.f32 v0, v1  }
0x347: {  	s11 =	sshra.s32 s11, $0x2  }
0x348: {  	[tilespmem:s10+$0x0] =	vst v0;
	s10 =	smov.u32 s8  }
0x349: {  	v0 =	vld [tilespmem:s11+$0x10400]  }
0x34a: {  	v1 =	vld [tilespmem:s11+$0x10420];
	_ =	sdelay $0x1  }
0x34b: {  	v2 =	vld [tilespmem:s11+$0x10440];
	_ =	sdelay $0x1  }
0x34c: {  	v3 =	vld [tilespmem:s11+$0x10460]  }
0x34d: {  	v0 =	vadd.f32 v1, v0;
	_ =	sdelay $0x1  }
0x34e: {  	v0 =	vadd.f32 v2, v0;
	_ =	sdelay $0x1  }
0x34f: {  	v0 =	vadd.f32 v3, v0;
	_ =	sdelay $0x1  }
0x350: {  	[tilespmem:s8+$0xFFFFFFF0] =	vst v0  }
0x351: {  	v1 =	vld [tilespmem:s11+$0x10410]  }
0x352: {  	v2 =	vld [tilespmem:s11+$0x10430];
	_ =	sdelay $0x1  }
0x353: {  	v3 =	vld [tilespmem:s11+$0x10450]  }
.Ltmp17:
0x354: {  	v0 =	vld [tilespmem:s11+$0x10470];
	(pc) =	sbr.rel @p0 .LBB2_36-.Ltmp17, $3  }
0x355: {  	_ = 	snop  }
0x356: {  	v1 =	vadd.f32 v2, v1;
	_ =	sdelay $0x1  }
0x357: {  	v1 =	vadd.f32 v3, v1  }
0x358: {  	_ = 	snop  }
0x359: {  	v0 =	vadd.f32 v0, v1;
	_ =	sdelay $0x1  }
0x35a: {  	s8 =	simm.s32 $0x0;
	[tilespmem:s10+$0x0] =	vst v0  }
0x35b: {  	[hbm4b:s22+s8] =	stream.linear.scatter [tilespmem:s4], [sflag:$0x4], $0x2800, $0x38;
	[tilespmem:$0x1F400] =	vst v63  }
0x35c: {  	s11 =	simm.s32 $0x5F00  }
0x35d: {  	[tilespmem:s30], [sflag:$0x2] =	stream.indirect.gather [hbm4b:s3+s28], $0x20, s11, s28, $0xb8;
	[tilespmem:$0x1F400] =	vst v63  }
0x35e: {  	_ =	swait.ge [sflag:s31], $0xA000  }
0x35f: {  	[sflag:s31] =	ssyncset.done $0x0  }
0x360: {  	[sflag:s31] =	ssyncadd.s32 $0xFFFF6000  }
0x361: {  	_ =	swait.ge [sflag:s5], $0x2800  }
0x362: {  	[sflag:s5] =	ssyncset.done $0x0  }
0x363: {  	s8 =	simm.s32 $0x6440;
	[sflag:s5] =	ssyncadd.s32 $0xFFFFD800  }
0x364: {  	v0 =	vld [tilespmem:s8+$0xFFFFFFC0]  }
0x365: {  	v1 =	vld [tilespmem:s8+$0xFFFFFFE0];
	_ =	sdelay $0x1  }
0x366: {  	v2 =	vld [tilespmem:s8+$0x0];
	_ =	sdelay $0x1  }
0x367: {  	v3 =	vld [tilespmem:s8+$0x20]  }
0x368: {  	v0 =	vadd.f32 v1, v0;
	_ =	sdelay $0x1  }
0x369: {  	v0 =	vadd.f32 v2, v0;
	_ =	sdelay $0x1  }
0x36a: {  	v0 =	vadd.f32 v3, v0  }
0x36b: {  	s10 =	simm.s32 $0x0  }
0x36c: {  	[tilespmem:s10+$0x1A400] =	vst v0  }
0x36d: {  	v0 =	vld [tilespmem:s8+$0xFFFFFFD0]  }
0x36e: {  	v1 =	vld [tilespmem:s8+$0xFFFFFFF0];
	_ =	sdelay $0x1  }
0x36f: {  	v2 =	vld [tilespmem:s8+$0x10];
	_ =	sdelay $0x1  }
0x370: {  	v3 =	vld [tilespmem:s8+$0x30]  }
0x371: {  	v0 =	vadd.f32 v1, v0;
	_ =	sdelay $0x1  }
0x372: {  	v0 =	vadd.f32 v2, v0;
	_ =	sdelay $0x1  }
0x373: {  	s9 =	simm.s32 $0x80;
	v0 =	vadd.f32 v3, v0  }
.LBB2_38:
0x374: {  	p0 =	sne.s32 s9, $0x9F80  }
0x375: {  	s8 =	sadd.s32 $0x80, s8;
	s11 =	smov.u32 s9;
	s9 =	sadd.s32 $0x80, s9  }
0x376: {  	[tilespmem:s10+$0x1A410] =	vst v0  }
0x377: {  	v0 =	vld [tilespmem:s8+$0xFFFFFFC0]  }
0x378: {  	v1 =	vld [tilespmem:s8+$0xFFFFFFE0];
	_ =	sdelay $0x1  }
0x379: {  	v2 =	vld [tilespmem:s8+$0x0];
	_ =	sdelay $0x1  }
0x37a: {  	v3 =	vld [tilespmem:s8+$0x20]  }
0x37b: {  	v0 =	vadd.f32 v1, v0;
	_ =	sdelay $0x1  }
0x37c: {  	v0 =	vadd.f32 v2, v0;
	_ =	sdelay $0x1  }
0x37d: {  	v0 =	vadd.f32 v3, v0  }
0x37e: {  	s10 =	sshra.s32 s11, $0x2  }
0x37f: {  	[tilespmem:s10+$0x1A400] =	vst v0  }
0x380: {  	v0 =	vld [tilespmem:s8+$0xFFFFFFD0]  }
0x381: {  	v1 =	vld [tilespmem:s8+$0xFFFFFFF0]  }
0x382: {  	v2 =	vld [tilespmem:s8+$0x10];
	_ =	sdelay $0x1  }
0x383: {  	v3 =	vld [tilespmem:s8+$0x30];
	_ =	sdelay $0x1  }
.Ltmp18:
0x384: {  	v0 =	vadd.f32 v1, v0;
	(pc) =	sbr.rel @p0 .LBB2_38-.Ltmp18, $3  }
0x385: {  	_ = 	snop  }
0x386: {  	v0 =	vadd.f32 v2, v0;
	_ =	sdelay $0x1  }
0x387: {  	v0 =	vadd.f32 v3, v0  }
0x388: {  	_ = 	snop  }
0x389: {  	s8 =	simm.s32 $0x0;
	[tilespmem:s10+$0x1A410] =	vst v0  }
0x38a: {  	[hbm4b:s23+s8] =	stream.linear.scatter [tilespmem:s0], [sflag:$0x3], $0x2800, $0x38;
	[tilespmem:$0x1F400] =	vst v63  }
0x38b: {  	_ =	swait.ge [sflag:s1], $0xA000  }
0x38c: {  	[sflag:s1] =	ssyncset.done $0x0  }
0x38d: {  	[sflag:s1] =	ssyncadd.s32 $0xFFFF6000  }
0x38e: {  	_ =	swait.ge [sflag:s6], $0x2800  }
0x38f: {  	[sflag:s6] =	ssyncset.done $0x0  }
0x390: {  	s11 =	simm.s32 $0x0;
	[sflag:s6] =	ssyncadd.s32 $0xFFFFD800  }
0x391: {  	v0 =	vld [tilespmem:s11+$0x10400]  }
0x392: {  	v1 =	vld [tilespmem:s11+$0x10420];
	_ =	sdelay $0x1  }
0x393: {  	v2 =	vld [tilespmem:s11+$0x10440];
	_ =	sdelay $0x1  }
0x394: {  	v3 =	vld [tilespmem:s11+$0x10460]  }
0x395: {  	v0 =	vadd.f32 v1, v0;
	_ =	sdelay $0x1  }
0x396: {  	v0 =	vadd.f32 v2, v0;
	_ =	sdelay $0x1  }
0x397: {  	v0 =	vadd.f32 v3, v0  }
0x398: {  	s8 =	simm.s32 $0x1CC10  }
0x399: {  	[tilespmem:s8+$0xFFFFFFF0] =	vst v0  }
0x39a: {  	v0 =	vld [tilespmem:s11+$0x10410]  }
0x39b: {  	v1 =	vld [tilespmem:s11+$0x10430];
	_ =	sdelay $0x1  }
0x39c: {  	v2 =	vld [tilespmem:s11+$0x10450];
	_ =	sdelay $0x2  }
0x39d: {  	v1 =	vadd.f32 v1, v0;
	v0 =	vld [tilespmem:s11+$0x10470];
	_ =	sdelay $0x1  }
0x39e: {  	s9 =	simm.s32 $0x200;
	s10 =	simm.s32 $0x1CC10;
	v1 =	vadd.f32 v2, v1  }
.LBB2_40:
0x39f: {  	p0 =	sne.s32 s9, $0x27E00  }
0x3a0: {  	s8 =	sadd.s32 $0x20, s8;
	s11 =	smov.u32 s9;
	s9 =	sadd.s32 $0x200, s9  }
0x3a1: {  	v0 =	vadd.f32 v0, v1  }
0x3a2: {  	s11 =	sshra.s32 s11, $0x2  }
0x3a3: {  	[tilespmem:s10+$0x0] =	vst v0;
	s10 =	smov.u32 s8  }
0x3a4: {  	v0 =	vld [tilespmem:s11+$0x10400]  }
0x3a5: {  	v1 =	vld [tilespmem:s11+$0x10420];
	_ =	sdelay $0x1  }
0x3a6: {  	v2 =	vld [tilespmem:s11+$0x10440];
	_ =	sdelay $0x1  }
0x3a7: {  	v3 =	vld [tilespmem:s11+$0x10460]  }
0x3a8: {  	v0 =	vadd.f32 v1, v0;
	_ =	sdelay $0x1  }
0x3a9: {  	v0 =	vadd.f32 v2, v0;
	_ =	sdelay $0x1  }
0x3aa: {  	v0 =	vadd.f32 v3, v0;
	_ =	sdelay $0x1  }
0x3ab: {  	[tilespmem:s8+$0xFFFFFFF0] =	vst v0  }
0x3ac: {  	v1 =	vld [tilespmem:s11+$0x10410]  }
0x3ad: {  	v2 =	vld [tilespmem:s11+$0x10430];
	_ =	sdelay $0x1  }
0x3ae: {  	v3 =	vld [tilespmem:s11+$0x10450]  }
.Ltmp19:
0x3af: {  	v0 =	vld [tilespmem:s11+$0x10470];
	(pc) =	sbr.rel @p0 .LBB2_40-.Ltmp19, $3  }
0x3b0: {  	_ = 	snop  }
0x3b1: {  	v1 =	vadd.f32 v2, v1;
	_ =	sdelay $0x1  }
0x3b2: {  	v1 =	vadd.f32 v3, v1  }
0x3b3: {  	_ = 	snop  }
0x3b4: {  	v0 =	vadd.f32 v0, v1;
	_ =	sdelay $0x1  }
0x3b5: {  	s7 =	sadd.s32 $0x1, s7;
	[tilespmem:s10+$0x0] =	vst v0  }
0x3b6: {  	[hbm4b:s24+s2] =	stream.linear.scatter [tilespmem:s4], [sflag:$0x4], $0x2800, $0x38;
	[tilespmem:$0x1F400] =	vst v63  }
0x3b7: {  	p0 =	sne.s32 s7, s25;
	_ =	swait.ge [sflag:s5], $0x2800  }
.Ltmp20:
0x3b8: {  	[sflag:s5] =	ssyncset.done $0x0;
	(pc) =	sbr.rel @p0 .LBB2_1-.Ltmp20, $4  }
0x3b9: {  	[sflag:s5] =	ssyncadd.s32 $0xFFFFD800  }
0x3ba: {  	_ =	swait.ge [sflag:s6], $0x2800  }
0x3bb: {  	[sflag:s6] =	ssyncset.done $0x0  }
0x3bc: {  	[sflag:s6] =	ssyncadd.s32 $0xFFFFD800  }
0x3bd: {  	_ =	sfence.sel $0x180000  }
0x3be: {  	[bflag:$0x0] =	sbarrier.arrive $0xFFFF  }
0x3bf: {  	_ =	strace $0x90000047  }
0x3c0: {  	s0 =	stileid.u32;
	[bflag:$0x2] =	sbarrier.arrive $0xFFFF  }
0x3c1: {  	p0 =	sne.s32 s0, $0x0;
	s0 =	rddreg [dreg:$0x2]  }
0x3c2: {  	s0 =	sadd.s32 @!p0 $0x100000, s0  }
0x3c3: {  	[sflag:s0] =	ssyncadd.tile.s32 @!p0 $0x1;
	_ =	shalt  }
.Lfunc_end2:
_tile_overlayer_lowered:
.L_overlay_start_2:
0x3c4: {  	(tag) =	ssettag $0x2  }
0x3c5: {  	s0 =	rddreg [dreg:$0x0];
	s2 =	stileid.u32  }
0x3c6: {  	s1 =	rddreg [dreg:$0x1];
	p0 =	sne.s32 s2, $0x0  }
0x3c7: {  	s3 =	rddreg [dreg:$0x2];
	[bflag:$0x3] =	sbarrier.arrive $0xFFFF;
	s2 =	simm.s32 @!p0 $0x1C05  }
0x3c8: {  	[timem:s3], [sflag:s2] =	dma.local @!p0 [hbm:s0], s1  }
0x3c9: {  	s0 =	simm.s32 @!p0 $0x5  }
0x3ca: {  	_ =	swait.ge @!p0 [sflag:s0], s1  }
0x3cb: {  	s1 =	ssub.s32 @!p0 $0x0, s1;
	[sflag:s0] =	ssyncset.done @!p0 $0x0  }
0x3cc: {  	[sflag:s0] =	ssyncadd.s32 @!p0 s1  }
0x3cd: {  	[bflag:$0x3] =	sbarrier.arrive $0xFFFF  }
0x3ce: {  	_ =	shalt  }

</sc_bundles>
